<compile_context>
chip_gen: v7x
topology: tpu7x:2x2x1
jax: 0.10.2.dev20260603
libtpu: 0.0.44.dev20260713+nightly
codegen_flags: <defaults>
</compile_context>

<pallas_src>
import functools

import jax
import jax.numpy as jnp
from jax import lax
from jax.experimental import pallas as pl
from jax.experimental.pallas import tpu as pltpu
from jax.experimental.pallas import tpu_sc as plsc

_NC = 2
_NS = 16
_L = 16
_NW = _NC * _NS

_C = 256
_G = 128
_NB = 5


def _rsqrt(x):
    i = lax.bitcast_convert_type(x, jnp.int32)
    y = lax.bitcast_convert_type(jnp.int32(0x5F3759DF) - (i >> 1), jnp.float32)
    for _ in range(2):
        y = y * (1.5 - 0.5 * x * y * y)
    return y


def kernel(inp, W):
    B, H = inp.shape
    V, D = W.shape
    N = B * H
    per_w = N // _NW
    n_chunks = per_w // _C
    rounds = n_chunks // _NB
    n_g = _C // _G
    n_v = D // _L

    idx2d = inp.reshape(N // _G, _G)

    mesh = plsc.VectorSubcoreMesh(
        core_axis_name="c", subcore_axis_name="s",
        num_cores=_NC, num_subcores=_NS)

    @functools.partial(
        pl.kernel,
        out_type=jax.ShapeDtypeStruct((N, D), jnp.float32),
        mesh=mesh,
        scratch_types=(
            [pltpu.VMEM((_NB, n_g, _G), jnp.int32),
             pltpu.VMEM((_NB, _C, D), jnp.float32)]
            + [pltpu.SemaphoreType.DMA] * (2 * _NB)
        ),
        compiler_params=pltpu.CompilerParams(use_tc_tiling_on_sc=False),
    )
    def _emb(idx_hbm, table_hbm, out_hbm, idx_v, rows_v, *sems):
        gsem = sems[:_NB]
        wsem = sems[_NB:]
        wid = lax.axis_index("s") * _NC + lax.axis_index("c")
        lanes = lax.iota(jnp.int32, _L)

        def fire_gather(ci, b):
            pltpu.sync_copy(
                idx_hbm.at[pl.ds(wid * (per_w // _G) + ci * n_g, n_g)],
                idx_v.at[b])
            for j in range(n_g):
                pltpu.async_copy(table_hbm.at[idx_v.at[b, j]],
                                 rows_v.at[b, pl.ds(j * _G, _G)], gsem[b])

        def drain_gather(b):
            pltpu.make_async_copy(out_hbm.at[pl.ds(0, _C)], rows_v.at[b],
                                  gsem[b]).wait()

        def fire_wb(ci, b):
            pltpu.async_copy(rows_v.at[b],
                             out_hbm.at[pl.ds(wid * per_w + ci * _C, _C)],
                             wsem[b])

        def drain_wb(b):
            pltpu.make_async_copy(rows_v.at[b], out_hbm.at[pl.ds(0, _C)],
                                  wsem[b]).wait()

        def compute(b):
            @plsc.parallel_loop(0, _C, unroll=8)
            def _(r):
                v = [rows_v[b, r, pl.ds(j * _L, _L)] for j in range(n_v)]
                ss = v[0] * v[0]
                for vv in v[1:]:
                    ss = ss + vv * vv
                for k in (8, 4, 2, 1):
                    ss = ss + ss.at[lanes ^ k].get(mode="promise_in_bounds")
                rs = _rsqrt(jnp.maximum(ss, 1e-24))
                for j in range(n_v):
                    rows_v[b, r, pl.ds(j * _L, _L)] = v[j] * rs

        fire_gather(0, 0)
        fire_gather(1, 1)

        def round_body(r, _):
            for b in range(_NB):
                ci = _NB * r + b
                drain_gather(b)
                compute(b)
                fire_wb(ci, b)
                jb = (b + 2) % _NB
                cj = ci + 2
                if b < _NB - 2:
                    @pl.when(r > 0)
                    def _():
                        drain_wb(jb)
                    fire_gather(cj, jb)
                else:
                    @pl.when(r < rounds - 1)
                    def _():
                        drain_wb(jb)
                        fire_gather(cj, jb)
            return 0

        lax.fori_loop(0, rounds, round_body, 0)
        for b in range(_NB):
            drain_wb(b)

    out = _emb(idx2d, W)
    return out.reshape(B, H, D)

# --- scband reference (transcript-rebuilt; emitter-appended) ---
"""Pipeline reference for scband-embedding-77000173683521 (READ-ONLY COPY).

The authoritative reference and input builder live on the scoring server;
editing this copy changes nothing except your own understanding.
"""

import jax, jax.numpy as jnp
import numpy as np

VOCAB_SIZE = 1000000
OUTPUT_DIMS = 64
BATCH = 16384
HIST_LEN = 50


def setup_inputs(seed: int = 0) -> dict:
    key = jax.random.key(seed)
    k_idx, k_w = jax.random.split(key)
    inp = jax.random.randint(k_idx, (BATCH, HIST_LEN), 0, VOCAB_SIZE, dtype=jnp.int32)
    W = jax.random.normal(k_w, (VOCAB_SIZE, OUTPUT_DIMS), dtype=jnp.float32) * 0.01
    return {"inp": inp, "W": W}


def reference(inp, W):
    # gather: embedding lookup
    emb = jnp.take(W, inp, axis=0)
    # F.normalize(emb, dim=-1): x / max(||x||_2, eps)
    norm = jnp.linalg.norm(emb, ord=2, axis=-1, keepdims=True)
    emb = emb / jnp.maximum(norm, 1e-12)
    return emb

if __name__ == "__main__":
    import jax
    _d = setup_inputs()
    print(jax.jit(kernel)(*tuple(_d.values())))

</pallas_src>

<mosaic_0001>
#map = affine_map<(d0, d1) -> (0, 0)>
module attributes {stable_mosaic.version = 14 : i64} {
  func.func @_emb(%arg0: i32, %arg1: i32, %arg2: memref<6400x128xi32, #tpu.memory_space<hbm>>, %arg3: memref<1000000x64xf32, #tpu.memory_space<hbm>>, %arg4: memref<819200x64xf32, #tpu.memory_space<hbm>>, %arg5: memref<5x2x128xi32, #tpu.memory_space<vmem>>, %arg6: memref<5x256x64xf32, #tpu.memory_space<vmem>>, %arg7: memref<!tpu.dma_semaphore, #tpu.memory_space<semaphore_mem>>, %arg8: memref<!tpu.dma_semaphore, #tpu.memory_space<semaphore_mem>>, %arg9: memref<!tpu.dma_semaphore, #tpu.memory_space<semaphore_mem>>, %arg10: memref<!tpu.dma_semaphore, #tpu.memory_space<semaphore_mem>>, %arg11: memref<!tpu.dma_semaphore, #tpu.memory_space<semaphore_mem>>, %arg12: memref<!tpu.dma_semaphore, #tpu.memory_space<semaphore_mem>>, %arg13: memref<!tpu.dma_semaphore, #tpu.memory_space<semaphore_mem>>, %arg14: memref<!tpu.dma_semaphore, #tpu.memory_space<semaphore_mem>>, %arg15: memref<!tpu.dma_semaphore, #tpu.memory_space<semaphore_mem>>, %arg16: memref<!tpu.dma_semaphore, #tpu.memory_space<semaphore_mem>>) attributes {dimension_semantics = [#tpu.dimension_semantics<core_parallel>, #tpu.dimension_semantics<subcore_parallel>], iteration_bounds = array<i64: 2, 16>, scalar_prefetch = 0 : i64, scratch_operands = 12 : i64, tpu.core_type = #tpu.core_type<sc_vector_subcore>, window_params = [{transform_indices = #map}, {transform_indices = #map}, {transform_indices = #map}]} {
    %mul3A = arith.constant 2 : i32
    %mul3A_0 = arith.muli %arg1, %mul3A : i32
    %add3A = arith.addi %mul3A_0, %arg0 : i32
    %iota3A = tpu.iota {dimensions = array<i32: 0>} : vector<16xi32>
    %mul3A_1 = arith.constant 200 : i32
    %mul3A_2 = arith.muli %add3A, %mul3A_1 : i32
    %add3A_3 = arith.constant 0 : i32
    %add3A_4 = arith.addi %mul3A_2, %add3A_3 : i32
    %run_scoped3A = arith.constant 0 : i32
    "tpu.region"() ({
      %run_scoped3A_141 = tpu.sem_alloc : memref<!tpu.dma_semaphore, #tpu.memory_space<semaphore_mem>>
      %dma_start3A_142 = arith.constant 0 : i32
      %dma_start3A_143 = arith.constant 0 : i32
      %dma_start3A_144 = tpu.memref_slice %arg5[%run_scoped3A, %dma_start3A_142, %dma_start3A_143] : memref<5x2x128xi32, #tpu.memory_space<vmem>> -> memref<1x2x128xi32, #tpu.memory_space<vmem>>
      %dma_start3A_145 = tpu.memref_squeeze %dma_start3A_144 : memref<1x2x128xi32, #tpu.memory_space<vmem>> -> memref<2x128xi32, #tpu.memory_space<vmem>>
      %dma_start3A_146 = arith.constant 0 : i32
      %dma_start3A_147 = tpu.memref_slice %arg2[%add3A_4, %dma_start3A_146] : memref<6400x128xi32, #tpu.memory_space<hbm>> -> memref<2x128xi32, #tpu.memory_space<hbm>>
      %dma_start3A_148 = arith.constant 0 : i32
      %dma_start3A_149 = arith.constant 0 : i32
      %dma_start3A_150 = tpu.memref_slice %arg5[%run_scoped3A, %dma_start3A_148, %dma_start3A_149] : memref<5x2x128xi32, #tpu.memory_space<vmem>> -> memref<1x2x128xi32, #tpu.memory_space<vmem>>
      %dma_start3A_151 = tpu.memref_squeeze %dma_start3A_150 : memref<1x2x128xi32, #tpu.memory_space<vmem>> -> memref<2x128xi32, #tpu.memory_space<vmem>>
      %dma_start3A_152 = arith.constant 0 : i32
      %dma_start3A_153 = tpu.memref_slice %arg2[%add3A_4, %dma_start3A_152] : memref<6400x128xi32, #tpu.memory_space<hbm>> -> memref<2x128xi32, #tpu.memory_space<hbm>>
      tpu.enqueue_dma source(%dma_start3A_153 : memref<2x128xi32, #tpu.memory_space<hbm>>) target(%dma_start3A_151 : memref<2x128xi32, #tpu.memory_space<vmem>>) target_semaphore(%run_scoped3A_141 : memref<!tpu.dma_semaphore, #tpu.memory_space<semaphore_mem>>)
      %dma_wait3A_154 = arith.constant 0 : i32
      %dma_wait3A_155 = arith.constant 0 : i32
      %dma_wait3A_156 = tpu.memref_slice %arg5[%run_scoped3A, %dma_wait3A_154, %dma_wait3A_155] : memref<5x2x128xi32, #tpu.memory_space<vmem>> -> memref<1x2x128xi32, #tpu.memory_space<vmem>>
      %dma_wait3A_157 = tpu.memref_squeeze %dma_wait3A_156 : memref<1x2x128xi32, #tpu.memory_space<vmem>> -> memref<2x128xi32, #tpu.memory_space<vmem>>
      %dma_wait3A_158 = arith.constant 0 : i32
      %dma_wait3A_159 = tpu.memref_slice %arg2[%add3A_4, %dma_wait3A_158] : memref<6400x128xi32, #tpu.memory_space<hbm>> -> memref<2x128xi32, #tpu.memory_space<hbm>>
      %dma_wait3A_160 = arith.constant 0 : i32
      %dma_wait3A_161 = arith.constant 0 : i32
      %dma_wait3A_162 = tpu.memref_slice %arg5[%run_scoped3A, %dma_wait3A_160, %dma_wait3A_161] : memref<5x2x128xi32, #tpu.memory_space<vmem>> -> memref<1x2x128xi32, #tpu.memory_space<vmem>>
      %dma_wait3A_163 = tpu.memref_squeeze %dma_wait3A_162 : memref<1x2x128xi32, #tpu.memory_space<vmem>> -> memref<2x128xi32, #tpu.memory_space<vmem>>
      %dma_wait3A_164 = arith.constant 0 : i32
      %dma_wait3A_165 = tpu.memref_slice %arg2[%add3A_4, %dma_wait3A_164] : memref<6400x128xi32, #tpu.memory_space<hbm>> -> memref<2x128xi32, #tpu.memory_space<hbm>>
      tpu.wait_dma2 semaphore(%run_scoped3A_141 : memref<!tpu.dma_semaphore, #tpu.memory_space<semaphore_mem>>) src(%dma_wait3A_165 : memref<2x128xi32, #tpu.memory_space<hbm>>) dst(%dma_wait3A_163 : memref<2x128xi32, #tpu.memory_space<vmem>>)
      tpu.yield
    }) : () -> ()
    %dma_start3A = arith.constant 0 : i32
    %dma_start3A_5 = arith.constant 0 : i32
    %dma_start3A_6 = arith.constant 0 : i32
    %dma_start3A_7 = arith.constant 0 : i32
    %dma_start3A_8 = arith.constant 0 : i32
    %dma_start3A_9 = tpu.memref_slice %arg6[%dma_start3A_6, %dma_start3A_7, %dma_start3A_8] : memref<5x256x64xf32, #tpu.memory_space<vmem>> -> memref<1x128x64xf32, #tpu.memory_space<vmem>>
    %dma_start3A_10 = tpu.memref_squeeze %dma_start3A_9 : memref<1x128x64xf32, #tpu.memory_space<vmem>> -> memref<128x64xf32, #tpu.memory_space<vmem>>
    %dma_start3A_11 = arith.constant 0 : i32
    %dma_start3A_12 = tpu.memref_slice %arg5[%dma_start3A, %dma_start3A_5, %dma_start3A_11] : memref<5x2x128xi32, #tpu.memory_space<vmem>> -> memref<1x1x128xi32, #tpu.memory_space<vmem>>
    %dma_start3A_13 = tpu.memref_squeeze %dma_start3A_12 : memref<1x1x128xi32, #tpu.memory_space<vmem>> -> memref<128xi32, #tpu.memory_space<vmem>>
    %dma_start3A_14 = arith.constant 0 : i32
    %dma_start3A_15 = arith.constant 0 : i32
    %dma_start3A_16 = tpu.memref_slice %arg3[%dma_start3A_14, %dma_start3A_15] : memref<1000000x64xf32, #tpu.memory_space<hbm>> -> memref<1000000x64xf32, #tpu.memory_space<hbm>>
    tpu.enqueue_indirect_dma source(%dma_start3A_16 : memref<1000000x64xf32, #tpu.memory_space<hbm>>) target(%dma_start3A_10 : memref<128x64xf32, #tpu.memory_space<vmem>>) offsets(%dma_start3A_13 : memref<128xi32, #tpu.memory_space<vmem>>) semaphore(%arg7 : memref<!tpu.dma_semaphore, #tpu.memory_space<semaphore_mem>>)
    %dma_start3A_17 = arith.constant 0 : i32
    %dma_start3A_18 = arith.constant 1 : i32
    %dma_start3A_19 = arith.constant 0 : i32
    %dma_start3A_20 = arith.constant 128 : i32
    %dma_start3A_21 = arith.constant 0 : i32
    %dma_start3A_22 = tpu.memref_slice %arg6[%dma_start3A_19, %dma_start3A_20, %dma_start3A_21] : memref<5x256x64xf32, #tpu.memory_space<vmem>> -> memref<1x128x64xf32, #tpu.memory_space<vmem>>
    %dma_start3A_23 = tpu.memref_squeeze %dma_start3A_22 : memref<1x128x64xf32, #tpu.memory_space<vmem>> -> memref<128x64xf32, #tpu.memory_space<vmem>>
    %dma_start3A_24 = arith.constant 0 : i32
    %dma_start3A_25 = tpu.memref_slice %arg5[%dma_start3A_17, %dma_start3A_18, %dma_start3A_24] : memref<5x2x128xi32, #tpu.memory_space<vmem>> -> memref<1x1x128xi32, #tpu.memory_space<vmem>>
    %dma_start3A_26 = tpu.memref_squeeze %dma_start3A_25 : memref<1x1x128xi32, #tpu.memory_space<vmem>> -> memref<128xi32, #tpu.memory_space<vmem>>
    %dma_start3A_27 = arith.constant 0 : i32
    %dma_start3A_28 = arith.constant 0 : i32
    %dma_start3A_29 = tpu.memref_slice %arg3[%dma_start3A_27, %dma_start3A_28] : memref<1000000x64xf32, #tpu.memory_space<hbm>> -> memref<1000000x64xf32, #tpu.memory_space<hbm>>
    tpu.enqueue_indirect_dma source(%dma_start3A_29 : memref<1000000x64xf32, #tpu.memory_space<hbm>>) target(%dma_start3A_23 : memref<128x64xf32, #tpu.memory_space<vmem>>) offsets(%dma_start3A_26 : memref<128xi32, #tpu.memory_space<vmem>>) semaphore(%arg7 : memref<!tpu.dma_semaphore, #tpu.memory_space<semaphore_mem>>)
    %mul3A_30 = arith.constant 200 : i32
    %mul3A_31 = arith.muli %add3A, %mul3A_30 : i32
    %add3A_32 = arith.constant 2 : i32
    %add3A_33 = arith.addi %mul3A_31, %add3A_32 : i32
    %run_scoped3A_34 = arith.constant 1 : i32
    "tpu.region"() ({
      %run_scoped3A_141 = tpu.sem_alloc : memref<!tpu.dma_semaphore, #tpu.memory_space<semaphore_mem>>
      %dma_start3A_142 = arith.constant 0 : i32
      %dma_start3A_143 = arith.constant 0 : i32
      %dma_start3A_144 = tpu.memref_slice %arg5[%run_scoped3A_34, %dma_start3A_142, %dma_start3A_143] : memref<5x2x128xi32, #tpu.memory_space<vmem>> -> memref<1x2x128xi32, #tpu.memory_space<vmem>>
      %dma_start3A_145 = tpu.memref_squeeze %dma_start3A_144 : memref<1x2x128xi32, #tpu.memory_space<vmem>> -> memref<2x128xi32, #tpu.memory_space<vmem>>
      %dma_start3A_146 = arith.constant 0 : i32
      %dma_start3A_147 = tpu.memref_slice %arg2[%add3A_33, %dma_start3A_146] : memref<6400x128xi32, #tpu.memory_space<hbm>> -> memref<2x128xi32, #tpu.memory_space<hbm>>
      %dma_start3A_148 = arith.constant 0 : i32
      %dma_start3A_149 = arith.constant 0 : i32
      %dma_start3A_150 = tpu.memref_slice %arg5[%run_scoped3A_34, %dma_start3A_148, %dma_start3A_149] : memref<5x2x128xi32, #tpu.memory_space<vmem>> -> memref<1x2x128xi32, #tpu.memory_space<vmem>>
      %dma_start3A_151 = tpu.memref_squeeze %dma_start3A_150 : memref<1x2x128xi32, #tpu.memory_space<vmem>> -> memref<2x128xi32, #tpu.memory_space<vmem>>
      %dma_start3A_152 = arith.constant 0 : i32
      %dma_start3A_153 = tpu.memref_slice %arg2[%add3A_33, %dma_start3A_152] : memref<6400x128xi32, #tpu.memory_space<hbm>> -> memref<2x128xi32, #tpu.memory_space<hbm>>
      tpu.enqueue_dma source(%dma_start3A_153 : memref<2x128xi32, #tpu.memory_space<hbm>>) target(%dma_start3A_151 : memref<2x128xi32, #tpu.memory_space<vmem>>) target_semaphore(%run_scoped3A_141 : memref<!tpu.dma_semaphore, #tpu.memory_space<semaphore_mem>>)
      %dma_wait3A_154 = arith.constant 0 : i32
      %dma_wait3A_155 = arith.constant 0 : i32
      %dma_wait3A_156 = tpu.memref_slice %arg5[%run_scoped3A_34, %dma_wait3A_154, %dma_wait3A_155] : memref<5x2x128xi32, #tpu.memory_space<vmem>> -> memref<1x2x128xi32, #tpu.memory_space<vmem>>
      %dma_wait3A_157 = tpu.memref_squeeze %dma_wait3A_156 : memref<1x2x128xi32, #tpu.memory_space<vmem>> -> memref<2x128xi32, #tpu.memory_space<vmem>>
      %dma_wait3A_158 = arith.constant 0 : i32
      %dma_wait3A_159 = tpu.memref_slice %arg2[%add3A_33, %dma_wait3A_158] : memref<6400x128xi32, #tpu.memory_space<hbm>> -> memref<2x128xi32, #tpu.memory_space<hbm>>
      %dma_wait3A_160 = arith.constant 0 : i32
      %dma_wait3A_161 = arith.constant 0 : i32
      %dma_wait3A_162 = tpu.memref_slice %arg5[%run_scoped3A_34, %dma_wait3A_160, %dma_wait3A_161] : memref<5x2x128xi32, #tpu.memory_space<vmem>> -> memref<1x2x128xi32, #tpu.memory_space<vmem>>
      %dma_wait3A_163 = tpu.memref_squeeze %dma_wait3A_162 : memref<1x2x128xi32, #tpu.memory_space<vmem>> -> memref<2x128xi32, #tpu.memory_space<vmem>>
      %dma_wait3A_164 = arith.constant 0 : i32
      %dma_wait3A_165 = tpu.memref_slice %arg2[%add3A_33, %dma_wait3A_164] : memref<6400x128xi32, #tpu.memory_space<hbm>> -> memref<2x128xi32, #tpu.memory_space<hbm>>
      tpu.wait_dma2 semaphore(%run_scoped3A_141 : memref<!tpu.dma_semaphore, #tpu.memory_space<semaphore_mem>>) src(%dma_wait3A_165 : memref<2x128xi32, #tpu.memory_space<hbm>>) dst(%dma_wait3A_163 : memref<2x128xi32, #tpu.memory_space<vmem>>)
      tpu.yield
    }) : () -> ()
    %dma_start3A_35 = arith.constant 1 : i32
    %dma_start3A_36 = arith.constant 0 : i32
    %dma_start3A_37 = arith.constant 1 : i32
    %dma_start3A_38 = arith.constant 0 : i32
    %dma_start3A_39 = arith.constant 0 : i32
    %dma_start3A_40 = tpu.memref_slice %arg6[%dma_start3A_37, %dma_start3A_38, %dma_start3A_39] : memref<5x256x64xf32, #tpu.memory_space<vmem>> -> memref<1x128x64xf32, #tpu.memory_space<vmem>>
    %dma_start3A_41 = tpu.memref_squeeze %dma_start3A_40 : memref<1x128x64xf32, #tpu.memory_space<vmem>> -> memref<128x64xf32, #tpu.memory_space<vmem>>
    %dma_start3A_42 = arith.constant 0 : i32
    %dma_start3A_43 = tpu.memref_slice %arg5[%dma_start3A_35, %dma_start3A_36, %dma_start3A_42] : memref<5x2x128xi32, #tpu.memory_space<vmem>> -> memref<1x1x128xi32, #tpu.memory_space<vmem>>
    %dma_start3A_44 = tpu.memref_squeeze %dma_start3A_43 : memref<1x1x128xi32, #tpu.memory_space<vmem>> -> memref<128xi32, #tpu.memory_space<vmem>>
    %dma_start3A_45 = arith.constant 0 : i32
    %dma_start3A_46 = arith.constant 0 : i32
    %dma_start3A_47 = tpu.memref_slice %arg3[%dma_start3A_45, %dma_start3A_46] : memref<1000000x64xf32, #tpu.memory_space<hbm>> -> memref<1000000x64xf32, #tpu.memory_space<hbm>>
    tpu.enqueue_indirect_dma source(%dma_start3A_47 : memref<1000000x64xf32, #tpu.memory_space<hbm>>) target(%dma_start3A_41 : memref<128x64xf32, #tpu.memory_space<vmem>>) offsets(%dma_start3A_44 : memref<128xi32, #tpu.memory_space<vmem>>) semaphore(%arg8 : memref<!tpu.dma_semaphore, #tpu.memory_space<semaphore_mem>>)
    %dma_start3A_48 = arith.constant 1 : i32
    %dma_start3A_49 = arith.constant 1 : i32
    %dma_start3A_50 = arith.constant 1 : i32
    %dma_start3A_51 = arith.constant 128 : i32
    %dma_start3A_52 = arith.constant 0 : i32
    %dma_start3A_53 = tpu.memref_slice %arg6[%dma_start3A_50, %dma_start3A_51, %dma_start3A_52] : memref<5x256x64xf32, #tpu.memory_space<vmem>> -> memref<1x128x64xf32, #tpu.memory_space<vmem>>
    %dma_start3A_54 = tpu.memref_squeeze %dma_start3A_53 : memref<1x128x64xf32, #tpu.memory_space<vmem>> -> memref<128x64xf32, #tpu.memory_space<vmem>>
    %dma_start3A_55 = arith.constant 0 : i32
    %dma_start3A_56 = tpu.memref_slice %arg5[%dma_start3A_48, %dma_start3A_49, %dma_start3A_55] : memref<5x2x128xi32, #tpu.memory_space<vmem>> -> memref<1x1x128xi32, #tpu.memory_space<vmem>>
    %dma_start3A_57 = tpu.memref_squeeze %dma_start3A_56 : memref<1x1x128xi32, #tpu.memory_space<vmem>> -> memref<128xi32, #tpu.memory_space<vmem>>
    %dma_start3A_58 = arith.constant 0 : i32
    %dma_start3A_59 = arith.constant 0 : i32
    %dma_start3A_60 = tpu.memref_slice %arg3[%dma_start3A_58, %dma_start3A_59] : memref<1000000x64xf32, #tpu.memory_space<hbm>> -> memref<1000000x64xf32, #tpu.memory_space<hbm>>
    tpu.enqueue_indirect_dma source(%dma_start3A_60 : memref<1000000x64xf32, #tpu.memory_space<hbm>>) target(%dma_start3A_54 : memref<128x64xf32, #tpu.memory_space<vmem>>) offsets(%dma_start3A_57 : memref<128xi32, #tpu.memory_space<vmem>>) semaphore(%arg8 : memref<!tpu.dma_semaphore, #tpu.memory_space<semaphore_mem>>)
    %scan3A = arith.constant 0 : i32
    %scan3A_61 = arith.constant 0 : i32
    %scan3A_62 = arith.constant 20 : i32
    %scan3A_63 = arith.addi %scan3A_61, %scan3A_62 : i32
    %scan3A_64 = arith.constant 1 : i32
    %scan3A_65 = scf.for %scan3A_141 = %scan3A_61 to %scan3A_63 step %scan3A_64 iter_args(%scan3A_142 = %scan3A) -> (i32)  : i32 {
      %mul3A_143 = arith.constant 5 : i32
      %mul3A_144 = arith.muli %mul3A_143, %scan3A_141 : i32
      %add3A_145 = arith.constant 0 : i32
      %add3A_146 = arith.addi %mul3A_144, %add3A_145 : i32
      %dma_wait3A_147 = arith.constant 0 : i32
      %dma_wait3A_148 = arith.constant 0 : i32
      %dma_wait3A_149 = arith.constant 0 : i32
      %dma_wait3A_150 = tpu.memref_slice %arg6[%dma_wait3A_147, %dma_wait3A_148, %dma_wait3A_149] : memref<5x256x64xf32, #tpu.memory_space<vmem>> -> memref<1x256x64xf32, #tpu.memory_space<vmem>>
      %dma_wait3A_151 = tpu.memref_squeeze %dma_wait3A_150 : memref<1x256x64xf32, #tpu.memory_space<vmem>> -> memref<256x64xf32, #tpu.memory_space<vmem>>
      %dma_wait3A_152 = arith.constant 0 : i32
      %dma_wait3A_153 = arith.constant 0 : i32
      %dma_wait3A_154 = tpu.memref_slice %arg4[%dma_wait3A_152, %dma_wait3A_153] : memref<819200x64xf32, #tpu.memory_space<hbm>> -> memref<256x64xf32, #tpu.memory_space<hbm>>
      %dma_wait3A_155 = arith.constant 0 : i32
      %dma_wait3A_156 = arith.constant 0 : i32
      %dma_wait3A_157 = tpu.memref_slice %arg6[%dma_wait3A_147, %dma_wait3A_155, %dma_wait3A_156] : memref<5x256x64xf32, #tpu.memory_space<vmem>> -> memref<1x256x64xf32, #tpu.memory_space<vmem>>
      %dma_wait3A_158 = tpu.memref_squeeze %dma_wait3A_157 : memref<1x256x64xf32, #tpu.memory_space<vmem>> -> memref<256x64xf32, #tpu.memory_space<vmem>>
      %dma_wait3A_159 = arith.constant 0 : i32
      %dma_wait3A_160 = arith.constant 0 : i32
      %dma_wait3A_161 = tpu.memref_slice %arg4[%dma_wait3A_159, %dma_wait3A_160] : memref<819200x64xf32, #tpu.memory_space<hbm>> -> memref<256x64xf32, #tpu.memory_space<hbm>>
      tpu.wait_dma2 semaphore(%arg7 : memref<!tpu.dma_semaphore, #tpu.memory_space<semaphore_mem>>) src(%dma_wait3A_161 : memref<256x64xf32, #tpu.memory_space<hbm>>) dst(%dma_wait3A_158 : memref<256x64xf32, #tpu.memory_space<vmem>>)
      %parallel_loop3A = arith.constant 0 : i32
      %parallel_loop3A_162 = arith.constant 256 : i32
      %parallel_loop3A_163 = arith.constant 1 : i32
      scf.for %parallel_loop3A_470 = %parallel_loop3A to %parallel_loop3A_162 step %parallel_loop3A_163  : i32 {
        %parallel_loop3A_471 = arith.constant 0 : i32
        %parallel_loop3A_472 = arith.index_cast %parallel_loop3A_471 : i32 to index
        %parallel_loop3A_473 = arith.index_cast %parallel_loop3A_470 : i32 to index
        %parallel_loop3A_474 = arith.constant 0 : index
        %parallel_loop3A_475 = tpu.vector_load %arg6[%parallel_loop3A_472, %parallel_loop3A_473, %parallel_loop3A_474] {strides = array<i32>} : memref<5x256x64xf32, #tpu.memory_space<vmem>>, vector<1x1x16xf32>,
        %parallel_loop3A_476 = vector.shape_cast %parallel_loop3A_475 : vector<1x1x16xf32> to vector<16xf32>
        %parallel_loop3A_477 = arith.constant 0 : i32
        %parallel_loop3A_478 = arith.index_cast %parallel_loop3A_477 : i32 to index
        %parallel_loop3A_479 = arith.index_cast %parallel_loop3A_470 : i32 to index
        %parallel_loop3A_480 = arith.constant 16 : index
        %parallel_loop3A_481 = tpu.vector_load %arg6[%parallel_loop3A_478, %parallel_loop3A_479, %parallel_loop3A_480] {strides = array<i32>} : memref<5x256x64xf32, #tpu.memory_space<vmem>>, vector<1x1x16xf32>,
        %parallel_loop3A_482 = vector.shape_cast %parallel_loop3A_481 : vector<1x1x16xf32> to vector<16xf32>
        %parallel_loop3A_483 = arith.constant 0 : i32
        %parallel_loop3A_484 = arith.index_cast %parallel_loop3A_483 : i32 to index
        %parallel_loop3A_485 = arith.index_cast %parallel_loop3A_470 : i32 to index
        %parallel_loop3A_486 = arith.constant 32 : index
        %parallel_loop3A_487 = tpu.vector_load %arg6[%parallel_loop3A_484, %parallel_loop3A_485, %parallel_loop3A_486] {strides = array<i32>} : memref<5x256x64xf32, #tpu.memory_space<vmem>>, vector<1x1x16xf32>,
        %parallel_loop3A_488 = vector.shape_cast %parallel_loop3A_487 : vector<1x1x16xf32> to vector<16xf32>
        %parallel_loop3A_489 = arith.constant 0 : i32
        %parallel_loop3A_490 = arith.index_cast %parallel_loop3A_489 : i32 to index
        %parallel_loop3A_491 = arith.index_cast %parallel_loop3A_470 : i32 to index
        %parallel_loop3A_492 = arith.constant 48 : index
        %parallel_loop3A_493 = tpu.vector_load %arg6[%parallel_loop3A_490, %parallel_loop3A_491, %parallel_loop3A_492] {strides = array<i32>} : memref<5x256x64xf32, #tpu.memory_space<vmem>>, vector<1x1x16xf32>,
        %parallel_loop3A_494 = vector.shape_cast %parallel_loop3A_493 : vector<1x1x16xf32> to vector<16xf32>
        %parallel_loop3A_495 = arith.mulf %parallel_loop3A_476, %parallel_loop3A_476 : vector<16xf32>
        %parallel_loop3A_496 = arith.mulf %parallel_loop3A_482, %parallel_loop3A_482 : vector<16xf32>
        %parallel_loop3A_497 = arith.addf %parallel_loop3A_495, %parallel_loop3A_496 : vector<16xf32>
        %parallel_loop3A_498 = arith.mulf %parallel_loop3A_488, %parallel_loop3A_488 : vector<16xf32>
        %parallel_loop3A_499 = arith.addf %parallel_loop3A_497, %parallel_loop3A_498 : vector<16xf32>
        %parallel_loop3A_500 = arith.mulf %parallel_loop3A_494, %parallel_loop3A_494 : vector<16xf32>
        %parallel_loop3A_501 = arith.addf %parallel_loop3A_499, %parallel_loop3A_500 : vector<16xf32>
        %parallel_loop3A_502 = arith.constant 8 : i32
        %parallel_loop3A_503 = vector.broadcast %parallel_loop3A_502 : i32 to vector<16xi32>
        %parallel_loop3A_504 = arith.xori %iota3A, %parallel_loop3A_503 : vector<16xi32>
        %parallel_loop3A_505 = arith.constant 0 : i32
        %parallel_loop3A_506 = vector.broadcast %parallel_loop3A_505 : i32 to vector<16xi32>
        %parallel_loop3A_507 = arith.cmpi slt, %parallel_loop3A_504, %parallel_loop3A_506 : vector<16xi32>
        %parallel_loop3A_508 = arith.constant 16 : i32
        %parallel_loop3A_509 = vector.broadcast %parallel_loop3A_508 : i32 to vector<16xi32>
        %parallel_loop3A_510 = arith.addi %parallel_loop3A_504, %parallel_loop3A_509 : vector<16xi32>
        %parallel_loop3A_511 = arith.select %parallel_loop3A_507, %parallel_loop3A_510, %parallel_loop3A_504 : vector<16xi1>, vector<16xi32>
        %parallel_loop3A_512 = vector.shape_cast %parallel_loop3A_511 : vector<16xi32> to vector<16x1xi32>
        %parallel_loop3A_513 = vector.shape_cast %parallel_loop3A_512 : vector<16x1xi32> to vector<16xi32>
        %parallel_loop3A_514 = tpu.dynamic_gather %parallel_loop3A_501[%parallel_loop3A_513] in [0] : vector<16xf32>, vector<16xi32> -> vector<16xf32>
        %parallel_loop3A_515 = arith.addf %parallel_loop3A_501, %parallel_loop3A_514 : vector<16xf32>
        %parallel_loop3A_516 = arith.constant 4 : i32
        %parallel_loop3A_517 = vector.broadcast %parallel_loop3A_516 : i32 to vector<16xi32>
        %parallel_loop3A_518 = arith.xori %iota3A, %parallel_loop3A_517 : vector<16xi32>
        %parallel_loop3A_519 = arith.constant 0 : i32
        %parallel_loop3A_520 = vector.broadcast %parallel_loop3A_519 : i32 to vector<16xi32>
        %parallel_loop3A_521 = arith.cmpi slt, %parallel_loop3A_518, %parallel_loop3A_520 : vector<16xi32>
        %parallel_loop3A_522 = arith.constant 16 : i32
        %parallel_loop3A_523 = vector.broadcast %parallel_loop3A_522 : i32 to vector<16xi32>
        %parallel_loop3A_524 = arith.addi %parallel_loop3A_518, %parallel_loop3A_523 : vector<16xi32>
        %parallel_loop3A_525 = arith.select %parallel_loop3A_521, %parallel_loop3A_524, %parallel_loop3A_518 : vector<16xi1>, vector<16xi32>
        %parallel_loop3A_526 = vector.shape_cast %parallel_loop3A_525 : vector<16xi32> to vector<16x1xi32>
        %parallel_loop3A_527 = vector.shape_cast %parallel_loop3A_526 : vector<16x1xi32> to vector<16xi32>
        %parallel_loop3A_528 = tpu.dynamic_gather %parallel_loop3A_515[%parallel_loop3A_527] in [0] : vector<16xf32>, vector<16xi32> -> vector<16xf32>
        %parallel_loop3A_529 = arith.addf %parallel_loop3A_515, %parallel_loop3A_528 : vector<16xf32>
        %parallel_loop3A_530 = arith.constant 2 : i32
        %parallel_loop3A_531 = vector.broadcast %parallel_loop3A_530 : i32 to vector<16xi32>
        %parallel_loop3A_532 = arith.xori %iota3A, %parallel_loop3A_531 : vector<16xi32>
        %parallel_loop3A_533 = arith.constant 0 : i32
        %parallel_loop3A_534 = vector.broadcast %parallel_loop3A_533 : i32 to vector<16xi32>
        %parallel_loop3A_535 = arith.cmpi slt, %parallel_loop3A_532, %parallel_loop3A_534 : vector<16xi32>
        %parallel_loop3A_536 = arith.constant 16 : i32
        %parallel_loop3A_537 = vector.broadcast %parallel_loop3A_536 : i32 to vector<16xi32>
        %parallel_loop3A_538 = arith.addi %parallel_loop3A_532, %parallel_loop3A_537 : vector<16xi32>
        %parallel_loop3A_539 = arith.select %parallel_loop3A_535, %parallel_loop3A_538, %parallel_loop3A_532 : vector<16xi1>, vector<16xi32>
        %parallel_loop3A_540 = vector.shape_cast %parallel_loop3A_539 : vector<16xi32> to vector<16x1xi32>
        %parallel_loop3A_541 = vector.shape_cast %parallel_loop3A_540 : vector<16x1xi32> to vector<16xi32>
        %parallel_loop3A_542 = tpu.dynamic_gather %parallel_loop3A_529[%parallel_loop3A_541] in [0] : vector<16xf32>, vector<16xi32> -> vector<16xf32>
        %parallel_loop3A_543 = arith.addf %parallel_loop3A_529, %parallel_loop3A_542 : vector<16xf32>
        %parallel_loop3A_544 = arith.constant 1 : i32
        %parallel_loop3A_545 = vector.broadcast %parallel_loop3A_544 : i32 to vector<16xi32>
        %parallel_loop3A_546 = arith.xori %iota3A, %parallel_loop3A_545 : vector<16xi32>
        %parallel_loop3A_547 = arith.constant 0 : i32
        %parallel_loop3A_548 = vector.broadcast %parallel_loop3A_547 : i32 to vector<16xi32>
        %parallel_loop3A_549 = arith.cmpi slt, %parallel_loop3A_546, %parallel_loop3A_548 : vector<16xi32>
        %parallel_loop3A_550 = arith.constant 16 : i32
        %parallel_loop3A_551 = vector.broadcast %parallel_loop3A_550 : i32 to vector<16xi32>
        %parallel_loop3A_552 = arith.addi %parallel_loop3A_546, %parallel_loop3A_551 : vector<16xi32>
        %parallel_loop3A_553 = arith.select %parallel_loop3A_549, %parallel_loop3A_552, %parallel_loop3A_546 : vector<16xi1>, vector<16xi32>
        %parallel_loop3A_554 = vector.shape_cast %parallel_loop3A_553 : vector<16xi32> to vector<16x1xi32>
        %parallel_loop3A_555 = vector.shape_cast %parallel_loop3A_554 : vector<16x1xi32> to vector<16xi32>
        %parallel_loop3A_556 = tpu.dynamic_gather %parallel_loop3A_543[%parallel_loop3A_555] in [0] : vector<16xf32>, vector<16xi32> -> vector<16xf32>
        %parallel_loop3A_557 = arith.addf %parallel_loop3A_543, %parallel_loop3A_556 : vector<16xf32>
        %parallel_loop3A_558 = arith.constant 1.000000e-24 : f32
        %parallel_loop3A_559 = vector.broadcast %parallel_loop3A_558 : f32 to vector<16xf32>
        %parallel_loop3A_560 = arith.maximumf %parallel_loop3A_557, %parallel_loop3A_559 : vector<16xf32>
        %parallel_loop3A_561 = tpu.bitcast %parallel_loop3A_560 : vector<16xf32> -> vector<16xi32>
        %parallel_loop3A_562 = arith.constant 1 : i32
        %parallel_loop3A_563 = vector.broadcast %parallel_loop3A_562 : i32 to vector<16xi32>
        %parallel_loop3A_564 = arith.shrsi %parallel_loop3A_561, %parallel_loop3A_563 : vector<16xi32>
        %parallel_loop3A_565 = arith.constant 1597463007 : i32
        %parallel_loop3A_566 = vector.broadcast %parallel_loop3A_565 : i32 to vector<16xi32>
        %parallel_loop3A_567 = arith.subi %parallel_loop3A_566, %parallel_loop3A_564 : vector<16xi32>
        %parallel_loop3A_568 = tpu.bitcast %parallel_loop3A_567 : vector<16xi32> -> vector<16xf32>
        %parallel_loop3A_569 = arith.constant 5.000000e-01 : f32
        %parallel_loop3A_570 = vector.broadcast %parallel_loop3A_569 : f32 to vector<16xf32>
        %parallel_loop3A_571 = arith.mulf %parallel_loop3A_570, %parallel_loop3A_560 : vector<16xf32>
        %parallel_loop3A_572 = arith.mulf %parallel_loop3A_571, %parallel_loop3A_568 : vector<16xf32>
        %parallel_loop3A_573 = arith.mulf %parallel_loop3A_572, %parallel_loop3A_568 : vector<16xf32>
        %parallel_loop3A_574 = arith.constant 1.500000e+00 : f32
        %parallel_loop3A_575 = vector.broadcast %parallel_loop3A_574 : f32 to vector<16xf32>
        %parallel_loop3A_576 = arith.subf %parallel_loop3A_575, %parallel_loop3A_573 : vector<16xf32>
        %parallel_loop3A_577 = arith.mulf %parallel_loop3A_568, %parallel_loop3A_576 : vector<16xf32>
        %parallel_loop3A_578 = arith.constant 5.000000e-01 : f32
        %parallel_loop3A_579 = vector.broadcast %parallel_loop3A_578 : f32 to vector<16xf32>
        %parallel_loop3A_580 = arith.mulf %parallel_loop3A_579, %parallel_loop3A_560 : vector<16xf32>
        %parallel_loop3A_581 = arith.mulf %parallel_loop3A_580, %parallel_loop3A_577 : vector<16xf32>
        %parallel_loop3A_582 = arith.mulf %parallel_loop3A_581, %parallel_loop3A_577 : vector<16xf32>
        %parallel_loop3A_583 = arith.constant 1.500000e+00 : f32
        %parallel_loop3A_584 = vector.broadcast %parallel_loop3A_583 : f32 to vector<16xf32>
        %parallel_loop3A_585 = arith.subf %parallel_loop3A_584, %parallel_loop3A_582 : vector<16xf32>
        %parallel_loop3A_586 = arith.mulf %parallel_loop3A_577, %parallel_loop3A_585 : vector<16xf32>
        %parallel_loop3A_587 = arith.mulf %parallel_loop3A_476, %parallel_loop3A_586 : vector<16xf32>
        %parallel_loop3A_588 = arith.constant 0 : i32
        %parallel_loop3A_589 = arith.index_cast %parallel_loop3A_588 : i32 to index
        %parallel_loop3A_590 = arith.index_cast %parallel_loop3A_470 : i32 to index
        %parallel_loop3A_591 = arith.constant 0 : index
        %parallel_loop3A_592 = tpu.vector_load %arg6[%parallel_loop3A_589, %parallel_loop3A_590, %parallel_loop3A_591] {strides = array<i32>} : memref<5x256x64xf32, #tpu.memory_space<vmem>>, vector<1x1x16xf32>,
        %parallel_loop3A_593 = vector.shape_cast %parallel_loop3A_592 : vector<1x1x16xf32> to vector<16xf32>
        %parallel_loop3A_594 = vector.shape_cast %parallel_loop3A_587 : vector<16xf32> to vector<1x1x16xf32>
        tpu.vector_store %arg6[%parallel_loop3A_589, %parallel_loop3A_590, %parallel_loop3A_591], %parallel_loop3A_594 {strides = array<i32>} : memref<5x256x64xf32, #tpu.memory_space<vmem>>, vector<1x1x16xf32>,
        %parallel_loop3A_595 = arith.mulf %parallel_loop3A_482, %parallel_loop3A_586 : vector<16xf32>
        %parallel_loop3A_596 = arith.constant 0 : i32
        %parallel_loop3A_597 = arith.index_cast %parallel_loop3A_596 : i32 to index
        %parallel_loop3A_598 = arith.index_cast %parallel_loop3A_470 : i32 to index
        %parallel_loop3A_599 = arith.constant 16 : index
        %parallel_loop3A_600 = tpu.vector_load %arg6[%parallel_loop3A_597, %parallel_loop3A_598, %parallel_loop3A_599] {strides = array<i32>} : memref<5x256x64xf32, #tpu.memory_space<vmem>>, vector<1x1x16xf32>,
        %parallel_loop3A_601 = vector.shape_cast %parallel_loop3A_600 : vector<1x1x16xf32> to vector<16xf32>
        %parallel_loop3A_602 = vector.shape_cast %parallel_loop3A_595 : vector<16xf32> to vector<1x1x16xf32>
        tpu.vector_store %arg6[%parallel_loop3A_597, %parallel_loop3A_598, %parallel_loop3A_599], %parallel_loop3A_602 {strides = array<i32>} : memref<5x256x64xf32, #tpu.memory_space<vmem>>, vector<1x1x16xf32>,
        %parallel_loop3A_603 = arith.mulf %parallel_loop3A_488, %parallel_loop3A_586 : vector<16xf32>
        %parallel_loop3A_604 = arith.constant 0 : i32
        %parallel_loop3A_605 = arith.index_cast %parallel_loop3A_604 : i32 to index
        %parallel_loop3A_606 = arith.index_cast %parallel_loop3A_470 : i32 to index
        %parallel_loop3A_607 = arith.constant 32 : index
        %parallel_loop3A_608 = tpu.vector_load %arg6[%parallel_loop3A_605, %parallel_loop3A_606, %parallel_loop3A_607] {strides = array<i32>} : memref<5x256x64xf32, #tpu.memory_space<vmem>>, vector<1x1x16xf32>,
        %parallel_loop3A_609 = vector.shape_cast %parallel_loop3A_608 : vector<1x1x16xf32> to vector<16xf32>
        %parallel_loop3A_610 = vector.shape_cast %parallel_loop3A_603 : vector<16xf32> to vector<1x1x16xf32>
        tpu.vector_store %arg6[%parallel_loop3A_605, %parallel_loop3A_606, %parallel_loop3A_607], %parallel_loop3A_610 {strides = array<i32>} : memref<5x256x64xf32, #tpu.memory_space<vmem>>, vector<1x1x16xf32>,
        %parallel_loop3A_611 = arith.mulf %parallel_loop3A_494, %parallel_loop3A_586 : vector<16xf32>
        %parallel_loop3A_612 = arith.constant 0 : i32
        %parallel_loop3A_613 = arith.index_cast %parallel_loop3A_612 : i32 to index
        %parallel_loop3A_614 = arith.index_cast %parallel_loop3A_470 : i32 to index
        %parallel_loop3A_615 = arith.constant 48 : index
        %parallel_loop3A_616 = tpu.vector_load %arg6[%parallel_loop3A_613, %parallel_loop3A_614, %parallel_loop3A_615] {strides = array<i32>} : memref<5x256x64xf32, #tpu.memory_space<vmem>>, vector<1x1x16xf32>,
        %parallel_loop3A_617 = vector.shape_cast %parallel_loop3A_616 : vector<1x1x16xf32> to vector<16xf32>
        %parallel_loop3A_618 = vector.shape_cast %parallel_loop3A_611 : vector<16xf32> to vector<1x1x16xf32>
        tpu.vector_store %arg6[%parallel_loop3A_613, %parallel_loop3A_614, %parallel_loop3A_615], %parallel_loop3A_618 {strides = array<i32>} : memref<5x256x64xf32, #tpu.memory_space<vmem>>, vector<1x1x16xf32>,
      } {sc.loop_unroll_factor = 8 : i64, sc.parallel_access}
      %mul3A_164 = arith.constant 25600 : i32
      %mul3A_165 = arith.muli %add3A, %mul3A_164 : i32
      %mul3A_166 = arith.constant 256 : i32
      %mul3A_167 = arith.muli %add3A_146, %mul3A_166 : i32
      %add3A_168 = arith.addi %mul3A_165, %mul3A_167 : i32
      %dma_start3A_169 = arith.constant 0 : i32
      %dma_start3A_170 = arith.constant 0 : i32
      %dma_start3A_171 = arith.constant 0 : i32
      %dma_start3A_172 = tpu.memref_slice %arg6[%dma_start3A_169, %dma_start3A_170, %dma_start3A_171] : memref<5x256x64xf32, #tpu.memory_space<vmem>> -> memref<1x256x64xf32, #tpu.memory_space<vmem>>
      %dma_start3A_173 = tpu.memref_squeeze %dma_start3A_172 : memref<1x256x64xf32, #tpu.memory_space<vmem>> -> memref<256x64xf32, #tpu.memory_space<vmem>>
      %dma_start3A_174 = arith.constant 0 : i32
      %dma_start3A_175 = tpu.memref_slice %arg4[%add3A_168, %dma_start3A_174] : memref<819200x64xf32, #tpu.memory_space<hbm>> -> memref<256x64xf32, #tpu.memory_space<hbm>>
      %dma_start3A_176 = arith.constant 0 : i32
      %dma_start3A_177 = tpu.memref_slice %arg4[%add3A_168, %dma_start3A_176] : memref<819200x64xf32, #tpu.memory_space<hbm>> -> memref<256x64xf32, #tpu.memory_space<hbm>>
      %dma_start3A_178 = arith.constant 0 : i32
      %dma_start3A_179 = arith.constant 0 : i32
      %dma_start3A_180 = tpu.memref_slice %arg6[%dma_start3A_169, %dma_start3A_178, %dma_start3A_179] : memref<5x256x64xf32, #tpu.memory_space<vmem>> -> memref<1x256x64xf32, #tpu.memory_space<vmem>>
      %dma_start3A_181 = tpu.memref_squeeze %dma_start3A_180 : memref<1x256x64xf32, #tpu.memory_space<vmem>> -> memref<256x64xf32, #tpu.memory_space<vmem>>
      tpu.enqueue_dma source(%dma_start3A_181 : memref<256x64xf32, #tpu.memory_space<vmem>>) target(%dma_start3A_177 : memref<256x64xf32, #tpu.memory_space<hbm>>) target_semaphore(%arg12 : memref<!tpu.dma_semaphore, #tpu.memory_space<semaphore_mem>>)
      %add3A_182 = arith.constant 2 : i32
      %add3A_183 = arith.addi %add3A_146, %add3A_182 : i32
      %gt3A = arith.constant 0 : i32
      %gt3A_184 = arith.cmpi sgt, %scan3A_141, %gt3A : i32
      %convert_element_type3A = arith.extui %gt3A_184 : i1 to i32
      %cond3A = arith.constant 0 : i32
      %cond3A_185 = arith.cmpi ne, %convert_element_type3A, %cond3A : i32
      scf.if %cond3A_185 {
        %dma_wait3A_470 = arith.constant 2 : i32
        %dma_wait3A_471 = arith.constant 0 : i32
        %dma_wait3A_472 = arith.constant 0 : i32
        %dma_wait3A_473 = tpu.memref_slice %arg6[%dma_wait3A_470, %dma_wait3A_471, %dma_wait3A_472] : memref<5x256x64xf32, #tpu.memory_space<vmem>> -> memref<1x256x64xf32, #tpu.memory_space<vmem>>
        %dma_wait3A_474 = tpu.memref_squeeze %dma_wait3A_473 : memref<1x256x64xf32, #tpu.memory_space<vmem>> -> memref<256x64xf32, #tpu.memory_space<vmem>>
        %dma_wait3A_475 = arith.constant 0 : i32
        %dma_wait3A_476 = arith.constant 0 : i32
        %dma_wait3A_477 = tpu.memref_slice %arg4[%dma_wait3A_475, %dma_wait3A_476] : memref<819200x64xf32, #tpu.memory_space<hbm>> -> memref<256x64xf32, #tpu.memory_space<hbm>>
        %dma_wait3A_478 = arith.constant 0 : i32
        %dma_wait3A_479 = arith.constant 0 : i32
        %dma_wait3A_480 = tpu.memref_slice %arg4[%dma_wait3A_478, %dma_wait3A_479] : memref<819200x64xf32, #tpu.memory_space<hbm>> -> memref<256x64xf32, #tpu.memory_space<hbm>>
        %dma_wait3A_481 = arith.constant 0 : i32
        %dma_wait3A_482 = arith.constant 0 : i32
        %dma_wait3A_483 = tpu.memref_slice %arg6[%dma_wait3A_470, %dma_wait3A_481, %dma_wait3A_482] : memref<5x256x64xf32, #tpu.memory_space<vmem>> -> memref<1x256x64xf32, #tpu.memory_space<vmem>>
        %dma_wait3A_484 = tpu.memref_squeeze %dma_wait3A_483 : memref<1x256x64xf32, #tpu.memory_space<vmem>> -> memref<256x64xf32, #tpu.memory_space<vmem>>
        tpu.wait_dma2 semaphore(%arg14 : memref<!tpu.dma_semaphore, #tpu.memory_space<semaphore_mem>>) src(%dma_wait3A_484 : memref<256x64xf32, #tpu.memory_space<vmem>>) dst(%dma_wait3A_480 : memref<256x64xf32, #tpu.memory_space<hbm>>)
      } else {
      }
      %mul3A_186 = arith.constant 200 : i32
      %mul3A_187 = arith.muli %add3A, %mul3A_186 : i32
      %mul3A_188 = arith.constant 2 : i32
      %mul3A_189 = arith.muli %add3A_183, %mul3A_188 : i32
      %add3A_190 = arith.addi %mul3A_187, %mul3A_189 : i32
      %run_scoped3A_191 = arith.constant 2 : i32
      "tpu.region"() ({
        %run_scoped3A_470 = tpu.sem_alloc : memref<!tpu.dma_semaphore, #tpu.memory_space<semaphore_mem>>
        %dma_start3A_471 = arith.constant 0 : i32
        %dma_start3A_472 = arith.constant 0 : i32
        %dma_start3A_473 = tpu.memref_slice %arg5[%run_scoped3A_191, %dma_start3A_471, %dma_start3A_472] : memref<5x2x128xi32, #tpu.memory_space<vmem>> -> memref<1x2x128xi32, #tpu.memory_space<vmem>>
        %dma_start3A_474 = tpu.memref_squeeze %dma_start3A_473 : memref<1x2x128xi32, #tpu.memory_space<vmem>> -> memref<2x128xi32, #tpu.memory_space<vmem>>
        %dma_start3A_475 = arith.constant 0 : i32
        %dma_start3A_476 = tpu.memref_slice %arg2[%add3A_190, %dma_start3A_475] : memref<6400x128xi32, #tpu.memory_space<hbm>> -> memref<2x128xi32, #tpu.memory_space<hbm>>
        %dma_start3A_477 = arith.constant 0 : i32
        %dma_start3A_478 = arith.constant 0 : i32
        %dma_start3A_479 = tpu.memref_slice %arg5[%run_scoped3A_191, %dma_start3A_477, %dma_start3A_478] : memref<5x2x128xi32, #tpu.memory_space<vmem>> -> memref<1x2x128xi32, #tpu.memory_space<vmem>>
        %dma_start3A_480 = tpu.memref_squeeze %dma_start3A_479 : memref<1x2x128xi32, #tpu.memory_space<vmem>> -> memref<2x128xi32, #tpu.memory_space<vmem>>
        %dma_start3A_481 = arith.constant 0 : i32
        %dma_start3A_482 = tpu.memref_slice %arg2[%add3A_190, %dma_start3A_481] : memref<6400x128xi32, #tpu.memory_space<hbm>> -> memref<2x128xi32, #tpu.memory_space<hbm>>
        tpu.enqueue_dma source(%dma_start3A_482 : memref<2x128xi32, #tpu.memory_space<hbm>>) target(%dma_start3A_480 : memref<2x128xi32, #tpu.memory_space<vmem>>) target_semaphore(%run_scoped3A_470 : memref<!tpu.dma_semaphore, #tpu.memory_space<semaphore_mem>>)
        %dma_wait3A_483 = arith.constant 0 : i32
        %dma_wait3A_484 = arith.constant 0 : i32
        %dma_wait3A_485 = tpu.memref_slice %arg5[%run_scoped3A_191, %dma_wait3A_483, %dma_wait3A_484] : memref<5x2x128xi32, #tpu.memory_space<vmem>> -> memref<1x2x128xi32, #tpu.memory_space<vmem>>
        %dma_wait3A_486 = tpu.memref_squeeze %dma_wait3A_485 : memref<1x2x128xi32, #tpu.memory_space<vmem>> -> memref<2x128xi32, #tpu.memory_space<vmem>>
        %dma_wait3A_487 = arith.constant 0 : i32
        %dma_wait3A_488 = tpu.memref_slice %arg2[%add3A_190, %dma_wait3A_487] : memref<6400x128xi32, #tpu.memory_space<hbm>> -> memref<2x128xi32, #tpu.memory_space<hbm>>
        %dma_wait3A_489 = arith.constant 0 : i32
        %dma_wait3A_490 = arith.constant 0 : i32
        %dma_wait3A_491 = tpu.memref_slice %arg5[%run_scoped3A_191, %dma_wait3A_489, %dma_wait3A_490] : memref<5x2x128xi32, #tpu.memory_space<vmem>> -> memref<1x2x128xi32, #tpu.memory_space<vmem>>
        %dma_wait3A_492 = tpu.memref_squeeze %dma_wait3A_491 : memref<1x2x128xi32, #tpu.memory_space<vmem>> -> memref<2x128xi32, #tpu.memory_space<vmem>>
        %dma_wait3A_493 = arith.constant 0 : i32
        %dma_wait3A_494 = tpu.memref_slice %arg2[%add3A_190, %dma_wait3A_493] : memref<6400x128xi32, #tpu.memory_space<hbm>> -> memref<2x128xi32, #tpu.memory_space<hbm>>
        tpu.wait_dma2 semaphore(%run_scoped3A_470 : memref<!tpu.dma_semaphore, #tpu.memory_space<semaphore_mem>>) src(%dma_wait3A_494 : memref<2x128xi32, #tpu.memory_space<hbm>>) dst(%dma_wait3A_492 : memref<2x128xi32, #tpu.memory_space<vmem>>)
        tpu.yield
      }) : () -> ()
      %dma_start3A_192 = arith.constant 2 : i32
      %dma_start3A_193 = arith.constant 0 : i32
      %dma_start3A_194 = arith.constant 2 : i32
      %dma_start3A_195 = arith.constant 0 : i32
      %dma_start3A_196 = arith.constant 0 : i32
      %dma_start3A_197 = tpu.memref_slice %arg6[%dma_start3A_194, %dma_start3A_195, %dma_start3A_196] : memref<5x256x64xf32, #tpu.memory_space<vmem>> -> memref<1x128x64xf32, #tpu.memory_space<vmem>>
      %dma_start3A_198 = tpu.memref_squeeze %dma_start3A_197 : memref<1x128x64xf32, #tpu.memory_space<vmem>> -> memref<128x64xf32, #tpu.memory_space<vmem>>
      %dma_start3A_199 = arith.constant 0 : i32
      %dma_start3A_200 = tpu.memref_slice %arg5[%dma_start3A_192, %dma_start3A_193, %dma_start3A_199] : memref<5x2x128xi32, #tpu.memory_space<vmem>> -> memref<1x1x128xi32, #tpu.memory_space<vmem>>
      %dma_start3A_201 = tpu.memref_squeeze %dma_start3A_200 : memref<1x1x128xi32, #tpu.memory_space<vmem>> -> memref<128xi32, #tpu.memory_space<vmem>>
      %dma_start3A_202 = arith.constant 0 : i32
      %dma_start3A_203 = arith.constant 0 : i32
      %dma_start3A_204 = tpu.memref_slice %arg3[%dma_start3A_202, %dma_start3A_203] : memref<1000000x64xf32, #tpu.memory_space<hbm>> -> memref<1000000x64xf32, #tpu.memory_space<hbm>>
      tpu.enqueue_indirect_dma source(%dma_start3A_204 : memref<1000000x64xf32, #tpu.memory_space<hbm>>) target(%dma_start3A_198 : memref<128x64xf32, #tpu.memory_space<vmem>>) offsets(%dma_start3A_201 : memref<128xi32, #tpu.memory_space<vmem>>) semaphore(%arg9 : memref<!tpu.dma_semaphore, #tpu.memory_space<semaphore_mem>>)
      %dma_start3A_205 = arith.constant 2 : i32
      %dma_start3A_206 = arith.constant 1 : i32
      %dma_start3A_207 = arith.constant 2 : i32
      %dma_start3A_208 = arith.constant 128 : i32
      %dma_start3A_209 = arith.constant 0 : i32
      %dma_start3A_210 = tpu.memref_slice %arg6[%dma_start3A_207, %dma_start3A_208, %dma_start3A_209] : memref<5x256x64xf32, #tpu.memory_space<vmem>> -> memref<1x128x64xf32, #tpu.memory_space<vmem>>
      %dma_start3A_211 = tpu.memref_squeeze %dma_start3A_210 : memref<1x128x64xf32, #tpu.memory_space<vmem>> -> memref<128x64xf32, #tpu.memory_space<vmem>>
      %dma_start3A_212 = arith.constant 0 : i32
      %dma_start3A_213 = tpu.memref_slice %arg5[%dma_start3A_205, %dma_start3A_206, %dma_start3A_212] : memref<5x2x128xi32, #tpu.memory_space<vmem>> -> memref<1x1x128xi32, #tpu.memory_space<vmem>>
      %dma_start3A_214 = tpu.memref_squeeze %dma_start3A_213 : memref<1x1x128xi32, #tpu.memory_space<vmem>> -> memref<128xi32, #tpu.memory_space<vmem>>
      %dma_start3A_215 = arith.constant 0 : i32
      %dma_start3A_216 = arith.constant 0 : i32
      %dma_start3A_217 = tpu.memref_slice %arg3[%dma_start3A_215, %dma_start3A_216] : memref<1000000x64xf32, #tpu.memory_space<hbm>> -> memref<1000000x64xf32, #tpu.memory_space<hbm>>
      tpu.enqueue_indirect_dma source(%dma_start3A_217 : memref<1000000x64xf32, #tpu.memory_space<hbm>>) target(%dma_start3A_211 : memref<128x64xf32, #tpu.memory_space<vmem>>) offsets(%dma_start3A_214 : memref<128xi32, #tpu.memory_space<vmem>>) semaphore(%arg9 : memref<!tpu.dma_semaphore, #tpu.memory_space<semaphore_mem>>)
      %mul3A_218 = arith.constant 5 : i32
      %mul3A_219 = arith.muli %mul3A_218, %scan3A_141 : i32
      %add3A_220 = arith.constant 1 : i32
      %add3A_221 = arith.addi %mul3A_219, %add3A_220 : i32
      %dma_wait3A_222 = arith.constant 1 : i32
      %dma_wait3A_223 = arith.constant 0 : i32
      %dma_wait3A_224 = arith.constant 0 : i32
      %dma_wait3A_225 = tpu.memref_slice %arg6[%dma_wait3A_222, %dma_wait3A_223, %dma_wait3A_224] : memref<5x256x64xf32, #tpu.memory_space<vmem>> -> memref<1x256x64xf32, #tpu.memory_space<vmem>>
      %dma_wait3A_226 = tpu.memref_squeeze %dma_wait3A_225 : memref<1x256x64xf32, #tpu.memory_space<vmem>> -> memref<256x64xf32, #tpu.memory_space<vmem>>
      %dma_wait3A_227 = arith.constant 0 : i32
      %dma_wait3A_228 = arith.constant 0 : i32
      %dma_wait3A_229 = tpu.memref_slice %arg4[%dma_wait3A_227, %dma_wait3A_228] : memref<819200x64xf32, #tpu.memory_space<hbm>> -> memref<256x64xf32, #tpu.memory_space<hbm>>
      %dma_wait3A_230 = arith.constant 0 : i32
      %dma_wait3A_231 = arith.constant 0 : i32
      %dma_wait3A_232 = tpu.memref_slice %arg6[%dma_wait3A_222, %dma_wait3A_230, %dma_wait3A_231] : memref<5x256x64xf32, #tpu.memory_space<vmem>> -> memref<1x256x64xf32, #tpu.memory_space<vmem>>
      %dma_wait3A_233 = tpu.memref_squeeze %dma_wait3A_232 : memref<1x256x64xf32, #tpu.memory_space<vmem>> -> memref<256x64xf32, #tpu.memory_space<vmem>>
      %dma_wait3A_234 = arith.constant 0 : i32
      %dma_wait3A_235 = arith.constant 0 : i32
      %dma_wait3A_236 = tpu.memref_slice %arg4[%dma_wait3A_234, %dma_wait3A_235] : memref<819200x64xf32, #tpu.memory_space<hbm>> -> memref<256x64xf32, #tpu.memory_space<hbm>>
      tpu.wait_dma2 semaphore(%arg8 : memref<!tpu.dma_semaphore, #tpu.memory_space<semaphore_mem>>) src(%dma_wait3A_236 : memref<256x64xf32, #tpu.memory_space<hbm>>) dst(%dma_wait3A_233 : memref<256x64xf32, #tpu.memory_space<vmem>>)
      %parallel_loop3A_237 = arith.constant 0 : i32
      %parallel_loop3A_238 = arith.constant 256 : i32
      %parallel_loop3A_239 = arith.constant 1 : i32
      scf.for %parallel_loop3A_470 = %parallel_loop3A_237 to %parallel_loop3A_238 step %parallel_loop3A_239  : i32 {
        %parallel_loop3A_471 = arith.constant 1 : i32
        %parallel_loop3A_472 = arith.index_cast %parallel_loop3A_471 : i32 to index
        %parallel_loop3A_473 = arith.index_cast %parallel_loop3A_470 : i32 to index
        %parallel_loop3A_474 = arith.constant 0 : index
        %parallel_loop3A_475 = tpu.vector_load %arg6[%parallel_loop3A_472, %parallel_loop3A_473, %parallel_loop3A_474] {strides = array<i32>} : memref<5x256x64xf32, #tpu.memory_space<vmem>>, vector<1x1x16xf32>,
        %parallel_loop3A_476 = vector.shape_cast %parallel_loop3A_475 : vector<1x1x16xf32> to vector<16xf32>
        %parallel_loop3A_477 = arith.constant 1 : i32
        %parallel_loop3A_478 = arith.index_cast %parallel_loop3A_477 : i32 to index
        %parallel_loop3A_479 = arith.index_cast %parallel_loop3A_470 : i32 to index
        %parallel_loop3A_480 = arith.constant 16 : index
        %parallel_loop3A_481 = tpu.vector_load %arg6[%parallel_loop3A_478, %parallel_loop3A_479, %parallel_loop3A_480] {strides = array<i32>} : memref<5x256x64xf32, #tpu.memory_space<vmem>>, vector<1x1x16xf32>,
        %parallel_loop3A_482 = vector.shape_cast %parallel_loop3A_481 : vector<1x1x16xf32> to vector<16xf32>
        %parallel_loop3A_483 = arith.constant 1 : i32
        %parallel_loop3A_484 = arith.index_cast %parallel_loop3A_483 : i32 to index
        %parallel_loop3A_485 = arith.index_cast %parallel_loop3A_470 : i32 to index
        %parallel_loop3A_486 = arith.constant 32 : index
        %parallel_loop3A_487 = tpu.vector_load %arg6[%parallel_loop3A_484, %parallel_loop3A_485, %parallel_loop3A_486] {strides = array<i32>} : memref<5x256x64xf32, #tpu.memory_space<vmem>>, vector<1x1x16xf32>,
        %parallel_loop3A_488 = vector.shape_cast %parallel_loop3A_487 : vector<1x1x16xf32> to vector<16xf32>
        %parallel_loop3A_489 = arith.constant 1 : i32
        %parallel_loop3A_490 = arith.index_cast %parallel_loop3A_489 : i32 to index
        %parallel_loop3A_491 = arith.index_cast %parallel_loop3A_470 : i32 to index
        %parallel_loop3A_492 = arith.constant 48 : index
        %parallel_loop3A_493 = tpu.vector_load %arg6[%parallel_loop3A_490, %parallel_loop3A_491, %parallel_loop3A_492] {strides = array<i32>} : memref<5x256x64xf32, #tpu.memory_space<vmem>>, vector<1x1x16xf32>,
        %parallel_loop3A_494 = vector.shape_cast %parallel_loop3A_493 : vector<1x1x16xf32> to vector<16xf32>
        %parallel_loop3A_495 = arith.mulf %parallel_loop3A_476, %parallel_loop3A_476 : vector<16xf32>
        %parallel_loop3A_496 = arith.mulf %parallel_loop3A_482, %parallel_loop3A_482 : vector<16xf32>
        %parallel_loop3A_497 = arith.addf %parallel_loop3A_495, %parallel_loop3A_496 : vector<16xf32>
        %parallel_loop3A_498 = arith.mulf %parallel_loop3A_488, %parallel_loop3A_488 : vector<16xf32>
        %parallel_loop3A_499 = arith.addf %parallel_loop3A_497, %parallel_loop3A_498 : vector<16xf32>
        %parallel_loop3A_500 = arith.mulf %parallel_loop3A_494, %parallel_loop3A_494 : vector<16xf32>
        %parallel_loop3A_501 = arith.addf %parallel_loop3A_499, %parallel_loop3A_500 : vector<16xf32>
        %parallel_loop3A_502 = arith.constant 8 : i32
        %parallel_loop3A_503 = vector.broadcast %parallel_loop3A_502 : i32 to vector<16xi32>
        %parallel_loop3A_504 = arith.xori %iota3A, %parallel_loop3A_503 : vector<16xi32>
        %parallel_loop3A_505 = arith.constant 0 : i32
        %parallel_loop3A_506 = vector.broadcast %parallel_loop3A_505 : i32 to vector<16xi32>
        %parallel_loop3A_507 = arith.cmpi slt, %parallel_loop3A_504, %parallel_loop3A_506 : vector<16xi32>
        %parallel_loop3A_508 = arith.constant 16 : i32
        %parallel_loop3A_509 = vector.broadcast %parallel_loop3A_508 : i32 to vector<16xi32>
        %parallel_loop3A_510 = arith.addi %parallel_loop3A_504, %parallel_loop3A_509 : vector<16xi32>
        %parallel_loop3A_511 = arith.select %parallel_loop3A_507, %parallel_loop3A_510, %parallel_loop3A_504 : vector<16xi1>, vector<16xi32>
        %parallel_loop3A_512 = vector.shape_cast %parallel_loop3A_511 : vector<16xi32> to vector<16x1xi32>
        %parallel_loop3A_513 = vector.shape_cast %parallel_loop3A_512 : vector<16x1xi32> to vector<16xi32>
        %parallel_loop3A_514 = tpu.dynamic_gather %parallel_loop3A_501[%parallel_loop3A_513] in [0] : vector<16xf32>, vector<16xi32> -> vector<16xf32>
        %parallel_loop3A_515 = arith.addf %parallel_loop3A_501, %parallel_loop3A_514 : vector<16xf32>
        %parallel_loop3A_516 = arith.constant 4 : i32
        %parallel_loop3A_517 = vector.broadcast %parallel_loop3A_516 : i32 to vector<16xi32>
        %parallel_loop3A_518 = arith.xori %iota3A, %parallel_loop3A_517 : vector<16xi32>
        %parallel_loop3A_519 = arith.constant 0 : i32
        %parallel_loop3A_520 = vector.broadcast %parallel_loop3A_519 : i32 to vector<16xi32>
        %parallel_loop3A_521 = arith.cmpi slt, %parallel_loop3A_518, %parallel_loop3A_520 : vector<16xi32>
        %parallel_loop3A_522 = arith.constant 16 : i32
        %parallel_loop3A_523 = vector.broadcast %parallel_loop3A_522 : i32 to vector<16xi32>
        %parallel_loop3A_524 = arith.addi %parallel_loop3A_518, %parallel_loop3A_523 : vector<16xi32>
        %parallel_loop3A_525 = arith.select %parallel_loop3A_521, %parallel_loop3A_524, %parallel_loop3A_518 : vector<16xi1>, vector<16xi32>
        %parallel_loop3A_526 = vector.shape_cast %parallel_loop3A_525 : vector<16xi32> to vector<16x1xi32>
        %parallel_loop3A_527 = vector.shape_cast %parallel_loop3A_526 : vector<16x1xi32> to vector<16xi32>
        %parallel_loop3A_528 = tpu.dynamic_gather %parallel_loop3A_515[%parallel_loop3A_527] in [0] : vector<16xf32>, vector<16xi32> -> vector<16xf32>
        %parallel_loop3A_529 = arith.addf %parallel_loop3A_515, %parallel_loop3A_528 : vector<16xf32>
        %parallel_loop3A_530 = arith.constant 2 : i32
        %parallel_loop3A_531 = vector.broadcast %parallel_loop3A_530 : i32 to vector<16xi32>
        %parallel_loop3A_532 = arith.xori %iota3A, %parallel_loop3A_531 : vector<16xi32>
        %parallel_loop3A_533 = arith.constant 0 : i32
        %parallel_loop3A_534 = vector.broadcast %parallel_loop3A_533 : i32 to vector<16xi32>
        %parallel_loop3A_535 = arith.cmpi slt, %parallel_loop3A_532, %parallel_loop3A_534 : vector<16xi32>
        %parallel_loop3A_536 = arith.constant 16 : i32
        %parallel_loop3A_537 = vector.broadcast %parallel_loop3A_536 : i32 to vector<16xi32>
        %parallel_loop3A_538 = arith.addi %parallel_loop3A_532, %parallel_loop3A_537 : vector<16xi32>
        %parallel_loop3A_539 = arith.select %parallel_loop3A_535, %parallel_loop3A_538, %parallel_loop3A_532 : vector<16xi1>, vector<16xi32>
        %parallel_loop3A_540 = vector.shape_cast %parallel_loop3A_539 : vector<16xi32> to vector<16x1xi32>
        %parallel_loop3A_541 = vector.shape_cast %parallel_loop3A_540 : vector<16x1xi32> to vector<16xi32>
        %parallel_loop3A_542 = tpu.dynamic_gather %parallel_loop3A_529[%parallel_loop3A_541] in [0] : vector<16xf32>, vector<16xi32> -> vector<16xf32>
        %parallel_loop3A_543 = arith.addf %parallel_loop3A_529, %parallel_loop3A_542 : vector<16xf32>
        %parallel_loop3A_544 = arith.constant 1 : i32
        %parallel_loop3A_545 = vector.broadcast %parallel_loop3A_544 : i32 to vector<16xi32>
        %parallel_loop3A_546 = arith.xori %iota3A, %parallel_loop3A_545 : vector<16xi32>
        %parallel_loop3A_547 = arith.constant 0 : i32
        %parallel_loop3A_548 = vector.broadcast %parallel_loop3A_547 : i32 to vector<16xi32>
        %parallel_loop3A_549 = arith.cmpi slt, %parallel_loop3A_546, %parallel_loop3A_548 : vector<16xi32>
        %parallel_loop3A_550 = arith.constant 16 : i32
        %parallel_loop3A_551 = vector.broadcast %parallel_loop3A_550 : i32 to vector<16xi32>
        %parallel_loop3A_552 = arith.addi %parallel_loop3A_546, %parallel_loop3A_551 : vector<16xi32>
        %parallel_loop3A_553 = arith.select %parallel_loop3A_549, %parallel_loop3A_552, %parallel_loop3A_546 : vector<16xi1>, vector<16xi32>
        %parallel_loop3A_554 = vector.shape_cast %parallel_loop3A_553 : vector<16xi32> to vector<16x1xi32>
        %parallel_loop3A_555 = vector.shape_cast %parallel_loop3A_554 : vector<16x1xi32> to vector<16xi32>
        %parallel_loop3A_556 = tpu.dynamic_gather %parallel_loop3A_543[%parallel_loop3A_555] in [0] : vector<16xf32>, vector<16xi32> -> vector<16xf32>
        %parallel_loop3A_557 = arith.addf %parallel_loop3A_543, %parallel_loop3A_556 : vector<16xf32>
        %parallel_loop3A_558 = arith.constant 1.000000e-24 : f32
        %parallel_loop3A_559 = vector.broadcast %parallel_loop3A_558 : f32 to vector<16xf32>
        %parallel_loop3A_560 = arith.maximumf %parallel_loop3A_557, %parallel_loop3A_559 : vector<16xf32>
        %parallel_loop3A_561 = tpu.bitcast %parallel_loop3A_560 : vector<16xf32> -> vector<16xi32>
        %parallel_loop3A_562 = arith.constant 1 : i32
        %parallel_loop3A_563 = vector.broadcast %parallel_loop3A_562 : i32 to vector<16xi32>
        %parallel_loop3A_564 = arith.shrsi %parallel_loop3A_561, %parallel_loop3A_563 : vector<16xi32>
        %parallel_loop3A_565 = arith.constant 1597463007 : i32
        %parallel_loop3A_566 = vector.broadcast %parallel_loop3A_565 : i32 to vector<16xi32>
        %parallel_loop3A_567 = arith.subi %parallel_loop3A_566, %parallel_loop3A_564 : vector<16xi32>
        %parallel_loop3A_568 = tpu.bitcast %parallel_loop3A_567 : vector<16xi32> -> vector<16xf32>
        %parallel_loop3A_569 = arith.constant 5.000000e-01 : f32
        %parallel_loop3A_570 = vector.broadcast %parallel_loop3A_569 : f32 to vector<16xf32>
        %parallel_loop3A_571 = arith.mulf %parallel_loop3A_570, %parallel_loop3A_560 : vector<16xf32>
        %parallel_loop3A_572 = arith.mulf %parallel_loop3A_571, %parallel_loop3A_568 : vector<16xf32>
        %parallel_loop3A_573 = arith.mulf %parallel_loop3A_572, %parallel_loop3A_568 : vector<16xf32>
        %parallel_loop3A_574 = arith.constant 1.500000e+00 : f32
        %parallel_loop3A_575 = vector.broadcast %parallel_loop3A_574 : f32 to vector<16xf32>
        %parallel_loop3A_576 = arith.subf %parallel_loop3A_575, %parallel_loop3A_573 : vector<16xf32>
        %parallel_loop3A_577 = arith.mulf %parallel_loop3A_568, %parallel_loop3A_576 : vector<16xf32>
        %parallel_loop3A_578 = arith.constant 5.000000e-01 : f32
        %parallel_loop3A_579 = vector.broadcast %parallel_loop3A_578 : f32 to vector<16xf32>
        %parallel_loop3A_580 = arith.mulf %parallel_loop3A_579, %parallel_loop3A_560 : vector<16xf32>
        %parallel_loop3A_581 = arith.mulf %parallel_loop3A_580, %parallel_loop3A_577 : vector<16xf32>
        %parallel_loop3A_582 = arith.mulf %parallel_loop3A_581, %parallel_loop3A_577 : vector<16xf32>
        %parallel_loop3A_583 = arith.constant 1.500000e+00 : f32
        %parallel_loop3A_584 = vector.broadcast %parallel_loop3A_583 : f32 to vector<16xf32>
        %parallel_loop3A_585 = arith.subf %parallel_loop3A_584, %parallel_loop3A_582 : vector<16xf32>
        %parallel_loop3A_586 = arith.mulf %parallel_loop3A_577, %parallel_loop3A_585 : vector<16xf32>
        %parallel_loop3A_587 = arith.mulf %parallel_loop3A_476, %parallel_loop3A_586 : vector<16xf32>
        %parallel_loop3A_588 = arith.constant 1 : i32
        %parallel_loop3A_589 = arith.index_cast %parallel_loop3A_588 : i32 to index
        %parallel_loop3A_590 = arith.index_cast %parallel_loop3A_470 : i32 to index
        %parallel_loop3A_591 = arith.constant 0 : index
        %parallel_loop3A_592 = tpu.vector_load %arg6[%parallel_loop3A_589, %parallel_loop3A_590, %parallel_loop3A_591] {strides = array<i32>} : memref<5x256x64xf32, #tpu.memory_space<vmem>>, vector<1x1x16xf32>,
        %parallel_loop3A_593 = vector.shape_cast %parallel_loop3A_592 : vector<1x1x16xf32> to vector<16xf32>
        %parallel_loop3A_594 = vector.shape_cast %parallel_loop3A_587 : vector<16xf32> to vector<1x1x16xf32>
        tpu.vector_store %arg6[%parallel_loop3A_589, %parallel_loop3A_590, %parallel_loop3A_591], %parallel_loop3A_594 {strides = array<i32>} : memref<5x256x64xf32, #tpu.memory_space<vmem>>, vector<1x1x16xf32>,
        %parallel_loop3A_595 = arith.mulf %parallel_loop3A_482, %parallel_loop3A_586 : vector<16xf32>
        %parallel_loop3A_596 = arith.constant 1 : i32
        %parallel_loop3A_597 = arith.index_cast %parallel_loop3A_596 : i32 to index
        %parallel_loop3A_598 = arith.index_cast %parallel_loop3A_470 : i32 to index
        %parallel_loop3A_599 = arith.constant 16 : index
        %parallel_loop3A_600 = tpu.vector_load %arg6[%parallel_loop3A_597, %parallel_loop3A_598, %parallel_loop3A_599] {strides = array<i32>} : memref<5x256x64xf32, #tpu.memory_space<vmem>>, vector<1x1x16xf32>,
        %parallel_loop3A_601 = vector.shape_cast %parallel_loop3A_600 : vector<1x1x16xf32> to vector<16xf32>
        %parallel_loop3A_602 = vector.shape_cast %parallel_loop3A_595 : vector<16xf32> to vector<1x1x16xf32>
        tpu.vector_store %arg6[%parallel_loop3A_597, %parallel_loop3A_598, %parallel_loop3A_599], %parallel_loop3A_602 {strides = array<i32>} : memref<5x256x64xf32, #tpu.memory_space<vmem>>, vector<1x1x16xf32>,
        %parallel_loop3A_603 = arith.mulf %parallel_loop3A_488, %parallel_loop3A_586 : vector<16xf32>
        %parallel_loop3A_604 = arith.constant 1 : i32
        %parallel_loop3A_605 = arith.index_cast %parallel_loop3A_604 : i32 to index
        %parallel_loop3A_606 = arith.index_cast %parallel_loop3A_470 : i32 to index
        %parallel_loop3A_607 = arith.constant 32 : index
        %parallel_loop3A_608 = tpu.vector_load %arg6[%parallel_loop3A_605, %parallel_loop3A_606, %parallel_loop3A_607] {strides = array<i32>} : memref<5x256x64xf32, #tpu.memory_space<vmem>>, vector<1x1x16xf32>,
        %parallel_loop3A_609 = vector.shape_cast %parallel_loop3A_608 : vector<1x1x16xf32> to vector<16xf32>
        %parallel_loop3A_610 = vector.shape_cast %parallel_loop3A_603 : vector<16xf32> to vector<1x1x16xf32>
        tpu.vector_store %arg6[%parallel_loop3A_605, %parallel_loop3A_606, %parallel_loop3A_607], %parallel_loop3A_610 {strides = array<i32>} : memref<5x256x64xf32, #tpu.memory_space<vmem>>, vector<1x1x16xf32>,
        %parallel_loop3A_611 = arith.mulf %parallel_loop3A_494, %parallel_loop3A_586 : vector<16xf32>
        %parallel_loop3A_612 = arith.constant 1 : i32
        %parallel_loop3A_613 = arith.index_cast %parallel_loop3A_612 : i32 to index
        %parallel_loop3A_614 = arith.index_cast %parallel_loop3A_470 : i32 to index
        %parallel_loop3A_615 = arith.constant 48 : index
        %parallel_loop3A_616 = tpu.vector_load %arg6[%parallel_loop3A_613, %parallel_loop3A_614, %parallel_loop3A_615] {strides = array<i32>} : memref<5x256x64xf32, #tpu.memory_space<vmem>>, vector<1x1x16xf32>,
        %parallel_loop3A_617 = vector.shape_cast %parallel_loop3A_616 : vector<1x1x16xf32> to vector<16xf32>
        %parallel_loop3A_618 = vector.shape_cast %parallel_loop3A_611 : vector<16xf32> to vector<1x1x16xf32>
        tpu.vector_store %arg6[%parallel_loop3A_613, %parallel_loop3A_614, %parallel_loop3A_615], %parallel_loop3A_618 {strides = array<i32>} : memref<5x256x64xf32, #tpu.memory_space<vmem>>, vector<1x1x16xf32>,
      } {sc.loop_unroll_factor = 8 : i64, sc.parallel_access}
      %mul3A_240 = arith.constant 25600 : i32
      %mul3A_241 = arith.muli %add3A, %mul3A_240 : i32
      %mul3A_242 = arith.constant 256 : i32
      %mul3A_243 = arith.muli %add3A_221, %mul3A_242 : i32
      %add3A_244 = arith.addi %mul3A_241, %mul3A_243 : i32
      %dma_start3A_245 = arith.constant 1 : i32
      %dma_start3A_246 = arith.constant 0 : i32
      %dma_start3A_247 = arith.constant 0 : i32
      %dma_start3A_248 = tpu.memref_slice %arg6[%dma_start3A_245, %dma_start3A_246, %dma_start3A_247] : memref<5x256x64xf32, #tpu.memory_space<vmem>> -> memref<1x256x64xf32, #tpu.memory_space<vmem>>
      %dma_start3A_249 = tpu.memref_squeeze %dma_start3A_248 : memref<1x256x64xf32, #tpu.memory_space<vmem>> -> memref<256x64xf32, #tpu.memory_space<vmem>>
      %dma_start3A_250 = arith.constant 0 : i32
      %dma_start3A_251 = tpu.memref_slice %arg4[%add3A_244, %dma_start3A_250] : memref<819200x64xf32, #tpu.memory_space<hbm>> -> memref<256x64xf32, #tpu.memory_space<hbm>>
      %dma_start3A_252 = arith.constant 0 : i32
      %dma_start3A_253 = tpu.memref_slice %arg4[%add3A_244, %dma_start3A_252] : memref<819200x64xf32, #tpu.memory_space<hbm>> -> memref<256x64xf32, #tpu.memory_space<hbm>>
      %dma_start3A_254 = arith.constant 0 : i32
      %dma_start3A_255 = arith.constant 0 : i32
      %dma_start3A_256 = tpu.memref_slice %arg6[%dma_start3A_245, %dma_start3A_254, %dma_start3A_255] : memref<5x256x64xf32, #tpu.memory_space<vmem>> -> memref<1x256x64xf32, #tpu.memory_space<vmem>>
      %dma_start3A_257 = tpu.memref_squeeze %dma_start3A_256 : memref<1x256x64xf32, #tpu.memory_space<vmem>> -> memref<256x64xf32, #tpu.memory_space<vmem>>
      tpu.enqueue_dma source(%dma_start3A_257 : memref<256x64xf32, #tpu.memory_space<vmem>>) target(%dma_start3A_253 : memref<256x64xf32, #tpu.memory_space<hbm>>) target_semaphore(%arg13 : memref<!tpu.dma_semaphore, #tpu.memory_space<semaphore_mem>>)
      %add3A_258 = arith.constant 2 : i32
      %add3A_259 = arith.addi %add3A_221, %add3A_258 : i32
      %gt3A_260 = arith.constant 0 : i32
      %gt3A_261 = arith.cmpi sgt, %scan3A_141, %gt3A_260 : i32
      %convert_element_type3A_262 = arith.extui %gt3A_261 : i1 to i32
      %cond3A_263 = arith.constant 0 : i32
      %cond3A_264 = arith.cmpi ne, %convert_element_type3A_262, %cond3A_263 : i32
      scf.if %cond3A_264 {
        %dma_wait3A_470 = arith.constant 3 : i32
        %dma_wait3A_471 = arith.constant 0 : i32
        %dma_wait3A_472 = arith.constant 0 : i32
        %dma_wait3A_473 = tpu.memref_slice %arg6[%dma_wait3A_470, %dma_wait3A_471, %dma_wait3A_472] : memref<5x256x64xf32, #tpu.memory_space<vmem>> -> memref<1x256x64xf32, #tpu.memory_space<vmem>>
        %dma_wait3A_474 = tpu.memref_squeeze %dma_wait3A_473 : memref<1x256x64xf32, #tpu.memory_space<vmem>> -> memref<256x64xf32, #tpu.memory_space<vmem>>
        %dma_wait3A_475 = arith.constant 0 : i32
        %dma_wait3A_476 = arith.constant 0 : i32
        %dma_wait3A_477 = tpu.memref_slice %arg4[%dma_wait3A_475, %dma_wait3A_476] : memref<819200x64xf32, #tpu.memory_space<hbm>> -> memref<256x64xf32, #tpu.memory_space<hbm>>
        %dma_wait3A_478 = arith.constant 0 : i32
        %dma_wait3A_479 = arith.constant 0 : i32
        %dma_wait3A_480 = tpu.memref_slice %arg4[%dma_wait3A_478, %dma_wait3A_479] : memref<819200x64xf32, #tpu.memory_space<hbm>> -> memref<256x64xf32, #tpu.memory_space<hbm>>
        %dma_wait3A_481 = arith.constant 0 : i32
        %dma_wait3A_482 = arith.constant 0 : i32
        %dma_wait3A_483 = tpu.memref_slice %arg6[%dma_wait3A_470, %dma_wait3A_481, %dma_wait3A_482] : memref<5x256x64xf32, #tpu.memory_space<vmem>> -> memref<1x256x64xf32, #tpu.memory_space<vmem>>
        %dma_wait3A_484 = tpu.memref_squeeze %dma_wait3A_483 : memref<1x256x64xf32, #tpu.memory_space<vmem>> -> memref<256x64xf32, #tpu.memory_space<vmem>>
        tpu.wait_dma2 semaphore(%arg15 : memref<!tpu.dma_semaphore, #tpu.memory_space<semaphore_mem>>) src(%dma_wait3A_484 : memref<256x64xf32, #tpu.memory_space<vmem>>) dst(%dma_wait3A_480 : memref<256x64xf32, #tpu.memory_space<hbm>>)
      } else {
      }
      %mul3A_265 = arith.constant 200 : i32
      %mul3A_266 = arith.muli %add3A, %mul3A_265 : i32
      %mul3A_267 = arith.constant 2 : i32
      %mul3A_268 = arith.muli %add3A_259, %mul3A_267 : i32
      %add3A_269 = arith.addi %mul3A_266, %mul3A_268 : i32
      %run_scoped3A_270 = arith.constant 3 : i32
      "tpu.region"() ({
        %run_scoped3A_470 = tpu.sem_alloc : memref<!tpu.dma_semaphore, #tpu.memory_space<semaphore_mem>>
        %dma_start3A_471 = arith.constant 0 : i32
        %dma_start3A_472 = arith.constant 0 : i32
        %dma_start3A_473 = tpu.memref_slice %arg5[%run_scoped3A_270, %dma_start3A_471, %dma_start3A_472] : memref<5x2x128xi32, #tpu.memory_space<vmem>> -> memref<1x2x128xi32, #tpu.memory_space<vmem>>
        %dma_start3A_474 = tpu.memref_squeeze %dma_start3A_473 : memref<1x2x128xi32, #tpu.memory_space<vmem>> -> memref<2x128xi32, #tpu.memory_space<vmem>>
        %dma_start3A_475 = arith.constant 0 : i32
        %dma_start3A_476 = tpu.memref_slice %arg2[%add3A_269, %dma_start3A_475] : memref<6400x128xi32, #tpu.memory_space<hbm>> -> memref<2x128xi32, #tpu.memory_space<hbm>>
        %dma_start3A_477 = arith.constant 0 : i32
        %dma_start3A_478 = arith.constant 0 : i32
        %dma_start3A_479 = tpu.memref_slice %arg5[%run_scoped3A_270, %dma_start3A_477, %dma_start3A_478] : memref<5x2x128xi32, #tpu.memory_space<vmem>> -> memref<1x2x128xi32, #tpu.memory_space<vmem>>
        %dma_start3A_480 = tpu.memref_squeeze %dma_start3A_479 : memref<1x2x128xi32, #tpu.memory_space<vmem>> -> memref<2x128xi32, #tpu.memory_space<vmem>>
        %dma_start3A_481 = arith.constant 0 : i32
        %dma_start3A_482 = tpu.memref_slice %arg2[%add3A_269, %dma_start3A_481] : memref<6400x128xi32, #tpu.memory_space<hbm>> -> memref<2x128xi32, #tpu.memory_space<hbm>>
        tpu.enqueue_dma source(%dma_start3A_482 : memref<2x128xi32, #tpu.memory_space<hbm>>) target(%dma_start3A_480 : memref<2x128xi32, #tpu.memory_space<vmem>>) target_semaphore(%run_scoped3A_470 : memref<!tpu.dma_semaphore, #tpu.memory_space<semaphore_mem>>)
        %dma_wait3A_483 = arith.constant 0 : i32
        %dma_wait3A_484 = arith.constant 0 : i32
        %dma_wait3A_485 = tpu.memref_slice %arg5[%run_scoped3A_270, %dma_wait3A_483, %dma_wait3A_484] : memref<5x2x128xi32, #tpu.memory_space<vmem>> -> memref<1x2x128xi32, #tpu.memory_space<vmem>>
        %dma_wait3A_486 = tpu.memref_squeeze %dma_wait3A_485 : memref<1x2x128xi32, #tpu.memory_space<vmem>> -> memref<2x128xi32, #tpu.memory_space<vmem>>
        %dma_wait3A_487 = arith.constant 0 : i32
        %dma_wait3A_488 = tpu.memref_slice %arg2[%add3A_269, %dma_wait3A_487] : memref<6400x128xi32, #tpu.memory_space<hbm>> -> memref<2x128xi32, #tpu.memory_space<hbm>>
        %dma_wait3A_489 = arith.constant 0 : i32
        %dma_wait3A_490 = arith.constant 0 : i32
        %dma_wait3A_491 = tpu.memref_slice %arg5[%run_scoped3A_270, %dma_wait3A_489, %dma_wait3A_490] : memref<5x2x128xi32, #tpu.memory_space<vmem>> -> memref<1x2x128xi32, #tpu.memory_space<vmem>>
        %dma_wait3A_492 = tpu.memref_squeeze %dma_wait3A_491 : memref<1x2x128xi32, #tpu.memory_space<vmem>> -> memref<2x128xi32, #tpu.memory_space<vmem>>
        %dma_wait3A_493 = arith.constant 0 : i32
        %dma_wait3A_494 = tpu.memref_slice %arg2[%add3A_269, %dma_wait3A_493] : memref<6400x128xi32, #tpu.memory_space<hbm>> -> memref<2x128xi32, #tpu.memory_space<hbm>>
        tpu.wait_dma2 semaphore(%run_scoped3A_470 : memref<!tpu.dma_semaphore, #tpu.memory_space<semaphore_mem>>) src(%dma_wait3A_494 : memref<2x128xi32, #tpu.memory_space<hbm>>) dst(%dma_wait3A_492 : memref<2x128xi32, #tpu.memory_space<vmem>>)
        tpu.yield
      }) : () -> ()
      %dma_start3A_271 = arith.constant 3 : i32
      %dma_start3A_272 = arith.constant 0 : i32
      %dma_start3A_273 = arith.constant 3 : i32
      %dma_start3A_274 = arith.constant 0 : i32
      %dma_start3A_275 = arith.constant 0 : i32
      %dma_start3A_276 = tpu.memref_slice %arg6[%dma_start3A_273, %dma_start3A_274, %dma_start3A_275] : memref<5x256x64xf32, #tpu.memory_space<vmem>> -> memref<1x128x64xf32, #tpu.memory_space<vmem>>
      %dma_start3A_277 = tpu.memref_squeeze %dma_start3A_276 : memref<1x128x64xf32, #tpu.memory_space<vmem>> -> memref<128x64xf32, #tpu.memory_space<vmem>>
      %dma_start3A_278 = arith.constant 0 : i32
      %dma_start3A_279 = tpu.memref_slice %arg5[%dma_start3A_271, %dma_start3A_272, %dma_start3A_278] : memref<5x2x128xi32, #tpu.memory_space<vmem>> -> memref<1x1x128xi32, #tpu.memory_space<vmem>>
      %dma_start3A_280 = tpu.memref_squeeze %dma_start3A_279 : memref<1x1x128xi32, #tpu.memory_space<vmem>> -> memref<128xi32, #tpu.memory_space<vmem>>
      %dma_start3A_281 = arith.constant 0 : i32
      %dma_start3A_282 = arith.constant 0 : i32
      %dma_start3A_283 = tpu.memref_slice %arg3[%dma_start3A_281, %dma_start3A_282] : memref<1000000x64xf32, #tpu.memory_space<hbm>> -> memref<1000000x64xf32, #tpu.memory_space<hbm>>
      tpu.enqueue_indirect_dma source(%dma_start3A_283 : memref<1000000x64xf32, #tpu.memory_space<hbm>>) target(%dma_start3A_277 : memref<128x64xf32, #tpu.memory_space<vmem>>) offsets(%dma_start3A_280 : memref<128xi32, #tpu.memory_space<vmem>>) semaphore(%arg10 : memref<!tpu.dma_semaphore, #tpu.memory_space<semaphore_mem>>)
      %dma_start3A_284 = arith.constant 3 : i32
      %dma_start3A_285 = arith.constant 1 : i32
      %dma_start3A_286 = arith.constant 3 : i32
      %dma_start3A_287 = arith.constant 128 : i32
      %dma_start3A_288 = arith.constant 0 : i32
      %dma_start3A_289 = tpu.memref_slice %arg6[%dma_start3A_286, %dma_start3A_287, %dma_start3A_288] : memref<5x256x64xf32, #tpu.memory_space<vmem>> -> memref<1x128x64xf32, #tpu.memory_space<vmem>>
      %dma_start3A_290 = tpu.memref_squeeze %dma_start3A_289 : memref<1x128x64xf32, #tpu.memory_space<vmem>> -> memref<128x64xf32, #tpu.memory_space<vmem>>
      %dma_start3A_291 = arith.constant 0 : i32
      %dma_start3A_292 = tpu.memref_slice %arg5[%dma_start3A_284, %dma_start3A_285, %dma_start3A_291] : memref<5x2x128xi32, #tpu.memory_space<vmem>> -> memref<1x1x128xi32, #tpu.memory_space<vmem>>
      %dma_start3A_293 = tpu.memref_squeeze %dma_start3A_292 : memref<1x1x128xi32, #tpu.memory_space<vmem>> -> memref<128xi32, #tpu.memory_space<vmem>>
      %dma_start3A_294 = arith.constant 0 : i32
      %dma_start3A_295 = arith.constant 0 : i32
      %dma_start3A_296 = tpu.memref_slice %arg3[%dma_start3A_294, %dma_start3A_295] : memref<1000000x64xf32, #tpu.memory_space<hbm>> -> memref<1000000x64xf32, #tpu.memory_space<hbm>>
      tpu.enqueue_indirect_dma source(%dma_start3A_296 : memref<1000000x64xf32, #tpu.memory_space<hbm>>) target(%dma_start3A_290 : memref<128x64xf32, #tpu.memory_space<vmem>>) offsets(%dma_start3A_293 : memref<128xi32, #tpu.memory_space<vmem>>) semaphore(%arg10 : memref<!tpu.dma_semaphore, #tpu.memory_space<semaphore_mem>>)
      %mul3A_297 = arith.constant 5 : i32
      %mul3A_298 = arith.muli %mul3A_297, %scan3A_141 : i32
      %add3A_299 = arith.constant 2 : i32
      %add3A_300 = arith.addi %mul3A_298, %add3A_299 : i32
      %dma_wait3A_301 = arith.constant 2 : i32
      %dma_wait3A_302 = arith.constant 0 : i32
      %dma_wait3A_303 = arith.constant 0 : i32
      %dma_wait3A_304 = tpu.memref_slice %arg6[%dma_wait3A_301, %dma_wait3A_302, %dma_wait3A_303] : memref<5x256x64xf32, #tpu.memory_space<vmem>> -> memref<1x256x64xf32, #tpu.memory_space<vmem>>
      %dma_wait3A_305 = tpu.memref_squeeze %dma_wait3A_304 : memref<1x256x64xf32, #tpu.memory_space<vmem>> -> memref<256x64xf32, #tpu.memory_space<vmem>>
      %dma_wait3A_306 = arith.constant 0 : i32
      %dma_wait3A_307 = arith.constant 0 : i32
      %dma_wait3A_308 = tpu.memref_slice %arg4[%dma_wait3A_306, %dma_wait3A_307] : memref<819200x64xf32, #tpu.memory_space<hbm>> -> memref<256x64xf32, #tpu.memory_space<hbm>>
      %dma_wait3A_309 = arith.constant 0 : i32
      %dma_wait3A_310 = arith.constant 0 : i32
      %dma_wait3A_311 = tpu.memref_slice %arg6[%dma_wait3A_301, %dma_wait3A_309, %dma_wait3A_310] : memref<5x256x64xf32, #tpu.memory_space<vmem>> -> memref<1x256x64xf32, #tpu.memory_space<vmem>>
      %dma_wait3A_312 = tpu.memref_squeeze %dma_wait3A_311 : memref<1x256x64xf32, #tpu.memory_space<vmem>> -> memref<256x64xf32, #tpu.memory_space<vmem>>
      %dma_wait3A_313 = arith.constant 0 : i32
      %dma_wait3A_314 = arith.constant 0 : i32
      %dma_wait3A_315 = tpu.memref_slice %arg4[%dma_wait3A_313, %dma_wait3A_314] : memref<819200x64xf32, #tpu.memory_space<hbm>> -> memref<256x64xf32, #tpu.memory_space<hbm>>
      tpu.wait_dma2 semaphore(%arg9 : memref<!tpu.dma_semaphore, #tpu.memory_space<semaphore_mem>>) src(%dma_wait3A_315 : memref<256x64xf32, #tpu.memory_space<hbm>>) dst(%dma_wait3A_312 : memref<256x64xf32, #tpu.memory_space<vmem>>)
      %parallel_loop3A_316 = arith.constant 0 : i32
      %parallel_loop3A_317 = arith.constant 256 : i32
      %parallel_loop3A_318 = arith.constant 1 : i32
      scf.for %parallel_loop3A_470 = %parallel_loop3A_316 to %parallel_loop3A_317 step %parallel_loop3A_318  : i32 {
        %parallel_loop3A_471 = arith.constant 2 : i32
        %parallel_loop3A_472 = arith.index_cast %parallel_loop3A_471 : i32 to index
        %parallel_loop3A_473 = arith.index_cast %parallel_loop3A_470 : i32 to index
        %parallel_loop3A_474 = arith.constant 0 : index
        %parallel_loop3A_475 = tpu.vector_load %arg6[%parallel_loop3A_472, %parallel_loop3A_473, %parallel_loop3A_474] {strides = array<i32>} : memref<5x256x64xf32, #tpu.memory_space<vmem>>, vector<1x1x16xf32>,
        %parallel_loop3A_476 = vector.shape_cast %parallel_loop3A_475 : vector<1x1x16xf32> to vector<16xf32>
        %parallel_loop3A_477 = arith.constant 2 : i32
        %parallel_loop3A_478 = arith.index_cast %parallel_loop3A_477 : i32 to index
        %parallel_loop3A_479 = arith.index_cast %parallel_loop3A_470 : i32 to index
        %parallel_loop3A_480 = arith.constant 16 : index
        %parallel_loop3A_481 = tpu.vector_load %arg6[%parallel_loop3A_478, %parallel_loop3A_479, %parallel_loop3A_480] {strides = array<i32>} : memref<5x256x64xf32, #tpu.memory_space<vmem>>, vector<1x1x16xf32>,
        %parallel_loop3A_482 = vector.shape_cast %parallel_loop3A_481 : vector<1x1x16xf32> to vector<16xf32>
        %parallel_loop3A_483 = arith.constant 2 : i32
        %parallel_loop3A_484 = arith.index_cast %parallel_loop3A_483 : i32 to index
        %parallel_loop3A_485 = arith.index_cast %parallel_loop3A_470 : i32 to index
        %parallel_loop3A_486 = arith.constant 32 : index
        %parallel_loop3A_487 = tpu.vector_load %arg6[%parallel_loop3A_484, %parallel_loop3A_485, %parallel_loop3A_486] {strides = array<i32>} : memref<5x256x64xf32, #tpu.memory_space<vmem>>, vector<1x1x16xf32>,
        %parallel_loop3A_488 = vector.shape_cast %parallel_loop3A_487 : vector<1x1x16xf32> to vector<16xf32>
        %parallel_loop3A_489 = arith.constant 2 : i32
        %parallel_loop3A_490 = arith.index_cast %parallel_loop3A_489 : i32 to index
        %parallel_loop3A_491 = arith.index_cast %parallel_loop3A_470 : i32 to index
        %parallel_loop3A_492 = arith.constant 48 : index
        %parallel_loop3A_493 = tpu.vector_load %arg6[%parallel_loop3A_490, %parallel_loop3A_491, %parallel_loop3A_492] {strides = array<i32>} : memref<5x256x64xf32, #tpu.memory_space<vmem>>, vector<1x1x16xf32>,
        %parallel_loop3A_494 = vector.shape_cast %parallel_loop3A_493 : vector<1x1x16xf32> to vector<16xf32>
        %parallel_loop3A_495 = arith.mulf %parallel_loop3A_476, %parallel_loop3A_476 : vector<16xf32>
        %parallel_loop3A_496 = arith.mulf %parallel_loop3A_482, %parallel_loop3A_482 : vector<16xf32>
        %parallel_loop3A_497 = arith.addf %parallel_loop3A_495, %parallel_loop3A_496 : vector<16xf32>
        %parallel_loop3A_498 = arith.mulf %parallel_loop3A_488, %parallel_loop3A_488 : vector<16xf32>
        %parallel_loop3A_499 = arith.addf %parallel_loop3A_497, %parallel_loop3A_498 : vector<16xf32>
        %parallel_loop3A_500 = arith.mulf %parallel_loop3A_494, %parallel_loop3A_494 : vector<16xf32>
        %parallel_loop3A_501 = arith.addf %parallel_loop3A_499, %parallel_loop3A_500 : vector<16xf32>
        %parallel_loop3A_502 = arith.constant 8 : i32
        %parallel_loop3A_503 = vector.broadcast %parallel_loop3A_502 : i32 to vector<16xi32>
        %parallel_loop3A_504 = arith.xori %iota3A, %parallel_loop3A_503 : vector<16xi32>
        %parallel_loop3A_505 = arith.constant 0 : i32
        %parallel_loop3A_506 = vector.broadcast %parallel_loop3A_505 : i32 to vector<16xi32>
        %parallel_loop3A_507 = arith.cmpi slt, %parallel_loop3A_504, %parallel_loop3A_506 : vector<16xi32>
        %parallel_loop3A_508 = arith.constant 16 : i32
        %parallel_loop3A_509 = vector.broadcast %parallel_loop3A_508 : i32 to vector<16xi32>
        %parallel_loop3A_510 = arith.addi %parallel_loop3A_504, %parallel_loop3A_509 : vector<16xi32>
        %parallel_loop3A_511 = arith.select %parallel_loop3A_507, %parallel_loop3A_510, %parallel_loop3A_504 : vector<16xi1>, vector<16xi32>
        %parallel_loop3A_512 = vector.shape_cast %parallel_loop3A_511 : vector<16xi32> to vector<16x1xi32>
        %parallel_loop3A_513 = vector.shape_cast %parallel_loop3A_512 : vector<16x1xi32> to vector<16xi32>
        %parallel_loop3A_514 = tpu.dynamic_gather %parallel_loop3A_501[%parallel_loop3A_513] in [0] : vector<16xf32>, vector<16xi32> -> vector<16xf32>
        %parallel_loop3A_515 = arith.addf %parallel_loop3A_501, %parallel_loop3A_514 : vector<16xf32>
        %parallel_loop3A_516 = arith.constant 4 : i32
        %parallel_loop3A_517 = vector.broadcast %parallel_loop3A_516 : i32 to vector<16xi32>
        %parallel_loop3A_518 = arith.xori %iota3A, %parallel_loop3A_517 : vector<16xi32>
        %parallel_loop3A_519 = arith.constant 0 : i32
        %parallel_loop3A_520 = vector.broadcast %parallel_loop3A_519 : i32 to vector<16xi32>
        %parallel_loop3A_521 = arith.cmpi slt, %parallel_loop3A_518, %parallel_loop3A_520 : vector<16xi32>
        %parallel_loop3A_522 = arith.constant 16 : i32
        %parallel_loop3A_523 = vector.broadcast %parallel_loop3A_522 : i32 to vector<16xi32>
        %parallel_loop3A_524 = arith.addi %parallel_loop3A_518, %parallel_loop3A_523 : vector<16xi32>
        %parallel_loop3A_525 = arith.select %parallel_loop3A_521, %parallel_loop3A_524, %parallel_loop3A_518 : vector<16xi1>, vector<16xi32>
        %parallel_loop3A_526 = vector.shape_cast %parallel_loop3A_525 : vector<16xi32> to vector<16x1xi32>
        %parallel_loop3A_527 = vector.shape_cast %parallel_loop3A_526 : vector<16x1xi32> to vector<16xi32>
        %parallel_loop3A_528 = tpu.dynamic_gather %parallel_loop3A_515[%parallel_loop3A_527] in [0] : vector<16xf32>, vector<16xi32> -> vector<16xf32>
        %parallel_loop3A_529 = arith.addf %parallel_loop3A_515, %parallel_loop3A_528 : vector<16xf32>
        %parallel_loop3A_530 = arith.constant 2 : i32
        %parallel_loop3A_531 = vector.broadcast %parallel_loop3A_530 : i32 to vector<16xi32>
        %parallel_loop3A_532 = arith.xori %iota3A, %parallel_loop3A_531 : vector<16xi32>
        %parallel_loop3A_533 = arith.constant 0 : i32
        %parallel_loop3A_534 = vector.broadcast %parallel_loop3A_533 : i32 to vector<16xi32>
        %parallel_loop3A_535 = arith.cmpi slt, %parallel_loop3A_532, %parallel_loop3A_534 : vector<16xi32>
        %parallel_loop3A_536 = arith.constant 16 : i32
        %parallel_loop3A_537 = vector.broadcast %parallel_loop3A_536 : i32 to vector<16xi32>
        %parallel_loop3A_538 = arith.addi %parallel_loop3A_532, %parallel_loop3A_537 : vector<16xi32>
        %parallel_loop3A_539 = arith.select %parallel_loop3A_535, %parallel_loop3A_538, %parallel_loop3A_532 : vector<16xi1>, vector<16xi32>
        %parallel_loop3A_540 = vector.shape_cast %parallel_loop3A_539 : vector<16xi32> to vector<16x1xi32>
        %parallel_loop3A_541 = vector.shape_cast %parallel_loop3A_540 : vector<16x1xi32> to vector<16xi32>
        %parallel_loop3A_542 = tpu.dynamic_gather %parallel_loop3A_529[%parallel_loop3A_541] in [0] : vector<16xf32>, vector<16xi32> -> vector<16xf32>
        %parallel_loop3A_543 = arith.addf %parallel_loop3A_529, %parallel_loop3A_542 : vector<16xf32>
        %parallel_loop3A_544 = arith.constant 1 : i32
        %parallel_loop3A_545 = vector.broadcast %parallel_loop3A_544 : i32 to vector<16xi32>
        %parallel_loop3A_546 = arith.xori %iota3A, %parallel_loop3A_545 : vector<16xi32>
        %parallel_loop3A_547 = arith.constant 0 : i32
        %parallel_loop3A_548 = vector.broadcast %parallel_loop3A_547 : i32 to vector<16xi32>
        %parallel_loop3A_549 = arith.cmpi slt, %parallel_loop3A_546, %parallel_loop3A_548 : vector<16xi32>
        %parallel_loop3A_550 = arith.constant 16 : i32
        %parallel_loop3A_551 = vector.broadcast %parallel_loop3A_550 : i32 to vector<16xi32>
        %parallel_loop3A_552 = arith.addi %parallel_loop3A_546, %parallel_loop3A_551 : vector<16xi32>
        %parallel_loop3A_553 = arith.select %parallel_loop3A_549, %parallel_loop3A_552, %parallel_loop3A_546 : vector<16xi1>, vector<16xi32>
        %parallel_loop3A_554 = vector.shape_cast %parallel_loop3A_553 : vector<16xi32> to vector<16x1xi32>
        %parallel_loop3A_555 = vector.shape_cast %parallel_loop3A_554 : vector<16x1xi32> to vector<16xi32>
        %parallel_loop3A_556 = tpu.dynamic_gather %parallel_loop3A_543[%parallel_loop3A_555] in [0] : vector<16xf32>, vector<16xi32> -> vector<16xf32>
        %parallel_loop3A_557 = arith.addf %parallel_loop3A_543, %parallel_loop3A_556 : vector<16xf32>
        %parallel_loop3A_558 = arith.constant 1.000000e-24 : f32
        %parallel_loop3A_559 = vector.broadcast %parallel_loop3A_558 : f32 to vector<16xf32>
        %parallel_loop3A_560 = arith.maximumf %parallel_loop3A_557, %parallel_loop3A_559 : vector<16xf32>
        %parallel_loop3A_561 = tpu.bitcast %parallel_loop3A_560 : vector<16xf32> -> vector<16xi32>
        %parallel_loop3A_562 = arith.constant 1 : i32
        %parallel_loop3A_563 = vector.broadcast %parallel_loop3A_562 : i32 to vector<16xi32>
        %parallel_loop3A_564 = arith.shrsi %parallel_loop3A_561, %parallel_loop3A_563 : vector<16xi32>
        %parallel_loop3A_565 = arith.constant 1597463007 : i32
        %parallel_loop3A_566 = vector.broadcast %parallel_loop3A_565 : i32 to vector<16xi32>
        %parallel_loop3A_567 = arith.subi %parallel_loop3A_566, %parallel_loop3A_564 : vector<16xi32>
        %parallel_loop3A_568 = tpu.bitcast %parallel_loop3A_567 : vector<16xi32> -> vector<16xf32>
        %parallel_loop3A_569 = arith.constant 5.000000e-01 : f32
        %parallel_loop3A_570 = vector.broadcast %parallel_loop3A_569 : f32 to vector<16xf32>
        %parallel_loop3A_571 = arith.mulf %parallel_loop3A_570, %parallel_loop3A_560 : vector<16xf32>
        %parallel_loop3A_572 = arith.mulf %parallel_loop3A_571, %parallel_loop3A_568 : vector<16xf32>
        %parallel_loop3A_573 = arith.mulf %parallel_loop3A_572, %parallel_loop3A_568 : vector<16xf32>
        %parallel_loop3A_574 = arith.constant 1.500000e+00 : f32
        %parallel_loop3A_575 = vector.broadcast %parallel_loop3A_574 : f32 to vector<16xf32>
        %parallel_loop3A_576 = arith.subf %parallel_loop3A_575, %parallel_loop3A_573 : vector<16xf32>
        %parallel_loop3A_577 = arith.mulf %parallel_loop3A_568, %parallel_loop3A_576 : vector<16xf32>
        %parallel_loop3A_578 = arith.constant 5.000000e-01 : f32
        %parallel_loop3A_579 = vector.broadcast %parallel_loop3A_578 : f32 to vector<16xf32>
        %parallel_loop3A_580 = arith.mulf %parallel_loop3A_579, %parallel_loop3A_560 : vector<16xf32>
        %parallel_loop3A_581 = arith.mulf %parallel_loop3A_580, %parallel_loop3A_577 : vector<16xf32>
        %parallel_loop3A_582 = arith.mulf %parallel_loop3A_581, %parallel_loop3A_577 : vector<16xf32>
        %parallel_loop3A_583 = arith.constant 1.500000e+00 : f32
        %parallel_loop3A_584 = vector.broadcast %parallel_loop3A_583 : f32 to vector<16xf32>
        %parallel_loop3A_585 = arith.subf %parallel_loop3A_584, %parallel_loop3A_582 : vector<16xf32>
        %parallel_loop3A_586 = arith.mulf %parallel_loop3A_577, %parallel_loop3A_585 : vector<16xf32>
        %parallel_loop3A_587 = arith.mulf %parallel_loop3A_476, %parallel_loop3A_586 : vector<16xf32>
        %parallel_loop3A_588 = arith.constant 2 : i32
        %parallel_loop3A_589 = arith.index_cast %parallel_loop3A_588 : i32 to index
        %parallel_loop3A_590 = arith.index_cast %parallel_loop3A_470 : i32 to index
        %parallel_loop3A_591 = arith.constant 0 : index
        %parallel_loop3A_592 = tpu.vector_load %arg6[%parallel_loop3A_589, %parallel_loop3A_590, %parallel_loop3A_591] {strides = array<i32>} : memref<5x256x64xf32, #tpu.memory_space<vmem>>, vector<1x1x16xf32>,
        %parallel_loop3A_593 = vector.shape_cast %parallel_loop3A_592 : vector<1x1x16xf32> to vector<16xf32>
        %parallel_loop3A_594 = vector.shape_cast %parallel_loop3A_587 : vector<16xf32> to vector<1x1x16xf32>
        tpu.vector_store %arg6[%parallel_loop3A_589, %parallel_loop3A_590, %parallel_loop3A_591], %parallel_loop3A_594 {strides = array<i32>} : memref<5x256x64xf32, #tpu.memory_space<vmem>>, vector<1x1x16xf32>,
        %parallel_loop3A_595 = arith.mulf %parallel_loop3A_482, %parallel_loop3A_586 : vector<16xf32>
        %parallel_loop3A_596 = arith.constant 2 : i32
        %parallel_loop3A_597 = arith.index_cast %parallel_loop3A_596 : i32 to index
        %parallel_loop3A_598 = arith.index_cast %parallel_loop3A_470 : i32 to index
        %parallel_loop3A_599 = arith.constant 16 : index
        %parallel_loop3A_600 = tpu.vector_load %arg6[%parallel_loop3A_597, %parallel_loop3A_598, %parallel_loop3A_599] {strides = array<i32>} : memref<5x256x64xf32, #tpu.memory_space<vmem>>, vector<1x1x16xf32>,
        %parallel_loop3A_601 = vector.shape_cast %parallel_loop3A_600 : vector<1x1x16xf32> to vector<16xf32>
        %parallel_loop3A_602 = vector.shape_cast %parallel_loop3A_595 : vector<16xf32> to vector<1x1x16xf32>
        tpu.vector_store %arg6[%parallel_loop3A_597, %parallel_loop3A_598, %parallel_loop3A_599], %parallel_loop3A_602 {strides = array<i32>} : memref<5x256x64xf32, #tpu.memory_space<vmem>>, vector<1x1x16xf32>,
        %parallel_loop3A_603 = arith.mulf %parallel_loop3A_488, %parallel_loop3A_586 : vector<16xf32>
        %parallel_loop3A_604 = arith.constant 2 : i32
        %parallel_loop3A_605 = arith.index_cast %parallel_loop3A_604 : i32 to index
        %parallel_loop3A_606 = arith.index_cast %parallel_loop3A_470 : i32 to index
        %parallel_loop3A_607 = arith.constant 32 : index
        %parallel_loop3A_608 = tpu.vector_load %arg6[%parallel_loop3A_605, %parallel_loop3A_606, %parallel_loop3A_607] {strides = array<i32>} : memref<5x256x64xf32, #tpu.memory_space<vmem>>, vector<1x1x16xf32>,
        %parallel_loop3A_609 = vector.shape_cast %parallel_loop3A_608 : vector<1x1x16xf32> to vector<16xf32>
        %parallel_loop3A_610 = vector.shape_cast %parallel_loop3A_603 : vector<16xf32> to vector<1x1x16xf32>
        tpu.vector_store %arg6[%parallel_loop3A_605, %parallel_loop3A_606, %parallel_loop3A_607], %parallel_loop3A_610 {strides = array<i32>} : memref<5x256x64xf32, #tpu.memory_space<vmem>>, vector<1x1x16xf32>,
        %parallel_loop3A_611 = arith.mulf %parallel_loop3A_494, %parallel_loop3A_586 : vector<16xf32>
        %parallel_loop3A_612 = arith.constant 2 : i32
        %parallel_loop3A_613 = arith.index_cast %parallel_loop3A_612 : i32 to index
        %parallel_loop3A_614 = arith.index_cast %parallel_loop3A_470 : i32 to index
        %parallel_loop3A_615 = arith.constant 48 : index
        %parallel_loop3A_616 = tpu.vector_load %arg6[%parallel_loop3A_613, %parallel_loop3A_614, %parallel_loop3A_615] {strides = array<i32>} : memref<5x256x64xf32, #tpu.memory_space<vmem>>, vector<1x1x16xf32>,
        %parallel_loop3A_617 = vector.shape_cast %parallel_loop3A_616 : vector<1x1x16xf32> to vector<16xf32>
        %parallel_loop3A_618 = vector.shape_cast %parallel_loop3A_611 : vector<16xf32> to vector<1x1x16xf32>
        tpu.vector_store %arg6[%parallel_loop3A_613, %parallel_loop3A_614, %parallel_loop3A_615], %parallel_loop3A_618 {strides = array<i32>} : memref<5x256x64xf32, #tpu.memory_space<vmem>>, vector<1x1x16xf32>,
      } {sc.loop_unroll_factor = 8 : i64, sc.parallel_access}
      %mul3A_319 = arith.constant 25600 : i32
      %mul3A_320 = arith.muli %add3A, %mul3A_319 : i32
      %mul3A_321 = arith.constant 256 : i32
      %mul3A_322 = arith.muli %add3A_300, %mul3A_321 : i32
      %add3A_323 = arith.addi %mul3A_320, %mul3A_322 : i32
      %dma_start3A_324 = arith.constant 2 : i32
      %dma_start3A_325 = arith.constant 0 : i32
      %dma_start3A_326 = arith.constant 0 : i32
      %dma_start3A_327 = tpu.memref_slice %arg6[%dma_start3A_324, %dma_start3A_325, %dma_start3A_326] : memref<5x256x64xf32, #tpu.memory_space<vmem>> -> memref<1x256x64xf32, #tpu.memory_space<vmem>>
      %dma_start3A_328 = tpu.memref_squeeze %dma_start3A_327 : memref<1x256x64xf32, #tpu.memory_space<vmem>> -> memref<256x64xf32, #tpu.memory_space<vmem>>
      %dma_start3A_329 = arith.constant 0 : i32
      %dma_start3A_330 = tpu.memref_slice %arg4[%add3A_323, %dma_start3A_329] : memref<819200x64xf32, #tpu.memory_space<hbm>> -> memref<256x64xf32, #tpu.memory_space<hbm>>
      %dma_start3A_331 = arith.constant 0 : i32
      %dma_start3A_332 = tpu.memref_slice %arg4[%add3A_323, %dma_start3A_331] : memref<819200x64xf32, #tpu.memory_space<hbm>> -> memref<256x64xf32, #tpu.memory_space<hbm>>
      %dma_start3A_333 = arith.constant 0 : i32
      %dma_start3A_334 = arith.constant 0 : i32
      %dma_start3A_335 = tpu.memref_slice %arg6[%dma_start3A_324, %dma_start3A_333, %dma_start3A_334] : memref<5x256x64xf32, #tpu.memory_space<vmem>> -> memref<1x256x64xf32, #tpu.memory_space<vmem>>
      %dma_start3A_336 = tpu.memref_squeeze %dma_start3A_335 : memref<1x256x64xf32, #tpu.memory_space<vmem>> -> memref<256x64xf32, #tpu.memory_space<vmem>>
      tpu.enqueue_dma source(%dma_start3A_336 : memref<256x64xf32, #tpu.memory_space<vmem>>) target(%dma_start3A_332 : memref<256x64xf32, #tpu.memory_space<hbm>>) target_semaphore(%arg14 : memref<!tpu.dma_semaphore, #tpu.memory_space<semaphore_mem>>)
      %add3A_337 = arith.constant 2 : i32
      %add3A_338 = arith.addi %add3A_300, %add3A_337 : i32
      %gt3A_339 = arith.constant 0 : i32
      %gt3A_340 = arith.cmpi sgt, %scan3A_141, %gt3A_339 : i32
      %convert_element_type3A_341 = arith.extui %gt3A_340 : i1 to i32
      %cond3A_342 = arith.constant 0 : i32
      %cond3A_343 = arith.cmpi ne, %convert_element_type3A_341, %cond3A_342 : i32
      scf.if %cond3A_343 {
        %dma_wait3A_470 = arith.constant 4 : i32
        %dma_wait3A_471 = arith.constant 0 : i32
        %dma_wait3A_472 = arith.constant 0 : i32
        %dma_wait3A_473 = tpu.memref_slice %arg6[%dma_wait3A_470, %dma_wait3A_471, %dma_wait3A_472] : memref<5x256x64xf32, #tpu.memory_space<vmem>> -> memref<1x256x64xf32, #tpu.memory_space<vmem>>
        %dma_wait3A_474 = tpu.memref_squeeze %dma_wait3A_473 : memref<1x256x64xf32, #tpu.memory_space<vmem>> -> memref<256x64xf32, #tpu.memory_space<vmem>>
        %dma_wait3A_475 = arith.constant 0 : i32
        %dma_wait3A_476 = arith.constant 0 : i32
        %dma_wait3A_477 = tpu.memref_slice %arg4[%dma_wait3A_475, %dma_wait3A_476] : memref<819200x64xf32, #tpu.memory_space<hbm>> -> memref<256x64xf32, #tpu.memory_space<hbm>>
        %dma_wait3A_478 = arith.constant 0 : i32
        %dma_wait3A_479 = arith.constant 0 : i32
        %dma_wait3A_480 = tpu.memref_slice %arg4[%dma_wait3A_478, %dma_wait3A_479] : memref<819200x64xf32, #tpu.memory_space<hbm>> -> memref<256x64xf32, #tpu.memory_space<hbm>>
        %dma_wait3A_481 = arith.constant 0 : i32
        %dma_wait3A_482 = arith.constant 0 : i32
        %dma_wait3A_483 = tpu.memref_slice %arg6[%dma_wait3A_470, %dma_wait3A_481, %dma_wait3A_482] : memref<5x256x64xf32, #tpu.memory_space<vmem>> -> memref<1x256x64xf32, #tpu.memory_space<vmem>>
        %dma_wait3A_484 = tpu.memref_squeeze %dma_wait3A_483 : memref<1x256x64xf32, #tpu.memory_space<vmem>> -> memref<256x64xf32, #tpu.memory_space<vmem>>
        tpu.wait_dma2 semaphore(%arg16 : memref<!tpu.dma_semaphore, #tpu.memory_space<semaphore_mem>>) src(%dma_wait3A_484 : memref<256x64xf32, #tpu.memory_space<vmem>>) dst(%dma_wait3A_480 : memref<256x64xf32, #tpu.memory_space<hbm>>)
      } else {
      }
      %mul3A_344 = arith.constant 200 : i32
      %mul3A_345 = arith.muli %add3A, %mul3A_344 : i32
      %mul3A_346 = arith.constant 2 : i32
      %mul3A_347 = arith.muli %add3A_338, %mul3A_346 : i32
      %add3A_348 = arith.addi %mul3A_345, %mul3A_347 : i32
      %run_scoped3A_349 = arith.constant 4 : i32
      "tpu.region"() ({
        %run_scoped3A_470 = tpu.sem_alloc : memref<!tpu.dma_semaphore, #tpu.memory_space<semaphore_mem>>
        %dma_start3A_471 = arith.constant 0 : i32
        %dma_start3A_472 = arith.constant 0 : i32
        %dma_start3A_473 = tpu.memref_slice %arg5[%run_scoped3A_349, %dma_start3A_471, %dma_start3A_472] : memref<5x2x128xi32, #tpu.memory_space<vmem>> -> memref<1x2x128xi32, #tpu.memory_space<vmem>>
        %dma_start3A_474 = tpu.memref_squeeze %dma_start3A_473 : memref<1x2x128xi32, #tpu.memory_space<vmem>> -> memref<2x128xi32, #tpu.memory_space<vmem>>
        %dma_start3A_475 = arith.constant 0 : i32
        %dma_start3A_476 = tpu.memref_slice %arg2[%add3A_348, %dma_start3A_475] : memref<6400x128xi32, #tpu.memory_space<hbm>> -> memref<2x128xi32, #tpu.memory_space<hbm>>
        %dma_start3A_477 = arith.constant 0 : i32
        %dma_start3A_478 = arith.constant 0 : i32
        %dma_start3A_479 = tpu.memref_slice %arg5[%run_scoped3A_349, %dma_start3A_477, %dma_start3A_478] : memref<5x2x128xi32, #tpu.memory_space<vmem>> -> memref<1x2x128xi32, #tpu.memory_space<vmem>>
        %dma_start3A_480 = tpu.memref_squeeze %dma_start3A_479 : memref<1x2x128xi32, #tpu.memory_space<vmem>> -> memref<2x128xi32, #tpu.memory_space<vmem>>
        %dma_start3A_481 = arith.constant 0 : i32
        %dma_start3A_482 = tpu.memref_slice %arg2[%add3A_348, %dma_start3A_481] : memref<6400x128xi32, #tpu.memory_space<hbm>> -> memref<2x128xi32, #tpu.memory_space<hbm>>
        tpu.enqueue_dma source(%dma_start3A_482 : memref<2x128xi32, #tpu.memory_space<hbm>>) target(%dma_start3A_480 : memref<2x128xi32, #tpu.memory_space<vmem>>) target_semaphore(%run_scoped3A_470 : memref<!tpu.dma_semaphore, #tpu.memory_space<semaphore_mem>>)
        %dma_wait3A_483 = arith.constant 0 : i32
        %dma_wait3A_484 = arith.constant 0 : i32
        %dma_wait3A_485 = tpu.memref_slice %arg5[%run_scoped3A_349, %dma_wait3A_483, %dma_wait3A_484] : memref<5x2x128xi32, #tpu.memory_space<vmem>> -> memref<1x2x128xi32, #tpu.memory_space<vmem>>
        %dma_wait3A_486 = tpu.memref_squeeze %dma_wait3A_485 : memref<1x2x128xi32, #tpu.memory_space<vmem>> -> memref<2x128xi32, #tpu.memory_space<vmem>>
        %dma_wait3A_487 = arith.constant 0 : i32
        %dma_wait3A_488 = tpu.memref_slice %arg2[%add3A_348, %dma_wait3A_487] : memref<6400x128xi32, #tpu.memory_space<hbm>> -> memref<2x128xi32, #tpu.memory_space<hbm>>
        %dma_wait3A_489 = arith.constant 0 : i32
        %dma_wait3A_490 = arith.constant 0 : i32
        %dma_wait3A_491 = tpu.memref_slice %arg5[%run_scoped3A_349, %dma_wait3A_489, %dma_wait3A_490] : memref<5x2x128xi32, #tpu.memory_space<vmem>> -> memref<1x2x128xi32, #tpu.memory_space<vmem>>
        %dma_wait3A_492 = tpu.memref_squeeze %dma_wait3A_491 : memref<1x2x128xi32, #tpu.memory_space<vmem>> -> memref<2x128xi32, #tpu.memory_space<vmem>>
        %dma_wait3A_493 = arith.constant 0 : i32
        %dma_wait3A_494 = tpu.memref_slice %arg2[%add3A_348, %dma_wait3A_493] : memref<6400x128xi32, #tpu.memory_space<hbm>> -> memref<2x128xi32, #tpu.memory_space<hbm>>
        tpu.wait_dma2 semaphore(%run_scoped3A_470 : memref<!tpu.dma_semaphore, #tpu.memory_space<semaphore_mem>>) src(%dma_wait3A_494 : memref<2x128xi32, #tpu.memory_space<hbm>>) dst(%dma_wait3A_492 : memref<2x128xi32, #tpu.memory_space<vmem>>)
        tpu.yield
      }) : () -> ()
      %dma_start3A_350 = arith.constant 4 : i32
      %dma_start3A_351 = arith.constant 0 : i32
      %dma_start3A_352 = arith.constant 4 : i32
      %dma_start3A_353 = arith.constant 0 : i32
      %dma_start3A_354 = arith.constant 0 : i32
      %dma_start3A_355 = tpu.memref_slice %arg6[%dma_start3A_352, %dma_start3A_353, %dma_start3A_354] : memref<5x256x64xf32, #tpu.memory_space<vmem>> -> memref<1x128x64xf32, #tpu.memory_space<vmem>>
      %dma_start3A_356 = tpu.memref_squeeze %dma_start3A_355 : memref<1x128x64xf32, #tpu.memory_space<vmem>> -> memref<128x64xf32, #tpu.memory_space<vmem>>
      %dma_start3A_357 = arith.constant 0 : i32
      %dma_start3A_358 = tpu.memref_slice %arg5[%dma_start3A_350, %dma_start3A_351, %dma_start3A_357] : memref<5x2x128xi32, #tpu.memory_space<vmem>> -> memref<1x1x128xi32, #tpu.memory_space<vmem>>
      %dma_start3A_359 = tpu.memref_squeeze %dma_start3A_358 : memref<1x1x128xi32, #tpu.memory_space<vmem>> -> memref<128xi32, #tpu.memory_space<vmem>>
      %dma_start3A_360 = arith.constant 0 : i32
      %dma_start3A_361 = arith.constant 0 : i32
      %dma_start3A_362 = tpu.memref_slice %arg3[%dma_start3A_360, %dma_start3A_361] : memref<1000000x64xf32, #tpu.memory_space<hbm>> -> memref<1000000x64xf32, #tpu.memory_space<hbm>>
      tpu.enqueue_indirect_dma source(%dma_start3A_362 : memref<1000000x64xf32, #tpu.memory_space<hbm>>) target(%dma_start3A_356 : memref<128x64xf32, #tpu.memory_space<vmem>>) offsets(%dma_start3A_359 : memref<128xi32, #tpu.memory_space<vmem>>) semaphore(%arg11 : memref<!tpu.dma_semaphore, #tpu.memory_space<semaphore_mem>>)
      %dma_start3A_363 = arith.constant 4 : i32
      %dma_start3A_364 = arith.constant 1 : i32
      %dma_start3A_365 = arith.constant 4 : i32
      %dma_start3A_366 = arith.constant 128 : i32
      %dma_start3A_367 = arith.constant 0 : i32
      %dma_start3A_368 = tpu.memref_slice %arg6[%dma_start3A_365, %dma_start3A_366, %dma_start3A_367] : memref<5x256x64xf32, #tpu.memory_space<vmem>> -> memref<1x128x64xf32, #tpu.memory_space<vmem>>
      %dma_start3A_369 = tpu.memref_squeeze %dma_start3A_368 : memref<1x128x64xf32, #tpu.memory_space<vmem>> -> memref<128x64xf32, #tpu.memory_space<vmem>>
      %dma_start3A_370 = arith.constant 0 : i32
      %dma_start3A_371 = tpu.memref_slice %arg5[%dma_start3A_363, %dma_start3A_364, %dma_start3A_370] : memref<5x2x128xi32, #tpu.memory_space<vmem>> -> memref<1x1x128xi32, #tpu.memory_space<vmem>>
      %dma_start3A_372 = tpu.memref_squeeze %dma_start3A_371 : memref<1x1x128xi32, #tpu.memory_space<vmem>> -> memref<128xi32, #tpu.memory_space<vmem>>
      %dma_start3A_373 = arith.constant 0 : i32
      %dma_start3A_374 = arith.constant 0 : i32
      %dma_start3A_375 = tpu.memref_slice %arg3[%dma_start3A_373, %dma_start3A_374] : memref<1000000x64xf32, #tpu.memory_space<hbm>> -> memref<1000000x64xf32, #tpu.memory_space<hbm>>
      tpu.enqueue_indirect_dma source(%dma_start3A_375 : memref<1000000x64xf32, #tpu.memory_space<hbm>>) target(%dma_start3A_369 : memref<128x64xf32, #tpu.memory_space<vmem>>) offsets(%dma_start3A_372 : memref<128xi32, #tpu.memory_space<vmem>>) semaphore(%arg11 : memref<!tpu.dma_semaphore, #tpu.memory_space<semaphore_mem>>)
      %mul3A_376 = arith.constant 5 : i32
      %mul3A_377 = arith.muli %mul3A_376, %scan3A_141 : i32
      %add3A_378 = arith.constant 3 : i32
      %add3A_379 = arith.addi %mul3A_377, %add3A_378 : i32
      %dma_wait3A_380 = arith.constant 3 : i32
      %dma_wait3A_381 = arith.constant 0 : i32
      %dma_wait3A_382 = arith.constant 0 : i32
      %dma_wait3A_383 = tpu.memref_slice %arg6[%dma_wait3A_380, %dma_wait3A_381, %dma_wait3A_382] : memref<5x256x64xf32, #tpu.memory_space<vmem>> -> memref<1x256x64xf32, #tpu.memory_space<vmem>>
      %dma_wait3A_384 = tpu.memref_squeeze %dma_wait3A_383 : memref<1x256x64xf32, #tpu.memory_space<vmem>> -> memref<256x64xf32, #tpu.memory_space<vmem>>
      %dma_wait3A_385 = arith.constant 0 : i32
      %dma_wait3A_386 = arith.constant 0 : i32
      %dma_wait3A_387 = tpu.memref_slice %arg4[%dma_wait3A_385, %dma_wait3A_386] : memref<819200x64xf32, #tpu.memory_space<hbm>> -> memref<256x64xf32, #tpu.memory_space<hbm>>
      %dma_wait3A_388 = arith.constant 0 : i32
      %dma_wait3A_389 = arith.constant 0 : i32
      %dma_wait3A_390 = tpu.memref_slice %arg6[%dma_wait3A_380, %dma_wait3A_388, %dma_wait3A_389] : memref<5x256x64xf32, #tpu.memory_space<vmem>> -> memref<1x256x64xf32, #tpu.memory_space<vmem>>
      %dma_wait3A_391 = tpu.memref_squeeze %dma_wait3A_390 : memref<1x256x64xf32, #tpu.memory_space<vmem>> -> memref<256x64xf32, #tpu.memory_space<vmem>>
      %dma_wait3A_392 = arith.constant 0 : i32
      %dma_wait3A_393 = arith.constant 0 : i32
      %dma_wait3A_394 = tpu.memref_slice %arg4[%dma_wait3A_392, %dma_wait3A_393] : memref<819200x64xf32, #tpu.memory_space<hbm>> -> memref<256x64xf32, #tpu.memory_space<hbm>>
      tpu.wait_dma2 semaphore(%arg10 : memref<!tpu.dma_semaphore, #tpu.memory_space<semaphore_mem>>) src(%dma_wait3A_394 : memref<256x64xf32, #tpu.memory_space<hbm>>) dst(%dma_wait3A_391 : memref<256x64xf32, #tpu.memory_space<vmem>>)
      %parallel_loop3A_395 = arith.constant 0 : i32
      %parallel_loop3A_396 = arith.constant 256 : i32
      %parallel_loop3A_397 = arith.constant 1 : i32
      scf.for %parallel_loop3A_470 = %parallel_loop3A_395 to %parallel_loop3A_396 step %parallel_loop3A_397  : i32 {
        %parallel_loop3A_471 = arith.constant 3 : i32
        %parallel_loop3A_472 = arith.index_cast %parallel_loop3A_471 : i32 to index
        %parallel_loop3A_473 = arith.index_cast %parallel_loop3A_470 : i32 to index
        %parallel_loop3A_474 = arith.constant 0 : index
        %parallel_loop3A_475 = tpu.vector_load %arg6[%parallel_loop3A_472, %parallel_loop3A_473, %parallel_loop3A_474] {strides = array<i32>} : memref<5x256x64xf32, #tpu.memory_space<vmem>>, vector<1x1x16xf32>,
        %parallel_loop3A_476 = vector.shape_cast %parallel_loop3A_475 : vector<1x1x16xf32> to vector<16xf32>
        %parallel_loop3A_477 = arith.constant 3 : i32
        %parallel_loop3A_478 = arith.index_cast %parallel_loop3A_477 : i32 to index
        %parallel_loop3A_479 = arith.index_cast %parallel_loop3A_470 : i32 to index
        %parallel_loop3A_480 = arith.constant 16 : index
        %parallel_loop3A_481 = tpu.vector_load %arg6[%parallel_loop3A_478, %parallel_loop3A_479, %parallel_loop3A_480] {strides = array<i32>} : memref<5x256x64xf32, #tpu.memory_space<vmem>>, vector<1x1x16xf32>,
        %parallel_loop3A_482 = vector.shape_cast %parallel_loop3A_481 : vector<1x1x16xf32> to vector<16xf32>
        %parallel_loop3A_483 = arith.constant 3 : i32
        %parallel_loop3A_484 = arith.index_cast %parallel_loop3A_483 : i32 to index
        %parallel_loop3A_485 = arith.index_cast %parallel_loop3A_470 : i32 to index
        %parallel_loop3A_486 = arith.constant 32 : index
        %parallel_loop3A_487 = tpu.vector_load %arg6[%parallel_loop3A_484, %parallel_loop3A_485, %parallel_loop3A_486] {strides = array<i32>} : memref<5x256x64xf32, #tpu.memory_space<vmem>>, vector<1x1x16xf32>,
        %parallel_loop3A_488 = vector.shape_cast %parallel_loop3A_487 : vector<1x1x16xf32> to vector<16xf32>
        %parallel_loop3A_489 = arith.constant 3 : i32
        %parallel_loop3A_490 = arith.index_cast %parallel_loop3A_489 : i32 to index
        %parallel_loop3A_491 = arith.index_cast %parallel_loop3A_470 : i32 to index
        %parallel_loop3A_492 = arith.constant 48 : index
        %parallel_loop3A_493 = tpu.vector_load %arg6[%parallel_loop3A_490, %parallel_loop3A_491, %parallel_loop3A_492] {strides = array<i32>} : memref<5x256x64xf32, #tpu.memory_space<vmem>>, vector<1x1x16xf32>,
        %parallel_loop3A_494 = vector.shape_cast %parallel_loop3A_493 : vector<1x1x16xf32> to vector<16xf32>
        %parallel_loop3A_495 = arith.mulf %parallel_loop3A_476, %parallel_loop3A_476 : vector<16xf32>
        %parallel_loop3A_496 = arith.mulf %parallel_loop3A_482, %parallel_loop3A_482 : vector<16xf32>
        %parallel_loop3A_497 = arith.addf %parallel_loop3A_495, %parallel_loop3A_496 : vector<16xf32>
        %parallel_loop3A_498 = arith.mulf %parallel_loop3A_488, %parallel_loop3A_488 : vector<16xf32>
        %parallel_loop3A_499 = arith.addf %parallel_loop3A_497, %parallel_loop3A_498 : vector<16xf32>
        %parallel_loop3A_500 = arith.mulf %parallel_loop3A_494, %parallel_loop3A_494 : vector<16xf32>
        %parallel_loop3A_501 = arith.addf %parallel_loop3A_499, %parallel_loop3A_500 : vector<16xf32>
        %parallel_loop3A_502 = arith.constant 8 : i32
        %parallel_loop3A_503 = vector.broadcast %parallel_loop3A_502 : i32 to vector<16xi32>
        %parallel_loop3A_504 = arith.xori %iota3A, %parallel_loop3A_503 : vector<16xi32>
        %parallel_loop3A_505 = arith.constant 0 : i32
        %parallel_loop3A_506 = vector.broadcast %parallel_loop3A_505 : i32 to vector<16xi32>
        %parallel_loop3A_507 = arith.cmpi slt, %parallel_loop3A_504, %parallel_loop3A_506 : vector<16xi32>
        %parallel_loop3A_508 = arith.constant 16 : i32
        %parallel_loop3A_509 = vector.broadcast %parallel_loop3A_508 : i32 to vector<16xi32>
        %parallel_loop3A_510 = arith.addi %parallel_loop3A_504, %parallel_loop3A_509 : vector<16xi32>
        %parallel_loop3A_511 = arith.select %parallel_loop3A_507, %parallel_loop3A_510, %parallel_loop3A_504 : vector<16xi1>, vector<16xi32>
        %parallel_loop3A_512 = vector.shape_cast %parallel_loop3A_511 : vector<16xi32> to vector<16x1xi32>
        %parallel_loop3A_513 = vector.shape_cast %parallel_loop3A_512 : vector<16x1xi32> to vector<16xi32>
        %parallel_loop3A_514 = tpu.dynamic_gather %parallel_loop3A_501[%parallel_loop3A_513] in [0] : vector<16xf32>, vector<16xi32> -> vector<16xf32>
        %parallel_loop3A_515 = arith.addf %parallel_loop3A_501, %parallel_loop3A_514 : vector<16xf32>
        %parallel_loop3A_516 = arith.constant 4 : i32
        %parallel_loop3A_517 = vector.broadcast %parallel_loop3A_516 : i32 to vector<16xi32>
        %parallel_loop3A_518 = arith.xori %iota3A, %parallel_loop3A_517 : vector<16xi32>
        %parallel_loop3A_519 = arith.constant 0 : i32
        %parallel_loop3A_520 = vector.broadcast %parallel_loop3A_519 : i32 to vector<16xi32>
        %parallel_loop3A_521 = arith.cmpi slt, %parallel_loop3A_518, %parallel_loop3A_520 : vector<16xi32>
        %parallel_loop3A_522 = arith.constant 16 : i32
        %parallel_loop3A_523 = vector.broadcast %parallel_loop3A_522 : i32 to vector<16xi32>
        %parallel_loop3A_524 = arith.addi %parallel_loop3A_518, %parallel_loop3A_523 : vector<16xi32>
        %parallel_loop3A_525 = arith.select %parallel_loop3A_521, %parallel_loop3A_524, %parallel_loop3A_518 : vector<16xi1>, vector<16xi32>
        %parallel_loop3A_526 = vector.shape_cast %parallel_loop3A_525 : vector<16xi32> to vector<16x1xi32>
        %parallel_loop3A_527 = vector.shape_cast %parallel_loop3A_526 : vector<16x1xi32> to vector<16xi32>
        %parallel_loop3A_528 = tpu.dynamic_gather %parallel_loop3A_515[%parallel_loop3A_527] in [0] : vector<16xf32>, vector<16xi32> -> vector<16xf32>
        %parallel_loop3A_529 = arith.addf %parallel_loop3A_515, %parallel_loop3A_528 : vector<16xf32>
        %parallel_loop3A_530 = arith.constant 2 : i32
        %parallel_loop3A_531 = vector.broadcast %parallel_loop3A_530 : i32 to vector<16xi32>
        %parallel_loop3A_532 = arith.xori %iota3A, %parallel_loop3A_531 : vector<16xi32>
        %parallel_loop3A_533 = arith.constant 0 : i32
        %parallel_loop3A_534 = vector.broadcast %parallel_loop3A_533 : i32 to vector<16xi32>
        %parallel_loop3A_535 = arith.cmpi slt, %parallel_loop3A_532, %parallel_loop3A_534 : vector<16xi32>
        %parallel_loop3A_536 = arith.constant 16 : i32
        %parallel_loop3A_537 = vector.broadcast %parallel_loop3A_536 : i32 to vector<16xi32>
        %parallel_loop3A_538 = arith.addi %parallel_loop3A_532, %parallel_loop3A_537 : vector<16xi32>
        %parallel_loop3A_539 = arith.select %parallel_loop3A_535, %parallel_loop3A_538, %parallel_loop3A_532 : vector<16xi1>, vector<16xi32>
        %parallel_loop3A_540 = vector.shape_cast %parallel_loop3A_539 : vector<16xi32> to vector<16x1xi32>
        %parallel_loop3A_541 = vector.shape_cast %parallel_loop3A_540 : vector<16x1xi32> to vector<16xi32>
        %parallel_loop3A_542 = tpu.dynamic_gather %parallel_loop3A_529[%parallel_loop3A_541] in [0] : vector<16xf32>, vector<16xi32> -> vector<16xf32>
        %parallel_loop3A_543 = arith.addf %parallel_loop3A_529, %parallel_loop3A_542 : vector<16xf32>
        %parallel_loop3A_544 = arith.constant 1 : i32
        %parallel_loop3A_545 = vector.broadcast %parallel_loop3A_544 : i32 to vector<16xi32>
        %parallel_loop3A_546 = arith.xori %iota3A, %parallel_loop3A_545 : vector<16xi32>
        %parallel_loop3A_547 = arith.constant 0 : i32
        %parallel_loop3A_548 = vector.broadcast %parallel_loop3A_547 : i32 to vector<16xi32>
        %parallel_loop3A_549 = arith.cmpi slt, %parallel_loop3A_546, %parallel_loop3A_548 : vector<16xi32>
        %parallel_loop3A_550 = arith.constant 16 : i32
        %parallel_loop3A_551 = vector.broadcast %parallel_loop3A_550 : i32 to vector<16xi32>
        %parallel_loop3A_552 = arith.addi %parallel_loop3A_546, %parallel_loop3A_551 : vector<16xi32>
        %parallel_loop3A_553 = arith.select %parallel_loop3A_549, %parallel_loop3A_552, %parallel_loop3A_546 : vector<16xi1>, vector<16xi32>
        %parallel_loop3A_554 = vector.shape_cast %parallel_loop3A_553 : vector<16xi32> to vector<16x1xi32>
        %parallel_loop3A_555 = vector.shape_cast %parallel_loop3A_554 : vector<16x1xi32> to vector<16xi32>
        %parallel_loop3A_556 = tpu.dynamic_gather %parallel_loop3A_543[%parallel_loop3A_555] in [0] : vector<16xf32>, vector<16xi32> -> vector<16xf32>
        %parallel_loop3A_557 = arith.addf %parallel_loop3A_543, %parallel_loop3A_556 : vector<16xf32>
        %parallel_loop3A_558 = arith.constant 1.000000e-24 : f32
        %parallel_loop3A_559 = vector.broadcast %parallel_loop3A_558 : f32 to vector<16xf32>
        %parallel_loop3A_560 = arith.maximumf %parallel_loop3A_557, %parallel_loop3A_559 : vector<16xf32>
        %parallel_loop3A_561 = tpu.bitcast %parallel_loop3A_560 : vector<16xf32> -> vector<16xi32>
        %parallel_loop3A_562 = arith.constant 1 : i32
        %parallel_loop3A_563 = vector.broadcast %parallel_loop3A_562 : i32 to vector<16xi32>
        %parallel_loop3A_564 = arith.shrsi %parallel_loop3A_561, %parallel_loop3A_563 : vector<16xi32>
        %parallel_loop3A_565 = arith.constant 1597463007 : i32
        %parallel_loop3A_566 = vector.broadcast %parallel_loop3A_565 : i32 to vector<16xi32>
        %parallel_loop3A_567 = arith.subi %parallel_loop3A_566, %parallel_loop3A_564 : vector<16xi32>
        %parallel_loop3A_568 = tpu.bitcast %parallel_loop3A_567 : vector<16xi32> -> vector<16xf32>
        %parallel_loop3A_569 = arith.constant 5.000000e-01 : f32
        %parallel_loop3A_570 = vector.broadcast %parallel_loop3A_569 : f32 to vector<16xf32>
        %parallel_loop3A_571 = arith.mulf %parallel_loop3A_570, %parallel_loop3A_560 : vector<16xf32>
        %parallel_loop3A_572 = arith.mulf %parallel_loop3A_571, %parallel_loop3A_568 : vector<16xf32>
        %parallel_loop3A_573 = arith.mulf %parallel_loop3A_572, %parallel_loop3A_568 : vector<16xf32>
        %parallel_loop3A_574 = arith.constant 1.500000e+00 : f32
        %parallel_loop3A_575 = vector.broadcast %parallel_loop3A_574 : f32 to vector<16xf32>
        %parallel_loop3A_576 = arith.subf %parallel_loop3A_575, %parallel_loop3A_573 : vector<16xf32>
        %parallel_loop3A_577 = arith.mulf %parallel_loop3A_568, %parallel_loop3A_576 : vector<16xf32>
        %parallel_loop3A_578 = arith.constant 5.000000e-01 : f32
        %parallel_loop3A_579 = vector.broadcast %parallel_loop3A_578 : f32 to vector<16xf32>
        %parallel_loop3A_580 = arith.mulf %parallel_loop3A_579, %parallel_loop3A_560 : vector<16xf32>
        %parallel_loop3A_581 = arith.mulf %parallel_loop3A_580, %parallel_loop3A_577 : vector<16xf32>
        %parallel_loop3A_582 = arith.mulf %parallel_loop3A_581, %parallel_loop3A_577 : vector<16xf32>
        %parallel_loop3A_583 = arith.constant 1.500000e+00 : f32
        %parallel_loop3A_584 = vector.broadcast %parallel_loop3A_583 : f32 to vector<16xf32>
        %parallel_loop3A_585 = arith.subf %parallel_loop3A_584, %parallel_loop3A_582 : vector<16xf32>
        %parallel_loop3A_586 = arith.mulf %parallel_loop3A_577, %parallel_loop3A_585 : vector<16xf32>
        %parallel_loop3A_587 = arith.mulf %parallel_loop3A_476, %parallel_loop3A_586 : vector<16xf32>
        %parallel_loop3A_588 = arith.constant 3 : i32
        %parallel_loop3A_589 = arith.index_cast %parallel_loop3A_588 : i32 to index
        %parallel_loop3A_590 = arith.index_cast %parallel_loop3A_470 : i32 to index
        %parallel_loop3A_591 = arith.constant 0 : index
        %parallel_loop3A_592 = tpu.vector_load %arg6[%parallel_loop3A_589, %parallel_loop3A_590, %parallel_loop3A_591] {strides = array<i32>} : memref<5x256x64xf32, #tpu.memory_space<vmem>>, vector<1x1x16xf32>,
        %parallel_loop3A_593 = vector.shape_cast %parallel_loop3A_592 : vector<1x1x16xf32> to vector<16xf32>
        %parallel_loop3A_594 = vector.shape_cast %parallel_loop3A_587 : vector<16xf32> to vector<1x1x16xf32>
        tpu.vector_store %arg6[%parallel_loop3A_589, %parallel_loop3A_590, %parallel_loop3A_591], %parallel_loop3A_594 {strides = array<i32>} : memref<5x256x64xf32, #tpu.memory_space<vmem>>, vector<1x1x16xf32>,
        %parallel_loop3A_595 = arith.mulf %parallel_loop3A_482, %parallel_loop3A_586 : vector<16xf32>
        %parallel_loop3A_596 = arith.constant 3 : i32
        %parallel_loop3A_597 = arith.index_cast %parallel_loop3A_596 : i32 to index
        %parallel_loop3A_598 = arith.index_cast %parallel_loop3A_470 : i32 to index
        %parallel_loop3A_599 = arith.constant 16 : index
        %parallel_loop3A_600 = tpu.vector_load %arg6[%parallel_loop3A_597, %parallel_loop3A_598, %parallel_loop3A_599] {strides = array<i32>} : memref<5x256x64xf32, #tpu.memory_space<vmem>>, vector<1x1x16xf32>,
        %parallel_loop3A_601 = vector.shape_cast %parallel_loop3A_600 : vector<1x1x16xf32> to vector<16xf32>
        %parallel_loop3A_602 = vector.shape_cast %parallel_loop3A_595 : vector<16xf32> to vector<1x1x16xf32>
        tpu.vector_store %arg6[%parallel_loop3A_597, %parallel_loop3A_598, %parallel_loop3A_599], %parallel_loop3A_602 {strides = array<i32>} : memref<5x256x64xf32, #tpu.memory_space<vmem>>, vector<1x1x16xf32>,
        %parallel_loop3A_603 = arith.mulf %parallel_loop3A_488, %parallel_loop3A_586 : vector<16xf32>
        %parallel_loop3A_604 = arith.constant 3 : i32
        %parallel_loop3A_605 = arith.index_cast %parallel_loop3A_604 : i32 to index
        %parallel_loop3A_606 = arith.index_cast %parallel_loop3A_470 : i32 to index
        %parallel_loop3A_607 = arith.constant 32 : index
        %parallel_loop3A_608 = tpu.vector_load %arg6[%parallel_loop3A_605, %parallel_loop3A_606, %parallel_loop3A_607] {strides = array<i32>} : memref<5x256x64xf32, #tpu.memory_space<vmem>>, vector<1x1x16xf32>,
        %parallel_loop3A_609 = vector.shape_cast %parallel_loop3A_608 : vector<1x1x16xf32> to vector<16xf32>
        %parallel_loop3A_610 = vector.shape_cast %parallel_loop3A_603 : vector<16xf32> to vector<1x1x16xf32>
        tpu.vector_store %arg6[%parallel_loop3A_605, %parallel_loop3A_606, %parallel_loop3A_607], %parallel_loop3A_610 {strides = array<i32>} : memref<5x256x64xf32, #tpu.memory_space<vmem>>, vector<1x1x16xf32>,
        %parallel_loop3A_611 = arith.mulf %parallel_loop3A_494, %parallel_loop3A_586 : vector<16xf32>
        %parallel_loop3A_612 = arith.constant 3 : i32
        %parallel_loop3A_613 = arith.index_cast %parallel_loop3A_612 : i32 to index
        %parallel_loop3A_614 = arith.index_cast %parallel_loop3A_470 : i32 to index
        %parallel_loop3A_615 = arith.constant 48 : index
        %parallel_loop3A_616 = tpu.vector_load %arg6[%parallel_loop3A_613, %parallel_loop3A_614, %parallel_loop3A_615] {strides = array<i32>} : memref<5x256x64xf32, #tpu.memory_space<vmem>>, vector<1x1x16xf32>,
        %parallel_loop3A_617 = vector.shape_cast %parallel_loop3A_616 : vector<1x1x16xf32> to vector<16xf32>
        %parallel_loop3A_618 = vector.shape_cast %parallel_loop3A_611 : vector<16xf32> to vector<1x1x16xf32>
        tpu.vector_store %arg6[%parallel_loop3A_613, %parallel_loop3A_614, %parallel_loop3A_615], %parallel_loop3A_618 {strides = array<i32>} : memref<5x256x64xf32, #tpu.memory_space<vmem>>, vector<1x1x16xf32>,
      } {sc.loop_unroll_factor = 8 : i64, sc.parallel_access}
      %mul3A_398 = arith.constant 25600 : i32
      %mul3A_399 = arith.muli %add3A, %mul3A_398 : i32
      %mul3A_400 = arith.constant 256 : i32
      %mul3A_401 = arith.muli %add3A_379, %mul3A_400 : i32
      %add3A_402 = arith.addi %mul3A_399, %mul3A_401 : i32
      %dma_start3A_403 = arith.constant 3 : i32
      %dma_start3A_404 = arith.constant 0 : i32
      %dma_start3A_405 = arith.constant 0 : i32
      %dma_start3A_406 = tpu.memref_slice %arg6[%dma_start3A_403, %dma_start3A_404, %dma_start3A_405] : memref<5x256x64xf32, #tpu.memory_space<vmem>> -> memref<1x256x64xf32, #tpu.memory_space<vmem>>
      %dma_start3A_407 = tpu.memref_squeeze %dma_start3A_406 : memref<1x256x64xf32, #tpu.memory_space<vmem>> -> memref<256x64xf32, #tpu.memory_space<vmem>>
      %dma_start3A_408 = arith.constant 0 : i32
      %dma_start3A_409 = tpu.memref_slice %arg4[%add3A_402, %dma_start3A_408] : memref<819200x64xf32, #tpu.memory_space<hbm>> -> memref<256x64xf32, #tpu.memory_space<hbm>>
      %dma_start3A_410 = arith.constant 0 : i32
      %dma_start3A_411 = tpu.memref_slice %arg4[%add3A_402, %dma_start3A_410] : memref<819200x64xf32, #tpu.memory_space<hbm>> -> memref<256x64xf32, #tpu.memory_space<hbm>>
      %dma_start3A_412 = arith.constant 0 : i32
      %dma_start3A_413 = arith.constant 0 : i32
      %dma_start3A_414 = tpu.memref_slice %arg6[%dma_start3A_403, %dma_start3A_412, %dma_start3A_413] : memref<5x256x64xf32, #tpu.memory_space<vmem>> -> memref<1x256x64xf32, #tpu.memory_space<vmem>>
      %dma_start3A_415 = tpu.memref_squeeze %dma_start3A_414 : memref<1x256x64xf32, #tpu.memory_space<vmem>> -> memref<256x64xf32, #tpu.memory_space<vmem>>
      tpu.enqueue_dma source(%dma_start3A_415 : memref<256x64xf32, #tpu.memory_space<vmem>>) target(%dma_start3A_411 : memref<256x64xf32, #tpu.memory_space<hbm>>) target_semaphore(%arg15 : memref<!tpu.dma_semaphore, #tpu.memory_space<semaphore_mem>>)
      %add3A_416 = arith.constant 2 : i32
      %add3A_417 = arith.addi %add3A_379, %add3A_416 : i32
      %lt3A = arith.constant 19 : i32
      %lt3A_418 = arith.cmpi slt, %scan3A_141, %lt3A : i32
      %convert_element_type3A_419 = arith.extui %lt3A_418 : i1 to i32
      %cond3A_420 = arith.constant 0 : i32
      %cond3A_421 = arith.cmpi ne, %convert_element_type3A_419, %cond3A_420 : i32
      scf.if %cond3A_421 {
        %dma_wait3A_470 = arith.constant 0 : i32
        %dma_wait3A_471 = arith.constant 0 : i32
        %dma_wait3A_472 = arith.constant 0 : i32
        %dma_wait3A_473 = tpu.memref_slice %arg6[%dma_wait3A_470, %dma_wait3A_471, %dma_wait3A_472] : memref<5x256x64xf32, #tpu.memory_space<vmem>> -> memref<1x256x64xf32, #tpu.memory_space<vmem>>
        %dma_wait3A_474 = tpu.memref_squeeze %dma_wait3A_473 : memref<1x256x64xf32, #tpu.memory_space<vmem>> -> memref<256x64xf32, #tpu.memory_space<vmem>>
        %dma_wait3A_475 = arith.constant 0 : i32
        %dma_wait3A_476 = arith.constant 0 : i32
        %dma_wait3A_477 = tpu.memref_slice %arg4[%dma_wait3A_475, %dma_wait3A_476] : memref<819200x64xf32, #tpu.memory_space<hbm>> -> memref<256x64xf32, #tpu.memory_space<hbm>>
        %dma_wait3A_478 = arith.constant 0 : i32
        %dma_wait3A_479 = arith.constant 0 : i32
        %dma_wait3A_480 = tpu.memref_slice %arg4[%dma_wait3A_478, %dma_wait3A_479] : memref<819200x64xf32, #tpu.memory_space<hbm>> -> memref<256x64xf32, #tpu.memory_space<hbm>>
        %dma_wait3A_481 = arith.constant 0 : i32
        %dma_wait3A_482 = arith.constant 0 : i32
        %dma_wait3A_483 = tpu.memref_slice %arg6[%dma_wait3A_470, %dma_wait3A_481, %dma_wait3A_482] : memref<5x256x64xf32, #tpu.memory_space<vmem>> -> memref<1x256x64xf32, #tpu.memory_space<vmem>>
        %dma_wait3A_484 = tpu.memref_squeeze %dma_wait3A_483 : memref<1x256x64xf32, #tpu.memory_space<vmem>> -> memref<256x64xf32, #tpu.memory_space<vmem>>
        tpu.wait_dma2 semaphore(%arg12 : memref<!tpu.dma_semaphore, #tpu.memory_space<semaphore_mem>>) src(%dma_wait3A_484 : memref<256x64xf32, #tpu.memory_space<vmem>>) dst(%dma_wait3A_480 : memref<256x64xf32, #tpu.memory_space<hbm>>)
        %mul3A_485 = arith.constant 200 : i32
        %mul3A_486 = arith.muli %add3A, %mul3A_485 : i32
        %mul3A_487 = arith.constant 2 : i32
        %mul3A_488 = arith.muli %add3A_417, %mul3A_487 : i32
        %add3A_489 = arith.addi %mul3A_486, %mul3A_488 : i32
        %run_scoped3A_490 = arith.constant 0 : i32
        "tpu.region"() ({
          %run_scoped3A_517 = tpu.sem_alloc : memref<!tpu.dma_semaphore, #tpu.memory_space<semaphore_mem>>
          %dma_start3A_518 = arith.constant 0 : i32
          %dma_start3A_519 = arith.constant 0 : i32
          %dma_start3A_520 = tpu.memref_slice %arg5[%run_scoped3A_490, %dma_start3A_518, %dma_start3A_519] : memref<5x2x128xi32, #tpu.memory_space<vmem>> -> memref<1x2x128xi32, #tpu.memory_space<vmem>>
          %dma_start3A_521 = tpu.memref_squeeze %dma_start3A_520 : memref<1x2x128xi32, #tpu.memory_space<vmem>> -> memref<2x128xi32, #tpu.memory_space<vmem>>
          %dma_start3A_522 = arith.constant 0 : i32
          %dma_start3A_523 = tpu.memref_slice %arg2[%add3A_489, %dma_start3A_522] : memref<6400x128xi32, #tpu.memory_space<hbm>> -> memref<2x128xi32, #tpu.memory_space<hbm>>
          %dma_start3A_524 = arith.constant 0 : i32
          %dma_start3A_525 = arith.constant 0 : i32
          %dma_start3A_526 = tpu.memref_slice %arg5[%run_scoped3A_490, %dma_start3A_524, %dma_start3A_525] : memref<5x2x128xi32, #tpu.memory_space<vmem>> -> memref<1x2x128xi32, #tpu.memory_space<vmem>>
          %dma_start3A_527 = tpu.memref_squeeze %dma_start3A_526 : memref<1x2x128xi32, #tpu.memory_space<vmem>> -> memref<2x128xi32, #tpu.memory_space<vmem>>
          %dma_start3A_528 = arith.constant 0 : i32
          %dma_start3A_529 = tpu.memref_slice %arg2[%add3A_489, %dma_start3A_528] : memref<6400x128xi32, #tpu.memory_space<hbm>> -> memref<2x128xi32, #tpu.memory_space<hbm>>
          tpu.enqueue_dma source(%dma_start3A_529 : memref<2x128xi32, #tpu.memory_space<hbm>>) target(%dma_start3A_527 : memref<2x128xi32, #tpu.memory_space<vmem>>) target_semaphore(%run_scoped3A_517 : memref<!tpu.dma_semaphore, #tpu.memory_space<semaphore_mem>>)
          %dma_wait3A_530 = arith.constant 0 : i32
          %dma_wait3A_531 = arith.constant 0 : i32
          %dma_wait3A_532 = tpu.memref_slice %arg5[%run_scoped3A_490, %dma_wait3A_530, %dma_wait3A_531] : memref<5x2x128xi32, #tpu.memory_space<vmem>> -> memref<1x2x128xi32, #tpu.memory_space<vmem>>
          %dma_wait3A_533 = tpu.memref_squeeze %dma_wait3A_532 : memref<1x2x128xi32, #tpu.memory_space<vmem>> -> memref<2x128xi32, #tpu.memory_space<vmem>>
          %dma_wait3A_534 = arith.constant 0 : i32
          %dma_wait3A_535 = tpu.memref_slice %arg2[%add3A_489, %dma_wait3A_534] : memref<6400x128xi32, #tpu.memory_space<hbm>> -> memref<2x128xi32, #tpu.memory_space<hbm>>
          %dma_wait3A_536 = arith.constant 0 : i32
          %dma_wait3A_537 = arith.constant 0 : i32
          %dma_wait3A_538 = tpu.memref_slice %arg5[%run_scoped3A_490, %dma_wait3A_536, %dma_wait3A_537] : memref<5x2x128xi32, #tpu.memory_space<vmem>> -> memref<1x2x128xi32, #tpu.memory_space<vmem>>
          %dma_wait3A_539 = tpu.memref_squeeze %dma_wait3A_538 : memref<1x2x128xi32, #tpu.memory_space<vmem>> -> memref<2x128xi32, #tpu.memory_space<vmem>>
          %dma_wait3A_540 = arith.constant 0 : i32
          %dma_wait3A_541 = tpu.memref_slice %arg2[%add3A_489, %dma_wait3A_540] : memref<6400x128xi32, #tpu.memory_space<hbm>> -> memref<2x128xi32, #tpu.memory_space<hbm>>
          tpu.wait_dma2 semaphore(%run_scoped3A_517 : memref<!tpu.dma_semaphore, #tpu.memory_space<semaphore_mem>>) src(%dma_wait3A_541 : memref<2x128xi32, #tpu.memory_space<hbm>>) dst(%dma_wait3A_539 : memref<2x128xi32, #tpu.memory_space<vmem>>)
          tpu.yield
        }) : () -> ()
        %dma_start3A_491 = arith.constant 0 : i32
        %dma_start3A_492 = arith.constant 0 : i32
        %dma_start3A_493 = arith.constant 0 : i32
        %dma_start3A_494 = arith.constant 0 : i32
        %dma_start3A_495 = arith.constant 0 : i32
        %dma_start3A_496 = tpu.memref_slice %arg6[%dma_start3A_493, %dma_start3A_494, %dma_start3A_495] : memref<5x256x64xf32, #tpu.memory_space<vmem>> -> memref<1x128x64xf32, #tpu.memory_space<vmem>>
        %dma_start3A_497 = tpu.memref_squeeze %dma_start3A_496 : memref<1x128x64xf32, #tpu.memory_space<vmem>> -> memref<128x64xf32, #tpu.memory_space<vmem>>
        %dma_start3A_498 = arith.constant 0 : i32
        %dma_start3A_499 = tpu.memref_slice %arg5[%dma_start3A_491, %dma_start3A_492, %dma_start3A_498] : memref<5x2x128xi32, #tpu.memory_space<vmem>> -> memref<1x1x128xi32, #tpu.memory_space<vmem>>
        %dma_start3A_500 = tpu.memref_squeeze %dma_start3A_499 : memref<1x1x128xi32, #tpu.memory_space<vmem>> -> memref<128xi32, #tpu.memory_space<vmem>>
        %dma_start3A_501 = arith.constant 0 : i32
        %dma_start3A_502 = arith.constant 0 : i32
        %dma_start3A_503 = tpu.memref_slice %arg3[%dma_start3A_501, %dma_start3A_502] : memref<1000000x64xf32, #tpu.memory_space<hbm>> -> memref<1000000x64xf32, #tpu.memory_space<hbm>>
        tpu.enqueue_indirect_dma source(%dma_start3A_503 : memref<1000000x64xf32, #tpu.memory_space<hbm>>) target(%dma_start3A_497 : memref<128x64xf32, #tpu.memory_space<vmem>>) offsets(%dma_start3A_500 : memref<128xi32, #tpu.memory_space<vmem>>) semaphore(%arg7 : memref<!tpu.dma_semaphore, #tpu.memory_space<semaphore_mem>>)
        %dma_start3A_504 = arith.constant 0 : i32
        %dma_start3A_505 = arith.constant 1 : i32
        %dma_start3A_506 = arith.constant 0 : i32
        %dma_start3A_507 = arith.constant 128 : i32
        %dma_start3A_508 = arith.constant 0 : i32
        %dma_start3A_509 = tpu.memref_slice %arg6[%dma_start3A_506, %dma_start3A_507, %dma_start3A_508] : memref<5x256x64xf32, #tpu.memory_space<vmem>> -> memref<1x128x64xf32, #tpu.memory_space<vmem>>
        %dma_start3A_510 = tpu.memref_squeeze %dma_start3A_509 : memref<1x128x64xf32, #tpu.memory_space<vmem>> -> memref<128x64xf32, #tpu.memory_space<vmem>>
        %dma_start3A_511 = arith.constant 0 : i32
        %dma_start3A_512 = tpu.memref_slice %arg5[%dma_start3A_504, %dma_start3A_505, %dma_start3A_511] : memref<5x2x128xi32, #tpu.memory_space<vmem>> -> memref<1x1x128xi32, #tpu.memory_space<vmem>>
        %dma_start3A_513 = tpu.memref_squeeze %dma_start3A_512 : memref<1x1x128xi32, #tpu.memory_space<vmem>> -> memref<128xi32, #tpu.memory_space<vmem>>
        %dma_start3A_514 = arith.constant 0 : i32
        %dma_start3A_515 = arith.constant 0 : i32
        %dma_start3A_516 = tpu.memref_slice %arg3[%dma_start3A_514, %dma_start3A_515] : memref<1000000x64xf32, #tpu.memory_space<hbm>> -> memref<1000000x64xf32, #tpu.memory_space<hbm>>
        tpu.enqueue_indirect_dma source(%dma_start3A_516 : memref<1000000x64xf32, #tpu.memory_space<hbm>>) target(%dma_start3A_510 : memref<128x64xf32, #tpu.memory_space<vmem>>) offsets(%dma_start3A_513 : memref<128xi32, #tpu.memory_space<vmem>>) semaphore(%arg7 : memref<!tpu.dma_semaphore, #tpu.memory_space<semaphore_mem>>)
      } else {
      }
      %mul3A_422 = arith.constant 5 : i32
      %mul3A_423 = arith.muli %mul3A_422, %scan3A_141 : i32
      %add3A_424 = arith.constant 4 : i32
      %add3A_425 = arith.addi %mul3A_423, %add3A_424 : i32
      %dma_wait3A_426 = arith.constant 4 : i32
      %dma_wait3A_427 = arith.constant 0 : i32
      %dma_wait3A_428 = arith.constant 0 : i32
      %dma_wait3A_429 = tpu.memref_slice %arg6[%dma_wait3A_426, %dma_wait3A_427, %dma_wait3A_428] : memref<5x256x64xf32, #tpu.memory_space<vmem>> -> memref<1x256x64xf32, #tpu.memory_space<vmem>>
      %dma_wait3A_430 = tpu.memref_squeeze %dma_wait3A_429 : memref<1x256x64xf32, #tpu.memory_space<vmem>> -> memref<256x64xf32, #tpu.memory_space<vmem>>
      %dma_wait3A_431 = arith.constant 0 : i32
      %dma_wait3A_432 = arith.constant 0 : i32
      %dma_wait3A_433 = tpu.memref_slice %arg4[%dma_wait3A_431, %dma_wait3A_432] : memref<819200x64xf32, #tpu.memory_space<hbm>> -> memref<256x64xf32, #tpu.memory_space<hbm>>
      %dma_wait3A_434 = arith.constant 0 : i32
      %dma_wait3A_435 = arith.constant 0 : i32
      %dma_wait3A_436 = tpu.memref_slice %arg6[%dma_wait3A_426, %dma_wait3A_434, %dma_wait3A_435] : memref<5x256x64xf32, #tpu.memory_space<vmem>> -> memref<1x256x64xf32, #tpu.memory_space<vmem>>
      %dma_wait3A_437 = tpu.memref_squeeze %dma_wait3A_436 : memref<1x256x64xf32, #tpu.memory_space<vmem>> -> memref<256x64xf32, #tpu.memory_space<vmem>>
      %dma_wait3A_438 = arith.constant 0 : i32
      %dma_wait3A_439 = arith.constant 0 : i32
      %dma_wait3A_440 = tpu.memref_slice %arg4[%dma_wait3A_438, %dma_wait3A_439] : memref<819200x64xf32, #tpu.memory_space<hbm>> -> memref<256x64xf32, #tpu.memory_space<hbm>>
      tpu.wait_dma2 semaphore(%arg11 : memref<!tpu.dma_semaphore, #tpu.memory_space<semaphore_mem>>) src(%dma_wait3A_440 : memref<256x64xf32, #tpu.memory_space<hbm>>) dst(%dma_wait3A_437 : memref<256x64xf32, #tpu.memory_space<vmem>>)
      %parallel_loop3A_441 = arith.constant 0 : i32
      %parallel_loop3A_442 = arith.constant 256 : i32
      %parallel_loop3A_443 = arith.constant 1 : i32
      scf.for %parallel_loop3A_470 = %parallel_loop3A_441 to %parallel_loop3A_442 step %parallel_loop3A_443  : i32 {
        %parallel_loop3A_471 = arith.constant 4 : i32
        %parallel_loop3A_472 = arith.index_cast %parallel_loop3A_471 : i32 to index
        %parallel_loop3A_473 = arith.index_cast %parallel_loop3A_470 : i32 to index
        %parallel_loop3A_474 = arith.constant 0 : index
        %parallel_loop3A_475 = tpu.vector_load %arg6[%parallel_loop3A_472, %parallel_loop3A_473, %parallel_loop3A_474] {strides = array<i32>} : memref<5x256x64xf32, #tpu.memory_space<vmem>>, vector<1x1x16xf32>,
        %parallel_loop3A_476 = vector.shape_cast %parallel_loop3A_475 : vector<1x1x16xf32> to vector<16xf32>
        %parallel_loop3A_477 = arith.constant 4 : i32
        %parallel_loop3A_478 = arith.index_cast %parallel_loop3A_477 : i32 to index
        %parallel_loop3A_479 = arith.index_cast %parallel_loop3A_470 : i32 to index
        %parallel_loop3A_480 = arith.constant 16 : index
        %parallel_loop3A_481 = tpu.vector_load %arg6[%parallel_loop3A_478, %parallel_loop3A_479, %parallel_loop3A_480] {strides = array<i32>} : memref<5x256x64xf32, #tpu.memory_space<vmem>>, vector<1x1x16xf32>,
        %parallel_loop3A_482 = vector.shape_cast %parallel_loop3A_481 : vector<1x1x16xf32> to vector<16xf32>
        %parallel_loop3A_483 = arith.constant 4 : i32
        %parallel_loop3A_484 = arith.index_cast %parallel_loop3A_483 : i32 to index
        %parallel_loop3A_485 = arith.index_cast %parallel_loop3A_470 : i32 to index
        %parallel_loop3A_486 = arith.constant 32 : index
        %parallel_loop3A_487 = tpu.vector_load %arg6[%parallel_loop3A_484, %parallel_loop3A_485, %parallel_loop3A_486] {strides = array<i32>} : memref<5x256x64xf32, #tpu.memory_space<vmem>>, vector<1x1x16xf32>,
        %parallel_loop3A_488 = vector.shape_cast %parallel_loop3A_487 : vector<1x1x16xf32> to vector<16xf32>
        %parallel_loop3A_489 = arith.constant 4 : i32
        %parallel_loop3A_490 = arith.index_cast %parallel_loop3A_489 : i32 to index
        %parallel_loop3A_491 = arith.index_cast %parallel_loop3A_470 : i32 to index
        %parallel_loop3A_492 = arith.constant 48 : index
        %parallel_loop3A_493 = tpu.vector_load %arg6[%parallel_loop3A_490, %parallel_loop3A_491, %parallel_loop3A_492] {strides = array<i32>} : memref<5x256x64xf32, #tpu.memory_space<vmem>>, vector<1x1x16xf32>,
        %parallel_loop3A_494 = vector.shape_cast %parallel_loop3A_493 : vector<1x1x16xf32> to vector<16xf32>
        %parallel_loop3A_495 = arith.mulf %parallel_loop3A_476, %parallel_loop3A_476 : vector<16xf32>
        %parallel_loop3A_496 = arith.mulf %parallel_loop3A_482, %parallel_loop3A_482 : vector<16xf32>
        %parallel_loop3A_497 = arith.addf %parallel_loop3A_495, %parallel_loop3A_496 : vector<16xf32>
        %parallel_loop3A_498 = arith.mulf %parallel_loop3A_488, %parallel_loop3A_488 : vector<16xf32>
        %parallel_loop3A_499 = arith.addf %parallel_loop3A_497, %parallel_loop3A_498 : vector<16xf32>
        %parallel_loop3A_500 = arith.mulf %parallel_loop3A_494, %parallel_loop3A_494 : vector<16xf32>
        %parallel_loop3A_501 = arith.addf %parallel_loop3A_499, %parallel_loop3A_500 : vector<16xf32>
        %parallel_loop3A_502 = arith.constant 8 : i32
        %parallel_loop3A_503 = vector.broadcast %parallel_loop3A_502 : i32 to vector<16xi32>
        %parallel_loop3A_504 = arith.xori %iota3A, %parallel_loop3A_503 : vector<16xi32>
        %parallel_loop3A_505 = arith.constant 0 : i32
        %parallel_loop3A_506 = vector.broadcast %parallel_loop3A_505 : i32 to vector<16xi32>
        %parallel_loop3A_507 = arith.cmpi slt, %parallel_loop3A_504, %parallel_loop3A_506 : vector<16xi32>
        %parallel_loop3A_508 = arith.constant 16 : i32
        %parallel_loop3A_509 = vector.broadcast %parallel_loop3A_508 : i32 to vector<16xi32>
        %parallel_loop3A_510 = arith.addi %parallel_loop3A_504, %parallel_loop3A_509 : vector<16xi32>
        %parallel_loop3A_511 = arith.select %parallel_loop3A_507, %parallel_loop3A_510, %parallel_loop3A_504 : vector<16xi1>, vector<16xi32>
        %parallel_loop3A_512 = vector.shape_cast %parallel_loop3A_511 : vector<16xi32> to vector<16x1xi32>
        %parallel_loop3A_513 = vector.shape_cast %parallel_loop3A_512 : vector<16x1xi32> to vector<16xi32>
        %parallel_loop3A_514 = tpu.dynamic_gather %parallel_loop3A_501[%parallel_loop3A_513] in [0] : vector<16xf32>, vector<16xi32> -> vector<16xf32>
        %parallel_loop3A_515 = arith.addf %parallel_loop3A_501, %parallel_loop3A_514 : vector<16xf32>
        %parallel_loop3A_516 = arith.constant 4 : i32
        %parallel_loop3A_517 = vector.broadcast %parallel_loop3A_516 : i32 to vector<16xi32>
        %parallel_loop3A_518 = arith.xori %iota3A, %parallel_loop3A_517 : vector<16xi32>
        %parallel_loop3A_519 = arith.constant 0 : i32
        %parallel_loop3A_520 = vector.broadcast %parallel_loop3A_519 : i32 to vector<16xi32>
        %parallel_loop3A_521 = arith.cmpi slt, %parallel_loop3A_518, %parallel_loop3A_520 : vector<16xi32>
        %parallel_loop3A_522 = arith.constant 16 : i32
        %parallel_loop3A_523 = vector.broadcast %parallel_loop3A_522 : i32 to vector<16xi32>
        %parallel_loop3A_524 = arith.addi %parallel_loop3A_518, %parallel_loop3A_523 : vector<16xi32>
        %parallel_loop3A_525 = arith.select %parallel_loop3A_521, %parallel_loop3A_524, %parallel_loop3A_518 : vector<16xi1>, vector<16xi32>
        %parallel_loop3A_526 = vector.shape_cast %parallel_loop3A_525 : vector<16xi32> to vector<16x1xi32>
        %parallel_loop3A_527 = vector.shape_cast %parallel_loop3A_526 : vector<16x1xi32> to vector<16xi32>
        %parallel_loop3A_528 = tpu.dynamic_gather %parallel_loop3A_515[%parallel_loop3A_527] in [0] : vector<16xf32>, vector<16xi32> -> vector<16xf32>
        %parallel_loop3A_529 = arith.addf %parallel_loop3A_515, %parallel_loop3A_528 : vector<16xf32>
        %parallel_loop3A_530 = arith.constant 2 : i32
        %parallel_loop3A_531 = vector.broadcast %parallel_loop3A_530 : i32 to vector<16xi32>
        %parallel_loop3A_532 = arith.xori %iota3A, %parallel_loop3A_531 : vector<16xi32>
        %parallel_loop3A_533 = arith.constant 0 : i32
        %parallel_loop3A_534 = vector.broadcast %parallel_loop3A_533 : i32 to vector<16xi32>
        %parallel_loop3A_535 = arith.cmpi slt, %parallel_loop3A_532, %parallel_loop3A_534 : vector<16xi32>
        %parallel_loop3A_536 = arith.constant 16 : i32
        %parallel_loop3A_537 = vector.broadcast %parallel_loop3A_536 : i32 to vector<16xi32>
        %parallel_loop3A_538 = arith.addi %parallel_loop3A_532, %parallel_loop3A_537 : vector<16xi32>
        %parallel_loop3A_539 = arith.select %parallel_loop3A_535, %parallel_loop3A_538, %parallel_loop3A_532 : vector<16xi1>, vector<16xi32>
        %parallel_loop3A_540 = vector.shape_cast %parallel_loop3A_539 : vector<16xi32> to vector<16x1xi32>
        %parallel_loop3A_541 = vector.shape_cast %parallel_loop3A_540 : vector<16x1xi32> to vector<16xi32>
        %parallel_loop3A_542 = tpu.dynamic_gather %parallel_loop3A_529[%parallel_loop3A_541] in [0] : vector<16xf32>, vector<16xi32> -> vector<16xf32>
        %parallel_loop3A_543 = arith.addf %parallel_loop3A_529, %parallel_loop3A_542 : vector<16xf32>
        %parallel_loop3A_544 = arith.constant 1 : i32
        %parallel_loop3A_545 = vector.broadcast %parallel_loop3A_544 : i32 to vector<16xi32>
        %parallel_loop3A_546 = arith.xori %iota3A, %parallel_loop3A_545 : vector<16xi32>
        %parallel_loop3A_547 = arith.constant 0 : i32
        %parallel_loop3A_548 = vector.broadcast %parallel_loop3A_547 : i32 to vector<16xi32>
        %parallel_loop3A_549 = arith.cmpi slt, %parallel_loop3A_546, %parallel_loop3A_548 : vector<16xi32>
        %parallel_loop3A_550 = arith.constant 16 : i32
        %parallel_loop3A_551 = vector.broadcast %parallel_loop3A_550 : i32 to vector<16xi32>
        %parallel_loop3A_552 = arith.addi %parallel_loop3A_546, %parallel_loop3A_551 : vector<16xi32>
        %parallel_loop3A_553 = arith.select %parallel_loop3A_549, %parallel_loop3A_552, %parallel_loop3A_546 : vector<16xi1>, vector<16xi32>
        %parallel_loop3A_554 = vector.shape_cast %parallel_loop3A_553 : vector<16xi32> to vector<16x1xi32>
        %parallel_loop3A_555 = vector.shape_cast %parallel_loop3A_554 : vector<16x1xi32> to vector<16xi32>
        %parallel_loop3A_556 = tpu.dynamic_gather %parallel_loop3A_543[%parallel_loop3A_555] in [0] : vector<16xf32>, vector<16xi32> -> vector<16xf32>
        %parallel_loop3A_557 = arith.addf %parallel_loop3A_543, %parallel_loop3A_556 : vector<16xf32>
        %parallel_loop3A_558 = arith.constant 1.000000e-24 : f32
        %parallel_loop3A_559 = vector.broadcast %parallel_loop3A_558 : f32 to vector<16xf32>
        %parallel_loop3A_560 = arith.maximumf %parallel_loop3A_557, %parallel_loop3A_559 : vector<16xf32>
        %parallel_loop3A_561 = tpu.bitcast %parallel_loop3A_560 : vector<16xf32> -> vector<16xi32>
        %parallel_loop3A_562 = arith.constant 1 : i32
        %parallel_loop3A_563 = vector.broadcast %parallel_loop3A_562 : i32 to vector<16xi32>
        %parallel_loop3A_564 = arith.shrsi %parallel_loop3A_561, %parallel_loop3A_563 : vector<16xi32>
        %parallel_loop3A_565 = arith.constant 1597463007 : i32
        %parallel_loop3A_566 = vector.broadcast %parallel_loop3A_565 : i32 to vector<16xi32>
        %parallel_loop3A_567 = arith.subi %parallel_loop3A_566, %parallel_loop3A_564 : vector<16xi32>
        %parallel_loop3A_568 = tpu.bitcast %parallel_loop3A_567 : vector<16xi32> -> vector<16xf32>
        %parallel_loop3A_569 = arith.constant 5.000000e-01 : f32
        %parallel_loop3A_570 = vector.broadcast %parallel_loop3A_569 : f32 to vector<16xf32>
        %parallel_loop3A_571 = arith.mulf %parallel_loop3A_570, %parallel_loop3A_560 : vector<16xf32>
        %parallel_loop3A_572 = arith.mulf %parallel_loop3A_571, %parallel_loop3A_568 : vector<16xf32>
        %parallel_loop3A_573 = arith.mulf %parallel_loop3A_572, %parallel_loop3A_568 : vector<16xf32>
        %parallel_loop3A_574 = arith.constant 1.500000e+00 : f32
        %parallel_loop3A_575 = vector.broadcast %parallel_loop3A_574 : f32 to vector<16xf32>
        %parallel_loop3A_576 = arith.subf %parallel_loop3A_575, %parallel_loop3A_573 : vector<16xf32>
        %parallel_loop3A_577 = arith.mulf %parallel_loop3A_568, %parallel_loop3A_576 : vector<16xf32>
        %parallel_loop3A_578 = arith.constant 5.000000e-01 : f32
        %parallel_loop3A_579 = vector.broadcast %parallel_loop3A_578 : f32 to vector<16xf32>
        %parallel_loop3A_580 = arith.mulf %parallel_loop3A_579, %parallel_loop3A_560 : vector<16xf32>
        %parallel_loop3A_581 = arith.mulf %parallel_loop3A_580, %parallel_loop3A_577 : vector<16xf32>
        %parallel_loop3A_582 = arith.mulf %parallel_loop3A_581, %parallel_loop3A_577 : vector<16xf32>
        %parallel_loop3A_583 = arith.constant 1.500000e+00 : f32
        %parallel_loop3A_584 = vector.broadcast %parallel_loop3A_583 : f32 to vector<16xf32>
        %parallel_loop3A_585 = arith.subf %parallel_loop3A_584, %parallel_loop3A_582 : vector<16xf32>
        %parallel_loop3A_586 = arith.mulf %parallel_loop3A_577, %parallel_loop3A_585 : vector<16xf32>
        %parallel_loop3A_587 = arith.mulf %parallel_loop3A_476, %parallel_loop3A_586 : vector<16xf32>
        %parallel_loop3A_588 = arith.constant 4 : i32
        %parallel_loop3A_589 = arith.index_cast %parallel_loop3A_588 : i32 to index
        %parallel_loop3A_590 = arith.index_cast %parallel_loop3A_470 : i32 to index
        %parallel_loop3A_591 = arith.constant 0 : index
        %parallel_loop3A_592 = tpu.vector_load %arg6[%parallel_loop3A_589, %parallel_loop3A_590, %parallel_loop3A_591] {strides = array<i32>} : memref<5x256x64xf32, #tpu.memory_space<vmem>>, vector<1x1x16xf32>,
        %parallel_loop3A_593 = vector.shape_cast %parallel_loop3A_592 : vector<1x1x16xf32> to vector<16xf32>
        %parallel_loop3A_594 = vector.shape_cast %parallel_loop3A_587 : vector<16xf32> to vector<1x1x16xf32>
        tpu.vector_store %arg6[%parallel_loop3A_589, %parallel_loop3A_590, %parallel_loop3A_591], %parallel_loop3A_594 {strides = array<i32>} : memref<5x256x64xf32, #tpu.memory_space<vmem>>, vector<1x1x16xf32>,
        %parallel_loop3A_595 = arith.mulf %parallel_loop3A_482, %parallel_loop3A_586 : vector<16xf32>
        %parallel_loop3A_596 = arith.constant 4 : i32
        %parallel_loop3A_597 = arith.index_cast %parallel_loop3A_596 : i32 to index
        %parallel_loop3A_598 = arith.index_cast %parallel_loop3A_470 : i32 to index
        %parallel_loop3A_599 = arith.constant 16 : index
        %parallel_loop3A_600 = tpu.vector_load %arg6[%parallel_loop3A_597, %parallel_loop3A_598, %parallel_loop3A_599] {strides = array<i32>} : memref<5x256x64xf32, #tpu.memory_space<vmem>>, vector<1x1x16xf32>,
        %parallel_loop3A_601 = vector.shape_cast %parallel_loop3A_600 : vector<1x1x16xf32> to vector<16xf32>
        %parallel_loop3A_602 = vector.shape_cast %parallel_loop3A_595 : vector<16xf32> to vector<1x1x16xf32>
        tpu.vector_store %arg6[%parallel_loop3A_597, %parallel_loop3A_598, %parallel_loop3A_599], %parallel_loop3A_602 {strides = array<i32>} : memref<5x256x64xf32, #tpu.memory_space<vmem>>, vector<1x1x16xf32>,
        %parallel_loop3A_603 = arith.mulf %parallel_loop3A_488, %parallel_loop3A_586 : vector<16xf32>
        %parallel_loop3A_604 = arith.constant 4 : i32
        %parallel_loop3A_605 = arith.index_cast %parallel_loop3A_604 : i32 to index
        %parallel_loop3A_606 = arith.index_cast %parallel_loop3A_470 : i32 to index
        %parallel_loop3A_607 = arith.constant 32 : index
        %parallel_loop3A_608 = tpu.vector_load %arg6[%parallel_loop3A_605, %parallel_loop3A_606, %parallel_loop3A_607] {strides = array<i32>} : memref<5x256x64xf32, #tpu.memory_space<vmem>>, vector<1x1x16xf32>,
        %parallel_loop3A_609 = vector.shape_cast %parallel_loop3A_608 : vector<1x1x16xf32> to vector<16xf32>
        %parallel_loop3A_610 = vector.shape_cast %parallel_loop3A_603 : vector<16xf32> to vector<1x1x16xf32>
        tpu.vector_store %arg6[%parallel_loop3A_605, %parallel_loop3A_606, %parallel_loop3A_607], %parallel_loop3A_610 {strides = array<i32>} : memref<5x256x64xf32, #tpu.memory_space<vmem>>, vector<1x1x16xf32>,
        %parallel_loop3A_611 = arith.mulf %parallel_loop3A_494, %parallel_loop3A_586 : vector<16xf32>
        %parallel_loop3A_612 = arith.constant 4 : i32
        %parallel_loop3A_613 = arith.index_cast %parallel_loop3A_612 : i32 to index
        %parallel_loop3A_614 = arith.index_cast %parallel_loop3A_470 : i32 to index
        %parallel_loop3A_615 = arith.constant 48 : index
        %parallel_loop3A_616 = tpu.vector_load %arg6[%parallel_loop3A_613, %parallel_loop3A_614, %parallel_loop3A_615] {strides = array<i32>} : memref<5x256x64xf32, #tpu.memory_space<vmem>>, vector<1x1x16xf32>,
        %parallel_loop3A_617 = vector.shape_cast %parallel_loop3A_616 : vector<1x1x16xf32> to vector<16xf32>
        %parallel_loop3A_618 = vector.shape_cast %parallel_loop3A_611 : vector<16xf32> to vector<1x1x16xf32>
        tpu.vector_store %arg6[%parallel_loop3A_613, %parallel_loop3A_614, %parallel_loop3A_615], %parallel_loop3A_618 {strides = array<i32>} : memref<5x256x64xf32, #tpu.memory_space<vmem>>, vector<1x1x16xf32>,
      } {sc.loop_unroll_factor = 8 : i64, sc.parallel_access}
      %mul3A_444 = arith.constant 25600 : i32
      %mul3A_445 = arith.muli %add3A, %mul3A_444 : i32
      %mul3A_446 = arith.constant 256 : i32
      %mul3A_447 = arith.muli %add3A_425, %mul3A_446 : i32
      %add3A_448 = arith.addi %mul3A_445, %mul3A_447 : i32
      %dma_start3A_449 = arith.constant 4 : i32
      %dma_start3A_450 = arith.constant 0 : i32
      %dma_start3A_451 = arith.constant 0 : i32
      %dma_start3A_452 = tpu.memref_slice %arg6[%dma_start3A_449, %dma_start3A_450, %dma_start3A_451] : memref<5x256x64xf32, #tpu.memory_space<vmem>> -> memref<1x256x64xf32, #tpu.memory_space<vmem>>
      %dma_start3A_453 = tpu.memref_squeeze %dma_start3A_452 : memref<1x256x64xf32, #tpu.memory_space<vmem>> -> memref<256x64xf32, #tpu.memory_space<vmem>>
      %dma_start3A_454 = arith.constant 0 : i32
      %dma_start3A_455 = tpu.memref_slice %arg4[%add3A_448, %dma_start3A_454] : memref<819200x64xf32, #tpu.memory_space<hbm>> -> memref<256x64xf32, #tpu.memory_space<hbm>>
      %dma_start3A_456 = arith.constant 0 : i32
      %dma_start3A_457 = tpu.memref_slice %arg4[%add3A_448, %dma_start3A_456] : memref<819200x64xf32, #tpu.memory_space<hbm>> -> memref<256x64xf32, #tpu.memory_space<hbm>>
      %dma_start3A_458 = arith.constant 0 : i32
      %dma_start3A_459 = arith.constant 0 : i32
      %dma_start3A_460 = tpu.memref_slice %arg6[%dma_start3A_449, %dma_start3A_458, %dma_start3A_459] : memref<5x256x64xf32, #tpu.memory_space<vmem>> -> memref<1x256x64xf32, #tpu.memory_space<vmem>>
      %dma_start3A_461 = tpu.memref_squeeze %dma_start3A_460 : memref<1x256x64xf32, #tpu.memory_space<vmem>> -> memref<256x64xf32, #tpu.memory_space<vmem>>
      tpu.enqueue_dma source(%dma_start3A_461 : memref<256x64xf32, #tpu.memory_space<vmem>>) target(%dma_start3A_457 : memref<256x64xf32, #tpu.memory_space<hbm>>) target_semaphore(%arg16 : memref<!tpu.dma_semaphore, #tpu.memory_space<semaphore_mem>>)
      %add3A_462 = arith.constant 2 : i32
      %add3A_463 = arith.addi %add3A_425, %add3A_462 : i32
      %lt3A_464 = arith.constant 19 : i32
      %lt3A_465 = arith.cmpi slt, %scan3A_141, %lt3A_464 : i32
      %convert_element_type3A_466 = arith.extui %lt3A_465 : i1 to i32
      %cond3A_467 = arith.constant 0 : i32
      %cond3A_468 = arith.cmpi ne, %convert_element_type3A_466, %cond3A_467 : i32
      scf.if %cond3A_468 {
        %dma_wait3A_470 = arith.constant 1 : i32
        %dma_wait3A_471 = arith.constant 0 : i32
        %dma_wait3A_472 = arith.constant 0 : i32
        %dma_wait3A_473 = tpu.memref_slice %arg6[%dma_wait3A_470, %dma_wait3A_471, %dma_wait3A_472] : memref<5x256x64xf32, #tpu.memory_space<vmem>> -> memref<1x256x64xf32, #tpu.memory_space<vmem>>
        %dma_wait3A_474 = tpu.memref_squeeze %dma_wait3A_473 : memref<1x256x64xf32, #tpu.memory_space<vmem>> -> memref<256x64xf32, #tpu.memory_space<vmem>>
        %dma_wait3A_475 = arith.constant 0 : i32
        %dma_wait3A_476 = arith.constant 0 : i32
        %dma_wait3A_477 = tpu.memref_slice %arg4[%dma_wait3A_475, %dma_wait3A_476] : memref<819200x64xf32, #tpu.memory_space<hbm>> -> memref<256x64xf32, #tpu.memory_space<hbm>>
        %dma_wait3A_478 = arith.constant 0 : i32
        %dma_wait3A_479 = arith.constant 0 : i32
        %dma_wait3A_480 = tpu.memref_slice %arg4[%dma_wait3A_478, %dma_wait3A_479] : memref<819200x64xf32, #tpu.memory_space<hbm>> -> memref<256x64xf32, #tpu.memory_space<hbm>>
        %dma_wait3A_481 = arith.constant 0 : i32
        %dma_wait3A_482 = arith.constant 0 : i32
        %dma_wait3A_483 = tpu.memref_slice %arg6[%dma_wait3A_470, %dma_wait3A_481, %dma_wait3A_482] : memref<5x256x64xf32, #tpu.memory_space<vmem>> -> memref<1x256x64xf32, #tpu.memory_space<vmem>>
        %dma_wait3A_484 = tpu.memref_squeeze %dma_wait3A_483 : memref<1x256x64xf32, #tpu.memory_space<vmem>> -> memref<256x64xf32, #tpu.memory_space<vmem>>
        tpu.wait_dma2 semaphore(%arg13 : memref<!tpu.dma_semaphore, #tpu.memory_space<semaphore_mem>>) src(%dma_wait3A_484 : memref<256x64xf32, #tpu.memory_space<vmem>>) dst(%dma_wait3A_480 : memref<256x64xf32, #tpu.memory_space<hbm>>)
        %mul3A_485 = arith.constant 200 : i32
        %mul3A_486 = arith.muli %add3A, %mul3A_485 : i32
        %mul3A_487 = arith.constant 2 : i32
        %mul3A_488 = arith.muli %add3A_463, %mul3A_487 : i32
        %add3A_489 = arith.addi %mul3A_486, %mul3A_488 : i32
        %run_scoped3A_490 = arith.constant 1 : i32
        "tpu.region"() ({
          %run_scoped3A_517 = tpu.sem_alloc : memref<!tpu.dma_semaphore, #tpu.memory_space<semaphore_mem>>
          %dma_start3A_518 = arith.constant 0 : i32
          %dma_start3A_519 = arith.constant 0 : i32
          %dma_start3A_520 = tpu.memref_slice %arg5[%run_scoped3A_490, %dma_start3A_518, %dma_start3A_519] : memref<5x2x128xi32, #tpu.memory_space<vmem>> -> memref<1x2x128xi32, #tpu.memory_space<vmem>>
          %dma_start3A_521 = tpu.memref_squeeze %dma_start3A_520 : memref<1x2x128xi32, #tpu.memory_space<vmem>> -> memref<2x128xi32, #tpu.memory_space<vmem>>
          %dma_start3A_522 = arith.constant 0 : i32
          %dma_start3A_523 = tpu.memref_slice %arg2[%add3A_489, %dma_start3A_522] : memref<6400x128xi32, #tpu.memory_space<hbm>> -> memref<2x128xi32, #tpu.memory_space<hbm>>
          %dma_start3A_524 = arith.constant 0 : i32
          %dma_start3A_525 = arith.constant 0 : i32
          %dma_start3A_526 = tpu.memref_slice %arg5[%run_scoped3A_490, %dma_start3A_524, %dma_start3A_525] : memref<5x2x128xi32, #tpu.memory_space<vmem>> -> memref<1x2x128xi32, #tpu.memory_space<vmem>>
          %dma_start3A_527 = tpu.memref_squeeze %dma_start3A_526 : memref<1x2x128xi32, #tpu.memory_space<vmem>> -> memref<2x128xi32, #tpu.memory_space<vmem>>
          %dma_start3A_528 = arith.constant 0 : i32
          %dma_start3A_529 = tpu.memref_slice %arg2[%add3A_489, %dma_start3A_528] : memref<6400x128xi32, #tpu.memory_space<hbm>> -> memref<2x128xi32, #tpu.memory_space<hbm>>
          tpu.enqueue_dma source(%dma_start3A_529 : memref<2x128xi32, #tpu.memory_space<hbm>>) target(%dma_start3A_527 : memref<2x128xi32, #tpu.memory_space<vmem>>) target_semaphore(%run_scoped3A_517 : memref<!tpu.dma_semaphore, #tpu.memory_space<semaphore_mem>>)
          %dma_wait3A_530 = arith.constant 0 : i32
          %dma_wait3A_531 = arith.constant 0 : i32
          %dma_wait3A_532 = tpu.memref_slice %arg5[%run_scoped3A_490, %dma_wait3A_530, %dma_wait3A_531] : memref<5x2x128xi32, #tpu.memory_space<vmem>> -> memref<1x2x128xi32, #tpu.memory_space<vmem>>
          %dma_wait3A_533 = tpu.memref_squeeze %dma_wait3A_532 : memref<1x2x128xi32, #tpu.memory_space<vmem>> -> memref<2x128xi32, #tpu.memory_space<vmem>>
          %dma_wait3A_534 = arith.constant 0 : i32
          %dma_wait3A_535 = tpu.memref_slice %arg2[%add3A_489, %dma_wait3A_534] : memref<6400x128xi32, #tpu.memory_space<hbm>> -> memref<2x128xi32, #tpu.memory_space<hbm>>
          %dma_wait3A_536 = arith.constant 0 : i32
          %dma_wait3A_537 = arith.constant 0 : i32
          %dma_wait3A_538 = tpu.memref_slice %arg5[%run_scoped3A_490, %dma_wait3A_536, %dma_wait3A_537] : memref<5x2x128xi32, #tpu.memory_space<vmem>> -> memref<1x2x128xi32, #tpu.memory_space<vmem>>
          %dma_wait3A_539 = tpu.memref_squeeze %dma_wait3A_538 : memref<1x2x128xi32, #tpu.memory_space<vmem>> -> memref<2x128xi32, #tpu.memory_space<vmem>>
          %dma_wait3A_540 = arith.constant 0 : i32
          %dma_wait3A_541 = tpu.memref_slice %arg2[%add3A_489, %dma_wait3A_540] : memref<6400x128xi32, #tpu.memory_space<hbm>> -> memref<2x128xi32, #tpu.memory_space<hbm>>
          tpu.wait_dma2 semaphore(%run_scoped3A_517 : memref<!tpu.dma_semaphore, #tpu.memory_space<semaphore_mem>>) src(%dma_wait3A_541 : memref<2x128xi32, #tpu.memory_space<hbm>>) dst(%dma_wait3A_539 : memref<2x128xi32, #tpu.memory_space<vmem>>)
          tpu.yield
        }) : () -> ()
        %dma_start3A_491 = arith.constant 1 : i32
        %dma_start3A_492 = arith.constant 0 : i32
        %dma_start3A_493 = arith.constant 1 : i32
        %dma_start3A_494 = arith.constant 0 : i32
        %dma_start3A_495 = arith.constant 0 : i32
        %dma_start3A_496 = tpu.memref_slice %arg6[%dma_start3A_493, %dma_start3A_494, %dma_start3A_495] : memref<5x256x64xf32, #tpu.memory_space<vmem>> -> memref<1x128x64xf32, #tpu.memory_space<vmem>>
        %dma_start3A_497 = tpu.memref_squeeze %dma_start3A_496 : memref<1x128x64xf32, #tpu.memory_space<vmem>> -> memref<128x64xf32, #tpu.memory_space<vmem>>
        %dma_start3A_498 = arith.constant 0 : i32
        %dma_start3A_499 = tpu.memref_slice %arg5[%dma_start3A_491, %dma_start3A_492, %dma_start3A_498] : memref<5x2x128xi32, #tpu.memory_space<vmem>> -> memref<1x1x128xi32, #tpu.memory_space<vmem>>
        %dma_start3A_500 = tpu.memref_squeeze %dma_start3A_499 : memref<1x1x128xi32, #tpu.memory_space<vmem>> -> memref<128xi32, #tpu.memory_space<vmem>>
        %dma_start3A_501 = arith.constant 0 : i32
        %dma_start3A_502 = arith.constant 0 : i32
        %dma_start3A_503 = tpu.memref_slice %arg3[%dma_start3A_501, %dma_start3A_502] : memref<1000000x64xf32, #tpu.memory_space<hbm>> -> memref<1000000x64xf32, #tpu.memory_space<hbm>>
        tpu.enqueue_indirect_dma source(%dma_start3A_503 : memref<1000000x64xf32, #tpu.memory_space<hbm>>) target(%dma_start3A_497 : memref<128x64xf32, #tpu.memory_space<vmem>>) offsets(%dma_start3A_500 : memref<128xi32, #tpu.memory_space<vmem>>) semaphore(%arg8 : memref<!tpu.dma_semaphore, #tpu.memory_space<semaphore_mem>>)
        %dma_start3A_504 = arith.constant 1 : i32
        %dma_start3A_505 = arith.constant 1 : i32
        %dma_start3A_506 = arith.constant 1 : i32
        %dma_start3A_507 = arith.constant 128 : i32
        %dma_start3A_508 = arith.constant 0 : i32
        %dma_start3A_509 = tpu.memref_slice %arg6[%dma_start3A_506, %dma_start3A_507, %dma_start3A_508] : memref<5x256x64xf32, #tpu.memory_space<vmem>> -> memref<1x128x64xf32, #tpu.memory_space<vmem>>
        %dma_start3A_510 = tpu.memref_squeeze %dma_start3A_509 : memref<1x128x64xf32, #tpu.memory_space<vmem>> -> memref<128x64xf32, #tpu.memory_space<vmem>>
        %dma_start3A_511 = arith.constant 0 : i32
        %dma_start3A_512 = tpu.memref_slice %arg5[%dma_start3A_504, %dma_start3A_505, %dma_start3A_511] : memref<5x2x128xi32, #tpu.memory_space<vmem>> -> memref<1x1x128xi32, #tpu.memory_space<vmem>>
        %dma_start3A_513 = tpu.memref_squeeze %dma_start3A_512 : memref<1x1x128xi32, #tpu.memory_space<vmem>> -> memref<128xi32, #tpu.memory_space<vmem>>
        %dma_start3A_514 = arith.constant 0 : i32
        %dma_start3A_515 = arith.constant 0 : i32
        %dma_start3A_516 = tpu.memref_slice %arg3[%dma_start3A_514, %dma_start3A_515] : memref<1000000x64xf32, #tpu.memory_space<hbm>> -> memref<1000000x64xf32, #tpu.memory_space<hbm>>
        tpu.enqueue_indirect_dma source(%dma_start3A_516 : memref<1000000x64xf32, #tpu.memory_space<hbm>>) target(%dma_start3A_510 : memref<128x64xf32, #tpu.memory_space<vmem>>) offsets(%dma_start3A_513 : memref<128xi32, #tpu.memory_space<vmem>>) semaphore(%arg8 : memref<!tpu.dma_semaphore, #tpu.memory_space<semaphore_mem>>)
      } else {
      }
      %scan3A_469 = arith.constant 0 : i32
      scf.yield %scan3A_469 : i32
    }
    %scan3A_66 = arith.constant 20 : i32
    %dma_wait3A = arith.constant 0 : i32
    %dma_wait3A_67 = arith.constant 0 : i32
    %dma_wait3A_68 = arith.constant 0 : i32
    %dma_wait3A_69 = tpu.memref_slice %arg6[%dma_wait3A, %dma_wait3A_67, %dma_wait3A_68] : memref<5x256x64xf32, #tpu.memory_space<vmem>> -> memref<1x256x64xf32, #tpu.memory_space<vmem>>
    %dma_wait3A_70 = tpu.memref_squeeze %dma_wait3A_69 : memref<1x256x64xf32, #tpu.memory_space<vmem>> -> memref<256x64xf32, #tpu.memory_space<vmem>>
    %dma_wait3A_71 = arith.constant 0 : i32
    %dma_wait3A_72 = arith.constant 0 : i32
    %dma_wait3A_73 = tpu.memref_slice %arg4[%dma_wait3A_71, %dma_wait3A_72] : memref<819200x64xf32, #tpu.memory_space<hbm>> -> memref<256x64xf32, #tpu.memory_space<hbm>>
    %dma_wait3A_74 = arith.constant 0 : i32
    %dma_wait3A_75 = arith.constant 0 : i32
    %dma_wait3A_76 = tpu.memref_slice %arg4[%dma_wait3A_74, %dma_wait3A_75] : memref<819200x64xf32, #tpu.memory_space<hbm>> -> memref<256x64xf32, #tpu.memory_space<hbm>>
    %dma_wait3A_77 = arith.constant 0 : i32
    %dma_wait3A_78 = arith.constant 0 : i32
    %dma_wait3A_79 = tpu.memref_slice %arg6[%dma_wait3A, %dma_wait3A_77, %dma_wait3A_78] : memref<5x256x64xf32, #tpu.memory_space<vmem>> -> memref<1x256x64xf32, #tpu.memory_space<vmem>>
    %dma_wait3A_80 = tpu.memref_squeeze %dma_wait3A_79 : memref<1x256x64xf32, #tpu.memory_space<vmem>> -> memref<256x64xf32, #tpu.memory_space<vmem>>
    tpu.wait_dma2 semaphore(%arg12 : memref<!tpu.dma_semaphore, #tpu.memory_space<semaphore_mem>>) src(%dma_wait3A_80 : memref<256x64xf32, #tpu.memory_space<vmem>>) dst(%dma_wait3A_76 : memref<256x64xf32, #tpu.memory_space<hbm>>)
    %dma_wait3A_81 = arith.constant 1 : i32
    %dma_wait3A_82 = arith.constant 0 : i32
    %dma_wait3A_83 = arith.constant 0 : i32
    %dma_wait3A_84 = tpu.memref_slice %arg6[%dma_wait3A_81, %dma_wait3A_82, %dma_wait3A_83] : memref<5x256x64xf32, #tpu.memory_space<vmem>> -> memref<1x256x64xf32, #tpu.memory_space<vmem>>
    %dma_wait3A_85 = tpu.memref_squeeze %dma_wait3A_84 : memref<1x256x64xf32, #tpu.memory_space<vmem>> -> memref<256x64xf32, #tpu.memory_space<vmem>>
    %dma_wait3A_86 = arith.constant 0 : i32
    %dma_wait3A_87 = arith.constant 0 : i32
    %dma_wait3A_88 = tpu.memref_slice %arg4[%dma_wait3A_86, %dma_wait3A_87] : memref<819200x64xf32, #tpu.memory_space<hbm>> -> memref<256x64xf32, #tpu.memory_space<hbm>>
    %dma_wait3A_89 = arith.constant 0 : i32
    %dma_wait3A_90 = arith.constant 0 : i32
    %dma_wait3A_91 = tpu.memref_slice %arg4[%dma_wait3A_89, %dma_wait3A_90] : memref<819200x64xf32, #tpu.memory_space<hbm>> -> memref<256x64xf32, #tpu.memory_space<hbm>>
    %dma_wait3A_92 = arith.constant 0 : i32
    %dma_wait3A_93 = arith.constant 0 : i32
    %dma_wait3A_94 = tpu.memref_slice %arg6[%dma_wait3A_81, %dma_wait3A_92, %dma_wait3A_93] : memref<5x256x64xf32, #tpu.memory_space<vmem>> -> memref<1x256x64xf32, #tpu.memory_space<vmem>>
    %dma_wait3A_95 = tpu.memref_squeeze %dma_wait3A_94 : memref<1x256x64xf32, #tpu.memory_space<vmem>> -> memref<256x64xf32, #tpu.memory_space<vmem>>
    tpu.wait_dma2 semaphore(%arg13 : memref<!tpu.dma_semaphore, #tpu.memory_space<semaphore_mem>>) src(%dma_wait3A_95 : memref<256x64xf32, #tpu.memory_space<vmem>>) dst(%dma_wait3A_91 : memref<256x64xf32, #tpu.memory_space<hbm>>)
    %dma_wait3A_96 = arith.constant 2 : i32
    %dma_wait3A_97 = arith.constant 0 : i32
    %dma_wait3A_98 = arith.constant 0 : i32
    %dma_wait3A_99 = tpu.memref_slice %arg6[%dma_wait3A_96, %dma_wait3A_97, %dma_wait3A_98] : memref<5x256x64xf32, #tpu.memory_space<vmem>> -> memref<1x256x64xf32, #tpu.memory_space<vmem>>
    %dma_wait3A_100 = tpu.memref_squeeze %dma_wait3A_99 : memref<1x256x64xf32, #tpu.memory_space<vmem>> -> memref<256x64xf32, #tpu.memory_space<vmem>>
    %dma_wait3A_101 = arith.constant 0 : i32
    %dma_wait3A_102 = arith.constant 0 : i32
    %dma_wait3A_103 = tpu.memref_slice %arg4[%dma_wait3A_101, %dma_wait3A_102] : memref<819200x64xf32, #tpu.memory_space<hbm>> -> memref<256x64xf32, #tpu.memory_space<hbm>>
    %dma_wait3A_104 = arith.constant 0 : i32
    %dma_wait3A_105 = arith.constant 0 : i32
    %dma_wait3A_106 = tpu.memref_slice %arg4[%dma_wait3A_104, %dma_wait3A_105] : memref<819200x64xf32, #tpu.memory_space<hbm>> -> memref<256x64xf32, #tpu.memory_space<hbm>>
    %dma_wait3A_107 = arith.constant 0 : i32
    %dma_wait3A_108 = arith.constant 0 : i32
    %dma_wait3A_109 = tpu.memref_slice %arg6[%dma_wait3A_96, %dma_wait3A_107, %dma_wait3A_108] : memref<5x256x64xf32, #tpu.memory_space<vmem>> -> memref<1x256x64xf32, #tpu.memory_space<vmem>>
    %dma_wait3A_110 = tpu.memref_squeeze %dma_wait3A_109 : memref<1x256x64xf32, #tpu.memory_space<vmem>> -> memref<256x64xf32, #tpu.memory_space<vmem>>
    tpu.wait_dma2 semaphore(%arg14 : memref<!tpu.dma_semaphore, #tpu.memory_space<semaphore_mem>>) src(%dma_wait3A_110 : memref<256x64xf32, #tpu.memory_space<vmem>>) dst(%dma_wait3A_106 : memref<256x64xf32, #tpu.memory_space<hbm>>)
    %dma_wait3A_111 = arith.constant 3 : i32
    %dma_wait3A_112 = arith.constant 0 : i32
    %dma_wait3A_113 = arith.constant 0 : i32
    %dma_wait3A_114 = tpu.memref_slice %arg6[%dma_wait3A_111, %dma_wait3A_112, %dma_wait3A_113] : memref<5x256x64xf32, #tpu.memory_space<vmem>> -> memref<1x256x64xf32, #tpu.memory_space<vmem>>
    %dma_wait3A_115 = tpu.memref_squeeze %dma_wait3A_114 : memref<1x256x64xf32, #tpu.memory_space<vmem>> -> memref<256x64xf32, #tpu.memory_space<vmem>>
    %dma_wait3A_116 = arith.constant 0 : i32
    %dma_wait3A_117 = arith.constant 0 : i32
    %dma_wait3A_118 = tpu.memref_slice %arg4[%dma_wait3A_116, %dma_wait3A_117] : memref<819200x64xf32, #tpu.memory_space<hbm>> -> memref<256x64xf32, #tpu.memory_space<hbm>>
    %dma_wait3A_119 = arith.constant 0 : i32
    %dma_wait3A_120 = arith.constant 0 : i32
    %dma_wait3A_121 = tpu.memref_slice %arg4[%dma_wait3A_119, %dma_wait3A_120] : memref<819200x64xf32, #tpu.memory_space<hbm>> -> memref<256x64xf32, #tpu.memory_space<hbm>>
    %dma_wait3A_122 = arith.constant 0 : i32
    %dma_wait3A_123 = arith.constant 0 : i32
    %dma_wait3A_124 = tpu.memref_slice %arg6[%dma_wait3A_111, %dma_wait3A_122, %dma_wait3A_123] : memref<5x256x64xf32, #tpu.memory_space<vmem>> -> memref<1x256x64xf32, #tpu.memory_space<vmem>>
    %dma_wait3A_125 = tpu.memref_squeeze %dma_wait3A_124 : memref<1x256x64xf32, #tpu.memory_space<vmem>> -> memref<256x64xf32, #tpu.memory_space<vmem>>
    tpu.wait_dma2 semaphore(%arg15 : memref<!tpu.dma_semaphore, #tpu.memory_space<semaphore_mem>>) src(%dma_wait3A_125 : memref<256x64xf32, #tpu.memory_space<vmem>>) dst(%dma_wait3A_121 : memref<256x64xf32, #tpu.memory_space<hbm>>)
    %dma_wait3A_126 = arith.constant 4 : i32
    %dma_wait3A_127 = arith.constant 0 : i32
    %dma_wait3A_128 = arith.constant 0 : i32
    %dma_wait3A_129 = tpu.memref_slice %arg6[%dma_wait3A_126, %dma_wait3A_127, %dma_wait3A_128] : memref<5x256x64xf32, #tpu.memory_space<vmem>> -> memref<1x256x64xf32, #tpu.memory_space<vmem>>
    %dma_wait3A_130 = tpu.memref_squeeze %dma_wait3A_129 : memref<1x256x64xf32, #tpu.memory_space<vmem>> -> memref<256x64xf32, #tpu.memory_space<vmem>>
    %dma_wait3A_131 = arith.constant 0 : i32
    %dma_wait3A_132 = arith.constant 0 : i32
    %dma_wait3A_133 = tpu.memref_slice %arg4[%dma_wait3A_131, %dma_wait3A_132] : memref<819200x64xf32, #tpu.memory_space<hbm>> -> memref<256x64xf32, #tpu.memory_space<hbm>>
    %dma_wait3A_134 = arith.constant 0 : i32
    %dma_wait3A_135 = arith.constant 0 : i32
    %dma_wait3A_136 = tpu.memref_slice %arg4[%dma_wait3A_134, %dma_wait3A_135] : memref<819200x64xf32, #tpu.memory_space<hbm>> -> memref<256x64xf32, #tpu.memory_space<hbm>>
    %dma_wait3A_137 = arith.constant 0 : i32
    %dma_wait3A_138 = arith.constant 0 : i32
    %dma_wait3A_139 = tpu.memref_slice %arg6[%dma_wait3A_126, %dma_wait3A_137, %dma_wait3A_138] : memref<5x256x64xf32, #tpu.memory_space<vmem>> -> memref<1x256x64xf32, #tpu.memory_space<vmem>>
    %dma_wait3A_140 = tpu.memref_squeeze %dma_wait3A_139 : memref<1x256x64xf32, #tpu.memory_space<vmem>> -> memref<256x64xf32, #tpu.memory_space<vmem>>
    tpu.wait_dma2 semaphore(%arg16 : memref<!tpu.dma_semaphore, #tpu.memory_space<semaphore_mem>>) src(%dma_wait3A_140 : memref<256x64xf32, #tpu.memory_space<vmem>>) dst(%dma_wait3A_136 : memref<256x64xf32, #tpu.memory_space<hbm>>)
    return
  }
}

</mosaic_0001>

<sc_bundles>
// kernel: kernel.3.cloned.1.call-start
scs
__scs_entry_jumppad:
0x0: {  	(pc) =	sbr.rel $0x88, $3  }
0x1: {  	(tag) =	ssettag $0x0;
	lr =	simm.s32 $0x1  }
0x2: {  	[smem:$0x3F9F] =	sst lr;
	_ =	strace $0xD0000000  }
0x3: {  	_ = 	snop  }
0x4: {  	_ = 	snop  }
0x5: {  	_ = 	snop  }
0x6: {  	_ = 	snop  }
0x7: {  	_ = 	snop  }
__scs_overlays_trampoline_lowered:
0x8: {  	[smem:$0x3FAE] =	sst s0  }
0x9: {  	[smem:$0x3FAF] =	sst s1  }
0xa: {  	[smem:$0x3FB0] =	sst s2  }
0xb: {  	[smem:$0x3FB1] =	sst s3  }
0xc: {  	[smem:$0x3FB2] =	sst s4  }
0xd: {  	[smem:$0x3FB3] =	sst s5  }
0xe: {  	[smem:$0x3FB4] =	sst s6  }
0xf: {  	[smem:$0x3FB5] =	sst s7  }
0x10: {  	[smem:$0x3FB6] =	sst s8  }
0x11: {  	[smem:$0x3FB7] =	sst s9;
	s0 =	simm.s32 @!p0 $0x0  }
0x12: {  	s1 =	sld [smem:$0x3F9D];
	s0 =	simm.s32 @p0 $0x1  }
0x13: {  	[smem:$0x3FB8] =	sst s0;
	s0 =	simm.s32 @!p1 $0x0  }
0x14: {  	s2 =	sld [smem:$0x3F9C];
	s0 =	simm.s32 @p1 $0x1  }
0x15: {  	[smem:$0x3FB9] =	sst s0;
	s0 =	simm.s32 @!p2 $0x0  }
0x16: {  	s3 =	sld [smem:$0x3FDB];
	s0 =	simm.s32 @p2 $0x1  }
0x17: {  	s4 =	simm.s32 $0x1BF5;
	[smem:$0x3FBB] =	sst s0  }
0x18: {  	s0 =	sld [smem:$0x3F9E];
	_ =	swait.ge [sflag:s4], $0x0  }
0x19: {  	s7 =	sld [smem:$0x3F9F]  }
0x1a: {  	s8 =	sadd.s32 $0xFFFFE003, lr  }
0x1b: {  	s9 =	sadd.s32 $0xFFFFFEF7, lr;
	s5 =	simm.s32 $0xFFFFFFFF;
	p2 =	slt.u32 s8, $0xFFFFF086  }
0x1c: {  	p1 =	slt.u32 s9, $0xF7A;
	s5 =	simm.s32 @!p2 $0x0  }
0x1d: {  	s5 =	simm.s32 @p1 $0x1;
	p0 =	seq.s32 s7, s2  }
0x1e: {  	s7 =	smul.u32 @!p0 $0xF7A, s2;
	p2 =	seq.s32 @!p0 s5, $0x0  }
0x1f: {  	s9 =	smul.u32 $0xF7A, s1;
	s8 =	simm.s32 @!p0 $0x1BF5;
	p2 =	por !p2, p0  }
0x20: {  	[sflag:s8] =	ssyncset.s32 @!p0 $0xFFFFF086;
	s6 =	sadd.s32 @!p0 s3, s7;
	s7 =	simm.s32 @!p0 $0x108  }
0x21: {  	s3 =	sadd.s32 s3, s9;
	s6 =	sadd.s32 @!p0 $0x88, s6;
	s7 =	simm.s32 @p2 $0x1082  }
0x22: {  	[simem:s7], [sflag:s8] =	dma.local @!p0 [hbm:s6], $0xF7A  }
0x23: {  	s9 =	sor.u32 $0xD0000000, s2;
	s6 =	simm.s32 $0x108;
	_ =	swait.ge @!p0 [sflag:s8], $0x0  }
0x24: {  	s3 =	sadd.s32 $0x88, s3;
	s6 =	simm.s32 @!p1 $0x1082;
	[sflag:s4] =	ssyncset.s32 $0xFFFFF086  }
0x25: {  	[simem:s6], [sflag:s4] =	dma.local [hbm:s3], $0xF7A  }
0x26: {  	[smem:$0x3F9F] =	sst s1;
	(tag) =	ssettag s2;
	_ =	strace s9  }
0x27: {  	s1 =	sld [smem:$0x3FAF]  }
0x28: {  	s2 =	sld [smem:$0x3FB0]  }
0x29: {  	s4 =	sld [smem:$0x3FB2]  }
0x2a: {  	p0 =	seq.s32 s5, $0x0;
	s5 =	sld [smem:$0x3FB3]  }
0x2b: {  	s6 =	sld [smem:$0x3FB4]  }
0x2c: {  	s7 =	sld [smem:$0x3FB5]  }
0x2d: {  	s3 =	simm.s32 $0x108;
	s8 =	sld [smem:$0x3FB6]  }
0x2e: {  	s3 =	simm.s32 @!p0 $0x1082;
	s9 =	sld [smem:$0x3FB7]  }
0x2f: {  	lr =	sadd.s32 s0, s3;
	s0 =	sld [smem:$0x3FAE]  }
0x30: {  	s3 =	sld [smem:$0x3FB1]  }
0x31: {  	[smem:$0x3FBA] =	sst s10  }
0x32: {  	s10 =	sld [smem:$0x3FB8];
	_ =	sdelay $0x3  }
0x33: {  	p0 =	seq.s32 s10, $0x1;
	s10 =	sld [smem:$0x3FBA];
	_ =	sdelay $0x3  }
0x34: {  	[smem:$0x3FBA] =	sst s10  }
0x35: {  	s10 =	sld [smem:$0x3FB9];
	_ =	sdelay $0x3  }
0x36: {  	p1 =	seq.s32 s10, $0x1;
	s10 =	sld [smem:$0x3FBA];
	_ =	sdelay $0x3  }
0x37: {  	[smem:$0x3FBA] =	sst s10  }
0x38: {  	s10 =	sld [smem:$0x3FBB]  }
0x39: {  	_ = 	snop;
	(pc) =	sbr.ind lr, $3  }
0x3a: {  	_ = 	snop  }
0x3b: {  	_ = 	snop  }
0x3c: {  	p2 =	seq.s32 s10, $0x1;
	s10 =	sld [smem:$0x3FBA]  }
0x3d: {  	_ =	shalt  }
0x3e: {  	_ =	shalt  }
0x3f: {  	_ =	shalt  }
0x40: {  	_ =	shalt  }
0x41: {  	_ =	shalt  }
0x42: {  	_ =	shalt  }
0x43: {  	_ =	shalt  }
0x44: {  	_ =	shalt  }
0x45: {  	_ =	shalt  }
0x46: {  	_ =	shalt  }
0x47: {  	_ =	shalt  }
0x48: {  	_ =	shalt  }
0x49: {  	_ =	shalt  }
0x4a: {  	_ =	shalt  }
0x4b: {  	_ =	shalt  }
0x4c: {  	_ =	shalt  }
0x4d: {  	_ =	shalt  }
0x4e: {  	_ =	shalt  }
0x4f: {  	_ =	shalt  }
0x50: {  	_ =	shalt  }
0x51: {  	_ =	shalt  }
0x52: {  	_ =	shalt  }
0x53: {  	_ =	shalt  }
0x54: {  	_ =	shalt  }
0x55: {  	_ =	shalt  }
0x56: {  	_ =	shalt  }
0x57: {  	_ =	shalt  }
0x58: {  	_ =	shalt  }
0x59: {  	_ =	shalt  }
0x5a: {  	_ =	shalt  }
0x5b: {  	_ =	shalt  }
0x5c: {  	_ =	shalt  }
0x5d: {  	_ =	shalt  }
0x5e: {  	_ =	shalt  }
0x5f: {  	_ =	shalt  }
0x60: {  	_ =	shalt  }
0x61: {  	_ =	shalt  }
0x62: {  	_ =	shalt  }
0x63: {  	_ =	shalt  }
0x64: {  	_ =	shalt  }
0x65: {  	_ =	shalt  }
0x66: {  	_ =	shalt  }
0x67: {  	_ =	shalt  }
0x68: {  	_ =	shalt  }
0x69: {  	_ =	shalt  }
0x6a: {  	_ =	shalt  }
0x6b: {  	_ =	shalt  }
0x6c: {  	_ =	shalt  }
0x6d: {  	_ =	shalt  }
0x6e: {  	_ =	shalt  }
0x6f: {  	_ =	shalt  }
0x70: {  	_ =	shalt  }
0x71: {  	_ =	shalt  }
0x72: {  	_ =	shalt  }
0x73: {  	_ =	shalt  }
0x74: {  	_ =	shalt  }
0x75: {  	_ =	shalt  }
0x76: {  	_ =	shalt  }
0x77: {  	_ =	shalt  }
0x78: {  	_ =	shalt  }
0x79: {  	_ =	shalt  }
0x7a: {  	_ =	shalt  }
0x7b: {  	_ =	shalt  }
0x7c: {  	_ =	shalt  }
0x7d: {  	_ =	shalt  }
0x7e: {  	_ =	shalt  }
0x7f: {  	_ =	shalt  }
0x80: {  	_ =	shalt  }
0x81: {  	_ =	shalt  }
0x82: {  	_ =	shalt  }
0x83: {  	_ =	shalt  }
0x84: {  	_ =	shalt  }
0x85: {  	_ =	shalt  }
0x86: {  	_ =	shalt  }
0x87: {  	_ =	shalt  }
.Lfunc_end0:
.L_simem_size_0:
called_computation.1_lowered:
.L_overlay_start_0:
0x88: {  	s2 =	sld [smem:$0x3FD9]  }
0x89: {  	s3 =	sld [smem:$0x3FFE];
	_ =	sdelay $0x1  }
0x8a: {  	s1 =	srdreg.scid  }
0x8b: {  	s0 =	sand.u32 $0x1, s1  }
0x8c: {  	s17 =	sshll.u32 s0, $0xA;
	s2 =	sadd.s32 s3, s2  }
0x8d: {  	s2 =	sadd.s32 s2, s17  }
0x8e: {  	[smem:$0x3FC6] =	sst s2  }
0x8f: {  	_ = 	snop  }
0x90: {  	s2 =	sld [smem:$0x3FD0];
	(tm) =	ssettm $0x1  }
0x91: {  	s18 =	sld [smem:$0x3FFB];
	_ =	sdelay $0x3  }
0x92: {  	_ =	strace s18  }
0x93: {  	s3 =	sld [smem:$0x3FFC];
	_ =	sdelay $0x3  }
0x94: {  	_ =	strace s3  }
0x95: {  	s3 =	sld [smem:$0x3FFD];
	_ =	sdelay $0x3  }
0x96: {  	_ =	strace s3  }
0x97: {  	_ =	strace $0x8FFFFFFF  }
0x98: {  	s19 =	sld [smem:$0x3FDB];
	_ =	sdelay $0x1  }
0x99: {  	s4 =	simm.s32 $_scs_section_size  }
0x9a: {  	s5 =	simm.s32 $_size__tile_overlayer_lowered;
	s6 =	simm.s32 $_tile_overlayer_lowered  }
0x9b: {  	s22 =	simm.s32 $0x1BFF;
	s21 =	sshll.u32 s6, $0x1;
	s3 =	sadd.s32 s4, s19  }
0x9c: {  	s7 =	simm.s32 $0x0;
	s20 =	sshll.u32 s5, $0x1;
	s5 =	sadd.s32 s21, s3  }
0x9d: {  	[timem:s7], [sflag:s22] =	dma.local [hbm:s5], s20  }
0x9e: {  	_ =	swait.ge [sflag:s22], s20  }
0x9f: {  	s4 =	ssub.s32 $0x0, s20;
	[sflag:s22] =	ssyncset.done $0x0  }
0xa0: {  	[sflag:s22] =	ssyncadd.s32 s4;
	_ =	sdelay $0x1  }
0xa1: {  	s23 =	simm.s32 $0x1B8B  }
0xa2: {  	_ =	swait.ge [sflag:s23], $0x1  }
0xa3: {  	[sflag:s23] =	ssyncset.done $0x0  }
0xa4: {  	s25 =	simm.s32 $0x1B8E;
	s24 =	sld [smem:$0x3FFE];
	[sflag:s23] =	ssyncadd.s32 $0xFFFFFFFF  }
0xa5: {  	s26 =	simm.s32 $execute0_lowered;
	[smem:$0x3FD2] =	sst s25  }
0xa6: {  	s5 =	sshll.u32 s26, $0x1;
	_ =	strace $0x80000046;
	[dreg:$0x1] =	wrdreg $0xFFFFFFFF  }
0xa7: {  	s28 =	simm.s32 $_size_execute0_lowered;
	s3 =	sadd.s32 s3, s5;
	[dreg:$0x0] =	wrdreg $0x0  }
0xa8: {  	s5 =	sshll.u32 s28, $0x1;
	[dreg:$0x2] =	wrdreg s3  }
0xa9: {  	[dreg:$0x3] =	wrdreg s5  }
0xaa: {  	[dreg:$0x4] =	wrdreg $0xC0  }
0xab: {  	_ =	task [dreg:s7], $0x5FFFF  }
0xac: {  	[dreg:$0x1] =	wrdreg $0xFFFFFFFF  }
0xad: {  	[dreg:$0x0] =	wrdreg $0x60  }
0xae: {  	[dreg:$0x2] =	wrdreg s24  }
0xaf: {  	[dreg:$0x3] =	wrdreg s2  }
0xb0: {  	[dreg:$0x4] =	wrdreg $0x9  }
0xb1: {  	_ =	task.clear_ibuf [dreg:s7], $0x5FFFF;
	_ =	strace $0x90000046  }
0xb2: {  	s29 =	simm.s32 $0x9;
	_ =	strace $0x80000048  }
0xb3: {  	_ =	swait.ge [sflag:s29], $0x1  }
0xb4: {  	[sflag:s29] =	ssyncadd.s32 $0xFFFFFFFF  }
0xb5: {  	_ =	strace $0x90000048  }
0xb6: {  	_ =	sfence  }
0xb7: {  	s30 =	sld [smem:$0x0];
	_ =	sdelay $0x2  }
0xb8: {  	s31 =	sshll.u32 s1, $0xD;
	s1 =	sshrl.u32 s1, $0x2  }
0xb9: {  	s3 =	sand.u32 $0x4000, s31;
	s1 =	sadd.s32 s1, s30  }
0xba: {  	s0 =	sor.u32 s3, s0;
	s1 =	sshll.u32 s1, $0x11  }
0xbb: {  	s0 =	sor.u32 s1, s0  }
0xbc: {  	s0 =	sadd.s32 $0x8F2B, s0  }
0xbd: {  	[sflag:s0] =	ssyncadd.remote.s32 $0x1  }
0xbe: {  	_ =	sfence.sel $0xFFFF  }
0xbf: {  	[dreg:$0x0] =	wrdreg $0xFFFFFFFF;
	(pc) =	sbr.abs _section_cstart, $3  }
0xc0: {  	[dreg:$0x1] =	wrdreg $0xFFFFFFFF  }
0xc1: {  	_ =	task.clear_ibuf [dreg:s7], $0x2FFFF;
	_ =	strace $0x9FFFFFFF  }
0xc2: {  	(tm) =	ssettm $0x7FFFFFFF  }
0xc3: {  	_ =	shalt  }
tec
execute0_lowered:
.L_overlay_start_1:
0x0: {  	(tag) =	ssettag $0x1  }
0x1: {  	s0 =	rddreg [dreg:$0x0]  }
0x2: {  	s2 =	rddreg [dreg:$0x1]  }
0x3: {  	s1 =	srdreg.scid;
	s4 =	stileid.u32;
	s3 =	simm.s32 $0x0  }
0x4: {  	s14 =	simm.s32 $0xB;
	s15 =	simm.s32 $0x80;
	s18 =	simm.s32 $0x100  }
0x5: {  	v0 =	vimm.s32 $0xFEDCBA98;
	s19 =	simm.s32 $0x4500;
	s22 =	simm.s32 $0x1;
	s23 =	simm.s32 $0x200  }
0x6: {  	v1 =	vimm.s32 $0x76543210;
	v2 =	vimm.s32 $0xBA98FEDC;
	s24 =	simm.s32 $0x8500;
	s28 =	simm.s32 $0x2;
	s29 =	simm.s32 $0x300  }
0x7: {  	v3 =	vimm.s32 $0x32107654;
	v4 =	vimm.s32 $0xDCFE98BA;
	s30 =	simm.s32 $0xC500;
	s17 =	simm.s32 $0x400;
	s20 =	simm.s32 $0x4  }
0x8: {  	v5 =	vimm.s32 $0x54761032;
	v6 =	vimm.s32 $0xEFCDAB89;
	v7 =	vimm.s32 $0x67452301;
	s21 =	simm.s32 $0x5;
	s1 =	sand.u32 $0x1, s1;
	s4 =	sshll.u32 s4, $0x1  }
0x9: {  	[smem:$0x7FF] =	sst s3;
	s7 =	sadd.s32 $0xF42E00, s0;
	v0 =	vunpack.c.l.s4.s8 v0;
	v1 =	vunpack.c.l.s4.s8 v1;
	v2 =	vunpack.c.l.s4.s8 v2;
	s5 =	sor.u32 s1, s4  }
0xa: {  	s12 =	simm.s32 $0x0;
	v3 =	vunpack.c.l.s4.s8 v3;
	v4 =	vunpack.c.l.s4.s8 v4;
	v5 =	vunpack.c.l.s4.s8 v5;
	_ =	strace $0x80000047;
	s6 =	smul.u32 $0xC80, s5  }
0xb: {  	v6 =	vunpack.c.l.s4.s8 v6;
	v7 =	vunpack.c.l.s4.s8 v7;
	s4 =	sadd.s32 $0xA00, s0;
	s1 =	ssub.s32 $0x2, s1;
	s8 =	smul.u32 $0xC8, s5;
	v0 =	vunpack.c.0.s8.s32 v0  }
0xc: {  	s9 =	sshrl.u32 s1, $0x1;
	v2 =	vunpack.c.0.s8.s32 v2;
	v3 =	vunpack.c.0.s8.s32 v3;
	v4 =	vunpack.c.0.s8.s32 v4;
	s10 =	sadd.s32 s4, s6;
	s6 =	smul.u32 $0x6400, s5  }
.Ltmp0:
0xd: {  	v5 =	vunpack.c.0.s8.s32 v5;
	v6 =	vunpack.c.0.s8.s32 v6;
	v7 =	vunpack.c.0.s8.s32 v7;
	s25 =	ssub.s32 s1, s9;
	s1 =	simm.s32 $0x3;
	(pc) =	sbr.rel .LBB2_1-.Ltmp0, $4  }
0xe: {  	v1 =	vunpack.c.0.s8.s32 v1;
	s11 =	sadd.s32 $0xA, s8;
	s31 =	sadd.s32 $0xC, s8;
	v2 =	vcombine.low v3, v2;
	[dreg:$0x3] =	wrdreg s10  }
0xf: {  	s0 =	smax.u32 s25, $0x1;
	s8 =	simm.s32 $0x10500;
	v3 =	vcombine.low v5, v4;
	v4 =	vcombine.low v7, v6;
	v0 =	vand.u32 $0xF, v0;
	[dreg:$0x5] =	wrdreg s31  }
0x10: {  	s25 =	simm.s32 $0x7;
	s26 =	sadd.s32 $0x20, s10;
	[dreg:$0x6] =	wrdreg s0;
	v0 =	vcombine.low v0, v1  }
0x11: {  	s10 =	smul.u32 $0x190000, s5;
	[dreg:$0x4] =	wrdreg s26;
	s9 =	sor.u32 $0x100, s6;
	v1 =	vand.u32 $0xF, v2;
	v2 =	vand.u32 $0xF, v3;
	v3 =	vand.u32 $0xF, v4  }
.LBB2_14:
0x12: {  	s0 =	simm.s32 $0x6  }
0x13: {  	_ =	swait.ge [sflag:s0], $0x4000  }
0x14: {  	[sflag:s0] =	ssyncset.done $0x0  }
0x15: {  	[sflag:s0] =	ssyncadd.s32 $0xFFFFC000  }
0x16: {  	_ =	swait.ge [sflag:s25], $0x4000  }
0x17: {  	[sflag:s25] =	ssyncset.done $0x0  }
0x18: {  	s16 =	simm.s32 $0x8;
	[sflag:s25] =	ssyncadd.s32 $0xFFFFC000  }
0x19: {  	_ =	swait.ge [sflag:s16], $0x4000  }
0x1a: {  	[sflag:s16] =	ssyncset.done $0x0  }
0x1b: {  	s26 =	simm.s32 $0x9;
	[sflag:s16] =	ssyncadd.s32 $0xFFFFC000  }
0x1c: {  	_ =	swait.ge [sflag:s26], $0x4000  }
0x1d: {  	[sflag:s26] =	ssyncset.done $0x0  }
0x1e: {  	s5 =	simm.s32 $0xA;
	[sflag:s26] =	ssyncadd.s32 $0xFFFFC000  }
0x1f: {  	_ =	swait.ge [sflag:s5], $0x4000  }
0x20: {  	s12 =	rddreg [dreg:$0x7]  }
0x21: {  	s31 =	rddreg [dreg:$0x6];
	s12 =	sadd.s32 $0x1, s12  }
0x22: {  	p0 =	sne.s32 s12, s31  }
.Ltmp1:
0x23: {  	_ = 	snop;
	(pc) =	sbr.rel @!p0 .LBB2_15-.Ltmp1, $3  }
0x24: {  	_ =	sdelay $0x1  }
0x25: {  	[sflag:s5] =	ssyncset.done $0x0  }
0x26: {  	[sflag:s5] =	ssyncadd.s32 $0xFFFFC000  }
.LBB2_1:
0x27: {  	[dreg:$0x7] =	wrdreg s12  }
0x28: {  	s0 =	rddreg [dreg:$0x3]  }
0x29: {  	[tilespmem:s3], [sflag:$0xB] =	stream.linear.gather [hbm4b:s0+s3], $0x100, $0x38;
	[tilespmem:$0x14500] =	vst v63  }
0x2a: {  	_ =	swait.ge [sflag:s14], $0x100  }
0x2b: {  	[sflag:s14] =	ssyncset.done $0x0  }
0x2c: {  	s13 =	simm.s32 $0x500;
	[sflag:s14] =	ssyncadd.s32 $0xFFFFFF00  }
0x2d: {  	[tilespmem:s13], [sflag:$0x1] =	stream.indirect.gather [hbm4b:s7+s15], $0x40, s3, s15, $0xb8;
	[tilespmem:$0x14500] =	vst v63  }
0x2e: {  	s16 =	simm.s32 $0x2500  }
0x2f: {  	[tilespmem:s16], [sflag:$0x1] =	stream.indirect.gather [hbm4b:s7+s15], $0x40, s15, s15, $0xb8;
	[tilespmem:$0x14500] =	vst v63  }
0x30: {  	s26 =	rddreg [dreg:$0x4]  }
0x31: {  	[tilespmem:s18], [sflag:$0xB] =	stream.linear.gather [hbm4b:s26+s3], $0x100, $0x38;
	[tilespmem:$0x14500] =	vst v63  }
0x32: {  	_ =	swait.ge [sflag:s14], $0x100  }
0x33: {  	[sflag:s14] =	ssyncset.done $0x0  }
0x34: {  	[sflag:s14] =	ssyncadd.s32 $0xFFFFFF00  }
0x35: {  	[tilespmem:s19], [sflag:$0x2] =	stream.indirect.gather [hbm4b:s7+s15], $0x40, s18, s15, $0xb8;
	[tilespmem:$0x14500] =	vst v63  }
0x36: {  	s31 =	simm.s32 $0x180;
	s5 =	simm.s32 $0x6500;
	s26 =	simm.s32 $0x0  }
0x37: {  	[tilespmem:s5], [sflag:$0x2] =	stream.indirect.gather [hbm4b:s7+s15], $0x40, s31, s15, $0xb8;
	[tilespmem:$0x14500] =	vst v63  }
.LBB2_2:
0x38: {  	_ =	swait.ge [sflag:s22], $0x4000  }
0x39: {  	[sflag:s22] =	ssyncset.done $0x0  }
0x3a: {  	s0 =	simm.s32 $0x600;
	[sflag:s22] =	ssyncadd.s32 $0xFFFFC000  }
0x3b: {  	v6 =	vld [tilespmem:s0+$0xC0]  }
0x3c: {  	v4 =	vld [tilespmem:s0+$0xD0]  }
0x3d: {  	v5 =	vld [tilespmem:s0+$0xE0]  }
0x3e: {  	v33 =	vld [tilespmem:s0+$0xFFFFFF10]  }
0x3f: {  	v36 =	vld [tilespmem:s0+$0xF0]  }
0x40: {  	v15 =	vld [tilespmem:s0+$0xFFFFFF40]  }
0x41: {  	v18 =	vld [tilespmem:s0+$0xFFFFFF50]  }
0x42: {  	v16 =	vld [tilespmem:s0+$0xFFFFFF80]  }
0x43: {  	v17 =	vld [tilespmem:s0+$0xFFFFFF90]  }
0x44: {  	v13 =	vld [tilespmem:s0+$0xFFFFFFC0];
	v7 =	vmul.f32 v6, v6;
	v8 =	vmul.f32 v4, v4  }
0x45: {  	v14 =	vld [tilespmem:s0+$0xFFFFFFD0]  }
0x46: {  	v11 =	vld [tilespmem:s0+$0x10];
	v7 =	vadd.f32 v8, v7;
	v8 =	vmul.f32 v5, v5  }
0x47: {  	v34 =	vld [tilespmem:s0+$0xFFFFFF00]  }
0x48: {  	v10 =	vld [tilespmem:s0+$0x0];
	v7 =	vadd.f32 v8, v7;
	v8 =	vmul.f32 v36, v36  }
0x49: {  	v12 =	vld [tilespmem:s0+$0x80];
	v20 =	vmul.f32 v15, v15;
	v21 =	vmul.f32 v18, v18  }
0x4a: {  	v22 =	vmul.f32 v33, v33;
	v24 =	vmul.f32 v16, v16;
	v9 =	vadd.f32 v8, v7;
	v8 =	vld [tilespmem:s0+$0x40]  }
0x4b: {  	v27 =	vmul.f32 v14, v14;
	v29 =	vmul.f32 v11, v11;
	v7 =	vld [tilespmem:s0+$0x50]  }
0x4c: {  	v35 =	vld [tilespmem:s0+$0xFFFFFF20];
	v32 =	vmul.f32 v34, v34;
	v25 =	vadd.f32 v21, v20;
	v20 =	vmul.f32 v17, v17  }
0x4d: {  	v26 =	vld [tilespmem:s0+$0xFFFFFF60];
	v21 =	vmul.f32 v13, v13;
	v19 =	vperm.xlane v9, v0  }
0x4e: {  	v22 =	vadd.f32 v22, v32;
	v32 =	vld [tilespmem:s0+$0xFFFFFF30];
	v28 =	vadd.f32 v20, v24;
	v20 =	vmul.f32 v10, v10  }
0x4f: {  	v27 =	vadd.f32 v27, v21;
	v21 =	vld [tilespmem:s0+$0x20];
	v19 =	vadd.f32 v9, v19  }
0x50: {  	v24 =	vld [tilespmem:s0+$0xFFFFFFA0];
	v37 =	vadd.f32 v29, v20;
	v30 =	vmul.f32 v8, v8;
	v29 =	vmul.f32 v7, v7  }
0x51: {  	v20 =	vld [tilespmem:s0+$0x60];
	v23 =	vperm.xlane v19, v1  }
0x52: {  	v9 =	vld [tilespmem:s0+$0x90];
	v41 =	vadd.f32 v29, v30;
	v30 =	vmul.f32 v26, v26  }
0x53: {  	v29 =	vmul.f32 v35, v35;
	v19 =	vadd.f32 v19, v23;
	v23 =	vld [tilespmem:s0+$0xFFFFFFE0]  }
0x54: {  	v44 =	vadd.f32 v30, v25;
	v30 =	vld [tilespmem:s0+$0xFFFFFFB0];
	v25 =	vmul.f32 v21, v21  }
0x55: {  	v45 =	vmul.f32 v32, v32;
	v43 =	vadd.f32 v29, v22;
	v29 =	vld [tilespmem:s0+$0xFFFFFFF0];
	v31 =	vperm.xlane v19, v2  }
0x56: {  	v38 =	vmul.f32 v12, v12;
	v42 =	vmul.f32 v24, v24;
	v37 =	vadd.f32 v25, v37;
	v25 =	vld [tilespmem:s0+$0x70]  }
0x57: {  	v39 =	vmul.f32 v9, v9;
	v43 =	vadd.f32 v45, v43;
	v40 =	vadd.f32 v19, v31;
	v19 =	vld [tilespmem:s0+$0xA0]  }
0x58: {  	v28 =	vadd.f32 v42, v28;
	v31 =	vld [tilespmem:s0+$0xFFFFFF70];
	v22 =	vmul.f32 v23, v23  }
0x59: {  	v38 =	vadd.f32 v39, v38;
	v63 =	vperm.xlane v43, v0;
	v55 =	vperm.xlane v40, v3  }
0x5a: {  	v58 =	vmul.f32 v30, v30;
	v59 =	vmul.f32 v29, v29;
	v56 =	vadd.f32 v22, v27  }
0x5b: {  	v22 =	vmul.f32 v20, v20;
	v43 =	vadd.f32 v43, v63;
	v39 =	vadd.f32 v40, v55  }
0x5c: {  	v27 =	vld [tilespmem:s0+$0x30];
	v28 =	vadd.f32 v58, v28;
	v62 =	vmul.f32 v25, v25;
	v57 =	vmul.f32 v19, v19  }
0x5d: {  	v41 =	vadd.f32 v22, v41;
	v47 =	vmul.f32 v31, v31;
	v40 =	vadd.f32 v59, v56  }
0x5e: {  	v58 =	vperm.xlane v43, v1;
	v39 =	vmax.f32 v39, $1.000000020e-24;
	v53 =	vperm.xlane v28, v0  }
0x5f: {  	v22 =	vld [tilespmem:s0+$0xB0];
	v46 =	vshra.s32 v39, $0x1;
	v39 =	vmul.f32 $5.000000000e-01, v39;
	v38 =	vadd.f32 v57, v38  }
0x60: {  	v44 =	vadd.f32 v47, v44;
	v41 =	vadd.f32 v62, v41;
	v50 =	vperm.xlane v40, v0  }
0x61: {  	v43 =	vadd.f32 v43, v58;
	v46 =	vsub.s32 $0x5F3759DF, v46;
	v60 =	vmul.f32 v27, v27  }
0x62: {  	v28 =	vadd.f32 v28, v53;
	v48 =	vmul.f32 v46, v39;
	v49 =	vperm.xlane v44, v0  }
0x63: {  	v56 =	vperm.xlane v41, v0;
	v40 =	vadd.f32 v40, v50;
	v53 =	vperm.xlane v43, v2  }
0x64: {  	v37 =	vadd.f32 v60, v37;
	v52 =	vmul.f32 v22, v22;
	v60 =	vperm.xlane v28, v1  }
0x65: {  	v61 =	vmul.f32 v46, v48;
	v44 =	vadd.f32 v44, v49;
	v41 =	vadd.f32 v41, v56  }
0x66: {  	v38 =	vadd.f32 v52, v38;
	v55 =	vperm.xlane v37, v0;
	v45 =	vadd.f32 v28, v60  }
0x67: {  	v47 =	vsub.f32 $1.500000000e+00, v61;
	v61 =	vperm.xlane v40, v1;
	v63 =	vperm.xlane v41, v1  }
0x68: {  	v59 =	vperm.xlane v44, v1;
	v57 =	vperm.xlane v38, v0;
	v37 =	vadd.f32 v37, v55  }
0x69: {  	v54 =	vmul.f32 v46, v47;
	v52 =	vadd.f32 v40, v61;
	v41 =	vadd.f32 v41, v63  }
0x6a: {  	v40 =	vadd.f32 v43, v53;
	v38 =	vadd.f32 v38, v57;
	v62 =	vperm.xlane v37, v1  }
0x6b: {  	v44 =	vadd.f32 v44, v59;
	v39 =	vmul.f32 v54, v39;
	v59 =	vperm.xlane v41, v2  }
0x6c: {  	v61 =	vperm.xlane v40, v3;
	v51 =	vperm.xlane v38, v1;
	v37 =	vadd.f32 v37, v62  }
0x6d: {  	v56 =	vperm.xlane v45, v2;
	v39 =	vmul.f32 v39, v54;
	v41 =	vadd.f32 v41, v59  }
0x6e: {  	v40 =	vadd.f32 v40, v61;
	v55 =	vadd.f32 v38, v51;
	v58 =	vperm.xlane v37, v2  }
0x6f: {  	v57 =	vperm.xlane v52, v2;
	v38 =	vadd.f32 v45, v56;
	v39 =	vsub.f32 $1.500000000e+00, v39  }
0x70: {  	v40 =	vmax.f32 v40, $1.000000020e-24;
	v60 =	vperm.xlane v55, v2;
	v37 =	vadd.f32 v37, v58  }
0x71: {  	v63 =	vperm.xlane v38, v3;
	v56 =	vshra.s32 v40, $0x1;
	v40 =	vmul.f32 $5.000000000e-01, v40  }
0x72: {  	v28 =	vmul.f32 v39, v54;
	v54 =	vperm.xlane v44, v2;
	v39 =	vadd.f32 v52, v57  }
0x73: {  	v43 =	vsub.s32 $0x5F3759DF, v56;
	v53 =	vperm.xlane v37, v3;
	v38 =	vadd.f32 v38, v63  }
0x74: {  	v47 =	vmul.f32 v28, v36;
	v42 =	vadd.f32 v44, v54;
	v36 =	vadd.f32 v55, v60  }
0x75: {  	v52 =	vperm.xlane v39, v3;
	v54 =	vperm.xlane v41, v3;
	v37 =	vadd.f32 v37, v53  }
0x76: {  	v38 =	vmax.f32 v38, $1.000000020e-24;
	v62 =	vperm.xlane v42, v3;
	v55 =	vperm.xlane v36, v3  }
0x77: {  	v39 =	vadd.f32 v39, v52;
	v41 =	vadd.f32 v41, v54;
	v58 =	vshra.s32 v38, $0x1  }
0x78: {  	v38 =	vmul.f32 $5.000000000e-01, v38;
	v37 =	vmax.f32 v37, $1.000000020e-24;
	v45 =	vsub.s32 $0x5F3759DF, v58  }
0x79: {  	v42 =	vadd.f32 v42, v62;
	v39 =	vmax.f32 v39, $1.000000020e-24;
	v36 =	vadd.f32 v36, v55  }
0x7a: {  	v41 =	vmax.f32 v41, $1.000000020e-24;
	v60 =	vshra.s32 v37, $0x1;
	v37 =	vmul.f32 $5.000000000e-01, v37  }
0x7b: {  	v62 =	vmul.f32 v43, v40;
	v53 =	vmul.f32 v45, v38;
	v59 =	vshra.s32 v39, $0x1  }
0x7c: {  	v39 =	vmul.f32 $5.000000000e-01, v39;
	v61 =	vshra.s32 v41, $0x1;
	v41 =	vmul.f32 $5.000000000e-01, v41  }
0x7d: {  	v48 =	vsub.s32 $0x5F3759DF, v60;
	v42 =	vmax.f32 v42, $1.000000020e-24;
	v36 =	vmax.f32 v36, $1.000000020e-24  }
0x7e: {  	v46 =	vsub.s32 $0x5F3759DF, v59;
	v50 =	vmul.f32 v43, v62;
	v49 =	vsub.s32 $0x5F3759DF, v61  }
0x7f: {  	v55 =	vmul.f32 v48, v37;
	v53 =	vmul.f32 v45, v53;
	v57 =	vshra.s32 v42, $0x1  }
0x80: {  	v42 =	vmul.f32 $5.000000000e-01, v42;
	v51 =	vshra.s32 v36, $0x1;
	v36 =	vmul.f32 $5.000000000e-01, v36  }
0x81: {  	v54 =	vmul.f32 v46, v39;
	v56 =	vmul.f32 v49, v41;
	v44 =	vsub.s32 $0x5F3759DF, v57  }
0x82: {  	v50 =	vsub.f32 $1.500000000e+00, v50;
	v51 =	vsub.s32 $0x5F3759DF, v51;
	v55 =	vmul.f32 v48, v55  }
0x83: {  	v53 =	vsub.f32 $1.500000000e+00, v53;
	v52 =	vmul.f32 v44, v42;
	v63 =	vmul.f32 v51, v36  }
0x84: {  	v54 =	vmul.f32 v46, v54;
	v56 =	vmul.f32 v49, v56  }
0x85: {  	v43 =	vmul.f32 v43, v50;
	v55 =	vsub.f32 $1.500000000e+00, v55;
	v45 =	vmul.f32 v45, v53  }
0x86: {  	v52 =	vmul.f32 v44, v52;
	v50 =	vmul.f32 v51, v63  }
0x87: {  	v54 =	vsub.f32 $1.500000000e+00, v54;
	v59 =	vsub.f32 $1.500000000e+00, v56;
	v48 =	vmul.f32 v48, v55  }
0x88: {  	v40 =	vmul.f32 v43, v40;
	v38 =	vmul.f32 v45, v38  }
0x89: {  	v52 =	vsub.f32 $1.500000000e+00, v52;
	v46 =	vmul.f32 v46, v54;
	v49 =	vmul.f32 v49, v59  }
0x8a: {  	v50 =	vsub.f32 $1.500000000e+00, v50;
	v37 =	vmul.f32 v48, v37;
	v40 =	vmul.f32 v40, v43  }
0x8b: {  	v38 =	vmul.f32 v38, v45;
	v44 =	vmul.f32 v44, v52  }
0x8c: {  	v50 =	vmul.f32 v51, v50;
	v39 =	vmul.f32 v46, v39  }
0x8d: {  	v41 =	vmul.f32 v49, v41;
	v37 =	vmul.f32 v37, v48  }
0x8e: {  	v40 =	vsub.f32 $1.500000000e+00, v40;
	v42 =	vmul.f32 v44, v42;
	v36 =	vmul.f32 v50, v36  }
0x8f: {  	v39 =	vmul.f32 v39, v46;
	v60 =	vmul.f32 v41, v49  }
0x90: {  	v61 =	vsub.f32 $1.500000000e+00, v38;
	v41 =	vmul.f32 v40, v43;
	v42 =	vmul.f32 v42, v44  }
0x91: {  	v37 =	vsub.f32 $1.500000000e+00, v37;
	v36 =	vmul.f32 v36, v50;
	v39 =	vsub.f32 $1.500000000e+00, v39  }
0x92: {  	v62 =	vsub.f32 $1.500000000e+00, v60;
	v33 =	vmul.f32 v41, v33;
	v42 =	vsub.f32 $1.500000000e+00, v42  }
0x93: {  	v63 =	vsub.f32 $1.500000000e+00, v36;
	v36 =	vmul.f32 v61, v45;
	v43 =	vmul.f32 v39, v46  }
0x94: {  	v39 =	vmul.f32 v62, v49;
	v38 =	vmul.f32 v42, v44  }
0x95: {  	v42 =	vmul.f32 v37, v48;
	v44 =	vmul.f32 v41, v34  }
0x96: {  	s5 =	simm.s32 $0x0;
	s13 =	simm.s32 $0x800;
	[tilespmem:s0+$0xF0] =	vst v47;
	v37 =	vmul.f32 v63, v50;
	v34 =	vmul.f32 v41, v35  }
.LBB2_3:
0x97: {  	v40 =	vld [tilespmem:s13+$0xC0];
	[tilespmem:s0+$0xFFFFFF00] =	vst v44;
	v32 =	vmul.f32 v41, v32;
	v35 =	vmul.f32 v38, v15  }
0x98: {  	s5 =	sadd.s32 $0x8, s5;
	v18 =	vmul.f32 v38, v18;
	v26 =	vmul.f32 v38, v26;
	v41 =	vld [tilespmem:s13+$0xD0];
	[tilespmem:s0+$0xFFFFFF10] =	vst v33  }
0x99: {  	v31 =	vmul.f32 v38, v31;
	p0 =	slt.u32 s5, $0xF8;
	v33 =	vld [tilespmem:s13+$0xFFFFFF10];
	[tilespmem:s0+$0xFFFFFF20] =	vst v34;
	v34 =	vmul.f32 v36, v16  }
0x9a: {  	v24 =	vmul.f32 v36, v24;
	v38 =	vld [tilespmem:s13+$0xE0];
	[tilespmem:s0+$0xFFFFFF30] =	vst v32;
	v32 =	vmul.f32 v36, v17  }
0x9b: {  	v30 =	vmul.f32 v36, v30;
	v15 =	vld [tilespmem:s13+$0xFFFFFF40];
	[tilespmem:s0+$0xFFFFFF40] =	vst v35;
	v35 =	vmul.f32 v43, v13  }
0x9c: {  	v44 =	vmul.f32 v43, v14;
	v23 =	vmul.f32 v43, v23;
	v36 =	vld [tilespmem:s13+$0xF0];
	[tilespmem:s0+$0xFFFFFF50] =	vst v18  }
0x9d: {  	v13 =	vmul.f32 v40, v40;
	v18 =	vld [tilespmem:s13+$0xFFFFFF50];
	v14 =	vmul.f32 v41, v41;
	[tilespmem:s0+$0xFFFFFF60] =	vst v26  }
0x9e: {  	v26 =	vmul.f32 v43, v29;
	v45 =	vmul.f32 v33, v33;
	v16 =	vld [tilespmem:s13+$0xFFFFFF80];
	[tilespmem:s0+$0xFFFFFF70] =	vst v31  }
0x9f: {  	v17 =	vld [tilespmem:s13+$0xFFFFFF90];
	v29 =	vadd.f32 v14, v13;
	v31 =	vmul.f32 v38, v38;
	[tilespmem:s0+$0xFFFFFF80] =	vst v34;
	v34 =	vmul.f32 v42, v10  }
0xa0: {  	v43 =	vmul.f32 v15, v15;
	v13 =	vld [tilespmem:s13+$0xFFFFFFC0];
	[tilespmem:s0+$0xFFFFFF90] =	vst v32;
	v32 =	vmul.f32 v42, v11  }
0xa1: {  	v21 =	vmul.f32 v42, v21;
	v14 =	vld [tilespmem:s13+$0xFFFFFFD0];
	v29 =	vadd.f32 v31, v29;
	v31 =	vmul.f32 v36, v36;
	[tilespmem:s0+$0xFFFFFFA0] =	vst v24  }
0xa2: {  	v27 =	vmul.f32 v42, v27;
	v24 =	vmul.f32 v18, v18;
	v10 =	vld [tilespmem:s13+$0x0];
	[tilespmem:s0+$0xFFFFFFB0] =	vst v30  }
0xa3: {  	v30 =	vmul.f32 v16, v16;
	v11 =	vld [tilespmem:s13+$0x10];
	v29 =	vadd.f32 v31, v29;
	[tilespmem:s0+$0xFFFFFFC0] =	vst v35;
	v31 =	vmul.f32 v39, v8  }
0xa4: {  	v42 =	vadd.f32 v24, v43;
	v24 =	vmul.f32 v17, v17;
	v8 =	vld [tilespmem:s13+$0x40];
	[tilespmem:s0+$0xFFFFFFD0] =	vst v44;
	v43 =	vmul.f32 v39, v7  }
0xa5: {  	v35 =	vmul.f32 v13, v13;
	v7 =	vld [tilespmem:s13+$0x50];
	v44 =	vperm.xlane v29, v0;
	[tilespmem:s0+$0xFFFFFFE0] =	vst v23  }
0xa6: {  	v20 =	vmul.f32 v39, v20;
	v46 =	vadd.f32 v24, v30;
	v23 =	vmul.f32 v14, v14;
	v30 =	vld [tilespmem:s13+$0x80];
	[tilespmem:s0+$0xFFFFFFF0] =	vst v26  }
0xa7: {  	v25 =	vmul.f32 v39, v25;
	v24 =	vmul.f32 v10, v10;
	v47 =	vld [tilespmem:s13+$0x90];
	v29 =	vadd.f32 v29, v44;
	[tilespmem:s0+$0x0] =	vst v34  }
0xa8: {  	v34 =	vld [tilespmem:s13+$0xFFFFFF00];
	v39 =	vadd.f32 v23, v35;
	v23 =	vmul.f32 v11, v11;
	[tilespmem:s0+$0x10] =	vst v32;
	v32 =	vmul.f32 v37, v12  }
0xa9: {  	v35 =	vld [tilespmem:s13+$0xFFFFFF20];
	v12 =	vmul.f32 v8, v8;
	v44 =	vperm.xlane v29, v1;
	[tilespmem:s0+$0x20] =	vst v21  }
0xaa: {  	v26 =	vld [tilespmem:s13+$0xFFFFFF60];
	v48 =	vadd.f32 v23, v24;
	v21 =	vmul.f32 v7, v7;
	[tilespmem:s0+$0x30] =	vst v27;
	v27 =	vmul.f32 v37, v9  }
0xab: {  	v24 =	vld [tilespmem:s13+$0xFFFFFFA0];
	v49 =	vmul.f32 v30, v30;
	v29 =	vadd.f32 v29, v44;
	[tilespmem:s0+$0x40] =	vst v31;
	v44 =	vmul.f32 v37, v19  }
0xac: {  	v22 =	vmul.f32 v37, v22;
	v23 =	vld [tilespmem:s13+$0xFFFFFFE0];
	v50 =	vadd.f32 v21, v12;
	v19 =	vmul.f32 v47, v47;
	[tilespmem:s0+$0x50] =	vst v43  }
0xad: {  	v9 =	vmovc v47;
	v31 =	vmul.f32 v34, v34;
	v21 =	vld [tilespmem:s13+$0x20];
	v37 =	vperm.xlane v29, v2;
	[tilespmem:s0+$0x60] =	vst v20;
	v12 =	vmov v30  }
0xae: {  	v30 =	vmul.f32 v35, v35;
	v20 =	vld [tilespmem:s13+$0x60];
	v43 =	vadd.f32 v19, v49;
	[tilespmem:s0+$0x70] =	vst v25;
	v25 =	vmul.f32 v28, v6  }
0xaf: {  	v31 =	vadd.f32 v45, v31;
	v45 =	vmul.f32 v26, v26;
	v19 =	vld [tilespmem:s13+$0xA0];
	v37 =	vadd.f32 v29, v37;
	[tilespmem:s0+$0x80] =	vst v32  }
0xb0: {  	v47 =	vmul.f32 v28, v4;
	v4 =	vmovc v41;
	v6 =	vmov v40;
	v32 =	vld [tilespmem:s13+$0xFFFFFF30];
	v29 =	vmul.f32 v24, v24;
	[tilespmem:s0+$0x90] =	vst v27  }
0xb1: {  	v40 =	vadd.f32 v30, v31;
	v31 =	vld [tilespmem:s13+$0xFFFFFF70];
	v27 =	vmul.f32 v23, v23;
	v41 =	vperm.xlane v37, v3;
	[tilespmem:s0+$0xA0] =	vst v44  }
0xb2: {  	v42 =	vadd.f32 v45, v42;
	v30 =	vld [tilespmem:s13+$0xFFFFFFB0];
	v44 =	vadd.f32 v29, v46;
	v45 =	vmul.f32 v21, v21;
	[tilespmem:s0+$0xB0] =	vst v22  }
0xb3: {  	v29 =	vld [tilespmem:s13+$0xFFFFFFF0];
	v39 =	vadd.f32 v27, v39;
	v22 =	vmul.f32 v20, v20;
	v37 =	vadd.f32 v37, v41;
	[tilespmem:s0+$0xC0] =	vst v25  }
0xb4: {  	v28 =	vmul.f32 v28, v5;
	v27 =	vld [tilespmem:s13+$0x30];
	v41 =	vadd.f32 v45, v48;
	v45 =	vmul.f32 v19, v19;
	[tilespmem:s0+$0xD0] =	vst v47  }
0xb5: {  	v5 =	vmovc v38;
	v46 =	vmul.f32 v32, v32;
	v25 =	vld [tilespmem:s13+$0x70];
	v47 =	vadd.f32 v22, v50;
	v37 =	vmax.f32 v37, $1.000000020e-24  }
0xb6: {  	v22 =	vld [tilespmem:s13+$0xB0];
	v38 =	vadd.f32 v45, v43;
	v43 =	vshra.s32 v37, $0x1;
	v37 =	vmul.f32 $5.000000000e-01, v37;
	[tilespmem:s0+$0xE0] =	vst v28;
	s0 =	smov.u32 s13  }
0xb7: {  	v28 =	vmul.f32 v31, v31;
	v45 =	vmul.f32 v30, v30;
	v43 =	vsub.s32 $0x5F3759DF, v43  }
0xb8: {  	v40 =	vadd.f32 v46, v40;
	v46 =	vmul.f32 v29, v29;
	v48 =	vmul.f32 v43, v37  }
0xb9: {  	v28 =	vadd.f32 v28, v42;
	v42 =	vadd.f32 v45, v44;
	v44 =	vmul.f32 v27, v27  }
0xba: {  	v39 =	vadd.f32 v46, v39;
	v45 =	vmul.f32 v25, v25;
	v46 =	vmul.f32 v43, v48  }
0xbb: {  	v48 =	vperm.xlane v40, v0;
	v41 =	vadd.f32 v44, v41;
	v44 =	vmul.f32 v22, v22  }
0xbc: {  	v49 =	vperm.xlane v28, v0;
	v45 =	vadd.f32 v45, v47;
	v46 =	vsub.f32 $1.500000000e+00, v46  }
0xbd: {  	v47 =	vperm.xlane v42, v0;
	v50 =	vperm.xlane v39, v0;
	v38 =	vadd.f32 v44, v38  }
0xbe: {  	v40 =	vadd.f32 v40, v48;
	v44 =	vperm.xlane v41, v0;
	v43 =	vmul.f32 v43, v46  }
0xbf: {  	v28 =	vadd.f32 v28, v49;
	v46 =	vperm.xlane v45, v0;
	v48 =	vperm.xlane v38, v0  }
0xc0: {  	v42 =	vadd.f32 v42, v47;
	v39 =	vadd.f32 v39, v50;
	v37 =	vmul.f32 v43, v37  }
0xc1: {  	v47 =	vperm.xlane v40, v1;
	v41 =	vadd.f32 v41, v44;
	v44 =	vadd.f32 v45, v46  }
0xc2: {  	v45 =	vperm.xlane v28, v1;
	v38 =	vadd.f32 v38, v48;
	v37 =	vmul.f32 v37, v43  }
0xc3: {  	v40 =	vadd.f32 v40, v47;
	v46 =	vperm.xlane v42, v1;
	v47 =	vperm.xlane v39, v1  }
0xc4: {  	v48 =	vperm.xlane v41, v1;
	v49 =	vperm.xlane v44, v1;
	v37 =	vsub.f32 $1.500000000e+00, v37  }
0xc5: {  	v45 =	vadd.f32 v28, v45;
	v42 =	vadd.f32 v42, v46;
	v46 =	vperm.xlane v38, v1  }
0xc6: {  	v39 =	vadd.f32 v39, v47;
	v41 =	vadd.f32 v41, v48;
	v28 =	vmul.f32 v37, v43  }
0xc7: {  	v38 =	vadd.f32 v38, v46;
	v37 =	vperm.xlane v40, v2;
	v43 =	vadd.f32 v44, v49  }
0xc8: {  	v44 =	vperm.xlane v45, v2;
	v36 =	vmul.f32 v28, v36  }
0xc9: {  	v46 =	vperm.xlane v39, v2;
	v37 =	vadd.f32 v40, v37;
	v40 =	vperm.xlane v42, v2  }
0xca: {  	v44 =	vadd.f32 v45, v44;
	v45 =	vperm.xlane v41, v2;
	v47 =	vperm.xlane v43, v2;
	[tilespmem:s13+$0xF0] =	vst v36  }
0xcb: {  	v39 =	vadd.f32 v39, v46;
	v36 =	vadd.f32 v42, v40;
	v40 =	vperm.xlane v38, v2  }
0xcc: {  	v42 =	vperm.xlane v37, v3;
	v41 =	vadd.f32 v41, v45;
	v43 =	vadd.f32 v43, v47  }
0xcd: {  	v45 =	vperm.xlane v44, v3;
	v46 =	vperm.xlane v36, v3;
	v38 =	vadd.f32 v38, v40  }
0xce: {  	v37 =	vadd.f32 v37, v42;
	v40 =	vperm.xlane v39, v3;
	v42 =	vperm.xlane v41, v3  }
0xcf: {  	v44 =	vadd.f32 v44, v45;
	v45 =	vperm.xlane v43, v3;
	v47 =	vperm.xlane v38, v3  }
0xd0: {  	v37 =	vmax.f32 v37, $1.000000020e-24;
	v36 =	vadd.f32 v36, v46;
	v39 =	vadd.f32 v39, v40  }
0xd1: {  	v40 =	vmax.f32 v44, $1.000000020e-24;
	v41 =	vadd.f32 v41, v42;
	v42 =	vadd.f32 v43, v45  }
0xd2: {  	v36 =	vmax.f32 v36, $1.000000020e-24;
	v39 =	vmax.f32 v39, $1.000000020e-24;
	v38 =	vadd.f32 v38, v47  }
0xd3: {  	v43 =	vshra.s32 v37, $0x1;
	v41 =	vmax.f32 v41, $1.000000020e-24;
	v42 =	vmax.f32 v42, $1.000000020e-24  }
0xd4: {  	v37 =	vmul.f32 $5.000000000e-01, v37;
	v44 =	vshra.s32 v40, $0x1;
	v38 =	vmax.f32 v38, $1.000000020e-24  }
0xd5: {  	v40 =	vmul.f32 $5.000000000e-01, v40;
	v45 =	vshra.s32 v36, $0x1;
	v36 =	vmul.f32 $5.000000000e-01, v36  }
0xd6: {  	v46 =	vshra.s32 v39, $0x1;
	v39 =	vmul.f32 $5.000000000e-01, v39;
	v47 =	vshra.s32 v41, $0x1  }
0xd7: {  	v41 =	vmul.f32 $5.000000000e-01, v41;
	v48 =	vshra.s32 v42, $0x1;
	v42 =	vmul.f32 $5.000000000e-01, v42  }
0xd8: {  	v43 =	vsub.s32 $0x5F3759DF, v43;
	v49 =	vshra.s32 v38, $0x1;
	v38 =	vmul.f32 $5.000000000e-01, v38  }
0xd9: {  	v44 =	vsub.s32 $0x5F3759DF, v44;
	v45 =	vsub.s32 $0x5F3759DF, v45;
	v46 =	vsub.s32 $0x5F3759DF, v46  }
0xda: {  	v47 =	vsub.s32 $0x5F3759DF, v47;
	v48 =	vsub.s32 $0x5F3759DF, v48;
	v49 =	vsub.s32 $0x5F3759DF, v49  }
0xdb: {  	v50 =	vmul.f32 v43, v37;
	v51 =	vmul.f32 v44, v40  }
0xdc: {  	v52 =	vmul.f32 v45, v36;
	v53 =	vmul.f32 v46, v39  }
0xdd: {  	v54 =	vmul.f32 v47, v41;
	v55 =	vmul.f32 v48, v42  }
0xde: {  	v50 =	vmul.f32 v43, v50;
	v56 =	vmul.f32 v49, v38  }
0xdf: {  	v51 =	vmul.f32 v44, v51;
	v52 =	vmul.f32 v45, v52  }
0xe0: {  	v50 =	vsub.f32 $1.500000000e+00, v50;
	v53 =	vmul.f32 v46, v53;
	v54 =	vmul.f32 v47, v54  }
0xe1: {  	v51 =	vsub.f32 $1.500000000e+00, v51;
	v55 =	vmul.f32 v48, v55;
	v56 =	vmul.f32 v49, v56  }
0xe2: {  	v43 =	vmul.f32 v43, v50;
	v50 =	vsub.f32 $1.500000000e+00, v52;
	v52 =	vsub.f32 $1.500000000e+00, v53  }
0xe3: {  	v44 =	vmul.f32 v44, v51;
	v51 =	vsub.f32 $1.500000000e+00, v54;
	v53 =	vsub.f32 $1.500000000e+00, v55  }
0xe4: {  	v45 =	vmul.f32 v45, v50;
	v46 =	vmul.f32 v46, v52;
	v50 =	vsub.f32 $1.500000000e+00, v56  }
0xe5: {  	v47 =	vmul.f32 v47, v51;
	v48 =	vmul.f32 v48, v53  }
0xe6: {  	v37 =	vmul.f32 v43, v37;
	v49 =	vmul.f32 v49, v50  }
0xe7: {  	v40 =	vmul.f32 v44, v40;
	v36 =	vmul.f32 v45, v36  }
0xe8: {  	v39 =	vmul.f32 v46, v39;
	v41 =	vmul.f32 v47, v41  }
0xe9: {  	v42 =	vmul.f32 v48, v42;
	v38 =	vmul.f32 v49, v38  }
0xea: {  	v37 =	vmul.f32 v37, v43;
	v40 =	vmul.f32 v40, v44  }
0xeb: {  	v36 =	vmul.f32 v36, v45;
	v39 =	vmul.f32 v39, v46  }
0xec: {  	v37 =	vsub.f32 $1.500000000e+00, v37;
	v50 =	vmul.f32 v41, v47;
	v42 =	vmul.f32 v42, v48  }
0xed: {  	v40 =	vsub.f32 $1.500000000e+00, v40;
	v36 =	vsub.f32 $1.500000000e+00, v36;
	v51 =	vmul.f32 v38, v49  }
0xee: {  	v41 =	vmul.f32 v37, v43;
	v37 =	vsub.f32 $1.500000000e+00, v39;
	v39 =	vsub.f32 $1.500000000e+00, v50  }
.Ltmp2:
0xef: {  	v38 =	vmul.f32 v40, v44;
	v40 =	vsub.f32 $1.500000000e+00, v42;
	v50 =	vsub.f32 $1.500000000e+00, v51;
	(pc) =	sbr.rel @p0 .LBB2_3-.Ltmp2, $4  }
0xf0: {  	v36 =	vmul.f32 v36, v45;
	v43 =	vmul.f32 v37, v46  }
0xf1: {  	v42 =	vmul.f32 v39, v47;
	v39 =	vmul.f32 v40, v48  }
0xf2: {  	v44 =	vmul.f32 v41, v34;
	v37 =	vmul.f32 v50, v49  }
0xf3: {  	s13 =	sadd.s32 $0x200, s13;
	v33 =	vmul.f32 v41, v33;
	v34 =	vmul.f32 v41, v35  }
0xf4: {  	[tilespmem:s0+$0xFFFFFF00] =	vst v44  }
0xf5: {  	v32 =	vmul.f32 v41, v32;
	[tilespmem:s0+$0xFFFFFF10] =	vst v33  }
0xf6: {  	v15 =	vmul.f32 v38, v15;
	[tilespmem:s0+$0xFFFFFF20] =	vst v34  }
0xf7: {  	v18 =	vmul.f32 v38, v18;
	[tilespmem:s0+$0xFFFFFF30] =	vst v32  }
0xf8: {  	v26 =	vmul.f32 v38, v26;
	[tilespmem:s0+$0xFFFFFF40] =	vst v15  }
0xf9: {  	v16 =	vmul.f32 v36, v16;
	[tilespmem:s0+$0xFFFFFF50] =	vst v18  }
0xfa: {  	v17 =	vmul.f32 v36, v17;
	[tilespmem:s0+$0xFFFFFF60] =	vst v26  }
0xfb: {  	v13 =	vmul.f32 v43, v13;
	[tilespmem:s0+$0xFFFFFF80] =	vst v16  }
0xfc: {  	v14 =	vmul.f32 v43, v14;
	[tilespmem:s0+$0xFFFFFF90] =	vst v17  }
0xfd: {  	v10 =	vmul.f32 v42, v10;
	[tilespmem:s0+$0xFFFFFFC0] =	vst v13  }
0xfe: {  	v11 =	vmul.f32 v42, v11;
	[tilespmem:s0+$0xFFFFFFD0] =	vst v14  }
0xff: {  	v8 =	vmul.f32 v39, v8;
	[tilespmem:s0+$0x0] =	vst v10  }
0x100: {  	v7 =	vmul.f32 v39, v7;
	[tilespmem:s0+$0x10] =	vst v11  }
0x101: {  	v9 =	vmul.f32 v37, v9;
	[tilespmem:s0+$0x40] =	vst v8  }
0x102: {  	v6 =	vmul.f32 v28, v6;
	[tilespmem:s0+$0x50] =	vst v7  }
0x103: {  	v4 =	vmul.f32 v28, v4;
	[tilespmem:s0+$0x90] =	vst v9  }
0x104: {  	v5 =	vmul.f32 v28, v5;
	[tilespmem:s0+$0xC0] =	vst v6  }
0x105: {  	v15 =	vmul.f32 v38, v31;
	[tilespmem:s0+$0xD0] =	vst v4  }
0x106: {  	v16 =	vmul.f32 v36, v30;
	[tilespmem:s0+$0xE0] =	vst v5  }
0x107: {  	v13 =	vmul.f32 v43, v29;
	[tilespmem:s0+$0xFFFFFF70] =	vst v15  }
0x108: {  	v10 =	vmul.f32 v42, v27;
	[tilespmem:s0+$0xFFFFFFB0] =	vst v16  }
0x109: {  	v8 =	vmul.f32 v39, v25;
	[tilespmem:s0+$0xFFFFFFF0] =	vst v13  }
0x10a: {  	v7 =	vmul.f32 v37, v12;
	[tilespmem:s0+$0x30] =	vst v10  }
0x10b: {  	v15 =	vmul.f32 v36, v24;
	[tilespmem:s0+$0x70] =	vst v8  }
0x10c: {  	v13 =	vmul.f32 v42, v21;
	[tilespmem:s0+$0x80] =	vst v7  }
0x10d: {  	v10 =	vmul.f32 v39, v20;
	[tilespmem:s0+$0xFFFFFFA0] =	vst v15  }
0x10e: {  	s13 =	smul.u32 $0x500, s26;
	v8 =	vmul.f32 v37, v19;
	[tilespmem:s0+$0x20] =	vst v13  }
0x10f: {  	v7 =	vmul.f32 v37, v22;
	[tilespmem:s0+$0x60] =	vst v10  }
0x110: {  	s31 =	smul.u32 $0x5, s26;
	s5 =	sadd.s32 s6, s13;
	v15 =	vmul.f32 v43, v23;
	[tilespmem:s0+$0xA0] =	vst v8  }
0x111: {  	s12 =	simm.s32 $0x500;
	s5 =	sshll.u32 s5, $0x3;
	[tilespmem:s0+$0xB0] =	vst v7  }
0x112: {  	p0 =	seq.s32 s26, $0x0;
	s5 =	sadd.s32 s2, s5;
	[tilespmem:s0+$0xFFFFFFE0] =	vst v15;
	s0 =	sadd.s32 $0x2, s31  }
0x113: {  	[hbm4b:s5+s3] =	stream.linear.scatter [tilespmem:s12], [sflag:$0x6], $0x4000, $0x38;
	[tilespmem:$0x14500] =	vst v63  }
0x114: {  	s5 =	simm.s32 @!p0 $0x8;
	s12 =	sshll.u32 s0, $0x8  }
0x115: {  	_ =	swait.ge @!p0 [sflag:s5], $0x4000;
	s12 =	sadd.s32 s6, s12  }
0x116: {  	[sflag:s5] =	ssyncset.done @!p0 $0x0;
	s12 =	sshrl.u32 s12, $0x3  }
0x117: {  	[sflag:s5] =	ssyncadd.s32 @!p0 $0xFFFFC000;
	s16 =	sadd.s32 s4, s12  }
0x118: {  	[tilespmem:s23], [sflag:$0xB] =	stream.linear.gather [hbm4b:s16+s3], $0x100, $0x38;
	[tilespmem:$0x14500] =	vst v63  }
0x119: {  	_ =	swait.ge [sflag:s14], $0x100  }
0x11a: {  	[sflag:s14] =	ssyncset.done $0x0  }
0x11b: {  	[sflag:s14] =	ssyncadd.s32 $0xFFFFFF00  }
0x11c: {  	[tilespmem:s24], [sflag:$0x3] =	stream.indirect.gather [hbm4b:s7+s15], $0x40, s23, s15, $0xb8;
	[tilespmem:$0x14500] =	vst v63  }
0x11d: {  	s12 =	simm.s32 $0x280;
	s16 =	simm.s32 $0xA500  }
0x11e: {  	[tilespmem:s16], [sflag:$0x3] =	stream.indirect.gather [hbm4b:s7+s15], $0x40, s12, s15, $0xb8;
	[tilespmem:$0x14500] =	vst v63  }
0x11f: {  	_ =	swait.ge [sflag:s28], $0x4000  }
0x120: {  	[sflag:s28] =	ssyncset.done $0x0  }
0x121: {  	s5 =	simm.s32 $0x4500;
	[sflag:s28] =	ssyncadd.s32 $0xFFFFC000  }
0x122: {  	v6 =	vld [tilespmem:s5+$0x1C0]  }
0x123: {  	v4 =	vld [tilespmem:s5+$0x1D0]  }
0x124: {  	v5 =	vld [tilespmem:s5+$0x1E0]  }
0x125: {  	v33 =	vld [tilespmem:s5+$0x10]  }
0x126: {  	v36 =	vld [tilespmem:s5+$0x1F0]  }
0x127: {  	v15 =	vld [tilespmem:s5+$0x40]  }
0x128: {  	v18 =	vld [tilespmem:s5+$0x50]  }
0x129: {  	v16 =	vld [tilespmem:s5+$0x80]  }
0x12a: {  	v17 =	vld [tilespmem:s5+$0x90]  }
0x12b: {  	v13 =	vld [tilespmem:s5+$0xC0];
	v7 =	vmul.f32 v6, v6;
	v8 =	vmul.f32 v4, v4  }
0x12c: {  	v14 =	vld [tilespmem:s5+$0xD0]  }
0x12d: {  	v10 =	vld [tilespmem:s5+$0x100];
	v7 =	vadd.f32 v8, v7;
	v8 =	vmul.f32 v5, v5  }
0x12e: {  	v11 =	vld [tilespmem:s5+$0x110]  }
0x12f: {  	v12 =	vld [tilespmem:s5+$0x180];
	v7 =	vadd.f32 v8, v7;
	v8 =	vmul.f32 v36, v36  }
0x130: {  	v34 =	vld [tilespmem:s5+$0x0]  }
0x131: {  	v20 =	vmul.f32 v15, v15;
	v21 =	vmul.f32 v18, v18;
	v9 =	vadd.f32 v8, v7;
	v8 =	vld [tilespmem:s5+$0x140]  }
0x132: {  	v24 =	vmul.f32 v16, v16;
	v7 =	vld [tilespmem:s5+$0x150]  }
0x133: {  	v35 =	vld [tilespmem:s5+$0x20];
	v27 =	vmul.f32 v14, v14;
	v25 =	vadd.f32 v21, v20;
	v20 =	vmul.f32 v17, v17  }
0x134: {  	v26 =	vld [tilespmem:s5+$0x60];
	v21 =	vmul.f32 v13, v13;
	v19 =	vperm.xlane v9, v0  }
0x135: {  	v32 =	vld [tilespmem:s5+$0x30];
	v29 =	vmul.f32 v11, v11;
	v28 =	vadd.f32 v20, v24;
	v20 =	vmul.f32 v10, v10  }
0x136: {  	v22 =	vmul.f32 v33, v33;
	v27 =	vadd.f32 v27, v21;
	v21 =	vld [tilespmem:s5+$0x120];
	v19 =	vadd.f32 v9, v19  }
0x137: {  	v24 =	vld [tilespmem:s5+$0xA0];
	v63 =	vadd.f32 v29, v20;
	v30 =	vmul.f32 v8, v8;
	v29 =	vmul.f32 v7, v7  }
0x138: {  	v48 =	vmul.f32 v34, v34;
	v20 =	vld [tilespmem:s5+$0x160];
	v23 =	vperm.xlane v19, v1  }
0x139: {  	v9 =	vld [tilespmem:s5+$0x190];
	v51 =	vadd.f32 v29, v30;
	v30 =	vmul.f32 v26, v26  }
0x13a: {  	v22 =	vadd.f32 v22, v48;
	v29 =	vmul.f32 v35, v35;
	v19 =	vadd.f32 v19, v23;
	v23 =	vld [tilespmem:s5+$0xE0]  }
0x13b: {  	v55 =	vadd.f32 v30, v25;
	v30 =	vld [tilespmem:s5+$0xB0];
	v25 =	vmul.f32 v21, v21  }
0x13c: {  	v45 =	vmul.f32 v32, v32;
	v54 =	vadd.f32 v29, v22;
	v29 =	vld [tilespmem:s5+$0xF0];
	v31 =	vperm.xlane v19, v2  }
0x13d: {  	v49 =	vmul.f32 v12, v12;
	v53 =	vmul.f32 v24, v24;
	v37 =	vadd.f32 v25, v63;
	v25 =	vld [tilespmem:s5+$0x170]  }
0x13e: {  	v50 =	vmul.f32 v9, v9;
	v43 =	vadd.f32 v45, v54;
	v40 =	vadd.f32 v19, v31;
	v19 =	vld [tilespmem:s5+$0x1A0]  }
0x13f: {  	v28 =	vadd.f32 v53, v28;
	v31 =	vld [tilespmem:s5+$0x70];
	v22 =	vmul.f32 v23, v23  }
0x140: {  	v38 =	vadd.f32 v50, v49;
	v63 =	vperm.xlane v43, v0;
	v52 =	vperm.xlane v40, v3  }
0x141: {  	v58 =	vmul.f32 v30, v30;
	v59 =	vmul.f32 v29, v29;
	v56 =	vadd.f32 v22, v27  }
0x142: {  	v22 =	vmul.f32 v20, v20;
	v43 =	vadd.f32 v43, v63;
	v39 =	vadd.f32 v40, v52  }
0x143: {  	v27 =	vld [tilespmem:s5+$0x130];
	v28 =	vadd.f32 v58, v28;
	v62 =	vmul.f32 v25, v25;
	v57 =	vmul.f32 v19, v19  }
0x144: {  	v41 =	vadd.f32 v22, v51;
	v47 =	vmul.f32 v31, v31;
	v40 =	vadd.f32 v59, v56  }
0x145: {  	v58 =	vperm.xlane v43, v1;
	v39 =	vmax.f32 v39, $1.000000020e-24;
	v53 =	vperm.xlane v28, v0  }
0x146: {  	v22 =	vld [tilespmem:s5+$0x1B0];
	v46 =	vshra.s32 v39, $0x1;
	v39 =	vmul.f32 $5.000000000e-01, v39;
	v38 =	vadd.f32 v57, v38  }
0x147: {  	v44 =	vadd.f32 v47, v55;
	v41 =	vadd.f32 v62, v41;
	v50 =	vperm.xlane v40, v0  }
0x148: {  	v43 =	vadd.f32 v43, v58;
	v46 =	vsub.s32 $0x5F3759DF, v46;
	v60 =	vmul.f32 v27, v27  }
0x149: {  	v28 =	vadd.f32 v28, v53;
	v48 =	vmul.f32 v46, v39;
	v49 =	vperm.xlane v44, v0  }
0x14a: {  	v56 =	vperm.xlane v41, v0;
	v40 =	vadd.f32 v40, v50;
	v53 =	vperm.xlane v43, v2  }
0x14b: {  	v37 =	vadd.f32 v60, v37;
	v52 =	vmul.f32 v22, v22;
	v60 =	vperm.xlane v28, v1  }
0x14c: {  	v61 =	vmul.f32 v46, v48;
	v44 =	vadd.f32 v44, v49;
	v41 =	vadd.f32 v41, v56  }
0x14d: {  	v38 =	vadd.f32 v52, v38;
	v55 =	vperm.xlane v37, v0;
	v45 =	vadd.f32 v28, v60  }
0x14e: {  	v47 =	vsub.f32 $1.500000000e+00, v61;
	v61 =	vperm.xlane v40, v1;
	v63 =	vperm.xlane v41, v1  }
0x14f: {  	v59 =	vperm.xlane v44, v1;
	v57 =	vperm.xlane v38, v0;
	v37 =	vadd.f32 v37, v55  }
0x150: {  	v54 =	vmul.f32 v46, v47;
	v52 =	vadd.f32 v40, v61;
	v41 =	vadd.f32 v41, v63  }
0x151: {  	v40 =	vadd.f32 v43, v53;
	v38 =	vadd.f32 v38, v57;
	v62 =	vperm.xlane v37, v1  }
0x152: {  	v44 =	vadd.f32 v44, v59;
	v39 =	vmul.f32 v54, v39;
	v59 =	vperm.xlane v41, v2  }
0x153: {  	v61 =	vperm.xlane v40, v3;
	v51 =	vperm.xlane v38, v1;
	v37 =	vadd.f32 v37, v62  }
0x154: {  	v56 =	vperm.xlane v45, v2;
	v39 =	vmul.f32 v39, v54;
	v41 =	vadd.f32 v41, v59  }
0x155: {  	v40 =	vadd.f32 v40, v61;
	v55 =	vadd.f32 v38, v51;
	v58 =	vperm.xlane v37, v2  }
0x156: {  	v57 =	vperm.xlane v52, v2;
	v38 =	vadd.f32 v45, v56;
	v39 =	vsub.f32 $1.500000000e+00, v39  }
0x157: {  	v40 =	vmax.f32 v40, $1.000000020e-24;
	v60 =	vperm.xlane v55, v2;
	v37 =	vadd.f32 v37, v58  }
0x158: {  	v63 =	vperm.xlane v38, v3;
	v56 =	vshra.s32 v40, $0x1;
	v40 =	vmul.f32 $5.000000000e-01, v40  }
0x159: {  	v28 =	vmul.f32 v39, v54;
	v54 =	vperm.xlane v44, v2;
	v39 =	vadd.f32 v52, v57  }
0x15a: {  	v43 =	vsub.s32 $0x5F3759DF, v56;
	v53 =	vperm.xlane v37, v3;
	v38 =	vadd.f32 v38, v63  }
0x15b: {  	v47 =	vmul.f32 v28, v36;
	v42 =	vadd.f32 v44, v54;
	v36 =	vadd.f32 v55, v60  }
0x15c: {  	v52 =	vperm.xlane v39, v3;
	v54 =	vperm.xlane v41, v3;
	v37 =	vadd.f32 v37, v53  }
0x15d: {  	v38 =	vmax.f32 v38, $1.000000020e-24;
	v62 =	vperm.xlane v42, v3;
	v55 =	vperm.xlane v36, v3  }
0x15e: {  	v39 =	vadd.f32 v39, v52;
	v41 =	vadd.f32 v41, v54;
	v58 =	vshra.s32 v38, $0x1  }
0x15f: {  	v38 =	vmul.f32 $5.000000000e-01, v38;
	v37 =	vmax.f32 v37, $1.000000020e-24;
	v45 =	vsub.s32 $0x5F3759DF, v58  }
0x160: {  	v42 =	vadd.f32 v42, v62;
	v39 =	vmax.f32 v39, $1.000000020e-24;
	v36 =	vadd.f32 v36, v55  }
0x161: {  	v41 =	vmax.f32 v41, $1.000000020e-24;
	v60 =	vshra.s32 v37, $0x1;
	v37 =	vmul.f32 $5.000000000e-01, v37  }
0x162: {  	v62 =	vmul.f32 v43, v40;
	v53 =	vmul.f32 v45, v38;
	v59 =	vshra.s32 v39, $0x1  }
0x163: {  	v39 =	vmul.f32 $5.000000000e-01, v39;
	v61 =	vshra.s32 v41, $0x1;
	v41 =	vmul.f32 $5.000000000e-01, v41  }
0x164: {  	v48 =	vsub.s32 $0x5F3759DF, v60;
	v42 =	vmax.f32 v42, $1.000000020e-24;
	v36 =	vmax.f32 v36, $1.000000020e-24  }
0x165: {  	v46 =	vsub.s32 $0x5F3759DF, v59;
	v50 =	vmul.f32 v43, v62;
	v49 =	vsub.s32 $0x5F3759DF, v61  }
0x166: {  	v55 =	vmul.f32 v48, v37;
	v53 =	vmul.f32 v45, v53;
	v57 =	vshra.s32 v42, $0x1  }
0x167: {  	v42 =	vmul.f32 $5.000000000e-01, v42;
	v51 =	vshra.s32 v36, $0x1;
	v36 =	vmul.f32 $5.000000000e-01, v36  }
0x168: {  	v54 =	vmul.f32 v46, v39;
	v56 =	vmul.f32 v49, v41;
	v44 =	vsub.s32 $0x5F3759DF, v57  }
0x169: {  	v50 =	vsub.f32 $1.500000000e+00, v50;
	v51 =	vsub.s32 $0x5F3759DF, v51;
	v55 =	vmul.f32 v48, v55  }
0x16a: {  	v53 =	vsub.f32 $1.500000000e+00, v53;
	v52 =	vmul.f32 v44, v42;
	v63 =	vmul.f32 v51, v36  }
0x16b: {  	v54 =	vmul.f32 v46, v54;
	v56 =	vmul.f32 v49, v56  }
0x16c: {  	v43 =	vmul.f32 v43, v50;
	v55 =	vsub.f32 $1.500000000e+00, v55;
	v45 =	vmul.f32 v45, v53  }
0x16d: {  	v52 =	vmul.f32 v44, v52;
	v50 =	vmul.f32 v51, v63  }
0x16e: {  	v54 =	vsub.f32 $1.500000000e+00, v54;
	v59 =	vsub.f32 $1.500000000e+00, v56;
	v48 =	vmul.f32 v48, v55  }
0x16f: {  	v40 =	vmul.f32 v43, v40;
	v38 =	vmul.f32 v45, v38  }
0x170: {  	v52 =	vsub.f32 $1.500000000e+00, v52;
	v46 =	vmul.f32 v46, v54;
	v49 =	vmul.f32 v49, v59  }
0x171: {  	v50 =	vsub.f32 $1.500000000e+00, v50;
	v37 =	vmul.f32 v48, v37;
	v40 =	vmul.f32 v40, v43  }
0x172: {  	v38 =	vmul.f32 v38, v45;
	v44 =	vmul.f32 v44, v52  }
0x173: {  	v50 =	vmul.f32 v51, v50;
	v39 =	vmul.f32 v46, v39  }
0x174: {  	v41 =	vmul.f32 v49, v41;
	v37 =	vmul.f32 v37, v48  }
0x175: {  	v40 =	vsub.f32 $1.500000000e+00, v40;
	v42 =	vmul.f32 v44, v42;
	v36 =	vmul.f32 v50, v36  }
0x176: {  	v39 =	vmul.f32 v39, v46;
	v60 =	vmul.f32 v41, v49  }
0x177: {  	v61 =	vsub.f32 $1.500000000e+00, v38;
	v41 =	vmul.f32 v40, v43;
	v42 =	vmul.f32 v42, v44  }
0x178: {  	v37 =	vsub.f32 $1.500000000e+00, v37;
	v36 =	vmul.f32 v36, v50;
	v39 =	vsub.f32 $1.500000000e+00, v39  }
0x179: {  	v62 =	vsub.f32 $1.500000000e+00, v60;
	v33 =	vmul.f32 v41, v33;
	v42 =	vsub.f32 $1.500000000e+00, v42  }
0x17a: {  	v63 =	vsub.f32 $1.500000000e+00, v36;
	v36 =	vmul.f32 v61, v45;
	v43 =	vmul.f32 v39, v46  }
0x17b: {  	v39 =	vmul.f32 v62, v49;
	v38 =	vmul.f32 v42, v44  }
0x17c: {  	v42 =	vmul.f32 v37, v48;
	v44 =	vmul.f32 v41, v34  }
0x17d: {  	s16 =	simm.s32 $0x0;
	s12 =	simm.s32 $0x4700;
	[tilespmem:s5+$0x1F0] =	vst v47;
	v37 =	vmul.f32 v63, v50;
	v34 =	vmul.f32 v41, v35  }
.LBB2_5:
0x17e: {  	v40 =	vld [tilespmem:s12+$0x1C0];
	[tilespmem:s5+$0x0] =	vst v44;
	v32 =	vmul.f32 v41, v32;
	v35 =	vmul.f32 v38, v15  }
0x17f: {  	s16 =	sadd.s32 $0x8, s16;
	v18 =	vmul.f32 v38, v18;
	v26 =	vmul.f32 v38, v26;
	v41 =	vld [tilespmem:s12+$0x1D0];
	[tilespmem:s5+$0x10] =	vst v33  }
0x180: {  	v31 =	vmul.f32 v38, v31;
	p1 =	slt.u32 s16, $0xF8;
	v33 =	vld [tilespmem:s12+$0x10];
	[tilespmem:s5+$0x20] =	vst v34;
	v34 =	vmul.f32 v36, v16  }
0x181: {  	v24 =	vmul.f32 v36, v24;
	v38 =	vld [tilespmem:s12+$0x1E0];
	[tilespmem:s5+$0x30] =	vst v32;
	v32 =	vmul.f32 v36, v17  }
0x182: {  	v30 =	vmul.f32 v36, v30;
	v15 =	vld [tilespmem:s12+$0x40];
	[tilespmem:s5+$0x40] =	vst v35;
	v35 =	vmul.f32 v43, v13  }
0x183: {  	v44 =	vmul.f32 v43, v14;
	v23 =	vmul.f32 v43, v23;
	v36 =	vld [tilespmem:s12+$0x1F0];
	[tilespmem:s5+$0x50] =	vst v18  }
0x184: {  	v13 =	vmul.f32 v40, v40;
	v18 =	vld [tilespmem:s12+$0x50];
	v14 =	vmul.f32 v41, v41;
	[tilespmem:s5+$0x60] =	vst v26  }
0x185: {  	v26 =	vmul.f32 v43, v29;
	v45 =	vmul.f32 v33, v33;
	v16 =	vld [tilespmem:s12+$0x80];
	[tilespmem:s5+$0x70] =	vst v31  }
0x186: {  	v17 =	vld [tilespmem:s12+$0x90];
	v29 =	vadd.f32 v14, v13;
	v31 =	vmul.f32 v38, v38;
	[tilespmem:s5+$0x80] =	vst v34;
	v34 =	vmul.f32 v42, v10  }
0x187: {  	v43 =	vmul.f32 v15, v15;
	v13 =	vld [tilespmem:s12+$0xC0];
	[tilespmem:s5+$0x90] =	vst v32;
	v32 =	vmul.f32 v42, v11  }
0x188: {  	v21 =	vmul.f32 v42, v21;
	v14 =	vld [tilespmem:s12+$0xD0];
	v29 =	vadd.f32 v31, v29;
	v31 =	vmul.f32 v36, v36;
	[tilespmem:s5+$0xA0] =	vst v24  }
0x189: {  	v27 =	vmul.f32 v42, v27;
	v24 =	vmul.f32 v18, v18;
	v10 =	vld [tilespmem:s12+$0x100];
	[tilespmem:s5+$0xB0] =	vst v30  }
0x18a: {  	v30 =	vmul.f32 v16, v16;
	v11 =	vld [tilespmem:s12+$0x110];
	v29 =	vadd.f32 v31, v29;
	[tilespmem:s5+$0xC0] =	vst v35;
	v31 =	vmul.f32 v39, v8  }
0x18b: {  	v42 =	vadd.f32 v24, v43;
	v24 =	vmul.f32 v17, v17;
	v8 =	vld [tilespmem:s12+$0x140];
	[tilespmem:s5+$0xD0] =	vst v44;
	v43 =	vmul.f32 v39, v7  }
0x18c: {  	v35 =	vmul.f32 v13, v13;
	v7 =	vld [tilespmem:s12+$0x150];
	v44 =	vperm.xlane v29, v0;
	[tilespmem:s5+$0xE0] =	vst v23  }
0x18d: {  	v20 =	vmul.f32 v39, v20;
	v46 =	vadd.f32 v24, v30;
	v23 =	vmul.f32 v14, v14;
	v30 =	vld [tilespmem:s12+$0x180];
	[tilespmem:s5+$0xF0] =	vst v26  }
0x18e: {  	v25 =	vmul.f32 v39, v25;
	v24 =	vmul.f32 v10, v10;
	v47 =	vld [tilespmem:s12+$0x190];
	v29 =	vadd.f32 v29, v44;
	[tilespmem:s5+$0x100] =	vst v34  }
0x18f: {  	v34 =	vld [tilespmem:s12+$0x0];
	v39 =	vadd.f32 v23, v35;
	v23 =	vmul.f32 v11, v11;
	[tilespmem:s5+$0x110] =	vst v32;
	v32 =	vmul.f32 v37, v12  }
0x190: {  	v35 =	vld [tilespmem:s12+$0x20];
	v12 =	vmul.f32 v8, v8;
	v44 =	vperm.xlane v29, v1;
	[tilespmem:s5+$0x120] =	vst v21  }
0x191: {  	v26 =	vld [tilespmem:s12+$0x60];
	v48 =	vadd.f32 v23, v24;
	v21 =	vmul.f32 v7, v7;
	[tilespmem:s5+$0x130] =	vst v27;
	v27 =	vmul.f32 v37, v9  }
0x192: {  	v24 =	vld [tilespmem:s12+$0xA0];
	v49 =	vmul.f32 v30, v30;
	v29 =	vadd.f32 v29, v44;
	[tilespmem:s5+$0x140] =	vst v31;
	v44 =	vmul.f32 v37, v19  }
0x193: {  	v22 =	vmul.f32 v37, v22;
	v23 =	vld [tilespmem:s12+$0xE0];
	v50 =	vadd.f32 v21, v12;
	v19 =	vmul.f32 v47, v47;
	[tilespmem:s5+$0x150] =	vst v43  }
0x194: {  	v9 =	vmovc v47;
	v31 =	vmul.f32 v34, v34;
	v21 =	vld [tilespmem:s12+$0x120];
	v37 =	vperm.xlane v29, v2;
	[tilespmem:s5+$0x160] =	vst v20;
	v12 =	vmov v30  }
0x195: {  	v30 =	vmul.f32 v35, v35;
	v20 =	vld [tilespmem:s12+$0x160];
	v43 =	vadd.f32 v19, v49;
	[tilespmem:s5+$0x170] =	vst v25;
	v25 =	vmul.f32 v28, v6  }
0x196: {  	v31 =	vadd.f32 v45, v31;
	v45 =	vmul.f32 v26, v26;
	v19 =	vld [tilespmem:s12+$0x1A0];
	v37 =	vadd.f32 v29, v37;
	[tilespmem:s5+$0x180] =	vst v32  }
0x197: {  	v47 =	vmul.f32 v28, v4;
	v4 =	vmovc v41;
	v6 =	vmov v40;
	v32 =	vld [tilespmem:s12+$0x30];
	v29 =	vmul.f32 v24, v24;
	[tilespmem:s5+$0x190] =	vst v27  }
0x198: {  	v40 =	vadd.f32 v30, v31;
	v31 =	vld [tilespmem:s12+$0x70];
	v27 =	vmul.f32 v23, v23;
	v41 =	vperm.xlane v37, v3;
	[tilespmem:s5+$0x1A0] =	vst v44  }
0x199: {  	v42 =	vadd.f32 v45, v42;
	v30 =	vld [tilespmem:s12+$0xB0];
	v44 =	vadd.f32 v29, v46;
	v45 =	vmul.f32 v21, v21;
	[tilespmem:s5+$0x1B0] =	vst v22  }
0x19a: {  	v29 =	vld [tilespmem:s12+$0xF0];
	v39 =	vadd.f32 v27, v39;
	v22 =	vmul.f32 v20, v20;
	v37 =	vadd.f32 v37, v41;
	[tilespmem:s5+$0x1C0] =	vst v25  }
0x19b: {  	v28 =	vmul.f32 v28, v5;
	v27 =	vld [tilespmem:s12+$0x130];
	v41 =	vadd.f32 v45, v48;
	v45 =	vmul.f32 v19, v19;
	[tilespmem:s5+$0x1D0] =	vst v47  }
0x19c: {  	v5 =	vmovc v38;
	v46 =	vmul.f32 v32, v32;
	v25 =	vld [tilespmem:s12+$0x170];
	v47 =	vadd.f32 v22, v50;
	v37 =	vmax.f32 v37, $1.000000020e-24  }
0x19d: {  	v22 =	vld [tilespmem:s12+$0x1B0];
	v38 =	vadd.f32 v45, v43;
	v43 =	vshra.s32 v37, $0x1;
	v37 =	vmul.f32 $5.000000000e-01, v37;
	[tilespmem:s5+$0x1E0] =	vst v28;
	s5 =	smov.u32 s12  }
0x19e: {  	v28 =	vmul.f32 v31, v31;
	v45 =	vmul.f32 v30, v30;
	v43 =	vsub.s32 $0x5F3759DF, v43  }
0x19f: {  	v40 =	vadd.f32 v46, v40;
	v46 =	vmul.f32 v29, v29;
	v48 =	vmul.f32 v43, v37  }
0x1a0: {  	v28 =	vadd.f32 v28, v42;
	v42 =	vadd.f32 v45, v44;
	v44 =	vmul.f32 v27, v27  }
0x1a1: {  	v39 =	vadd.f32 v46, v39;
	v45 =	vmul.f32 v25, v25;
	v46 =	vmul.f32 v43, v48  }
0x1a2: {  	v48 =	vperm.xlane v40, v0;
	v41 =	vadd.f32 v44, v41;
	v44 =	vmul.f32 v22, v22  }
0x1a3: {  	v49 =	vperm.xlane v28, v0;
	v45 =	vadd.f32 v45, v47;
	v46 =	vsub.f32 $1.500000000e+00, v46  }
0x1a4: {  	v47 =	vperm.xlane v42, v0;
	v50 =	vperm.xlane v39, v0;
	v38 =	vadd.f32 v44, v38  }
0x1a5: {  	v40 =	vadd.f32 v40, v48;
	v44 =	vperm.xlane v41, v0;
	v43 =	vmul.f32 v43, v46  }
0x1a6: {  	v28 =	vadd.f32 v28, v49;
	v46 =	vperm.xlane v45, v0;
	v48 =	vperm.xlane v38, v0  }
0x1a7: {  	v42 =	vadd.f32 v42, v47;
	v39 =	vadd.f32 v39, v50;
	v37 =	vmul.f32 v43, v37  }
0x1a8: {  	v47 =	vperm.xlane v40, v1;
	v41 =	vadd.f32 v41, v44;
	v44 =	vadd.f32 v45, v46  }
0x1a9: {  	v45 =	vperm.xlane v28, v1;
	v38 =	vadd.f32 v38, v48;
	v37 =	vmul.f32 v37, v43  }
0x1aa: {  	v40 =	vadd.f32 v40, v47;
	v46 =	vperm.xlane v42, v1;
	v47 =	vperm.xlane v39, v1  }
0x1ab: {  	v48 =	vperm.xlane v41, v1;
	v49 =	vperm.xlane v44, v1;
	v37 =	vsub.f32 $1.500000000e+00, v37  }
0x1ac: {  	v45 =	vadd.f32 v28, v45;
	v42 =	vadd.f32 v42, v46;
	v46 =	vperm.xlane v38, v1  }
0x1ad: {  	v39 =	vadd.f32 v39, v47;
	v41 =	vadd.f32 v41, v48;
	v28 =	vmul.f32 v37, v43  }
0x1ae: {  	v38 =	vadd.f32 v38, v46;
	v37 =	vperm.xlane v40, v2;
	v43 =	vadd.f32 v44, v49  }
0x1af: {  	v44 =	vperm.xlane v45, v2;
	v36 =	vmul.f32 v28, v36  }
0x1b0: {  	v46 =	vperm.xlane v39, v2;
	v37 =	vadd.f32 v40, v37;
	v40 =	vperm.xlane v42, v2  }
0x1b1: {  	v44 =	vadd.f32 v45, v44;
	v45 =	vperm.xlane v41, v2;
	v47 =	vperm.xlane v43, v2;
	[tilespmem:s12+$0x1F0] =	vst v36  }
0x1b2: {  	v39 =	vadd.f32 v39, v46;
	v36 =	vadd.f32 v42, v40;
	v40 =	vperm.xlane v38, v2  }
0x1b3: {  	v42 =	vperm.xlane v37, v3;
	v41 =	vadd.f32 v41, v45;
	v43 =	vadd.f32 v43, v47  }
0x1b4: {  	v45 =	vperm.xlane v44, v3;
	v46 =	vperm.xlane v36, v3;
	v38 =	vadd.f32 v38, v40  }
0x1b5: {  	v37 =	vadd.f32 v37, v42;
	v40 =	vperm.xlane v39, v3;
	v42 =	vperm.xlane v41, v3  }
0x1b6: {  	v44 =	vadd.f32 v44, v45;
	v45 =	vperm.xlane v43, v3;
	v47 =	vperm.xlane v38, v3  }
0x1b7: {  	v37 =	vmax.f32 v37, $1.000000020e-24;
	v36 =	vadd.f32 v36, v46;
	v39 =	vadd.f32 v39, v40  }
0x1b8: {  	v40 =	vmax.f32 v44, $1.000000020e-24;
	v41 =	vadd.f32 v41, v42;
	v42 =	vadd.f32 v43, v45  }
0x1b9: {  	v36 =	vmax.f32 v36, $1.000000020e-24;
	v39 =	vmax.f32 v39, $1.000000020e-24;
	v38 =	vadd.f32 v38, v47  }
0x1ba: {  	v43 =	vshra.s32 v37, $0x1;
	v41 =	vmax.f32 v41, $1.000000020e-24;
	v42 =	vmax.f32 v42, $1.000000020e-24  }
0x1bb: {  	v37 =	vmul.f32 $5.000000000e-01, v37;
	v44 =	vshra.s32 v40, $0x1;
	v38 =	vmax.f32 v38, $1.000000020e-24  }
0x1bc: {  	v40 =	vmul.f32 $5.000000000e-01, v40;
	v45 =	vshra.s32 v36, $0x1;
	v36 =	vmul.f32 $5.000000000e-01, v36  }
0x1bd: {  	v46 =	vshra.s32 v39, $0x1;
	v39 =	vmul.f32 $5.000000000e-01, v39;
	v47 =	vshra.s32 v41, $0x1  }
0x1be: {  	v41 =	vmul.f32 $5.000000000e-01, v41;
	v48 =	vshra.s32 v42, $0x1;
	v42 =	vmul.f32 $5.000000000e-01, v42  }
0x1bf: {  	v43 =	vsub.s32 $0x5F3759DF, v43;
	v49 =	vshra.s32 v38, $0x1;
	v38 =	vmul.f32 $5.000000000e-01, v38  }
0x1c0: {  	v44 =	vsub.s32 $0x5F3759DF, v44;
	v45 =	vsub.s32 $0x5F3759DF, v45;
	v46 =	vsub.s32 $0x5F3759DF, v46  }
0x1c1: {  	v47 =	vsub.s32 $0x5F3759DF, v47;
	v48 =	vsub.s32 $0x5F3759DF, v48;
	v49 =	vsub.s32 $0x5F3759DF, v49  }
0x1c2: {  	v50 =	vmul.f32 v43, v37;
	v51 =	vmul.f32 v44, v40  }
0x1c3: {  	v52 =	vmul.f32 v45, v36;
	v53 =	vmul.f32 v46, v39  }
0x1c4: {  	v54 =	vmul.f32 v47, v41;
	v55 =	vmul.f32 v48, v42  }
0x1c5: {  	v50 =	vmul.f32 v43, v50;
	v56 =	vmul.f32 v49, v38  }
0x1c6: {  	v51 =	vmul.f32 v44, v51;
	v52 =	vmul.f32 v45, v52  }
0x1c7: {  	v50 =	vsub.f32 $1.500000000e+00, v50;
	v53 =	vmul.f32 v46, v53;
	v54 =	vmul.f32 v47, v54  }
0x1c8: {  	v51 =	vsub.f32 $1.500000000e+00, v51;
	v55 =	vmul.f32 v48, v55;
	v56 =	vmul.f32 v49, v56  }
0x1c9: {  	v43 =	vmul.f32 v43, v50;
	v50 =	vsub.f32 $1.500000000e+00, v52;
	v52 =	vsub.f32 $1.500000000e+00, v53  }
0x1ca: {  	v44 =	vmul.f32 v44, v51;
	v51 =	vsub.f32 $1.500000000e+00, v54;
	v53 =	vsub.f32 $1.500000000e+00, v55  }
0x1cb: {  	v45 =	vmul.f32 v45, v50;
	v46 =	vmul.f32 v46, v52;
	v50 =	vsub.f32 $1.500000000e+00, v56  }
0x1cc: {  	v47 =	vmul.f32 v47, v51;
	v48 =	vmul.f32 v48, v53  }
0x1cd: {  	v37 =	vmul.f32 v43, v37;
	v49 =	vmul.f32 v49, v50  }
0x1ce: {  	v40 =	vmul.f32 v44, v40;
	v36 =	vmul.f32 v45, v36  }
0x1cf: {  	v39 =	vmul.f32 v46, v39;
	v41 =	vmul.f32 v47, v41  }
0x1d0: {  	v42 =	vmul.f32 v48, v42;
	v38 =	vmul.f32 v49, v38  }
0x1d1: {  	v37 =	vmul.f32 v37, v43;
	v40 =	vmul.f32 v40, v44  }
0x1d2: {  	v36 =	vmul.f32 v36, v45;
	v39 =	vmul.f32 v39, v46  }
0x1d3: {  	v37 =	vsub.f32 $1.500000000e+00, v37;
	v50 =	vmul.f32 v41, v47;
	v42 =	vmul.f32 v42, v48  }
0x1d4: {  	v40 =	vsub.f32 $1.500000000e+00, v40;
	v36 =	vsub.f32 $1.500000000e+00, v36;
	v51 =	vmul.f32 v38, v49  }
0x1d5: {  	v41 =	vmul.f32 v37, v43;
	v37 =	vsub.f32 $1.500000000e+00, v39;
	v39 =	vsub.f32 $1.500000000e+00, v50  }
.Ltmp3:
0x1d6: {  	v38 =	vmul.f32 v40, v44;
	v40 =	vsub.f32 $1.500000000e+00, v42;
	v50 =	vsub.f32 $1.500000000e+00, v51;
	(pc) =	sbr.rel @p1 .LBB2_5-.Ltmp3, $4  }
0x1d7: {  	v36 =	vmul.f32 v36, v45;
	v43 =	vmul.f32 v37, v46  }
0x1d8: {  	v42 =	vmul.f32 v39, v47;
	v39 =	vmul.f32 v40, v48  }
0x1d9: {  	v44 =	vmul.f32 v41, v34;
	v37 =	vmul.f32 v50, v49  }
0x1da: {  	s12 =	sadd.s32 $0x200, s12;
	v33 =	vmul.f32 v41, v33;
	v34 =	vmul.f32 v41, v35  }
0x1db: {  	[tilespmem:s5+$0x0] =	vst v44  }
0x1dc: {  	v32 =	vmul.f32 v41, v32;
	[tilespmem:s5+$0x10] =	vst v33  }
0x1dd: {  	v15 =	vmul.f32 v38, v15;
	[tilespmem:s5+$0x20] =	vst v34  }
0x1de: {  	v18 =	vmul.f32 v38, v18;
	[tilespmem:s5+$0x30] =	vst v32  }
0x1df: {  	v26 =	vmul.f32 v38, v26;
	[tilespmem:s5+$0x40] =	vst v15  }
0x1e0: {  	v16 =	vmul.f32 v36, v16;
	[tilespmem:s5+$0x50] =	vst v18  }
0x1e1: {  	v17 =	vmul.f32 v36, v17;
	[tilespmem:s5+$0x60] =	vst v26  }
0x1e2: {  	v13 =	vmul.f32 v43, v13;
	[tilespmem:s5+$0x80] =	vst v16  }
0x1e3: {  	v14 =	vmul.f32 v43, v14;
	[tilespmem:s5+$0x90] =	vst v17  }
0x1e4: {  	v10 =	vmul.f32 v42, v10;
	[tilespmem:s5+$0xC0] =	vst v13  }
0x1e5: {  	v11 =	vmul.f32 v42, v11;
	[tilespmem:s5+$0xD0] =	vst v14  }
0x1e6: {  	v8 =	vmul.f32 v39, v8;
	[tilespmem:s5+$0x100] =	vst v10  }
0x1e7: {  	v7 =	vmul.f32 v39, v7;
	[tilespmem:s5+$0x110] =	vst v11  }
0x1e8: {  	v9 =	vmul.f32 v37, v9;
	[tilespmem:s5+$0x140] =	vst v8  }
0x1e9: {  	v6 =	vmul.f32 v28, v6;
	[tilespmem:s5+$0x150] =	vst v7  }
0x1ea: {  	v4 =	vmul.f32 v28, v4;
	[tilespmem:s5+$0x190] =	vst v9  }
0x1eb: {  	v5 =	vmul.f32 v28, v5;
	[tilespmem:s5+$0x1C0] =	vst v6  }
0x1ec: {  	v15 =	vmul.f32 v38, v31;
	[tilespmem:s5+$0x1D0] =	vst v4  }
0x1ed: {  	v16 =	vmul.f32 v36, v30;
	[tilespmem:s5+$0x1E0] =	vst v5  }
0x1ee: {  	v13 =	vmul.f32 v43, v29;
	[tilespmem:s5+$0x70] =	vst v15  }
0x1ef: {  	v10 =	vmul.f32 v42, v27;
	[tilespmem:s5+$0xB0] =	vst v16  }
0x1f0: {  	v8 =	vmul.f32 v39, v25;
	[tilespmem:s5+$0xF0] =	vst v13  }
0x1f1: {  	v7 =	vmul.f32 v37, v12;
	[tilespmem:s5+$0x130] =	vst v10  }
0x1f2: {  	v15 =	vmul.f32 v36, v24;
	[tilespmem:s5+$0x170] =	vst v8  }
0x1f3: {  	v13 =	vmul.f32 v42, v21;
	[tilespmem:s5+$0x180] =	vst v7  }
0x1f4: {  	v10 =	vmul.f32 v39, v20;
	[tilespmem:s5+$0xA0] =	vst v15  }
0x1f5: {  	v8 =	vmul.f32 v37, v19;
	[tilespmem:s5+$0x120] =	vst v13  }
0x1f6: {  	s12 =	sadd.s32 s9, s13;
	v7 =	vmul.f32 v37, v22;
	[tilespmem:s5+$0x160] =	vst v10  }
0x1f7: {  	s12 =	sshll.u32 s12, $0x3;
	v15 =	vmul.f32 v43, v23;
	[tilespmem:s5+$0x1A0] =	vst v8  }
0x1f8: {  	s12 =	sand.u32 $0x1FFFF800, s12;
	[tilespmem:s5+$0x1B0] =	vst v7  }
0x1f9: {  	s13 =	sadd.s32 s2, s12;
	[tilespmem:s5+$0xE0] =	vst v15  }
0x1fa: {  	[hbm4b:s13+s3] =	stream.linear.scatter [tilespmem:s19], [sflag:$0x7], $0x4000, $0x38;
	[tilespmem:$0x14500] =	vst v63  }
0x1fb: {  	s13 =	sadd.s32 $0x3, s31  }
0x1fc: {  	s5 =	simm.s32 @!p0 $0x9;
	s16 =	sshll.u32 s13, $0x8  }
0x1fd: {  	_ =	swait.ge @!p0 [sflag:s5], $0x4000;
	s12 =	sadd.s32 s6, s16  }
0x1fe: {  	[sflag:s5] =	ssyncset.done @!p0 $0x0;
	s12 =	sshrl.u32 s12, $0x3  }
0x1ff: {  	[sflag:s5] =	ssyncadd.s32 @!p0 $0xFFFFC000;
	s16 =	sadd.s32 s4, s12  }
0x200: {  	[tilespmem:s29], [sflag:$0xB] =	stream.linear.gather [hbm4b:s16+s3], $0x100, $0x38;
	[tilespmem:$0x14500] =	vst v63  }
0x201: {  	_ =	swait.ge [sflag:s14], $0x100  }
0x202: {  	[sflag:s14] =	ssyncset.done $0x0  }
0x203: {  	[sflag:s14] =	ssyncadd.s32 $0xFFFFFF00  }
0x204: {  	[tilespmem:s30], [sflag:$0x4] =	stream.indirect.gather [hbm4b:s7+s15], $0x40, s29, s15, $0xb8;
	[tilespmem:$0x14500] =	vst v63  }
0x205: {  	s12 =	simm.s32 $0x380;
	s16 =	simm.s32 $0xE500  }
0x206: {  	[tilespmem:s16], [sflag:$0x4] =	stream.indirect.gather [hbm4b:s7+s15], $0x40, s12, s15, $0xb8;
	[tilespmem:$0x14500] =	vst v63  }
0x207: {  	_ =	swait.ge [sflag:s1], $0x4000  }
0x208: {  	[sflag:s1] =	ssyncset.done $0x0  }
0x209: {  	s5 =	simm.s32 $0x8500;
	[sflag:s1] =	ssyncadd.s32 $0xFFFFC000  }
0x20a: {  	v6 =	vld [tilespmem:s5+$0x1C0]  }
0x20b: {  	v4 =	vld [tilespmem:s5+$0x1D0]  }
0x20c: {  	v5 =	vld [tilespmem:s5+$0x1E0]  }
0x20d: {  	v33 =	vld [tilespmem:s5+$0x10]  }
0x20e: {  	v36 =	vld [tilespmem:s5+$0x1F0]  }
0x20f: {  	v15 =	vld [tilespmem:s5+$0x40]  }
0x210: {  	v18 =	vld [tilespmem:s5+$0x50]  }
0x211: {  	v16 =	vld [tilespmem:s5+$0x80]  }
0x212: {  	v17 =	vld [tilespmem:s5+$0x90]  }
0x213: {  	v13 =	vld [tilespmem:s5+$0xC0];
	v7 =	vmul.f32 v6, v6;
	v8 =	vmul.f32 v4, v4  }
0x214: {  	v14 =	vld [tilespmem:s5+$0xD0]  }
0x215: {  	v10 =	vld [tilespmem:s5+$0x100];
	v7 =	vadd.f32 v8, v7;
	v8 =	vmul.f32 v5, v5  }
0x216: {  	v11 =	vld [tilespmem:s5+$0x110]  }
0x217: {  	v12 =	vld [tilespmem:s5+$0x180];
	v7 =	vadd.f32 v8, v7;
	v8 =	vmul.f32 v36, v36  }
0x218: {  	v34 =	vld [tilespmem:s5+$0x0]  }
0x219: {  	v20 =	vmul.f32 v15, v15;
	v21 =	vmul.f32 v18, v18;
	v9 =	vadd.f32 v8, v7;
	v8 =	vld [tilespmem:s5+$0x140]  }
0x21a: {  	v24 =	vmul.f32 v16, v16;
	v7 =	vld [tilespmem:s5+$0x150]  }
0x21b: {  	v35 =	vld [tilespmem:s5+$0x20];
	v27 =	vmul.f32 v14, v14;
	v25 =	vadd.f32 v21, v20;
	v20 =	vmul.f32 v17, v17  }
0x21c: {  	v26 =	vld [tilespmem:s5+$0x60];
	v21 =	vmul.f32 v13, v13;
	v19 =	vperm.xlane v9, v0  }
0x21d: {  	v32 =	vld [tilespmem:s5+$0x30];
	v29 =	vmul.f32 v11, v11;
	v28 =	vadd.f32 v20, v24;
	v20 =	vmul.f32 v10, v10  }
0x21e: {  	v22 =	vmul.f32 v33, v33;
	v27 =	vadd.f32 v27, v21;
	v21 =	vld [tilespmem:s5+$0x120];
	v19 =	vadd.f32 v9, v19  }
0x21f: {  	v24 =	vld [tilespmem:s5+$0xA0];
	v63 =	vadd.f32 v29, v20;
	v30 =	vmul.f32 v8, v8;
	v29 =	vmul.f32 v7, v7  }
0x220: {  	v48 =	vmul.f32 v34, v34;
	v20 =	vld [tilespmem:s5+$0x160];
	v23 =	vperm.xlane v19, v1  }
0x221: {  	v9 =	vld [tilespmem:s5+$0x190];
	v51 =	vadd.f32 v29, v30;
	v30 =	vmul.f32 v26, v26  }
0x222: {  	v22 =	vadd.f32 v22, v48;
	v29 =	vmul.f32 v35, v35;
	v19 =	vadd.f32 v19, v23;
	v23 =	vld [tilespmem:s5+$0xE0]  }
0x223: {  	v55 =	vadd.f32 v30, v25;
	v30 =	vld [tilespmem:s5+$0xB0];
	v25 =	vmul.f32 v21, v21  }
0x224: {  	v45 =	vmul.f32 v32, v32;
	v54 =	vadd.f32 v29, v22;
	v29 =	vld [tilespmem:s5+$0xF0];
	v31 =	vperm.xlane v19, v2  }
0x225: {  	v49 =	vmul.f32 v12, v12;
	v53 =	vmul.f32 v24, v24;
	v37 =	vadd.f32 v25, v63;
	v25 =	vld [tilespmem:s5+$0x170]  }
0x226: {  	v50 =	vmul.f32 v9, v9;
	v43 =	vadd.f32 v45, v54;
	v40 =	vadd.f32 v19, v31;
	v19 =	vld [tilespmem:s5+$0x1A0]  }
0x227: {  	v28 =	vadd.f32 v53, v28;
	v31 =	vld [tilespmem:s5+$0x70];
	v22 =	vmul.f32 v23, v23  }
0x228: {  	v38 =	vadd.f32 v50, v49;
	v63 =	vperm.xlane v43, v0;
	v52 =	vperm.xlane v40, v3  }
0x229: {  	v58 =	vmul.f32 v30, v30;
	v59 =	vmul.f32 v29, v29;
	v56 =	vadd.f32 v22, v27  }
0x22a: {  	v22 =	vmul.f32 v20, v20;
	v43 =	vadd.f32 v43, v63;
	v39 =	vadd.f32 v40, v52  }
0x22b: {  	v27 =	vld [tilespmem:s5+$0x130];
	v28 =	vadd.f32 v58, v28;
	v62 =	vmul.f32 v25, v25;
	v57 =	vmul.f32 v19, v19  }
0x22c: {  	v41 =	vadd.f32 v22, v51;
	v47 =	vmul.f32 v31, v31;
	v40 =	vadd.f32 v59, v56  }
0x22d: {  	v58 =	vperm.xlane v43, v1;
	v39 =	vmax.f32 v39, $1.000000020e-24;
	v53 =	vperm.xlane v28, v0  }
0x22e: {  	v22 =	vld [tilespmem:s5+$0x1B0];
	v46 =	vshra.s32 v39, $0x1;
	v39 =	vmul.f32 $5.000000000e-01, v39;
	v38 =	vadd.f32 v57, v38  }
0x22f: {  	v44 =	vadd.f32 v47, v55;
	v41 =	vadd.f32 v62, v41;
	v50 =	vperm.xlane v40, v0  }
0x230: {  	v43 =	vadd.f32 v43, v58;
	v46 =	vsub.s32 $0x5F3759DF, v46;
	v60 =	vmul.f32 v27, v27  }
0x231: {  	v28 =	vadd.f32 v28, v53;
	v48 =	vmul.f32 v46, v39;
	v49 =	vperm.xlane v44, v0  }
0x232: {  	v56 =	vperm.xlane v41, v0;
	v40 =	vadd.f32 v40, v50;
	v53 =	vperm.xlane v43, v2  }
0x233: {  	v37 =	vadd.f32 v60, v37;
	v52 =	vmul.f32 v22, v22;
	v60 =	vperm.xlane v28, v1  }
0x234: {  	v61 =	vmul.f32 v46, v48;
	v44 =	vadd.f32 v44, v49;
	v41 =	vadd.f32 v41, v56  }
0x235: {  	v38 =	vadd.f32 v52, v38;
	v55 =	vperm.xlane v37, v0;
	v45 =	vadd.f32 v28, v60  }
0x236: {  	v47 =	vsub.f32 $1.500000000e+00, v61;
	v61 =	vperm.xlane v40, v1;
	v63 =	vperm.xlane v41, v1  }
0x237: {  	v59 =	vperm.xlane v44, v1;
	v57 =	vperm.xlane v38, v0;
	v37 =	vadd.f32 v37, v55  }
0x238: {  	v54 =	vmul.f32 v46, v47;
	v52 =	vadd.f32 v40, v61;
	v41 =	vadd.f32 v41, v63  }
0x239: {  	v40 =	vadd.f32 v43, v53;
	v38 =	vadd.f32 v38, v57;
	v62 =	vperm.xlane v37, v1  }
0x23a: {  	v44 =	vadd.f32 v44, v59;
	v39 =	vmul.f32 v54, v39;
	v59 =	vperm.xlane v41, v2  }
0x23b: {  	v61 =	vperm.xlane v40, v3;
	v51 =	vperm.xlane v38, v1;
	v37 =	vadd.f32 v37, v62  }
0x23c: {  	v56 =	vperm.xlane v45, v2;
	v39 =	vmul.f32 v39, v54;
	v41 =	vadd.f32 v41, v59  }
0x23d: {  	v40 =	vadd.f32 v40, v61;
	v55 =	vadd.f32 v38, v51;
	v58 =	vperm.xlane v37, v2  }
0x23e: {  	v57 =	vperm.xlane v52, v2;
	v38 =	vadd.f32 v45, v56;
	v39 =	vsub.f32 $1.500000000e+00, v39  }
0x23f: {  	v40 =	vmax.f32 v40, $1.000000020e-24;
	v60 =	vperm.xlane v55, v2;
	v37 =	vadd.f32 v37, v58  }
0x240: {  	v63 =	vperm.xlane v38, v3;
	v56 =	vshra.s32 v40, $0x1;
	v40 =	vmul.f32 $5.000000000e-01, v40  }
0x241: {  	v28 =	vmul.f32 v39, v54;
	v54 =	vperm.xlane v44, v2;
	v39 =	vadd.f32 v52, v57  }
0x242: {  	v43 =	vsub.s32 $0x5F3759DF, v56;
	v53 =	vperm.xlane v37, v3;
	v38 =	vadd.f32 v38, v63  }
0x243: {  	v47 =	vmul.f32 v28, v36;
	v42 =	vadd.f32 v44, v54;
	v36 =	vadd.f32 v55, v60  }
0x244: {  	v52 =	vperm.xlane v39, v3;
	v54 =	vperm.xlane v41, v3;
	v37 =	vadd.f32 v37, v53  }
0x245: {  	v38 =	vmax.f32 v38, $1.000000020e-24;
	v62 =	vperm.xlane v42, v3;
	v55 =	vperm.xlane v36, v3  }
0x246: {  	v39 =	vadd.f32 v39, v52;
	v41 =	vadd.f32 v41, v54;
	v58 =	vshra.s32 v38, $0x1  }
0x247: {  	v38 =	vmul.f32 $5.000000000e-01, v38;
	v37 =	vmax.f32 v37, $1.000000020e-24;
	v45 =	vsub.s32 $0x5F3759DF, v58  }
0x248: {  	v42 =	vadd.f32 v42, v62;
	v39 =	vmax.f32 v39, $1.000000020e-24;
	v36 =	vadd.f32 v36, v55  }
0x249: {  	v41 =	vmax.f32 v41, $1.000000020e-24;
	v60 =	vshra.s32 v37, $0x1;
	v37 =	vmul.f32 $5.000000000e-01, v37  }
0x24a: {  	v62 =	vmul.f32 v43, v40;
	v53 =	vmul.f32 v45, v38;
	v59 =	vshra.s32 v39, $0x1  }
0x24b: {  	v39 =	vmul.f32 $5.000000000e-01, v39;
	v61 =	vshra.s32 v41, $0x1;
	v41 =	vmul.f32 $5.000000000e-01, v41  }
0x24c: {  	v48 =	vsub.s32 $0x5F3759DF, v60;
	v42 =	vmax.f32 v42, $1.000000020e-24;
	v36 =	vmax.f32 v36, $1.000000020e-24  }
0x24d: {  	v46 =	vsub.s32 $0x5F3759DF, v59;
	v50 =	vmul.f32 v43, v62;
	v49 =	vsub.s32 $0x5F3759DF, v61  }
0x24e: {  	v55 =	vmul.f32 v48, v37;
	v53 =	vmul.f32 v45, v53;
	v57 =	vshra.s32 v42, $0x1  }
0x24f: {  	v42 =	vmul.f32 $5.000000000e-01, v42;
	v51 =	vshra.s32 v36, $0x1;
	v36 =	vmul.f32 $5.000000000e-01, v36  }
0x250: {  	v54 =	vmul.f32 v46, v39;
	v56 =	vmul.f32 v49, v41;
	v44 =	vsub.s32 $0x5F3759DF, v57  }
0x251: {  	v50 =	vsub.f32 $1.500000000e+00, v50;
	v51 =	vsub.s32 $0x5F3759DF, v51;
	v55 =	vmul.f32 v48, v55  }
0x252: {  	v53 =	vsub.f32 $1.500000000e+00, v53;
	v52 =	vmul.f32 v44, v42;
	v63 =	vmul.f32 v51, v36  }
0x253: {  	v54 =	vmul.f32 v46, v54;
	v56 =	vmul.f32 v49, v56  }
0x254: {  	v43 =	vmul.f32 v43, v50;
	v55 =	vsub.f32 $1.500000000e+00, v55;
	v45 =	vmul.f32 v45, v53  }
0x255: {  	v52 =	vmul.f32 v44, v52;
	v50 =	vmul.f32 v51, v63  }
0x256: {  	v54 =	vsub.f32 $1.500000000e+00, v54;
	v59 =	vsub.f32 $1.500000000e+00, v56;
	v48 =	vmul.f32 v48, v55  }
0x257: {  	v40 =	vmul.f32 v43, v40;
	v38 =	vmul.f32 v45, v38  }
0x258: {  	v52 =	vsub.f32 $1.500000000e+00, v52;
	v46 =	vmul.f32 v46, v54;
	v49 =	vmul.f32 v49, v59  }
0x259: {  	v50 =	vsub.f32 $1.500000000e+00, v50;
	v37 =	vmul.f32 v48, v37;
	v40 =	vmul.f32 v40, v43  }
0x25a: {  	v38 =	vmul.f32 v38, v45;
	v44 =	vmul.f32 v44, v52  }
0x25b: {  	v50 =	vmul.f32 v51, v50;
	v39 =	vmul.f32 v46, v39  }
0x25c: {  	v41 =	vmul.f32 v49, v41;
	v37 =	vmul.f32 v37, v48  }
0x25d: {  	v40 =	vsub.f32 $1.500000000e+00, v40;
	v42 =	vmul.f32 v44, v42;
	v36 =	vmul.f32 v50, v36  }
0x25e: {  	v39 =	vmul.f32 v39, v46;
	v60 =	vmul.f32 v41, v49  }
0x25f: {  	v61 =	vsub.f32 $1.500000000e+00, v38;
	v41 =	vmul.f32 v40, v43;
	v42 =	vmul.f32 v42, v44  }
0x260: {  	v37 =	vsub.f32 $1.500000000e+00, v37;
	v36 =	vmul.f32 v36, v50;
	v39 =	vsub.f32 $1.500000000e+00, v39  }
0x261: {  	v62 =	vsub.f32 $1.500000000e+00, v60;
	v33 =	vmul.f32 v41, v33;
	v42 =	vsub.f32 $1.500000000e+00, v42  }
0x262: {  	v63 =	vsub.f32 $1.500000000e+00, v36;
	v36 =	vmul.f32 v61, v45;
	v43 =	vmul.f32 v39, v46  }
0x263: {  	v39 =	vmul.f32 v62, v49;
	v38 =	vmul.f32 v42, v44  }
0x264: {  	v42 =	vmul.f32 v37, v48;
	v44 =	vmul.f32 v41, v34  }
0x265: {  	s16 =	simm.s32 $0x0;
	s12 =	simm.s32 $0x8700;
	[tilespmem:s5+$0x1F0] =	vst v47;
	v37 =	vmul.f32 v63, v50;
	v34 =	vmul.f32 v41, v35  }
.LBB2_7:
0x266: {  	v40 =	vld [tilespmem:s12+$0x1C0];
	[tilespmem:s5+$0x0] =	vst v44;
	v32 =	vmul.f32 v41, v32;
	v35 =	vmul.f32 v38, v15  }
0x267: {  	s16 =	sadd.s32 $0x8, s16;
	v18 =	vmul.f32 v38, v18;
	v26 =	vmul.f32 v38, v26;
	v41 =	vld [tilespmem:s12+$0x1D0];
	[tilespmem:s5+$0x10] =	vst v33  }
0x268: {  	v31 =	vmul.f32 v38, v31;
	p1 =	slt.u32 s16, $0xF8;
	v33 =	vld [tilespmem:s12+$0x10];
	[tilespmem:s5+$0x20] =	vst v34;
	v34 =	vmul.f32 v36, v16  }
0x269: {  	v24 =	vmul.f32 v36, v24;
	v38 =	vld [tilespmem:s12+$0x1E0];
	[tilespmem:s5+$0x30] =	vst v32;
	v32 =	vmul.f32 v36, v17  }
0x26a: {  	v30 =	vmul.f32 v36, v30;
	v15 =	vld [tilespmem:s12+$0x40];
	[tilespmem:s5+$0x40] =	vst v35;
	v35 =	vmul.f32 v43, v13  }
0x26b: {  	v44 =	vmul.f32 v43, v14;
	v23 =	vmul.f32 v43, v23;
	v36 =	vld [tilespmem:s12+$0x1F0];
	[tilespmem:s5+$0x50] =	vst v18  }
0x26c: {  	v13 =	vmul.f32 v40, v40;
	v18 =	vld [tilespmem:s12+$0x50];
	v14 =	vmul.f32 v41, v41;
	[tilespmem:s5+$0x60] =	vst v26  }
0x26d: {  	v26 =	vmul.f32 v43, v29;
	v45 =	vmul.f32 v33, v33;
	v16 =	vld [tilespmem:s12+$0x80];
	[tilespmem:s5+$0x70] =	vst v31  }
0x26e: {  	v17 =	vld [tilespmem:s12+$0x90];
	v29 =	vadd.f32 v14, v13;
	v31 =	vmul.f32 v38, v38;
	[tilespmem:s5+$0x80] =	vst v34;
	v34 =	vmul.f32 v42, v10  }
0x26f: {  	v43 =	vmul.f32 v15, v15;
	v13 =	vld [tilespmem:s12+$0xC0];
	[tilespmem:s5+$0x90] =	vst v32;
	v32 =	vmul.f32 v42, v11  }
0x270: {  	v21 =	vmul.f32 v42, v21;
	v14 =	vld [tilespmem:s12+$0xD0];
	v29 =	vadd.f32 v31, v29;
	v31 =	vmul.f32 v36, v36;
	[tilespmem:s5+$0xA0] =	vst v24  }
0x271: {  	v27 =	vmul.f32 v42, v27;
	v24 =	vmul.f32 v18, v18;
	v10 =	vld [tilespmem:s12+$0x100];
	[tilespmem:s5+$0xB0] =	vst v30  }
0x272: {  	v30 =	vmul.f32 v16, v16;
	v11 =	vld [tilespmem:s12+$0x110];
	v29 =	vadd.f32 v31, v29;
	[tilespmem:s5+$0xC0] =	vst v35;
	v31 =	vmul.f32 v39, v8  }
0x273: {  	v42 =	vadd.f32 v24, v43;
	v24 =	vmul.f32 v17, v17;
	v8 =	vld [tilespmem:s12+$0x140];
	[tilespmem:s5+$0xD0] =	vst v44;
	v43 =	vmul.f32 v39, v7  }
0x274: {  	v35 =	vmul.f32 v13, v13;
	v7 =	vld [tilespmem:s12+$0x150];
	v44 =	vperm.xlane v29, v0;
	[tilespmem:s5+$0xE0] =	vst v23  }
0x275: {  	v20 =	vmul.f32 v39, v20;
	v46 =	vadd.f32 v24, v30;
	v23 =	vmul.f32 v14, v14;
	v30 =	vld [tilespmem:s12+$0x180];
	[tilespmem:s5+$0xF0] =	vst v26  }
0x276: {  	v25 =	vmul.f32 v39, v25;
	v24 =	vmul.f32 v10, v10;
	v47 =	vld [tilespmem:s12+$0x190];
	v29 =	vadd.f32 v29, v44;
	[tilespmem:s5+$0x100] =	vst v34  }
0x277: {  	v34 =	vld [tilespmem:s12+$0x0];
	v39 =	vadd.f32 v23, v35;
	v23 =	vmul.f32 v11, v11;
	[tilespmem:s5+$0x110] =	vst v32;
	v32 =	vmul.f32 v37, v12  }
0x278: {  	v35 =	vld [tilespmem:s12+$0x20];
	v12 =	vmul.f32 v8, v8;
	v44 =	vperm.xlane v29, v1;
	[tilespmem:s5+$0x120] =	vst v21  }
0x279: {  	v26 =	vld [tilespmem:s12+$0x60];
	v48 =	vadd.f32 v23, v24;
	v21 =	vmul.f32 v7, v7;
	[tilespmem:s5+$0x130] =	vst v27;
	v27 =	vmul.f32 v37, v9  }
0x27a: {  	v24 =	vld [tilespmem:s12+$0xA0];
	v49 =	vmul.f32 v30, v30;
	v29 =	vadd.f32 v29, v44;
	[tilespmem:s5+$0x140] =	vst v31;
	v44 =	vmul.f32 v37, v19  }
0x27b: {  	v22 =	vmul.f32 v37, v22;
	v23 =	vld [tilespmem:s12+$0xE0];
	v50 =	vadd.f32 v21, v12;
	v19 =	vmul.f32 v47, v47;
	[tilespmem:s5+$0x150] =	vst v43  }
0x27c: {  	v9 =	vmovc v47;
	v31 =	vmul.f32 v34, v34;
	v21 =	vld [tilespmem:s12+$0x120];
	v37 =	vperm.xlane v29, v2;
	[tilespmem:s5+$0x160] =	vst v20;
	v12 =	vmov v30  }
0x27d: {  	v30 =	vmul.f32 v35, v35;
	v20 =	vld [tilespmem:s12+$0x160];
	v43 =	vadd.f32 v19, v49;
	[tilespmem:s5+$0x170] =	vst v25;
	v25 =	vmul.f32 v28, v6  }
0x27e: {  	v31 =	vadd.f32 v45, v31;
	v45 =	vmul.f32 v26, v26;
	v19 =	vld [tilespmem:s12+$0x1A0];
	v37 =	vadd.f32 v29, v37;
	[tilespmem:s5+$0x180] =	vst v32  }
0x27f: {  	v47 =	vmul.f32 v28, v4;
	v4 =	vmovc v41;
	v6 =	vmov v40;
	v32 =	vld [tilespmem:s12+$0x30];
	v29 =	vmul.f32 v24, v24;
	[tilespmem:s5+$0x190] =	vst v27  }
0x280: {  	v40 =	vadd.f32 v30, v31;
	v31 =	vld [tilespmem:s12+$0x70];
	v27 =	vmul.f32 v23, v23;
	v41 =	vperm.xlane v37, v3;
	[tilespmem:s5+$0x1A0] =	vst v44  }
0x281: {  	v42 =	vadd.f32 v45, v42;
	v30 =	vld [tilespmem:s12+$0xB0];
	v44 =	vadd.f32 v29, v46;
	v45 =	vmul.f32 v21, v21;
	[tilespmem:s5+$0x1B0] =	vst v22  }
0x282: {  	v29 =	vld [tilespmem:s12+$0xF0];
	v39 =	vadd.f32 v27, v39;
	v22 =	vmul.f32 v20, v20;
	v37 =	vadd.f32 v37, v41;
	[tilespmem:s5+$0x1C0] =	vst v25  }
0x283: {  	v28 =	vmul.f32 v28, v5;
	v27 =	vld [tilespmem:s12+$0x130];
	v41 =	vadd.f32 v45, v48;
	v45 =	vmul.f32 v19, v19;
	[tilespmem:s5+$0x1D0] =	vst v47  }
0x284: {  	v5 =	vmovc v38;
	v46 =	vmul.f32 v32, v32;
	v25 =	vld [tilespmem:s12+$0x170];
	v47 =	vadd.f32 v22, v50;
	v37 =	vmax.f32 v37, $1.000000020e-24  }
0x285: {  	v22 =	vld [tilespmem:s12+$0x1B0];
	v38 =	vadd.f32 v45, v43;
	v43 =	vshra.s32 v37, $0x1;
	v37 =	vmul.f32 $5.000000000e-01, v37;
	[tilespmem:s5+$0x1E0] =	vst v28;
	s5 =	smov.u32 s12  }
0x286: {  	v28 =	vmul.f32 v31, v31;
	v45 =	vmul.f32 v30, v30;
	v43 =	vsub.s32 $0x5F3759DF, v43  }
0x287: {  	v40 =	vadd.f32 v46, v40;
	v46 =	vmul.f32 v29, v29;
	v48 =	vmul.f32 v43, v37  }
0x288: {  	v28 =	vadd.f32 v28, v42;
	v42 =	vadd.f32 v45, v44;
	v44 =	vmul.f32 v27, v27  }
0x289: {  	v39 =	vadd.f32 v46, v39;
	v45 =	vmul.f32 v25, v25;
	v46 =	vmul.f32 v43, v48  }
0x28a: {  	v48 =	vperm.xlane v40, v0;
	v41 =	vadd.f32 v44, v41;
	v44 =	vmul.f32 v22, v22  }
0x28b: {  	v49 =	vperm.xlane v28, v0;
	v45 =	vadd.f32 v45, v47;
	v46 =	vsub.f32 $1.500000000e+00, v46  }
0x28c: {  	v47 =	vperm.xlane v42, v0;
	v50 =	vperm.xlane v39, v0;
	v38 =	vadd.f32 v44, v38  }
0x28d: {  	v40 =	vadd.f32 v40, v48;
	v44 =	vperm.xlane v41, v0;
	v43 =	vmul.f32 v43, v46  }
0x28e: {  	v28 =	vadd.f32 v28, v49;
	v46 =	vperm.xlane v45, v0;
	v48 =	vperm.xlane v38, v0  }
0x28f: {  	v42 =	vadd.f32 v42, v47;
	v39 =	vadd.f32 v39, v50;
	v37 =	vmul.f32 v43, v37  }
0x290: {  	v47 =	vperm.xlane v40, v1;
	v41 =	vadd.f32 v41, v44;
	v44 =	vadd.f32 v45, v46  }
0x291: {  	v45 =	vperm.xlane v28, v1;
	v38 =	vadd.f32 v38, v48;
	v37 =	vmul.f32 v37, v43  }
0x292: {  	v40 =	vadd.f32 v40, v47;
	v46 =	vperm.xlane v42, v1;
	v47 =	vperm.xlane v39, v1  }
0x293: {  	v48 =	vperm.xlane v41, v1;
	v49 =	vperm.xlane v44, v1;
	v37 =	vsub.f32 $1.500000000e+00, v37  }
0x294: {  	v45 =	vadd.f32 v28, v45;
	v42 =	vadd.f32 v42, v46;
	v46 =	vperm.xlane v38, v1  }
0x295: {  	v39 =	vadd.f32 v39, v47;
	v41 =	vadd.f32 v41, v48;
	v28 =	vmul.f32 v37, v43  }
0x296: {  	v38 =	vadd.f32 v38, v46;
	v37 =	vperm.xlane v40, v2;
	v43 =	vadd.f32 v44, v49  }
0x297: {  	v44 =	vperm.xlane v45, v2;
	v36 =	vmul.f32 v28, v36  }
0x298: {  	v46 =	vperm.xlane v39, v2;
	v37 =	vadd.f32 v40, v37;
	v40 =	vperm.xlane v42, v2  }
0x299: {  	v44 =	vadd.f32 v45, v44;
	v45 =	vperm.xlane v41, v2;
	v47 =	vperm.xlane v43, v2;
	[tilespmem:s12+$0x1F0] =	vst v36  }
0x29a: {  	v39 =	vadd.f32 v39, v46;
	v36 =	vadd.f32 v42, v40;
	v40 =	vperm.xlane v38, v2  }
0x29b: {  	v42 =	vperm.xlane v37, v3;
	v41 =	vadd.f32 v41, v45;
	v43 =	vadd.f32 v43, v47  }
0x29c: {  	v45 =	vperm.xlane v44, v3;
	v46 =	vperm.xlane v36, v3;
	v38 =	vadd.f32 v38, v40  }
0x29d: {  	v37 =	vadd.f32 v37, v42;
	v40 =	vperm.xlane v39, v3;
	v42 =	vperm.xlane v41, v3  }
0x29e: {  	v44 =	vadd.f32 v44, v45;
	v45 =	vperm.xlane v43, v3;
	v47 =	vperm.xlane v38, v3  }
0x29f: {  	v37 =	vmax.f32 v37, $1.000000020e-24;
	v36 =	vadd.f32 v36, v46;
	v39 =	vadd.f32 v39, v40  }
0x2a0: {  	v40 =	vmax.f32 v44, $1.000000020e-24;
	v41 =	vadd.f32 v41, v42;
	v42 =	vadd.f32 v43, v45  }
0x2a1: {  	v36 =	vmax.f32 v36, $1.000000020e-24;
	v39 =	vmax.f32 v39, $1.000000020e-24;
	v38 =	vadd.f32 v38, v47  }
0x2a2: {  	v43 =	vshra.s32 v37, $0x1;
	v41 =	vmax.f32 v41, $1.000000020e-24;
	v42 =	vmax.f32 v42, $1.000000020e-24  }
0x2a3: {  	v37 =	vmul.f32 $5.000000000e-01, v37;
	v44 =	vshra.s32 v40, $0x1;
	v38 =	vmax.f32 v38, $1.000000020e-24  }
0x2a4: {  	v40 =	vmul.f32 $5.000000000e-01, v40;
	v45 =	vshra.s32 v36, $0x1;
	v36 =	vmul.f32 $5.000000000e-01, v36  }
0x2a5: {  	v46 =	vshra.s32 v39, $0x1;
	v39 =	vmul.f32 $5.000000000e-01, v39;
	v47 =	vshra.s32 v41, $0x1  }
0x2a6: {  	v41 =	vmul.f32 $5.000000000e-01, v41;
	v48 =	vshra.s32 v42, $0x1;
	v42 =	vmul.f32 $5.000000000e-01, v42  }
0x2a7: {  	v43 =	vsub.s32 $0x5F3759DF, v43;
	v49 =	vshra.s32 v38, $0x1;
	v38 =	vmul.f32 $5.000000000e-01, v38  }
0x2a8: {  	v44 =	vsub.s32 $0x5F3759DF, v44;
	v45 =	vsub.s32 $0x5F3759DF, v45;
	v46 =	vsub.s32 $0x5F3759DF, v46  }
0x2a9: {  	v47 =	vsub.s32 $0x5F3759DF, v47;
	v48 =	vsub.s32 $0x5F3759DF, v48;
	v49 =	vsub.s32 $0x5F3759DF, v49  }
0x2aa: {  	v50 =	vmul.f32 v43, v37;
	v51 =	vmul.f32 v44, v40  }
0x2ab: {  	v52 =	vmul.f32 v45, v36;
	v53 =	vmul.f32 v46, v39  }
0x2ac: {  	v54 =	vmul.f32 v47, v41;
	v55 =	vmul.f32 v48, v42  }
0x2ad: {  	v50 =	vmul.f32 v43, v50;
	v56 =	vmul.f32 v49, v38  }
0x2ae: {  	v51 =	vmul.f32 v44, v51;
	v52 =	vmul.f32 v45, v52  }
0x2af: {  	v50 =	vsub.f32 $1.500000000e+00, v50;
	v53 =	vmul.f32 v46, v53;
	v54 =	vmul.f32 v47, v54  }
0x2b0: {  	v51 =	vsub.f32 $1.500000000e+00, v51;
	v55 =	vmul.f32 v48, v55;
	v56 =	vmul.f32 v49, v56  }
0x2b1: {  	v43 =	vmul.f32 v43, v50;
	v50 =	vsub.f32 $1.500000000e+00, v52;
	v52 =	vsub.f32 $1.500000000e+00, v53  }
0x2b2: {  	v44 =	vmul.f32 v44, v51;
	v51 =	vsub.f32 $1.500000000e+00, v54;
	v53 =	vsub.f32 $1.500000000e+00, v55  }
0x2b3: {  	v45 =	vmul.f32 v45, v50;
	v46 =	vmul.f32 v46, v52;
	v50 =	vsub.f32 $1.500000000e+00, v56  }
0x2b4: {  	v47 =	vmul.f32 v47, v51;
	v48 =	vmul.f32 v48, v53  }
0x2b5: {  	v37 =	vmul.f32 v43, v37;
	v49 =	vmul.f32 v49, v50  }
0x2b6: {  	v40 =	vmul.f32 v44, v40;
	v36 =	vmul.f32 v45, v36  }
0x2b7: {  	v39 =	vmul.f32 v46, v39;
	v41 =	vmul.f32 v47, v41  }
0x2b8: {  	v42 =	vmul.f32 v48, v42;
	v38 =	vmul.f32 v49, v38  }
0x2b9: {  	v37 =	vmul.f32 v37, v43;
	v40 =	vmul.f32 v40, v44  }
0x2ba: {  	v36 =	vmul.f32 v36, v45;
	v39 =	vmul.f32 v39, v46  }
0x2bb: {  	v37 =	vsub.f32 $1.500000000e+00, v37;
	v50 =	vmul.f32 v41, v47;
	v42 =	vmul.f32 v42, v48  }
0x2bc: {  	v40 =	vsub.f32 $1.500000000e+00, v40;
	v36 =	vsub.f32 $1.500000000e+00, v36;
	v51 =	vmul.f32 v38, v49  }
0x2bd: {  	v41 =	vmul.f32 v37, v43;
	v37 =	vsub.f32 $1.500000000e+00, v39;
	v39 =	vsub.f32 $1.500000000e+00, v50  }
.Ltmp4:
0x2be: {  	v38 =	vmul.f32 v40, v44;
	v40 =	vsub.f32 $1.500000000e+00, v42;
	v50 =	vsub.f32 $1.500000000e+00, v51;
	(pc) =	sbr.rel @p1 .LBB2_7-.Ltmp4, $4  }
0x2bf: {  	v36 =	vmul.f32 v36, v45;
	v43 =	vmul.f32 v37, v46  }
0x2c0: {  	v42 =	vmul.f32 v39, v47;
	v39 =	vmul.f32 v40, v48  }
0x2c1: {  	v44 =	vmul.f32 v41, v34;
	v37 =	vmul.f32 v50, v49  }
0x2c2: {  	s12 =	sadd.s32 $0x200, s12;
	v33 =	vmul.f32 v41, v33;
	v34 =	vmul.f32 v41, v35  }
0x2c3: {  	[tilespmem:s5+$0x0] =	vst v44  }
0x2c4: {  	v32 =	vmul.f32 v41, v32;
	[tilespmem:s5+$0x10] =	vst v33  }
0x2c5: {  	v15 =	vmul.f32 v38, v15;
	[tilespmem:s5+$0x20] =	vst v34  }
0x2c6: {  	v18 =	vmul.f32 v38, v18;
	[tilespmem:s5+$0x30] =	vst v32  }
0x2c7: {  	v26 =	vmul.f32 v38, v26;
	[tilespmem:s5+$0x40] =	vst v15  }
0x2c8: {  	v16 =	vmul.f32 v36, v16;
	[tilespmem:s5+$0x50] =	vst v18  }
0x2c9: {  	v17 =	vmul.f32 v36, v17;
	[tilespmem:s5+$0x60] =	vst v26  }
0x2ca: {  	v13 =	vmul.f32 v43, v13;
	[tilespmem:s5+$0x80] =	vst v16  }
0x2cb: {  	v14 =	vmul.f32 v43, v14;
	[tilespmem:s5+$0x90] =	vst v17  }
0x2cc: {  	v10 =	vmul.f32 v42, v10;
	[tilespmem:s5+$0xC0] =	vst v13  }
0x2cd: {  	v11 =	vmul.f32 v42, v11;
	[tilespmem:s5+$0xD0] =	vst v14  }
0x2ce: {  	v8 =	vmul.f32 v39, v8;
	[tilespmem:s5+$0x100] =	vst v10  }
0x2cf: {  	v7 =	vmul.f32 v39, v7;
	[tilespmem:s5+$0x110] =	vst v11  }
0x2d0: {  	v9 =	vmul.f32 v37, v9;
	[tilespmem:s5+$0x140] =	vst v8  }
0x2d1: {  	v6 =	vmul.f32 v28, v6;
	[tilespmem:s5+$0x150] =	vst v7  }
0x2d2: {  	v4 =	vmul.f32 v28, v4;
	[tilespmem:s5+$0x190] =	vst v9  }
0x2d3: {  	v5 =	vmul.f32 v28, v5;
	[tilespmem:s5+$0x1C0] =	vst v6  }
0x2d4: {  	v15 =	vmul.f32 v38, v31;
	[tilespmem:s5+$0x1D0] =	vst v4  }
0x2d5: {  	v16 =	vmul.f32 v36, v30;
	[tilespmem:s5+$0x1E0] =	vst v5  }
0x2d6: {  	v13 =	vmul.f32 v43, v29;
	[tilespmem:s5+$0x70] =	vst v15  }
0x2d7: {  	v10 =	vmul.f32 v42, v27;
	[tilespmem:s5+$0xB0] =	vst v16  }
0x2d8: {  	v8 =	vmul.f32 v39, v25;
	[tilespmem:s5+$0xF0] =	vst v13  }
0x2d9: {  	v7 =	vmul.f32 v37, v12;
	[tilespmem:s5+$0x130] =	vst v10  }
0x2da: {  	v15 =	vmul.f32 v36, v24;
	[tilespmem:s5+$0x170] =	vst v8  }
0x2db: {  	v13 =	vmul.f32 v42, v21;
	[tilespmem:s5+$0x180] =	vst v7  }
0x2dc: {  	v10 =	vmul.f32 v39, v20;
	[tilespmem:s5+$0xA0] =	vst v15  }
0x2dd: {  	v8 =	vmul.f32 v37, v19;
	[tilespmem:s5+$0x120] =	vst v13  }
0x2de: {  	s0 =	sshll.u32 s0, $0xE;
	v7 =	vmul.f32 v37, v22;
	[tilespmem:s5+$0x160] =	vst v10  }
0x2df: {  	s0 =	sadd.s32 s10, s0;
	v15 =	vmul.f32 v43, v23;
	[tilespmem:s5+$0x1A0] =	vst v8  }
0x2e0: {  	s0 =	sshrl.u32 s0, $0x3;
	[tilespmem:s5+$0x1B0] =	vst v7  }
0x2e1: {  	s31 =	sadd.s32 $0x4, s31;
	s0 =	sadd.s32 s2, s0;
	[tilespmem:s5+$0xE0] =	vst v15  }
0x2e2: {  	[hbm4b:s0+s3] =	stream.linear.scatter [tilespmem:s24], [sflag:$0x8], $0x4000, $0x38;
	[tilespmem:$0x14500] =	vst v63  }
0x2e3: {  	s16 =	sshll.u32 s31, $0x8;
	s0 =	simm.s32 @!p0 $0xA  }
0x2e4: {  	s5 =	sadd.s32 s6, s16;
	_ =	swait.ge @!p0 [sflag:s0], $0x4000  }
0x2e5: {  	s5 =	sshrl.u32 s5, $0x3;
	[sflag:s0] =	ssyncset.done @!p0 $0x0  }
0x2e6: {  	s5 =	sadd.s32 s4, s5;
	[sflag:s0] =	ssyncadd.s32 @!p0 $0xFFFFC000  }
0x2e7: {  	[tilespmem:s17], [sflag:$0xB] =	stream.linear.gather [hbm4b:s5+s3], $0x100, $0x38;
	[tilespmem:$0x14500] =	vst v63  }
0x2e8: {  	_ =	swait.ge [sflag:s14], $0x100  }
0x2e9: {  	[sflag:s14] =	ssyncset.done $0x0  }
0x2ea: {  	[sflag:s14] =	ssyncadd.s32 $0xFFFFFF00  }
0x2eb: {  	[tilespmem:s8], [sflag:$0x5] =	stream.indirect.gather [hbm4b:s7+s15], $0x40, s17, s15, $0xb8;
	[tilespmem:$0x14500] =	vst v63  }
0x2ec: {  	s12 =	simm.s32 $0x480;
	s16 =	simm.s32 $0x12500  }
0x2ed: {  	[tilespmem:s16], [sflag:$0x5] =	stream.indirect.gather [hbm4b:s7+s15], $0x40, s12, s15, $0xb8;
	[tilespmem:$0x14500] =	vst v63  }
0x2ee: {  	_ =	swait.ge [sflag:s20], $0x4000  }
0x2ef: {  	[sflag:s20] =	ssyncset.done $0x0  }
0x2f0: {  	s0 =	simm.s32 $0xC500;
	[sflag:s20] =	ssyncadd.s32 $0xFFFFC000  }
0x2f1: {  	v6 =	vld [tilespmem:s0+$0x1C0]  }
0x2f2: {  	v4 =	vld [tilespmem:s0+$0x1D0]  }
0x2f3: {  	v5 =	vld [tilespmem:s0+$0x1E0]  }
0x2f4: {  	v33 =	vld [tilespmem:s0+$0x10]  }
0x2f5: {  	v36 =	vld [tilespmem:s0+$0x1F0]  }
0x2f6: {  	v15 =	vld [tilespmem:s0+$0x40]  }
0x2f7: {  	v18 =	vld [tilespmem:s0+$0x50]  }
0x2f8: {  	v16 =	vld [tilespmem:s0+$0x80]  }
0x2f9: {  	v17 =	vld [tilespmem:s0+$0x90]  }
0x2fa: {  	v13 =	vld [tilespmem:s0+$0xC0];
	v7 =	vmul.f32 v6, v6;
	v8 =	vmul.f32 v4, v4  }
0x2fb: {  	v14 =	vld [tilespmem:s0+$0xD0]  }
0x2fc: {  	v10 =	vld [tilespmem:s0+$0x100];
	v7 =	vadd.f32 v8, v7;
	v8 =	vmul.f32 v5, v5  }
0x2fd: {  	v11 =	vld [tilespmem:s0+$0x110]  }
0x2fe: {  	v12 =	vld [tilespmem:s0+$0x180];
	v7 =	vadd.f32 v8, v7;
	v8 =	vmul.f32 v36, v36  }
0x2ff: {  	v34 =	vld [tilespmem:s0+$0x0]  }
0x300: {  	v20 =	vmul.f32 v15, v15;
	v21 =	vmul.f32 v18, v18;
	v9 =	vadd.f32 v8, v7;
	v8 =	vld [tilespmem:s0+$0x140]  }
0x301: {  	v24 =	vmul.f32 v16, v16;
	v7 =	vld [tilespmem:s0+$0x150]  }
0x302: {  	v35 =	vld [tilespmem:s0+$0x20];
	v27 =	vmul.f32 v14, v14;
	v25 =	vadd.f32 v21, v20;
	v20 =	vmul.f32 v17, v17  }
0x303: {  	v26 =	vld [tilespmem:s0+$0x60];
	v21 =	vmul.f32 v13, v13;
	v19 =	vperm.xlane v9, v0  }
0x304: {  	v32 =	vld [tilespmem:s0+$0x30];
	v29 =	vmul.f32 v11, v11;
	v28 =	vadd.f32 v20, v24;
	v20 =	vmul.f32 v10, v10  }
0x305: {  	v22 =	vmul.f32 v33, v33;
	v27 =	vadd.f32 v27, v21;
	v21 =	vld [tilespmem:s0+$0x120];
	v19 =	vadd.f32 v9, v19  }
0x306: {  	v24 =	vld [tilespmem:s0+$0xA0];
	v63 =	vadd.f32 v29, v20;
	v30 =	vmul.f32 v8, v8;
	v29 =	vmul.f32 v7, v7  }
0x307: {  	v48 =	vmul.f32 v34, v34;
	v20 =	vld [tilespmem:s0+$0x160];
	v23 =	vperm.xlane v19, v1  }
0x308: {  	v9 =	vld [tilespmem:s0+$0x190];
	v51 =	vadd.f32 v29, v30;
	v30 =	vmul.f32 v26, v26  }
0x309: {  	v22 =	vadd.f32 v22, v48;
	v29 =	vmul.f32 v35, v35;
	v19 =	vadd.f32 v19, v23;
	v23 =	vld [tilespmem:s0+$0xE0]  }
0x30a: {  	v55 =	vadd.f32 v30, v25;
	v30 =	vld [tilespmem:s0+$0xB0];
	v25 =	vmul.f32 v21, v21  }
0x30b: {  	v45 =	vmul.f32 v32, v32;
	v54 =	vadd.f32 v29, v22;
	v29 =	vld [tilespmem:s0+$0xF0];
	v31 =	vperm.xlane v19, v2  }
0x30c: {  	v49 =	vmul.f32 v12, v12;
	v53 =	vmul.f32 v24, v24;
	v37 =	vadd.f32 v25, v63;
	v25 =	vld [tilespmem:s0+$0x170]  }
0x30d: {  	v50 =	vmul.f32 v9, v9;
	v43 =	vadd.f32 v45, v54;
	v40 =	vadd.f32 v19, v31;
	v19 =	vld [tilespmem:s0+$0x1A0]  }
0x30e: {  	v28 =	vadd.f32 v53, v28;
	v31 =	vld [tilespmem:s0+$0x70];
	v22 =	vmul.f32 v23, v23  }
0x30f: {  	v38 =	vadd.f32 v50, v49;
	v63 =	vperm.xlane v43, v0;
	v52 =	vperm.xlane v40, v3  }
0x310: {  	v58 =	vmul.f32 v30, v30;
	v59 =	vmul.f32 v29, v29;
	v56 =	vadd.f32 v22, v27  }
0x311: {  	v22 =	vmul.f32 v20, v20;
	v43 =	vadd.f32 v43, v63;
	v39 =	vadd.f32 v40, v52  }
0x312: {  	v27 =	vld [tilespmem:s0+$0x130];
	v28 =	vadd.f32 v58, v28;
	v62 =	vmul.f32 v25, v25;
	v57 =	vmul.f32 v19, v19  }
0x313: {  	v41 =	vadd.f32 v22, v51;
	v47 =	vmul.f32 v31, v31;
	v40 =	vadd.f32 v59, v56  }
0x314: {  	v58 =	vperm.xlane v43, v1;
	v39 =	vmax.f32 v39, $1.000000020e-24;
	v53 =	vperm.xlane v28, v0  }
0x315: {  	v22 =	vld [tilespmem:s0+$0x1B0];
	v46 =	vshra.s32 v39, $0x1;
	v39 =	vmul.f32 $5.000000000e-01, v39;
	v38 =	vadd.f32 v57, v38  }
0x316: {  	v44 =	vadd.f32 v47, v55;
	v41 =	vadd.f32 v62, v41;
	v50 =	vperm.xlane v40, v0  }
0x317: {  	v43 =	vadd.f32 v43, v58;
	v46 =	vsub.s32 $0x5F3759DF, v46;
	v60 =	vmul.f32 v27, v27  }
0x318: {  	v28 =	vadd.f32 v28, v53;
	v48 =	vmul.f32 v46, v39;
	v49 =	vperm.xlane v44, v0  }
0x319: {  	v56 =	vperm.xlane v41, v0;
	v40 =	vadd.f32 v40, v50;
	v53 =	vperm.xlane v43, v2  }
0x31a: {  	v37 =	vadd.f32 v60, v37;
	v52 =	vmul.f32 v22, v22;
	v60 =	vperm.xlane v28, v1  }
0x31b: {  	v61 =	vmul.f32 v46, v48;
	v44 =	vadd.f32 v44, v49;
	v41 =	vadd.f32 v41, v56  }
0x31c: {  	v38 =	vadd.f32 v52, v38;
	v55 =	vperm.xlane v37, v0;
	v45 =	vadd.f32 v28, v60  }
0x31d: {  	v47 =	vsub.f32 $1.500000000e+00, v61;
	v61 =	vperm.xlane v40, v1;
	v63 =	vperm.xlane v41, v1  }
0x31e: {  	v59 =	vperm.xlane v44, v1;
	v57 =	vperm.xlane v38, v0;
	v37 =	vadd.f32 v37, v55  }
0x31f: {  	v54 =	vmul.f32 v46, v47;
	v52 =	vadd.f32 v40, v61;
	v41 =	vadd.f32 v41, v63  }
0x320: {  	v40 =	vadd.f32 v43, v53;
	v38 =	vadd.f32 v38, v57;
	v62 =	vperm.xlane v37, v1  }
0x321: {  	v44 =	vadd.f32 v44, v59;
	v39 =	vmul.f32 v54, v39;
	v59 =	vperm.xlane v41, v2  }
0x322: {  	v61 =	vperm.xlane v40, v3;
	v51 =	vperm.xlane v38, v1;
	v37 =	vadd.f32 v37, v62  }
0x323: {  	v56 =	vperm.xlane v45, v2;
	v39 =	vmul.f32 v39, v54;
	v41 =	vadd.f32 v41, v59  }
0x324: {  	v40 =	vadd.f32 v40, v61;
	v55 =	vadd.f32 v38, v51;
	v58 =	vperm.xlane v37, v2  }
0x325: {  	v57 =	vperm.xlane v52, v2;
	v38 =	vadd.f32 v45, v56;
	v39 =	vsub.f32 $1.500000000e+00, v39  }
0x326: {  	v40 =	vmax.f32 v40, $1.000000020e-24;
	v60 =	vperm.xlane v55, v2;
	v37 =	vadd.f32 v37, v58  }
0x327: {  	v63 =	vperm.xlane v38, v3;
	v56 =	vshra.s32 v40, $0x1;
	v40 =	vmul.f32 $5.000000000e-01, v40  }
0x328: {  	v28 =	vmul.f32 v39, v54;
	v54 =	vperm.xlane v44, v2;
	v39 =	vadd.f32 v52, v57  }
0x329: {  	v43 =	vsub.s32 $0x5F3759DF, v56;
	v53 =	vperm.xlane v37, v3;
	v38 =	vadd.f32 v38, v63  }
0x32a: {  	v47 =	vmul.f32 v28, v36;
	v42 =	vadd.f32 v44, v54;
	v36 =	vadd.f32 v55, v60  }
0x32b: {  	v52 =	vperm.xlane v39, v3;
	v54 =	vperm.xlane v41, v3;
	v37 =	vadd.f32 v37, v53  }
0x32c: {  	v38 =	vmax.f32 v38, $1.000000020e-24;
	v62 =	vperm.xlane v42, v3;
	v55 =	vperm.xlane v36, v3  }
0x32d: {  	v39 =	vadd.f32 v39, v52;
	v41 =	vadd.f32 v41, v54;
	v58 =	vshra.s32 v38, $0x1  }
0x32e: {  	v38 =	vmul.f32 $5.000000000e-01, v38;
	v37 =	vmax.f32 v37, $1.000000020e-24;
	v45 =	vsub.s32 $0x5F3759DF, v58  }
0x32f: {  	v42 =	vadd.f32 v42, v62;
	v39 =	vmax.f32 v39, $1.000000020e-24;
	v36 =	vadd.f32 v36, v55  }
0x330: {  	v41 =	vmax.f32 v41, $1.000000020e-24;
	v60 =	vshra.s32 v37, $0x1;
	v37 =	vmul.f32 $5.000000000e-01, v37  }
0x331: {  	v62 =	vmul.f32 v43, v40;
	v53 =	vmul.f32 v45, v38;
	v59 =	vshra.s32 v39, $0x1  }
0x332: {  	v39 =	vmul.f32 $5.000000000e-01, v39;
	v61 =	vshra.s32 v41, $0x1;
	v41 =	vmul.f32 $5.000000000e-01, v41  }
0x333: {  	v48 =	vsub.s32 $0x5F3759DF, v60;
	v42 =	vmax.f32 v42, $1.000000020e-24;
	v36 =	vmax.f32 v36, $1.000000020e-24  }
0x334: {  	v46 =	vsub.s32 $0x5F3759DF, v59;
	v50 =	vmul.f32 v43, v62;
	v49 =	vsub.s32 $0x5F3759DF, v61  }
0x335: {  	v55 =	vmul.f32 v48, v37;
	v53 =	vmul.f32 v45, v53;
	v57 =	vshra.s32 v42, $0x1  }
0x336: {  	v42 =	vmul.f32 $5.000000000e-01, v42;
	v51 =	vshra.s32 v36, $0x1;
	v36 =	vmul.f32 $5.000000000e-01, v36  }
0x337: {  	v54 =	vmul.f32 v46, v39;
	v56 =	vmul.f32 v49, v41;
	v44 =	vsub.s32 $0x5F3759DF, v57  }
0x338: {  	v50 =	vsub.f32 $1.500000000e+00, v50;
	v51 =	vsub.s32 $0x5F3759DF, v51;
	v55 =	vmul.f32 v48, v55  }
0x339: {  	v53 =	vsub.f32 $1.500000000e+00, v53;
	v52 =	vmul.f32 v44, v42;
	v63 =	vmul.f32 v51, v36  }
0x33a: {  	v54 =	vmul.f32 v46, v54;
	v56 =	vmul.f32 v49, v56  }
0x33b: {  	v43 =	vmul.f32 v43, v50;
	v55 =	vsub.f32 $1.500000000e+00, v55;
	v45 =	vmul.f32 v45, v53  }
0x33c: {  	v52 =	vmul.f32 v44, v52;
	v50 =	vmul.f32 v51, v63  }
0x33d: {  	v54 =	vsub.f32 $1.500000000e+00, v54;
	v59 =	vsub.f32 $1.500000000e+00, v56;
	v48 =	vmul.f32 v48, v55  }
0x33e: {  	v40 =	vmul.f32 v43, v40;
	v38 =	vmul.f32 v45, v38  }
0x33f: {  	v52 =	vsub.f32 $1.500000000e+00, v52;
	v46 =	vmul.f32 v46, v54;
	v49 =	vmul.f32 v49, v59  }
0x340: {  	v50 =	vsub.f32 $1.500000000e+00, v50;
	v37 =	vmul.f32 v48, v37;
	v40 =	vmul.f32 v40, v43  }
0x341: {  	v38 =	vmul.f32 v38, v45;
	v44 =	vmul.f32 v44, v52  }
0x342: {  	v50 =	vmul.f32 v51, v50;
	v39 =	vmul.f32 v46, v39  }
0x343: {  	v41 =	vmul.f32 v49, v41;
	v37 =	vmul.f32 v37, v48  }
0x344: {  	v40 =	vsub.f32 $1.500000000e+00, v40;
	v42 =	vmul.f32 v44, v42;
	v36 =	vmul.f32 v50, v36  }
0x345: {  	v39 =	vmul.f32 v39, v46;
	v60 =	vmul.f32 v41, v49  }
0x346: {  	v61 =	vsub.f32 $1.500000000e+00, v38;
	v41 =	vmul.f32 v40, v43;
	v42 =	vmul.f32 v42, v44  }
0x347: {  	v37 =	vsub.f32 $1.500000000e+00, v37;
	v36 =	vmul.f32 v36, v50;
	v39 =	vsub.f32 $1.500000000e+00, v39  }
0x348: {  	v62 =	vsub.f32 $1.500000000e+00, v60;
	v33 =	vmul.f32 v41, v33;
	v42 =	vsub.f32 $1.500000000e+00, v42  }
0x349: {  	v63 =	vsub.f32 $1.500000000e+00, v36;
	v36 =	vmul.f32 v61, v45;
	v43 =	vmul.f32 v39, v46  }
0x34a: {  	v39 =	vmul.f32 v62, v49;
	v38 =	vmul.f32 v42, v44  }
0x34b: {  	v42 =	vmul.f32 v37, v48;
	v44 =	vmul.f32 v41, v34  }
0x34c: {  	s5 =	simm.s32 $0x0;
	s12 =	simm.s32 $0xC700;
	[tilespmem:s0+$0x1F0] =	vst v47;
	v37 =	vmul.f32 v63, v50;
	v34 =	vmul.f32 v41, v35  }
.LBB2_9:
0x34d: {  	v40 =	vld [tilespmem:s12+$0x1C0];
	[tilespmem:s0+$0x0] =	vst v44;
	v32 =	vmul.f32 v41, v32;
	v35 =	vmul.f32 v38, v15  }
0x34e: {  	s5 =	sadd.s32 $0x8, s5;
	v18 =	vmul.f32 v38, v18;
	v26 =	vmul.f32 v38, v26;
	v41 =	vld [tilespmem:s12+$0x1D0];
	[tilespmem:s0+$0x10] =	vst v33  }
0x34f: {  	v31 =	vmul.f32 v38, v31;
	p0 =	slt.u32 s5, $0xF8;
	v33 =	vld [tilespmem:s12+$0x10];
	[tilespmem:s0+$0x20] =	vst v34;
	v34 =	vmul.f32 v36, v16  }
0x350: {  	v24 =	vmul.f32 v36, v24;
	v38 =	vld [tilespmem:s12+$0x1E0];
	[tilespmem:s0+$0x30] =	vst v32;
	v32 =	vmul.f32 v36, v17  }
0x351: {  	v30 =	vmul.f32 v36, v30;
	v15 =	vld [tilespmem:s12+$0x40];
	[tilespmem:s0+$0x40] =	vst v35;
	v35 =	vmul.f32 v43, v13  }
0x352: {  	v44 =	vmul.f32 v43, v14;
	v23 =	vmul.f32 v43, v23;
	v36 =	vld [tilespmem:s12+$0x1F0];
	[tilespmem:s0+$0x50] =	vst v18  }
0x353: {  	v13 =	vmul.f32 v40, v40;
	v18 =	vld [tilespmem:s12+$0x50];
	v14 =	vmul.f32 v41, v41;
	[tilespmem:s0+$0x60] =	vst v26  }
0x354: {  	v26 =	vmul.f32 v43, v29;
	v45 =	vmul.f32 v33, v33;
	v16 =	vld [tilespmem:s12+$0x80];
	[tilespmem:s0+$0x70] =	vst v31  }
0x355: {  	v17 =	vld [tilespmem:s12+$0x90];
	v29 =	vadd.f32 v14, v13;
	v31 =	vmul.f32 v38, v38;
	[tilespmem:s0+$0x80] =	vst v34;
	v34 =	vmul.f32 v42, v10  }
0x356: {  	v43 =	vmul.f32 v15, v15;
	v13 =	vld [tilespmem:s12+$0xC0];
	[tilespmem:s0+$0x90] =	vst v32;
	v32 =	vmul.f32 v42, v11  }
0x357: {  	v21 =	vmul.f32 v42, v21;
	v14 =	vld [tilespmem:s12+$0xD0];
	v29 =	vadd.f32 v31, v29;
	v31 =	vmul.f32 v36, v36;
	[tilespmem:s0+$0xA0] =	vst v24  }
0x358: {  	v27 =	vmul.f32 v42, v27;
	v24 =	vmul.f32 v18, v18;
	v10 =	vld [tilespmem:s12+$0x100];
	[tilespmem:s0+$0xB0] =	vst v30  }
0x359: {  	v30 =	vmul.f32 v16, v16;
	v11 =	vld [tilespmem:s12+$0x110];
	v29 =	vadd.f32 v31, v29;
	[tilespmem:s0+$0xC0] =	vst v35;
	v31 =	vmul.f32 v39, v8  }
0x35a: {  	v42 =	vadd.f32 v24, v43;
	v24 =	vmul.f32 v17, v17;
	v8 =	vld [tilespmem:s12+$0x140];
	[tilespmem:s0+$0xD0] =	vst v44;
	v43 =	vmul.f32 v39, v7  }
0x35b: {  	v35 =	vmul.f32 v13, v13;
	v7 =	vld [tilespmem:s12+$0x150];
	v44 =	vperm.xlane v29, v0;
	[tilespmem:s0+$0xE0] =	vst v23  }
0x35c: {  	v20 =	vmul.f32 v39, v20;
	v46 =	vadd.f32 v24, v30;
	v23 =	vmul.f32 v14, v14;
	v30 =	vld [tilespmem:s12+$0x180];
	[tilespmem:s0+$0xF0] =	vst v26  }
0x35d: {  	v25 =	vmul.f32 v39, v25;
	v24 =	vmul.f32 v10, v10;
	v47 =	vld [tilespmem:s12+$0x190];
	v29 =	vadd.f32 v29, v44;
	[tilespmem:s0+$0x100] =	vst v34  }
0x35e: {  	v34 =	vld [tilespmem:s12+$0x0];
	v39 =	vadd.f32 v23, v35;
	v23 =	vmul.f32 v11, v11;
	[tilespmem:s0+$0x110] =	vst v32;
	v32 =	vmul.f32 v37, v12  }
0x35f: {  	v35 =	vld [tilespmem:s12+$0x20];
	v12 =	vmul.f32 v8, v8;
	v44 =	vperm.xlane v29, v1;
	[tilespmem:s0+$0x120] =	vst v21  }
0x360: {  	v26 =	vld [tilespmem:s12+$0x60];
	v48 =	vadd.f32 v23, v24;
	v21 =	vmul.f32 v7, v7;
	[tilespmem:s0+$0x130] =	vst v27;
	v27 =	vmul.f32 v37, v9  }
0x361: {  	v24 =	vld [tilespmem:s12+$0xA0];
	v49 =	vmul.f32 v30, v30;
	v29 =	vadd.f32 v29, v44;
	[tilespmem:s0+$0x140] =	vst v31;
	v44 =	vmul.f32 v37, v19  }
0x362: {  	v22 =	vmul.f32 v37, v22;
	v23 =	vld [tilespmem:s12+$0xE0];
	v50 =	vadd.f32 v21, v12;
	v19 =	vmul.f32 v47, v47;
	[tilespmem:s0+$0x150] =	vst v43  }
0x363: {  	v9 =	vmovc v47;
	v31 =	vmul.f32 v34, v34;
	v21 =	vld [tilespmem:s12+$0x120];
	v37 =	vperm.xlane v29, v2;
	[tilespmem:s0+$0x160] =	vst v20;
	v12 =	vmov v30  }
0x364: {  	v30 =	vmul.f32 v35, v35;
	v20 =	vld [tilespmem:s12+$0x160];
	v43 =	vadd.f32 v19, v49;
	[tilespmem:s0+$0x170] =	vst v25;
	v25 =	vmul.f32 v28, v6  }
0x365: {  	v31 =	vadd.f32 v45, v31;
	v45 =	vmul.f32 v26, v26;
	v19 =	vld [tilespmem:s12+$0x1A0];
	v37 =	vadd.f32 v29, v37;
	[tilespmem:s0+$0x180] =	vst v32  }
0x366: {  	v47 =	vmul.f32 v28, v4;
	v4 =	vmovc v41;
	v6 =	vmov v40;
	v32 =	vld [tilespmem:s12+$0x30];
	v29 =	vmul.f32 v24, v24;
	[tilespmem:s0+$0x190] =	vst v27  }
0x367: {  	v40 =	vadd.f32 v30, v31;
	v31 =	vld [tilespmem:s12+$0x70];
	v27 =	vmul.f32 v23, v23;
	v41 =	vperm.xlane v37, v3;
	[tilespmem:s0+$0x1A0] =	vst v44  }
0x368: {  	v42 =	vadd.f32 v45, v42;
	v30 =	vld [tilespmem:s12+$0xB0];
	v44 =	vadd.f32 v29, v46;
	v45 =	vmul.f32 v21, v21;
	[tilespmem:s0+$0x1B0] =	vst v22  }
0x369: {  	v29 =	vld [tilespmem:s12+$0xF0];
	v39 =	vadd.f32 v27, v39;
	v22 =	vmul.f32 v20, v20;
	v37 =	vadd.f32 v37, v41;
	[tilespmem:s0+$0x1C0] =	vst v25  }
0x36a: {  	v28 =	vmul.f32 v28, v5;
	v27 =	vld [tilespmem:s12+$0x130];
	v41 =	vadd.f32 v45, v48;
	v45 =	vmul.f32 v19, v19;
	[tilespmem:s0+$0x1D0] =	vst v47  }
0x36b: {  	v5 =	vmovc v38;
	v46 =	vmul.f32 v32, v32;
	v25 =	vld [tilespmem:s12+$0x170];
	v47 =	vadd.f32 v22, v50;
	v37 =	vmax.f32 v37, $1.000000020e-24  }
0x36c: {  	v22 =	vld [tilespmem:s12+$0x1B0];
	v38 =	vadd.f32 v45, v43;
	v43 =	vshra.s32 v37, $0x1;
	v37 =	vmul.f32 $5.000000000e-01, v37;
	[tilespmem:s0+$0x1E0] =	vst v28;
	s0 =	smov.u32 s12  }
0x36d: {  	v28 =	vmul.f32 v31, v31;
	v45 =	vmul.f32 v30, v30;
	v43 =	vsub.s32 $0x5F3759DF, v43  }
0x36e: {  	v40 =	vadd.f32 v46, v40;
	v46 =	vmul.f32 v29, v29;
	v48 =	vmul.f32 v43, v37  }
0x36f: {  	v28 =	vadd.f32 v28, v42;
	v42 =	vadd.f32 v45, v44;
	v44 =	vmul.f32 v27, v27  }
0x370: {  	v39 =	vadd.f32 v46, v39;
	v45 =	vmul.f32 v25, v25;
	v46 =	vmul.f32 v43, v48  }
0x371: {  	v48 =	vperm.xlane v40, v0;
	v41 =	vadd.f32 v44, v41;
	v44 =	vmul.f32 v22, v22  }
0x372: {  	v49 =	vperm.xlane v28, v0;
	v45 =	vadd.f32 v45, v47;
	v46 =	vsub.f32 $1.500000000e+00, v46  }
0x373: {  	v47 =	vperm.xlane v42, v0;
	v50 =	vperm.xlane v39, v0;
	v38 =	vadd.f32 v44, v38  }
0x374: {  	v40 =	vadd.f32 v40, v48;
	v44 =	vperm.xlane v41, v0;
	v43 =	vmul.f32 v43, v46  }
0x375: {  	v28 =	vadd.f32 v28, v49;
	v46 =	vperm.xlane v45, v0;
	v48 =	vperm.xlane v38, v0  }
0x376: {  	v42 =	vadd.f32 v42, v47;
	v39 =	vadd.f32 v39, v50;
	v37 =	vmul.f32 v43, v37  }
0x377: {  	v47 =	vperm.xlane v40, v1;
	v41 =	vadd.f32 v41, v44;
	v44 =	vadd.f32 v45, v46  }
0x378: {  	v45 =	vperm.xlane v28, v1;
	v38 =	vadd.f32 v38, v48;
	v37 =	vmul.f32 v37, v43  }
0x379: {  	v40 =	vadd.f32 v40, v47;
	v46 =	vperm.xlane v42, v1;
	v47 =	vperm.xlane v39, v1  }
0x37a: {  	v48 =	vperm.xlane v41, v1;
	v49 =	vperm.xlane v44, v1;
	v37 =	vsub.f32 $1.500000000e+00, v37  }
0x37b: {  	v45 =	vadd.f32 v28, v45;
	v42 =	vadd.f32 v42, v46;
	v46 =	vperm.xlane v38, v1  }
0x37c: {  	v39 =	vadd.f32 v39, v47;
	v41 =	vadd.f32 v41, v48;
	v28 =	vmul.f32 v37, v43  }
0x37d: {  	v38 =	vadd.f32 v38, v46;
	v37 =	vperm.xlane v40, v2;
	v43 =	vadd.f32 v44, v49  }
0x37e: {  	v44 =	vperm.xlane v45, v2;
	v36 =	vmul.f32 v28, v36  }
0x37f: {  	v46 =	vperm.xlane v39, v2;
	v37 =	vadd.f32 v40, v37;
	v40 =	vperm.xlane v42, v2  }
0x380: {  	v44 =	vadd.f32 v45, v44;
	v45 =	vperm.xlane v41, v2;
	v47 =	vperm.xlane v43, v2;
	[tilespmem:s12+$0x1F0] =	vst v36  }
0x381: {  	v39 =	vadd.f32 v39, v46;
	v36 =	vadd.f32 v42, v40;
	v40 =	vperm.xlane v38, v2  }
0x382: {  	v42 =	vperm.xlane v37, v3;
	v41 =	vadd.f32 v41, v45;
	v43 =	vadd.f32 v43, v47  }
0x383: {  	v45 =	vperm.xlane v44, v3;
	v46 =	vperm.xlane v36, v3;
	v38 =	vadd.f32 v38, v40  }
0x384: {  	v37 =	vadd.f32 v37, v42;
	v40 =	vperm.xlane v39, v3;
	v42 =	vperm.xlane v41, v3  }
0x385: {  	v44 =	vadd.f32 v44, v45;
	v45 =	vperm.xlane v43, v3;
	v47 =	vperm.xlane v38, v3  }
0x386: {  	v37 =	vmax.f32 v37, $1.000000020e-24;
	v36 =	vadd.f32 v36, v46;
	v39 =	vadd.f32 v39, v40  }
0x387: {  	v40 =	vmax.f32 v44, $1.000000020e-24;
	v41 =	vadd.f32 v41, v42;
	v42 =	vadd.f32 v43, v45  }
0x388: {  	v36 =	vmax.f32 v36, $1.000000020e-24;
	v39 =	vmax.f32 v39, $1.000000020e-24;
	v38 =	vadd.f32 v38, v47  }
0x389: {  	v43 =	vshra.s32 v37, $0x1;
	v41 =	vmax.f32 v41, $1.000000020e-24;
	v42 =	vmax.f32 v42, $1.000000020e-24  }
0x38a: {  	v37 =	vmul.f32 $5.000000000e-01, v37;
	v44 =	vshra.s32 v40, $0x1;
	v38 =	vmax.f32 v38, $1.000000020e-24  }
0x38b: {  	v40 =	vmul.f32 $5.000000000e-01, v40;
	v45 =	vshra.s32 v36, $0x1;
	v36 =	vmul.f32 $5.000000000e-01, v36  }
0x38c: {  	v46 =	vshra.s32 v39, $0x1;
	v39 =	vmul.f32 $5.000000000e-01, v39;
	v47 =	vshra.s32 v41, $0x1  }
0x38d: {  	v41 =	vmul.f32 $5.000000000e-01, v41;
	v48 =	vshra.s32 v42, $0x1;
	v42 =	vmul.f32 $5.000000000e-01, v42  }
0x38e: {  	v43 =	vsub.s32 $0x5F3759DF, v43;
	v49 =	vshra.s32 v38, $0x1;
	v38 =	vmul.f32 $5.000000000e-01, v38  }
0x38f: {  	v44 =	vsub.s32 $0x5F3759DF, v44;
	v45 =	vsub.s32 $0x5F3759DF, v45;
	v46 =	vsub.s32 $0x5F3759DF, v46  }
0x390: {  	v47 =	vsub.s32 $0x5F3759DF, v47;
	v48 =	vsub.s32 $0x5F3759DF, v48;
	v49 =	vsub.s32 $0x5F3759DF, v49  }
0x391: {  	v50 =	vmul.f32 v43, v37;
	v51 =	vmul.f32 v44, v40  }
0x392: {  	v52 =	vmul.f32 v45, v36;
	v53 =	vmul.f32 v46, v39  }
0x393: {  	v54 =	vmul.f32 v47, v41;
	v55 =	vmul.f32 v48, v42  }
0x394: {  	v50 =	vmul.f32 v43, v50;
	v56 =	vmul.f32 v49, v38  }
0x395: {  	v51 =	vmul.f32 v44, v51;
	v52 =	vmul.f32 v45, v52  }
0x396: {  	v50 =	vsub.f32 $1.500000000e+00, v50;
	v53 =	vmul.f32 v46, v53;
	v54 =	vmul.f32 v47, v54  }
0x397: {  	v51 =	vsub.f32 $1.500000000e+00, v51;
	v55 =	vmul.f32 v48, v55;
	v56 =	vmul.f32 v49, v56  }
0x398: {  	v43 =	vmul.f32 v43, v50;
	v50 =	vsub.f32 $1.500000000e+00, v52;
	v52 =	vsub.f32 $1.500000000e+00, v53  }
0x399: {  	v44 =	vmul.f32 v44, v51;
	v51 =	vsub.f32 $1.500000000e+00, v54;
	v53 =	vsub.f32 $1.500000000e+00, v55  }
0x39a: {  	v45 =	vmul.f32 v45, v50;
	v46 =	vmul.f32 v46, v52;
	v50 =	vsub.f32 $1.500000000e+00, v56  }
0x39b: {  	v47 =	vmul.f32 v47, v51;
	v48 =	vmul.f32 v48, v53  }
0x39c: {  	v37 =	vmul.f32 v43, v37;
	v49 =	vmul.f32 v49, v50  }
0x39d: {  	v40 =	vmul.f32 v44, v40;
	v36 =	vmul.f32 v45, v36  }
0x39e: {  	v39 =	vmul.f32 v46, v39;
	v41 =	vmul.f32 v47, v41  }
0x39f: {  	v42 =	vmul.f32 v48, v42;
	v38 =	vmul.f32 v49, v38  }
0x3a0: {  	v37 =	vmul.f32 v37, v43;
	v40 =	vmul.f32 v40, v44  }
0x3a1: {  	v36 =	vmul.f32 v36, v45;
	v39 =	vmul.f32 v39, v46  }
0x3a2: {  	v37 =	vsub.f32 $1.500000000e+00, v37;
	v50 =	vmul.f32 v41, v47;
	v42 =	vmul.f32 v42, v48  }
0x3a3: {  	v40 =	vsub.f32 $1.500000000e+00, v40;
	v36 =	vsub.f32 $1.500000000e+00, v36;
	v51 =	vmul.f32 v38, v49  }
0x3a4: {  	v41 =	vmul.f32 v37, v43;
	v37 =	vsub.f32 $1.500000000e+00, v39;
	v39 =	vsub.f32 $1.500000000e+00, v50  }
.Ltmp5:
0x3a5: {  	v38 =	vmul.f32 v40, v44;
	v40 =	vsub.f32 $1.500000000e+00, v42;
	v50 =	vsub.f32 $1.500000000e+00, v51;
	(pc) =	sbr.rel @p0 .LBB2_9-.Ltmp5, $4  }
0x3a6: {  	v36 =	vmul.f32 v36, v45;
	v43 =	vmul.f32 v37, v46  }
0x3a7: {  	v42 =	vmul.f32 v39, v47;
	v39 =	vmul.f32 v40, v48  }
0x3a8: {  	v44 =	vmul.f32 v41, v34;
	v37 =	vmul.f32 v50, v49  }
0x3a9: {  	s12 =	sadd.s32 $0x200, s12;
	v33 =	vmul.f32 v41, v33;
	v34 =	vmul.f32 v41, v35  }
0x3aa: {  	[tilespmem:s0+$0x0] =	vst v44  }
0x3ab: {  	v32 =	vmul.f32 v41, v32;
	[tilespmem:s0+$0x10] =	vst v33  }
0x3ac: {  	v15 =	vmul.f32 v38, v15;
	[tilespmem:s0+$0x20] =	vst v34  }
0x3ad: {  	v18 =	vmul.f32 v38, v18;
	[tilespmem:s0+$0x30] =	vst v32  }
0x3ae: {  	v26 =	vmul.f32 v38, v26;
	[tilespmem:s0+$0x40] =	vst v15  }
0x3af: {  	v16 =	vmul.f32 v36, v16;
	[tilespmem:s0+$0x50] =	vst v18  }
0x3b0: {  	v17 =	vmul.f32 v36, v17;
	[tilespmem:s0+$0x60] =	vst v26  }
0x3b1: {  	v13 =	vmul.f32 v43, v13;
	[tilespmem:s0+$0x80] =	vst v16  }
0x3b2: {  	v14 =	vmul.f32 v43, v14;
	[tilespmem:s0+$0x90] =	vst v17  }
0x3b3: {  	v10 =	vmul.f32 v42, v10;
	[tilespmem:s0+$0xC0] =	vst v13  }
0x3b4: {  	v11 =	vmul.f32 v42, v11;
	[tilespmem:s0+$0xD0] =	vst v14  }
0x3b5: {  	v8 =	vmul.f32 v39, v8;
	[tilespmem:s0+$0x100] =	vst v10  }
0x3b6: {  	v7 =	vmul.f32 v39, v7;
	[tilespmem:s0+$0x110] =	vst v11  }
0x3b7: {  	v9 =	vmul.f32 v37, v9;
	[tilespmem:s0+$0x140] =	vst v8  }
0x3b8: {  	v6 =	vmul.f32 v28, v6;
	[tilespmem:s0+$0x150] =	vst v7  }
0x3b9: {  	v4 =	vmul.f32 v28, v4;
	[tilespmem:s0+$0x190] =	vst v9  }
0x3ba: {  	v5 =	vmul.f32 v28, v5;
	[tilespmem:s0+$0x1C0] =	vst v6  }
0x3bb: {  	v15 =	vmul.f32 v38, v31;
	[tilespmem:s0+$0x1D0] =	vst v4  }
0x3bc: {  	v16 =	vmul.f32 v36, v30;
	[tilespmem:s0+$0x1E0] =	vst v5  }
0x3bd: {  	v13 =	vmul.f32 v43, v29;
	[tilespmem:s0+$0x70] =	vst v15  }
0x3be: {  	v10 =	vmul.f32 v42, v27;
	[tilespmem:s0+$0xB0] =	vst v16  }
0x3bf: {  	v8 =	vmul.f32 v39, v25;
	[tilespmem:s0+$0xF0] =	vst v13  }
0x3c0: {  	v7 =	vmul.f32 v37, v12;
	[tilespmem:s0+$0x130] =	vst v10  }
0x3c1: {  	v15 =	vmul.f32 v36, v24;
	[tilespmem:s0+$0x170] =	vst v8  }
0x3c2: {  	v13 =	vmul.f32 v42, v21;
	[tilespmem:s0+$0x180] =	vst v7  }
0x3c3: {  	s5 =	sshll.u32 s13, $0xE;
	v10 =	vmul.f32 v39, v20;
	[tilespmem:s0+$0xA0] =	vst v15  }
0x3c4: {  	s5 =	sadd.s32 s10, s5;
	v8 =	vmul.f32 v37, v19;
	[tilespmem:s0+$0x120] =	vst v13  }
0x3c5: {  	p0 =	seq.s32 s26, $0x13;
	s5 =	sshrl.u32 s5, $0x3;
	v7 =	vmul.f32 v37, v22;
	[tilespmem:s0+$0x160] =	vst v10  }
0x3c6: {  	s16 =	sadd.s32 s2, s5;
	s5 =	smul.u32 @!p0 $0xA, s26;
	v15 =	vmul.f32 v43, v23;
	[tilespmem:s0+$0x1A0] =	vst v8  }
0x3c7: {  	[tilespmem:s0+$0x1B0] =	vst v7  }
0x3c8: {  	s5 =	sadd.s32 @!p0 s5, s11;
	[tilespmem:s0+$0xE0] =	vst v15;
	s0 =	simm.s32 @!p0 $0x6  }
0x3c9: {  	[hbm4b:s16+s3] =	stream.linear.scatter [tilespmem:s30], [sflag:$0x9], $0x4000, $0x38;
	[tilespmem:$0x14500] =	vst v63  }
0x3ca: {  	s5 =	sshll.u32 @!p0 s5, $0x4;
	_ =	swait.ge @!p0 [sflag:s0], $0x4000  }
0x3cb: {  	s5 =	sand.u32 @!p0 $0x1FFFFFE0, s5;
	[sflag:s0] =	ssyncset.done @!p0 $0x0  }
0x3cc: {  	[sflag:s0] =	ssyncadd.s32 @!p0 $0xFFFFC000;
	s0 =	sadd.s32 @!p0 s4, s5;
	s5 =	simm.s32 @!p0 $0x0  }
0x3cd: {  	[tilespmem:s5], [sflag:$0xB] =	stream.linear.gather @!p0 [hbm4b:s0+s5], $0x100, $0x38;
	[tilespmem:$0x14500] =	vst v63  }
0x3ce: {  	s0 =	simm.s32 @!p0 $0xB  }
0x3cf: {  	_ =	swait.ge @!p0 [sflag:s0], $0x100  }
0x3d0: {  	[sflag:s0] =	ssyncset.done @!p0 $0x0  }
0x3d1: {  	s12 =	simm.s32 @!p0 $0x500;
	[sflag:s0] =	ssyncadd.s32 @!p0 $0xFFFFFF00;
	s0 =	simm.s32 @!p0 $0x80  }
0x3d2: {  	[tilespmem:s12], [sflag:$0x1] =	stream.indirect.gather @!p0 [hbm4b:s7+s0], $0x40, s5, s0, $0xb8;
	[tilespmem:$0x14500] =	vst v63  }
0x3d3: {  	s5 =	simm.s32 @!p0 $0x2500  }
0x3d4: {  	[tilespmem:s5], [sflag:$0x1] =	stream.indirect.gather @!p0 [hbm4b:s7+s0], $0x40, s0, s0, $0xb8;
	[tilespmem:$0x14500] =	vst v63  }
0x3d5: {  	_ =	swait.ge [sflag:s21], $0x4000  }
0x3d6: {  	[sflag:s21] =	ssyncset.done $0x0  }
0x3d7: {  	s0 =	simm.s32 $0x10500;
	[sflag:s21] =	ssyncadd.s32 $0xFFFFC000  }
0x3d8: {  	v6 =	vld [tilespmem:s0+$0x1C0]  }
0x3d9: {  	v4 =	vld [tilespmem:s0+$0x1D0]  }
0x3da: {  	v5 =	vld [tilespmem:s0+$0x1E0]  }
0x3db: {  	v33 =	vld [tilespmem:s0+$0x10]  }
0x3dc: {  	v36 =	vld [tilespmem:s0+$0x1F0]  }
0x3dd: {  	v15 =	vld [tilespmem:s0+$0x40]  }
0x3de: {  	v18 =	vld [tilespmem:s0+$0x50]  }
0x3df: {  	v16 =	vld [tilespmem:s0+$0x80]  }
0x3e0: {  	v17 =	vld [tilespmem:s0+$0x90]  }
0x3e1: {  	v13 =	vld [tilespmem:s0+$0xC0];
	v7 =	vmul.f32 v6, v6;
	v8 =	vmul.f32 v4, v4  }
0x3e2: {  	v14 =	vld [tilespmem:s0+$0xD0]  }
0x3e3: {  	v10 =	vld [tilespmem:s0+$0x100];
	v7 =	vadd.f32 v8, v7;
	v8 =	vmul.f32 v5, v5  }
0x3e4: {  	v11 =	vld [tilespmem:s0+$0x110]  }
0x3e5: {  	v12 =	vld [tilespmem:s0+$0x180];
	v7 =	vadd.f32 v8, v7;
	v8 =	vmul.f32 v36, v36  }
0x3e6: {  	v34 =	vld [tilespmem:s0+$0x0]  }
0x3e7: {  	v20 =	vmul.f32 v15, v15;
	v21 =	vmul.f32 v18, v18;
	v9 =	vadd.f32 v8, v7;
	v8 =	vld [tilespmem:s0+$0x140]  }
0x3e8: {  	v24 =	vmul.f32 v16, v16;
	v7 =	vld [tilespmem:s0+$0x150]  }
0x3e9: {  	v35 =	vld [tilespmem:s0+$0x20];
	v27 =	vmul.f32 v14, v14;
	v25 =	vadd.f32 v21, v20;
	v20 =	vmul.f32 v17, v17  }
0x3ea: {  	v26 =	vld [tilespmem:s0+$0x60];
	v21 =	vmul.f32 v13, v13;
	v19 =	vperm.xlane v9, v0  }
0x3eb: {  	v32 =	vld [tilespmem:s0+$0x30];
	v29 =	vmul.f32 v11, v11;
	v28 =	vadd.f32 v20, v24;
	v20 =	vmul.f32 v10, v10  }
0x3ec: {  	v22 =	vmul.f32 v33, v33;
	v27 =	vadd.f32 v27, v21;
	v21 =	vld [tilespmem:s0+$0x120];
	v19 =	vadd.f32 v9, v19  }
0x3ed: {  	v24 =	vld [tilespmem:s0+$0xA0];
	v63 =	vadd.f32 v29, v20;
	v30 =	vmul.f32 v8, v8;
	v29 =	vmul.f32 v7, v7  }
0x3ee: {  	v48 =	vmul.f32 v34, v34;
	v20 =	vld [tilespmem:s0+$0x160];
	v23 =	vperm.xlane v19, v1  }
0x3ef: {  	v9 =	vld [tilespmem:s0+$0x190];
	v51 =	vadd.f32 v29, v30;
	v30 =	vmul.f32 v26, v26  }
0x3f0: {  	v22 =	vadd.f32 v22, v48;
	v29 =	vmul.f32 v35, v35;
	v19 =	vadd.f32 v19, v23;
	v23 =	vld [tilespmem:s0+$0xE0]  }
0x3f1: {  	v55 =	vadd.f32 v30, v25;
	v30 =	vld [tilespmem:s0+$0xB0];
	v25 =	vmul.f32 v21, v21  }
0x3f2: {  	v45 =	vmul.f32 v32, v32;
	v54 =	vadd.f32 v29, v22;
	v29 =	vld [tilespmem:s0+$0xF0];
	v31 =	vperm.xlane v19, v2  }
0x3f3: {  	v49 =	vmul.f32 v12, v12;
	v53 =	vmul.f32 v24, v24;
	v37 =	vadd.f32 v25, v63;
	v25 =	vld [tilespmem:s0+$0x170]  }
0x3f4: {  	v50 =	vmul.f32 v9, v9;
	v43 =	vadd.f32 v45, v54;
	v40 =	vadd.f32 v19, v31;
	v19 =	vld [tilespmem:s0+$0x1A0]  }
0x3f5: {  	v28 =	vadd.f32 v53, v28;
	v31 =	vld [tilespmem:s0+$0x70];
	v22 =	vmul.f32 v23, v23  }
0x3f6: {  	v38 =	vadd.f32 v50, v49;
	v63 =	vperm.xlane v43, v0;
	v52 =	vperm.xlane v40, v3  }
0x3f7: {  	v58 =	vmul.f32 v30, v30;
	v59 =	vmul.f32 v29, v29;
	v56 =	vadd.f32 v22, v27  }
0x3f8: {  	v22 =	vmul.f32 v20, v20;
	v43 =	vadd.f32 v43, v63;
	v39 =	vadd.f32 v40, v52  }
0x3f9: {  	v27 =	vld [tilespmem:s0+$0x130];
	v28 =	vadd.f32 v58, v28;
	v62 =	vmul.f32 v25, v25;
	v57 =	vmul.f32 v19, v19  }
0x3fa: {  	v41 =	vadd.f32 v22, v51;
	v47 =	vmul.f32 v31, v31;
	v40 =	vadd.f32 v59, v56  }
0x3fb: {  	v58 =	vperm.xlane v43, v1;
	v39 =	vmax.f32 v39, $1.000000020e-24;
	v53 =	vperm.xlane v28, v0  }
0x3fc: {  	v22 =	vld [tilespmem:s0+$0x1B0];
	v46 =	vshra.s32 v39, $0x1;
	v39 =	vmul.f32 $5.000000000e-01, v39;
	v38 =	vadd.f32 v57, v38  }
0x3fd: {  	v44 =	vadd.f32 v47, v55;
	v41 =	vadd.f32 v62, v41;
	v50 =	vperm.xlane v40, v0  }
0x3fe: {  	v43 =	vadd.f32 v43, v58;
	v46 =	vsub.s32 $0x5F3759DF, v46;
	v60 =	vmul.f32 v27, v27  }
0x3ff: {  	v28 =	vadd.f32 v28, v53;
	v48 =	vmul.f32 v46, v39;
	v49 =	vperm.xlane v44, v0  }
0x400: {  	v56 =	vperm.xlane v41, v0;
	v40 =	vadd.f32 v40, v50;
	v53 =	vperm.xlane v43, v2  }
0x401: {  	v37 =	vadd.f32 v60, v37;
	v52 =	vmul.f32 v22, v22;
	v60 =	vperm.xlane v28, v1  }
0x402: {  	v61 =	vmul.f32 v46, v48;
	v44 =	vadd.f32 v44, v49;
	v41 =	vadd.f32 v41, v56  }
0x403: {  	v38 =	vadd.f32 v52, v38;
	v55 =	vperm.xlane v37, v0;
	v45 =	vadd.f32 v28, v60  }
0x404: {  	v47 =	vsub.f32 $1.500000000e+00, v61;
	v61 =	vperm.xlane v40, v1;
	v63 =	vperm.xlane v41, v1  }
0x405: {  	v59 =	vperm.xlane v44, v1;
	v57 =	vperm.xlane v38, v0;
	v37 =	vadd.f32 v37, v55  }
0x406: {  	v54 =	vmul.f32 v46, v47;
	v52 =	vadd.f32 v40, v61;
	v41 =	vadd.f32 v41, v63  }
0x407: {  	v40 =	vadd.f32 v43, v53;
	v38 =	vadd.f32 v38, v57;
	v62 =	vperm.xlane v37, v1  }
0x408: {  	v44 =	vadd.f32 v44, v59;
	v39 =	vmul.f32 v54, v39;
	v59 =	vperm.xlane v41, v2  }
0x409: {  	v61 =	vperm.xlane v40, v3;
	v51 =	vperm.xlane v38, v1;
	v37 =	vadd.f32 v37, v62  }
0x40a: {  	v56 =	vperm.xlane v45, v2;
	v39 =	vmul.f32 v39, v54;
	v41 =	vadd.f32 v41, v59  }
0x40b: {  	v40 =	vadd.f32 v40, v61;
	v55 =	vadd.f32 v38, v51;
	v58 =	vperm.xlane v37, v2  }
0x40c: {  	v57 =	vperm.xlane v52, v2;
	v38 =	vadd.f32 v45, v56;
	v39 =	vsub.f32 $1.500000000e+00, v39  }
0x40d: {  	v40 =	vmax.f32 v40, $1.000000020e-24;
	v60 =	vperm.xlane v55, v2;
	v37 =	vadd.f32 v37, v58  }
0x40e: {  	v63 =	vperm.xlane v38, v3;
	v56 =	vshra.s32 v40, $0x1;
	v40 =	vmul.f32 $5.000000000e-01, v40  }
0x40f: {  	v28 =	vmul.f32 v39, v54;
	v54 =	vperm.xlane v44, v2;
	v39 =	vadd.f32 v52, v57  }
0x410: {  	v43 =	vsub.s32 $0x5F3759DF, v56;
	v53 =	vperm.xlane v37, v3;
	v38 =	vadd.f32 v38, v63  }
0x411: {  	v47 =	vmul.f32 v28, v36;
	v42 =	vadd.f32 v44, v54;
	v36 =	vadd.f32 v55, v60  }
0x412: {  	v52 =	vperm.xlane v39, v3;
	v54 =	vperm.xlane v41, v3;
	v37 =	vadd.f32 v37, v53  }
0x413: {  	v38 =	vmax.f32 v38, $1.000000020e-24;
	v62 =	vperm.xlane v42, v3;
	v55 =	vperm.xlane v36, v3  }
0x414: {  	v39 =	vadd.f32 v39, v52;
	v41 =	vadd.f32 v41, v54;
	v58 =	vshra.s32 v38, $0x1  }
0x415: {  	v38 =	vmul.f32 $5.000000000e-01, v38;
	v37 =	vmax.f32 v37, $1.000000020e-24;
	v45 =	vsub.s32 $0x5F3759DF, v58  }
0x416: {  	v42 =	vadd.f32 v42, v62;
	v39 =	vmax.f32 v39, $1.000000020e-24;
	v36 =	vadd.f32 v36, v55  }
0x417: {  	v41 =	vmax.f32 v41, $1.000000020e-24;
	v60 =	vshra.s32 v37, $0x1;
	v37 =	vmul.f32 $5.000000000e-01, v37  }
0x418: {  	v62 =	vmul.f32 v43, v40;
	v53 =	vmul.f32 v45, v38;
	v59 =	vshra.s32 v39, $0x1  }
0x419: {  	v39 =	vmul.f32 $5.000000000e-01, v39;
	v61 =	vshra.s32 v41, $0x1;
	v41 =	vmul.f32 $5.000000000e-01, v41  }
0x41a: {  	v48 =	vsub.s32 $0x5F3759DF, v60;
	v42 =	vmax.f32 v42, $1.000000020e-24;
	v36 =	vmax.f32 v36, $1.000000020e-24  }
0x41b: {  	v46 =	vsub.s32 $0x5F3759DF, v59;
	v50 =	vmul.f32 v43, v62;
	v49 =	vsub.s32 $0x5F3759DF, v61  }
0x41c: {  	v55 =	vmul.f32 v48, v37;
	v53 =	vmul.f32 v45, v53;
	v57 =	vshra.s32 v42, $0x1  }
0x41d: {  	v42 =	vmul.f32 $5.000000000e-01, v42;
	v51 =	vshra.s32 v36, $0x1;
	v36 =	vmul.f32 $5.000000000e-01, v36  }
0x41e: {  	v54 =	vmul.f32 v46, v39;
	v56 =	vmul.f32 v49, v41;
	v44 =	vsub.s32 $0x5F3759DF, v57  }
0x41f: {  	v50 =	vsub.f32 $1.500000000e+00, v50;
	v51 =	vsub.s32 $0x5F3759DF, v51;
	v55 =	vmul.f32 v48, v55  }
0x420: {  	v53 =	vsub.f32 $1.500000000e+00, v53;
	v52 =	vmul.f32 v44, v42;
	v63 =	vmul.f32 v51, v36  }
0x421: {  	v54 =	vmul.f32 v46, v54;
	v56 =	vmul.f32 v49, v56  }
0x422: {  	v43 =	vmul.f32 v43, v50;
	v55 =	vsub.f32 $1.500000000e+00, v55;
	v45 =	vmul.f32 v45, v53  }
0x423: {  	v52 =	vmul.f32 v44, v52;
	v50 =	vmul.f32 v51, v63  }
0x424: {  	v54 =	vsub.f32 $1.500000000e+00, v54;
	v59 =	vsub.f32 $1.500000000e+00, v56;
	v48 =	vmul.f32 v48, v55  }
0x425: {  	v40 =	vmul.f32 v43, v40;
	v38 =	vmul.f32 v45, v38  }
0x426: {  	v52 =	vsub.f32 $1.500000000e+00, v52;
	v46 =	vmul.f32 v46, v54;
	v49 =	vmul.f32 v49, v59  }
0x427: {  	v50 =	vsub.f32 $1.500000000e+00, v50;
	v37 =	vmul.f32 v48, v37;
	v40 =	vmul.f32 v40, v43  }
0x428: {  	v38 =	vmul.f32 v38, v45;
	v44 =	vmul.f32 v44, v52  }
0x429: {  	v50 =	vmul.f32 v51, v50;
	v39 =	vmul.f32 v46, v39  }
0x42a: {  	v41 =	vmul.f32 v49, v41;
	v37 =	vmul.f32 v37, v48  }
0x42b: {  	v40 =	vsub.f32 $1.500000000e+00, v40;
	v42 =	vmul.f32 v44, v42;
	v36 =	vmul.f32 v50, v36  }
0x42c: {  	v39 =	vmul.f32 v39, v46;
	v60 =	vmul.f32 v41, v49  }
0x42d: {  	v61 =	vsub.f32 $1.500000000e+00, v38;
	v41 =	vmul.f32 v40, v43;
	v42 =	vmul.f32 v42, v44  }
0x42e: {  	v37 =	vsub.f32 $1.500000000e+00, v37;
	v36 =	vmul.f32 v36, v50;
	v39 =	vsub.f32 $1.500000000e+00, v39  }
0x42f: {  	v62 =	vsub.f32 $1.500000000e+00, v60;
	v33 =	vmul.f32 v41, v33;
	v42 =	vsub.f32 $1.500000000e+00, v42  }
0x430: {  	v63 =	vsub.f32 $1.500000000e+00, v36;
	v36 =	vmul.f32 v61, v45;
	v43 =	vmul.f32 v39, v46  }
0x431: {  	v39 =	vmul.f32 v62, v49;
	v38 =	vmul.f32 v42, v44  }
0x432: {  	v42 =	vmul.f32 v37, v48;
	v44 =	vmul.f32 v41, v34  }
0x433: {  	s12 =	simm.s32 $0x10700;
	s5 =	simm.s32 $0x0;
	[tilespmem:s0+$0x1F0] =	vst v47;
	v37 =	vmul.f32 v63, v50;
	v34 =	vmul.f32 v41, v35  }
.LBB2_11:
0x434: {  	v40 =	vld [tilespmem:s12+$0x1C0];
	[tilespmem:s0+$0x0] =	vst v44;
	v32 =	vmul.f32 v41, v32;
	v35 =	vmul.f32 v38, v15  }
0x435: {  	s5 =	sadd.s32 $0x8, s5;
	v18 =	vmul.f32 v38, v18;
	v26 =	vmul.f32 v38, v26;
	v41 =	vld [tilespmem:s12+$0x1D0];
	[tilespmem:s0+$0x10] =	vst v33  }
0x436: {  	v31 =	vmul.f32 v38, v31;
	p1 =	slt.u32 s5, $0xF8;
	v33 =	vld [tilespmem:s12+$0x10];
	[tilespmem:s0+$0x20] =	vst v34;
	v34 =	vmul.f32 v36, v16  }
0x437: {  	v24 =	vmul.f32 v36, v24;
	v38 =	vld [tilespmem:s12+$0x1E0];
	[tilespmem:s0+$0x30] =	vst v32;
	v32 =	vmul.f32 v36, v17  }
0x438: {  	v30 =	vmul.f32 v36, v30;
	v15 =	vld [tilespmem:s12+$0x40];
	[tilespmem:s0+$0x40] =	vst v35;
	v35 =	vmul.f32 v43, v13  }
0x439: {  	v44 =	vmul.f32 v43, v14;
	v23 =	vmul.f32 v43, v23;
	v36 =	vld [tilespmem:s12+$0x1F0];
	[tilespmem:s0+$0x50] =	vst v18  }
0x43a: {  	v13 =	vmul.f32 v40, v40;
	v18 =	vld [tilespmem:s12+$0x50];
	v14 =	vmul.f32 v41, v41;
	[tilespmem:s0+$0x60] =	vst v26  }
0x43b: {  	v26 =	vmul.f32 v43, v29;
	v45 =	vmul.f32 v33, v33;
	v16 =	vld [tilespmem:s12+$0x80];
	[tilespmem:s0+$0x70] =	vst v31  }
0x43c: {  	v17 =	vld [tilespmem:s12+$0x90];
	v29 =	vadd.f32 v14, v13;
	v31 =	vmul.f32 v38, v38;
	[tilespmem:s0+$0x80] =	vst v34;
	v34 =	vmul.f32 v42, v10  }
0x43d: {  	v43 =	vmul.f32 v15, v15;
	v13 =	vld [tilespmem:s12+$0xC0];
	[tilespmem:s0+$0x90] =	vst v32;
	v32 =	vmul.f32 v42, v11  }
0x43e: {  	v21 =	vmul.f32 v42, v21;
	v14 =	vld [tilespmem:s12+$0xD0];
	v29 =	vadd.f32 v31, v29;
	v31 =	vmul.f32 v36, v36;
	[tilespmem:s0+$0xA0] =	vst v24  }
0x43f: {  	v27 =	vmul.f32 v42, v27;
	v24 =	vmul.f32 v18, v18;
	v10 =	vld [tilespmem:s12+$0x100];
	[tilespmem:s0+$0xB0] =	vst v30  }
0x440: {  	v30 =	vmul.f32 v16, v16;
	v11 =	vld [tilespmem:s12+$0x110];
	v29 =	vadd.f32 v31, v29;
	[tilespmem:s0+$0xC0] =	vst v35;
	v31 =	vmul.f32 v39, v8  }
0x441: {  	v42 =	vadd.f32 v24, v43;
	v24 =	vmul.f32 v17, v17;
	v8 =	vld [tilespmem:s12+$0x140];
	[tilespmem:s0+$0xD0] =	vst v44;
	v43 =	vmul.f32 v39, v7  }
0x442: {  	v35 =	vmul.f32 v13, v13;
	v7 =	vld [tilespmem:s12+$0x150];
	v44 =	vperm.xlane v29, v0;
	[tilespmem:s0+$0xE0] =	vst v23  }
0x443: {  	v20 =	vmul.f32 v39, v20;
	v46 =	vadd.f32 v24, v30;
	v23 =	vmul.f32 v14, v14;
	v30 =	vld [tilespmem:s12+$0x180];
	[tilespmem:s0+$0xF0] =	vst v26  }
0x444: {  	v25 =	vmul.f32 v39, v25;
	v24 =	vmul.f32 v10, v10;
	v47 =	vld [tilespmem:s12+$0x190];
	v29 =	vadd.f32 v29, v44;
	[tilespmem:s0+$0x100] =	vst v34  }
0x445: {  	v34 =	vld [tilespmem:s12+$0x0];
	v39 =	vadd.f32 v23, v35;
	v23 =	vmul.f32 v11, v11;
	[tilespmem:s0+$0x110] =	vst v32;
	v32 =	vmul.f32 v37, v12  }
0x446: {  	v35 =	vld [tilespmem:s12+$0x20];
	v12 =	vmul.f32 v8, v8;
	v44 =	vperm.xlane v29, v1;
	[tilespmem:s0+$0x120] =	vst v21  }
0x447: {  	v26 =	vld [tilespmem:s12+$0x60];
	v48 =	vadd.f32 v23, v24;
	v21 =	vmul.f32 v7, v7;
	[tilespmem:s0+$0x130] =	vst v27;
	v27 =	vmul.f32 v37, v9  }
0x448: {  	v24 =	vld [tilespmem:s12+$0xA0];
	v49 =	vmul.f32 v30, v30;
	v29 =	vadd.f32 v29, v44;
	[tilespmem:s0+$0x140] =	vst v31;
	v44 =	vmul.f32 v37, v19  }
0x449: {  	v22 =	vmul.f32 v37, v22;
	v23 =	vld [tilespmem:s12+$0xE0];
	v50 =	vadd.f32 v21, v12;
	v19 =	vmul.f32 v47, v47;
	[tilespmem:s0+$0x150] =	vst v43  }
0x44a: {  	v9 =	vmovc v47;
	v31 =	vmul.f32 v34, v34;
	v21 =	vld [tilespmem:s12+$0x120];
	v37 =	vperm.xlane v29, v2;
	[tilespmem:s0+$0x160] =	vst v20;
	v12 =	vmov v30  }
0x44b: {  	v30 =	vmul.f32 v35, v35;
	v20 =	vld [tilespmem:s12+$0x160];
	v43 =	vadd.f32 v19, v49;
	[tilespmem:s0+$0x170] =	vst v25;
	v25 =	vmul.f32 v28, v6  }
0x44c: {  	v31 =	vadd.f32 v45, v31;
	v45 =	vmul.f32 v26, v26;
	v19 =	vld [tilespmem:s12+$0x1A0];
	v37 =	vadd.f32 v29, v37;
	[tilespmem:s0+$0x180] =	vst v32  }
0x44d: {  	v47 =	vmul.f32 v28, v4;
	v4 =	vmovc v41;
	v6 =	vmov v40;
	v32 =	vld [tilespmem:s12+$0x30];
	v29 =	vmul.f32 v24, v24;
	[tilespmem:s0+$0x190] =	vst v27  }
0x44e: {  	v40 =	vadd.f32 v30, v31;
	v31 =	vld [tilespmem:s12+$0x70];
	v27 =	vmul.f32 v23, v23;
	v41 =	vperm.xlane v37, v3;
	[tilespmem:s0+$0x1A0] =	vst v44  }
0x44f: {  	v42 =	vadd.f32 v45, v42;
	v30 =	vld [tilespmem:s12+$0xB0];
	v44 =	vadd.f32 v29, v46;
	v45 =	vmul.f32 v21, v21;
	[tilespmem:s0+$0x1B0] =	vst v22  }
0x450: {  	v29 =	vld [tilespmem:s12+$0xF0];
	v39 =	vadd.f32 v27, v39;
	v22 =	vmul.f32 v20, v20;
	v37 =	vadd.f32 v37, v41;
	[tilespmem:s0+$0x1C0] =	vst v25  }
0x451: {  	v28 =	vmul.f32 v28, v5;
	v27 =	vld [tilespmem:s12+$0x130];
	v41 =	vadd.f32 v45, v48;
	v45 =	vmul.f32 v19, v19;
	[tilespmem:s0+$0x1D0] =	vst v47  }
0x452: {  	v5 =	vmovc v38;
	v46 =	vmul.f32 v32, v32;
	v25 =	vld [tilespmem:s12+$0x170];
	v47 =	vadd.f32 v22, v50;
	v37 =	vmax.f32 v37, $1.000000020e-24  }
0x453: {  	v22 =	vld [tilespmem:s12+$0x1B0];
	v38 =	vadd.f32 v45, v43;
	v43 =	vshra.s32 v37, $0x1;
	v37 =	vmul.f32 $5.000000000e-01, v37;
	[tilespmem:s0+$0x1E0] =	vst v28;
	s0 =	smov.u32 s12  }
0x454: {  	v28 =	vmul.f32 v31, v31;
	v45 =	vmul.f32 v30, v30;
	v43 =	vsub.s32 $0x5F3759DF, v43  }
0x455: {  	v40 =	vadd.f32 v46, v40;
	v46 =	vmul.f32 v29, v29;
	v48 =	vmul.f32 v43, v37  }
0x456: {  	v28 =	vadd.f32 v28, v42;
	v42 =	vadd.f32 v45, v44;
	v44 =	vmul.f32 v27, v27  }
0x457: {  	v39 =	vadd.f32 v46, v39;
	v45 =	vmul.f32 v25, v25;
	v46 =	vmul.f32 v43, v48  }
0x458: {  	v48 =	vperm.xlane v40, v0;
	v41 =	vadd.f32 v44, v41;
	v44 =	vmul.f32 v22, v22  }
0x459: {  	v49 =	vperm.xlane v28, v0;
	v45 =	vadd.f32 v45, v47;
	v46 =	vsub.f32 $1.500000000e+00, v46  }
0x45a: {  	v47 =	vperm.xlane v42, v0;
	v50 =	vperm.xlane v39, v0;
	v38 =	vadd.f32 v44, v38  }
0x45b: {  	v40 =	vadd.f32 v40, v48;
	v44 =	vperm.xlane v41, v0;
	v43 =	vmul.f32 v43, v46  }
0x45c: {  	v28 =	vadd.f32 v28, v49;
	v46 =	vperm.xlane v45, v0;
	v48 =	vperm.xlane v38, v0  }
0x45d: {  	v42 =	vadd.f32 v42, v47;
	v39 =	vadd.f32 v39, v50;
	v37 =	vmul.f32 v43, v37  }
0x45e: {  	v47 =	vperm.xlane v40, v1;
	v41 =	vadd.f32 v41, v44;
	v44 =	vadd.f32 v45, v46  }
0x45f: {  	v45 =	vperm.xlane v28, v1;
	v38 =	vadd.f32 v38, v48;
	v37 =	vmul.f32 v37, v43  }
0x460: {  	v40 =	vadd.f32 v40, v47;
	v46 =	vperm.xlane v42, v1;
	v47 =	vperm.xlane v39, v1  }
0x461: {  	v48 =	vperm.xlane v41, v1;
	v49 =	vperm.xlane v44, v1;
	v37 =	vsub.f32 $1.500000000e+00, v37  }
0x462: {  	v45 =	vadd.f32 v28, v45;
	v42 =	vadd.f32 v42, v46;
	v46 =	vperm.xlane v38, v1  }
0x463: {  	v39 =	vadd.f32 v39, v47;
	v41 =	vadd.f32 v41, v48;
	v28 =	vmul.f32 v37, v43  }
0x464: {  	v38 =	vadd.f32 v38, v46;
	v37 =	vperm.xlane v40, v2;
	v43 =	vadd.f32 v44, v49  }
0x465: {  	v44 =	vperm.xlane v45, v2;
	v36 =	vmul.f32 v28, v36  }
0x466: {  	v46 =	vperm.xlane v39, v2;
	v37 =	vadd.f32 v40, v37;
	v40 =	vperm.xlane v42, v2  }
0x467: {  	v44 =	vadd.f32 v45, v44;
	v45 =	vperm.xlane v41, v2;
	v47 =	vperm.xlane v43, v2;
	[tilespmem:s12+$0x1F0] =	vst v36  }
0x468: {  	v39 =	vadd.f32 v39, v46;
	v36 =	vadd.f32 v42, v40;
	v40 =	vperm.xlane v38, v2  }
0x469: {  	v42 =	vperm.xlane v37, v3;
	v41 =	vadd.f32 v41, v45;
	v43 =	vadd.f32 v43, v47  }
0x46a: {  	v45 =	vperm.xlane v44, v3;
	v46 =	vperm.xlane v36, v3;
	v38 =	vadd.f32 v38, v40  }
0x46b: {  	v37 =	vadd.f32 v37, v42;
	v40 =	vperm.xlane v39, v3;
	v42 =	vperm.xlane v41, v3  }
0x46c: {  	v44 =	vadd.f32 v44, v45;
	v45 =	vperm.xlane v43, v3;
	v47 =	vperm.xlane v38, v3  }
0x46d: {  	v37 =	vmax.f32 v37, $1.000000020e-24;
	v36 =	vadd.f32 v36, v46;
	v39 =	vadd.f32 v39, v40  }
0x46e: {  	v40 =	vmax.f32 v44, $1.000000020e-24;
	v41 =	vadd.f32 v41, v42;
	v42 =	vadd.f32 v43, v45  }
0x46f: {  	v36 =	vmax.f32 v36, $1.000000020e-24;
	v39 =	vmax.f32 v39, $1.000000020e-24;
	v38 =	vadd.f32 v38, v47  }
0x470: {  	v43 =	vshra.s32 v37, $0x1;
	v41 =	vmax.f32 v41, $1.000000020e-24;
	v42 =	vmax.f32 v42, $1.000000020e-24  }
0x471: {  	v37 =	vmul.f32 $5.000000000e-01, v37;
	v44 =	vshra.s32 v40, $0x1;
	v38 =	vmax.f32 v38, $1.000000020e-24  }
0x472: {  	v40 =	vmul.f32 $5.000000000e-01, v40;
	v45 =	vshra.s32 v36, $0x1;
	v36 =	vmul.f32 $5.000000000e-01, v36  }
0x473: {  	v46 =	vshra.s32 v39, $0x1;
	v39 =	vmul.f32 $5.000000000e-01, v39;
	v47 =	vshra.s32 v41, $0x1  }
0x474: {  	v41 =	vmul.f32 $5.000000000e-01, v41;
	v48 =	vshra.s32 v42, $0x1;
	v42 =	vmul.f32 $5.000000000e-01, v42  }
0x475: {  	v43 =	vsub.s32 $0x5F3759DF, v43;
	v49 =	vshra.s32 v38, $0x1;
	v38 =	vmul.f32 $5.000000000e-01, v38  }
0x476: {  	v44 =	vsub.s32 $0x5F3759DF, v44;
	v45 =	vsub.s32 $0x5F3759DF, v45;
	v46 =	vsub.s32 $0x5F3759DF, v46  }
0x477: {  	v47 =	vsub.s32 $0x5F3759DF, v47;
	v48 =	vsub.s32 $0x5F3759DF, v48;
	v49 =	vsub.s32 $0x5F3759DF, v49  }
0x478: {  	v50 =	vmul.f32 v43, v37;
	v51 =	vmul.f32 v44, v40  }
0x479: {  	v52 =	vmul.f32 v45, v36;
	v53 =	vmul.f32 v46, v39  }
0x47a: {  	v54 =	vmul.f32 v47, v41;
	v55 =	vmul.f32 v48, v42  }
0x47b: {  	v50 =	vmul.f32 v43, v50;
	v56 =	vmul.f32 v49, v38  }
0x47c: {  	v51 =	vmul.f32 v44, v51;
	v52 =	vmul.f32 v45, v52  }
0x47d: {  	v50 =	vsub.f32 $1.500000000e+00, v50;
	v53 =	vmul.f32 v46, v53;
	v54 =	vmul.f32 v47, v54  }
0x47e: {  	v51 =	vsub.f32 $1.500000000e+00, v51;
	v55 =	vmul.f32 v48, v55;
	v56 =	vmul.f32 v49, v56  }
0x47f: {  	v43 =	vmul.f32 v43, v50;
	v50 =	vsub.f32 $1.500000000e+00, v52;
	v52 =	vsub.f32 $1.500000000e+00, v53  }
0x480: {  	v44 =	vmul.f32 v44, v51;
	v51 =	vsub.f32 $1.500000000e+00, v54;
	v53 =	vsub.f32 $1.500000000e+00, v55  }
0x481: {  	v45 =	vmul.f32 v45, v50;
	v46 =	vmul.f32 v46, v52;
	v50 =	vsub.f32 $1.500000000e+00, v56  }
0x482: {  	v47 =	vmul.f32 v47, v51;
	v48 =	vmul.f32 v48, v53  }
0x483: {  	v37 =	vmul.f32 v43, v37;
	v49 =	vmul.f32 v49, v50  }
0x484: {  	v40 =	vmul.f32 v44, v40;
	v36 =	vmul.f32 v45, v36  }
0x485: {  	v39 =	vmul.f32 v46, v39;
	v41 =	vmul.f32 v47, v41  }
0x486: {  	v42 =	vmul.f32 v48, v42;
	v38 =	vmul.f32 v49, v38  }
0x487: {  	v37 =	vmul.f32 v37, v43;
	v40 =	vmul.f32 v40, v44  }
0x488: {  	v36 =	vmul.f32 v36, v45;
	v39 =	vmul.f32 v39, v46  }
0x489: {  	v37 =	vsub.f32 $1.500000000e+00, v37;
	v50 =	vmul.f32 v41, v47;
	v42 =	vmul.f32 v42, v48  }
0x48a: {  	v40 =	vsub.f32 $1.500000000e+00, v40;
	v36 =	vsub.f32 $1.500000000e+00, v36;
	v51 =	vmul.f32 v38, v49  }
0x48b: {  	v41 =	vmul.f32 v37, v43;
	v37 =	vsub.f32 $1.500000000e+00, v39;
	v39 =	vsub.f32 $1.500000000e+00, v50  }
.Ltmp6:
0x48c: {  	v38 =	vmul.f32 v40, v44;
	v40 =	vsub.f32 $1.500000000e+00, v42;
	v50 =	vsub.f32 $1.500000000e+00, v51;
	(pc) =	sbr.rel @p1 .LBB2_11-.Ltmp6, $4  }
0x48d: {  	v36 =	vmul.f32 v36, v45;
	v43 =	vmul.f32 v37, v46  }
0x48e: {  	v42 =	vmul.f32 v39, v47;
	v39 =	vmul.f32 v40, v48  }
0x48f: {  	v44 =	vmul.f32 v41, v34;
	v37 =	vmul.f32 v50, v49  }
0x490: {  	s12 =	sadd.s32 $0x200, s12;
	v33 =	vmul.f32 v41, v33;
	v34 =	vmul.f32 v41, v35  }
0x491: {  	[tilespmem:s0+$0x0] =	vst v44  }
0x492: {  	v32 =	vmul.f32 v41, v32;
	[tilespmem:s0+$0x10] =	vst v33  }
0x493: {  	v15 =	vmul.f32 v38, v15;
	[tilespmem:s0+$0x20] =	vst v34  }
0x494: {  	v18 =	vmul.f32 v38, v18;
	[tilespmem:s0+$0x30] =	vst v32  }
0x495: {  	v26 =	vmul.f32 v38, v26;
	[tilespmem:s0+$0x40] =	vst v15  }
0x496: {  	v52 =	vmul.f32 v38, v31;
	[tilespmem:s0+$0x50] =	vst v18  }
0x497: {  	v16 =	vmul.f32 v36, v16;
	[tilespmem:s0+$0x60] =	vst v26  }
0x498: {  	v17 =	vmul.f32 v36, v17;
	[tilespmem:s0+$0x70] =	vst v52  }
0x499: {  	v53 =	vmul.f32 v36, v24;
	[tilespmem:s0+$0x80] =	vst v16  }
0x49a: {  	v54 =	vmul.f32 v36, v30;
	[tilespmem:s0+$0x90] =	vst v17  }
0x49b: {  	v13 =	vmul.f32 v43, v13;
	[tilespmem:s0+$0xA0] =	vst v53  }
0x49c: {  	v14 =	vmul.f32 v43, v14;
	[tilespmem:s0+$0xB0] =	vst v54  }
0x49d: {  	v55 =	vmul.f32 v43, v23;
	[tilespmem:s0+$0xC0] =	vst v13  }
0x49e: {  	v56 =	vmul.f32 v43, v29;
	[tilespmem:s0+$0xD0] =	vst v14  }
0x49f: {  	v10 =	vmul.f32 v42, v10;
	[tilespmem:s0+$0xE0] =	vst v55  }
0x4a0: {  	v11 =	vmul.f32 v42, v11;
	[tilespmem:s0+$0xF0] =	vst v56  }
0x4a1: {  	v57 =	vmul.f32 v42, v21;
	[tilespmem:s0+$0x100] =	vst v10  }
0x4a2: {  	v58 =	vmul.f32 v42, v27;
	[tilespmem:s0+$0x110] =	vst v11  }
0x4a3: {  	v8 =	vmul.f32 v39, v8;
	[tilespmem:s0+$0x120] =	vst v57  }
0x4a4: {  	v7 =	vmul.f32 v39, v7;
	[tilespmem:s0+$0x130] =	vst v58  }
0x4a5: {  	v59 =	vmul.f32 v39, v20;
	[tilespmem:s0+$0x140] =	vst v8  }
0x4a6: {  	v60 =	vmul.f32 v39, v25;
	[tilespmem:s0+$0x150] =	vst v7  }
0x4a7: {  	v61 =	vmul.f32 v37, v12;
	[tilespmem:s0+$0x160] =	vst v59  }
0x4a8: {  	v9 =	vmul.f32 v37, v9;
	[tilespmem:s0+$0x170] =	vst v60  }
0x4a9: {  	v62 =	vmul.f32 v37, v19;
	[tilespmem:s0+$0x180] =	vst v61  }
0x4aa: {  	v63 =	vmul.f32 v37, v22;
	[tilespmem:s0+$0x190] =	vst v9  }
0x4ab: {  	v6 =	vmul.f32 v28, v6;
	[tilespmem:s0+$0x1A0] =	vst v62  }
.Ltmp7:
0x4ac: {  	v4 =	vmul.f32 v28, v4;
	s5 =	sshll.u32 s31, $0xE;
	[tilespmem:s0+$0x1B0] =	vst v63;
	(pc) =	sbr.rel @p0 .LBB2_14-.Ltmp7, $4  }
0x4ad: {  	v5 =	vmul.f32 v28, v5;
	s5 =	sadd.s32 s10, s5;
	[tilespmem:s0+$0x1C0] =	vst v6  }
0x4ae: {  	[tilespmem:s0+$0x1D0] =	vst v4;
	s5 =	sshrl.u32 s5, $0x3  }
0x4af: {  	[tilespmem:s0+$0x1E0] =	vst v5;
	s31 =	sadd.s32 s2, s5  }
0x4b0: {  	[hbm4b:s31+s3] =	stream.linear.scatter [tilespmem:s8], [sflag:$0xA], $0x4000, $0x38;
	[tilespmem:$0x14500] =	vst v63  }
0x4b1: {  	s0 =	smul.u32 $0xA, s26  }
0x4b2: {  	s5 =	rddreg [dreg:$0x5]  }
0x4b3: {  	s0 =	sadd.s32 s0, s5  }
0x4b4: {  	_ =	swait.ge [sflag:s25], $0x4000;
	s0 =	sshll.u32 s0, $0x4  }
0x4b5: {  	[sflag:s25] =	ssyncset.done $0x0;
	s0 =	sand.u32 $0x1FFFFFE0, s0  }
0x4b6: {  	[sflag:s25] =	ssyncadd.s32 $0xFFFFC000;
	s0 =	sadd.s32 s4, s0  }
0x4b7: {  	[tilespmem:s18], [sflag:$0xB] =	stream.linear.gather [hbm4b:s0+s3], $0x100, $0x38;
	[tilespmem:$0x14500] =	vst v63  }
0x4b8: {  	_ =	swait.ge [sflag:s14], $0x100  }
.Ltmp8:
0x4b9: {  	[sflag:s14] =	ssyncset.done $0x0;
	(pc) =	sbr.rel .LBB2_2-.Ltmp8, $4  }
0x4ba: {  	[sflag:s14] =	ssyncadd.s32 $0xFFFFFF00  }
0x4bb: {  	[tilespmem:s19], [sflag:$0x2] =	stream.indirect.gather [hbm4b:s7+s15], $0x40, s18, s15, $0xb8;
	[tilespmem:$0x14500] =	vst v63  }
0x4bc: {  	s16 =	simm.s32 $0x180;
	s31 =	simm.s32 $0x6500;
	s26 =	sadd.s32 $0x1, s26  }
0x4bd: {  	[tilespmem:s31], [sflag:$0x2] =	stream.indirect.gather [hbm4b:s7+s15], $0x40, s16, s15, $0xb8;
	[tilespmem:$0x14500] =	vst v63  }
.LBB2_15:
0x4be: {  	_ =	sfence.sel $0x180000  }
0x4bf: {  	[bflag:$0x0] =	sbarrier.arrive $0xFFFF  }
0x4c0: {  	_ =	strace $0x90000047  }
0x4c1: {  	s0 =	stileid.u32;
	[bflag:$0x2] =	sbarrier.arrive $0xFFFF  }
0x4c2: {  	p0 =	sne.s32 s0, $0x0;
	s0 =	rddreg [dreg:$0x2]  }
0x4c3: {  	s0 =	sadd.s32 @!p0 $0x100000, s0  }
0x4c4: {  	[sflag:s0] =	ssyncadd.tile.s32 @!p0 $0x1;
	_ =	shalt  }
.Lfunc_end2:
_tile_overlayer_lowered:
.L_overlay_start_2:
0x4c5: {  	(tag) =	ssettag $0x2  }
0x4c6: {  	s0 =	rddreg [dreg:$0x0];
	s2 =	stileid.u32  }
0x4c7: {  	s1 =	rddreg [dreg:$0x1];
	p0 =	sne.s32 s2, $0x0  }
0x4c8: {  	s3 =	rddreg [dreg:$0x2];
	[bflag:$0x3] =	sbarrier.arrive $0xFFFF;
	s2 =	simm.s32 @!p0 $0x1C0B  }
0x4c9: {  	[timem:s3], [sflag:s2] =	dma.local @!p0 [hbm:s0], s1  }
0x4ca: {  	s0 =	simm.s32 @!p0 $0xB  }
0x4cb: {  	_ =	swait.ge @!p0 [sflag:s0], s1  }
0x4cc: {  	s1 =	ssub.s32 @!p0 $0x0, s1;
	[sflag:s0] =	ssyncset.done @!p0 $0x0  }
0x4cd: {  	[sflag:s0] =	ssyncadd.s32 @!p0 s1  }
0x4ce: {  	[bflag:$0x3] =	sbarrier.arrive $0xFFFF  }
0x4cf: {  	_ =	shalt  }

// kernel: sparse-core-data-format-call.cloned.1.call-start
scs
called_computation_lowered:
.L_overlay_start_0:
0x0: {  	s2 =	sld [smem:$0x3FD9]  }
0x1: {  	s3 =	sld [smem:$0x3FFE];
	_ =	sdelay $0x1  }
0x2: {  	s1 =	srdreg.scid  }
0x3: {  	s0 =	sand.u32 $0x1, s1  }
0x4: {  	s18 =	sshll.u32 s0, $0xA;
	s2 =	sadd.s32 s3, s2  }
0x5: {  	s2 =	sadd.s32 s2, s18  }
0x6: {  	[smem:$0x3FC6] =	sst s2  }
0x7: {  	_ = 	snop  }
0x8: {  	s2 =	sld [smem:$0x3FD0];
	(tm) =	ssettm $0x1  }
0x9: {  	s19 =	sld [smem:$0x3FFB];
	_ =	sdelay $0x3  }
0xa: {  	_ =	strace s19  }
0xb: {  	s3 =	sld [smem:$0x3FFC];
	_ =	sdelay $0x3  }
0xc: {  	_ =	strace s3  }
0xd: {  	s3 =	sld [smem:$0x3FFD];
	_ =	sdelay $0x3  }
0xe: {  	_ =	strace s3  }
0xf: {  	_ =	strace $0x8FFFFFFF  }
0x10: {  	s20 =	sld [smem:$0x3FDB];
	_ =	sdelay $0x1  }
0x11: {  	s4 =	simm.s32 $_scs_section_size  }
0x12: {  	s5 =	simm.s32 $_size__tile_overlayer_lowered;
	s6 =	simm.s32 $_tile_overlayer_lowered  }
0x13: {  	s23 =	simm.s32 $0x1BFF;
	s22 =	sshll.u32 s6, $0x1;
	s3 =	sadd.s32 s4, s20  }
0x14: {  	s7 =	simm.s32 $0x0;
	s21 =	sshll.u32 s5, $0x1;
	s5 =	sadd.s32 s22, s3  }
0x15: {  	[timem:s7], [sflag:s23] =	dma.local [hbm:s5], s21  }
0x16: {  	_ =	swait.ge [sflag:s23], s21  }
0x17: {  	s4 =	ssub.s32 $0x0, s21;
	[sflag:s23] =	ssyncset.done $0x0  }
0x18: {  	[sflag:s23] =	ssyncadd.s32 s4;
	_ =	sdelay $0x1  }
0x19: {  	s24 =	simm.s32 $0x1B8B  }
0x1a: {  	_ =	swait.ge [sflag:s24], $0x1  }
0x1b: {  	[sflag:s24] =	ssyncset.done $0x0  }
0x1c: {  	s26 =	simm.s32 $0x1B8E;
	s25 =	sld [smem:$0x3FFE];
	[sflag:s24] =	ssyncadd.s32 $0xFFFFFFFF  }
0x1d: {  	s27 =	simm.s32 $execute0_lowered;
	[smem:$0x3FD2] =	sst s26  }
0x1e: {  	s5 =	sshll.u32 s27, $0x1;
	_ =	strace $0x80000049;
	[dreg:$0x1] =	wrdreg $0xFFFFFFFF  }
0x1f: {  	s28 =	simm.s32 $_size_execute0_lowered;
	s3 =	sadd.s32 s3, s5;
	[dreg:$0x0] =	wrdreg $0x0  }
0x20: {  	s5 =	sshll.u32 s28, $0x1;
	[dreg:$0x2] =	wrdreg s3  }
0x21: {  	[dreg:$0x3] =	wrdreg s5  }
0x22: {  	[dreg:$0x4] =	wrdreg $0xC0  }
0x23: {  	_ =	task [dreg:s7], $0x5FFFF  }
0x24: {  	[dreg:$0x1] =	wrdreg $0xFFFFFFFF  }
0x25: {  	[dreg:$0x0] =	wrdreg $0x60  }
0x26: {  	[dreg:$0x2] =	wrdreg s25  }
0x27: {  	[dreg:$0x3] =	wrdreg s2  }
0x28: {  	[dreg:$0x4] =	wrdreg $0x9  }
0x29: {  	_ =	task.clear_ibuf [dreg:s7], $0x5FFFF;
	_ =	strace $0x90000049  }
0x2a: {  	s29 =	simm.s32 $0x9;
	_ =	strace $0x8000004B  }
0x2b: {  	_ =	swait.ge [sflag:s29], $0x1  }
0x2c: {  	[sflag:s29] =	ssyncadd.s32 $0xFFFFFFFF  }
0x2d: {  	_ =	strace $0x9000004B  }
0x2e: {  	_ =	sfence  }
0x2f: {  	s30 =	sld [smem:$0x0];
	_ =	sdelay $0x2  }
0x30: {  	s31 =	sshll.u32 s1, $0xD;
	s1 =	sshrl.u32 s1, $0x2  }
0x31: {  	s3 =	sand.u32 $0x4000, s31;
	s1 =	sadd.s32 s1, s30  }
0x32: {  	s0 =	sor.u32 s3, s0;
	s1 =	sshll.u32 s1, $0x11  }
0x33: {  	s0 =	sor.u32 s1, s0  }
0x34: {  	s0 =	sadd.s32 $0x8F2B, s0  }
0x35: {  	[sflag:s0] =	ssyncadd.remote.s32 $0x1  }
0x36: {  	_ =	sfence.sel $0xFFFF  }
0x37: {  	[dreg:$0x0] =	wrdreg $0xFFFFFFFF;
	(pc) =	sbr.abs _section_cstart, $3  }
0x38: {  	[dreg:$0x1] =	wrdreg $0xFFFFFFFF  }
0x39: {  	_ =	task.clear_ibuf [dreg:s7], $0x2FFFF;
	_ =	strace $0x9FFFFFFF  }
0x3a: {  	(tm) =	ssettm $0x7FFFFFFF  }
0x3b: {  	_ =	shalt  }
tec
execute0_lowered:
.L_overlay_start_1:
0x0: {  	(tag) =	ssettag $0x1  }
0x1: {  	s0 =	srdreg.scid  }
0x2: {  	s1 =	sshll.u32 s0, $0x4  }
0x3: {  	s0 =	stileid.u32;
	s1 =	sand.u32 $0x10, s1  }
0x4: {  	s1 =	sor.u32 s0, s1  }
0x5: {  	s6 =	rddreg [dreg:$0x0];
	s4 =	simm.s32 $0x1;
	s2 =	sshll.u32 s1, $0x7  }
0x6: {  	s7 =	simm.s32 $0x2;
	s12 =	simm.s32 $0x0;
	s1 =	ssub.s32 $0x4000, s2  }
0x7: {  	s8 =	simm.s32 $0x20000;
	s13 =	simm.s32 $0x0;
	s3 =	sand.u32 $0xF80, s1  }
0x8: {  	s9 =	simm.s32 $0x0;
	s5 =	sshrl.u32 s1, $0xC;
	p0 =	sne.s32 s3, $0x0  }
.Ltmp0:
0x9: {  	s1 =	rddreg [dreg:$0x2];
	s4 =	simm.s32 @!p0 $0x0;
	(pc) =	sbr.rel .LBB1_1-.Ltmp0, $4  }
0xa: {  	s11 =	simm.s32 $0x0;
	s3 =	rddreg [dreg:$0x1];
	s5 =	sadd.s32 s4, s5  }
0xb: {  	_ =	strace $0x8000004A;
	s4 =	simm.s32 $0x1;
	s5 =	smul.u32 $0x32, s5  }
0xc: {  	s6 =	sadd.s32 $0xA00, s6;
	s10 =	smov.u32 s2;
	[sflag:s4] =	ssyncpa.u1 $0x0  }
0xd: {  	p0 =	por $0x0, $0x0;
	[sflag:s7] =	ssyncpa.u1 $0x0;
	s7 =	sor.u32 $0x1, s5  }
.LBB1_4:
0xe: {  	s16 =	sshll.u32 s13, $0x3;
	s17 =	sand.u32 $0x78, s13  }
0xf: {  	s30 =	sand.u32 $0x1F800, s13;
	s12 =	sshll.u32 s12, $0x11;
	s16 =	sand.u32 $0x3C00, s16  }
0x10: {  	[tilespmem:s15+$0x810 ss:$0x81] =	vst.msk $0xffff, v2;
	s31 =	sand.u32 $0x7, s13;
	s16 =	sor.u32 s17, s16;
	s17 =	sadd.s32 s3, s30  }
0x11: {  	[tilespmem:s15+$0x1020 ss:$0x81] =	vst.msk $0xffff, v0;
	s13 =	sshll.u32 s31, $0x12;
	s12 =	sadd.s32 s12, s17;
	s16 =	sshrl.u32 s16, $0x3  }
0x12: {  	[tilespmem:s15+$0x0 ss:$0x81] =	vst.msk $0xffff, v1;
	s13 =	sor.u32 $0x400, s13;
	s12 =	sadd.s32 s16, s12  }
0x13: {  	[hbm4b:s12+s13] =	stream.strided.scatter [tilespmem:s14], [sflag:$0x2], $0x2000, s8, s13, $0x20;
	[tilespmem:$0x8080] =	vst v63  }
.LBB1_5:
0x14: {  	s14 =	sadd.s32 $0x1, s9  }
0x15: {  	s12 =	sadd.s32 $0x1000, s10;
	s16 =	smov.u32 s10;
	p2 =	sgt.s32 s14, $0x31  }
0x16: {  	s16 =	smov.u32 @p2 s12  }
0x17: {  	s14 =	simm.s32 @p2 $0x0;
	p2 =	sgt.s32 s16, $0x3FFF  }
0x18: {  	s16 =	smov.u32 @p2 s2;
	p2 =	sne.s32 s11, s7  }
.Ltmp1:
0x19: {  	p1 =	slt.u32 s11, $0x2;
	(pc) =	sbr.rel @!p2 .LBB1_6-.Ltmp1, $4  }
0x1a: {  	s15 =	simm.s32 @!p1 $0x2  }
0x1b: {  	s13 =	smov.u32 s10;
	p0 =	por !p0, !p0;
	_ =	swait.ge @!p1 [sflag:s15], $0x2000  }
0x1c: {  	s12 =	smov.u32 s9;
	[sflag:s15] =	ssyncset.done @!p1 $0x0;
	s9 =	smov.u32 s14  }
0x1d: {  	s11 =	sadd.s32 $0x1, s11;
	[sflag:s15] =	ssyncadd.s32 @!p1 $0xFFFFE000;
	s10 =	smov.u32 s16  }
.LBB1_1:
0x1e: {  	p1 =	sge.u32 s11, s5  }
0x1f: {  	s14 =	sand.u32 @!p1 $0x1FFFFFF, s9  }
0x20: {  	s15 =	smulhi.u32 @!p1 $0x4924925, s14;
	_ =	sdelay $0x1  }
0x21: {  	s15 =	smul.u32 @!p1 $0x38, s15  }
0x22: {  	s16 =	sxor.u32 @!p1 $0xFFFFFFFF, s11;
	s17 =	smul.u32 @!p1 $0x380, s10  }
0x23: {  	s31 =	sadd.s32 $0xFFFFFFFF, s11;
	s16 =	sshll.u32 @!p1 s16, $0xD;
	s14 =	ssub.s32 @!p1 s14, s15  }
0x24: {  	s15 =	sand.u32 @!p1 $0x2000, s16;
	s16 =	sadd.s32 @!p1 s6, s17;
	s14 =	sshll.u32 @!p1 s14, $0x4  }
0x25: {  	s17 =	simm.s32 @!p1 $0x1C00;
	s14 =	sadd.s32 @!p1 s14, s16;
	s16 =	simm.s32 @!p1 $0x40  }
0x26: {  	[tilespmem:s15], [sflag:$0x1] =	stream.strided.gather @!p1 [hbm4b:s14+s16], $0x2000, s17, s16, $0x38;
	[tilespmem:$0x8080] =	vst v63  }
0x27: {  	p1 =	sge.u32 s31, s5  }
.Ltmp2:
0x28: {  	_ = 	snop;
	(pc) =	sbr.rel @p1 .LBB1_5-.Ltmp2, $1  }
0x29: {  	_ =	sdelay $0x3  }
0x2a: {  	s14 =	simm.s32 $0x1  }
0x2b: {  	_ =	swait.ge [sflag:s4], $0x2000;
	s14 =	simm.s32 @!p0 $0x0  }
0x2c: {  	[sflag:s4] =	ssyncset.done $0x0;
	s15 =	sshll.u32 s14, $0xD  }
0x2d: {  	[sflag:s4] =	ssyncadd.s32 $0xFFFFE000;
	s18 =	sor.u32 $0x20, s15  }
0x2e: {  	s14 =	smul.u32 $0x8100, s14;
	v3 =	vld [tilespmem:s18+$0x10]  }
0x2f: {  	s30 =	sand.u32 $0x1, s11;
	v2 =	vld [tilespmem:s18+$0xFFFFFFF0]  }
0x30: {  	s15 =	smul.u32 $0x8100, s30;
	s14 =	sshrl.u32 s14, $0x2;
	v0 =	vld [tilespmem:s18+$0x0]  }
0x31: {  	v1 =	vld [tilespmem:s18+$0xFFFFFFE0];
	s16 =	sor.u32 $0x4000, s14  }
0x32: {  	s31 =	sshrl.u32 s15, $0x2;
	s15 =	sadd.s32 $0x0, s16  }
0x33: {  	s17 =	simm.s32 $0x4;
	s18 =	sadd.s32 $0x40, s18;
	s14 =	sor.u32 $0x4000, s31;
	[tilespmem:s15+$0x1830 ss:$0x81] =	vst.msk $0xffff, v3  }
.LBB1_3:
0x34: {  	v3 =	vld [tilespmem:s18+$0x10];
	p1 =	sne.s32 s17, $0x1FC;
	[tilespmem:s15+$0x810 ss:$0x81] =	vst.msk $0xffff, v2;
	s19 =	smov.u32 s17;
	s17 =	sadd.s32 $0x4, s17  }
.Ltmp3:
0x35: {  	v2 =	vld [tilespmem:s18+$0xFFFFFFF0];
	[tilespmem:s15+$0x1020 ss:$0x81] =	vst.msk $0xffff, v0;
	(pc) =	sbr.rel @p1 .LBB1_3-.Ltmp3, $4  }
0x36: {  	v0 =	vld [tilespmem:s18+$0x0];
	[tilespmem:s15+$0x0 ss:$0x81] =	vst.msk $0xffff, v1  }
0x37: {  	s15 =	sshra.s32 s19, $0x2;
	v1 =	vld [tilespmem:s18+$0xFFFFFFE0]  }
0x38: {  	s15 =	sadd.s32 s15, s16  }
0x39: {  	s18 =	sadd.s32 $0x40, s18;
	[tilespmem:s15+$0x1830 ss:$0x81] =	vst.msk $0xffff, v3  }
.Ltmp4:
0x3a: {  	_ = 	snop;
	(pc) =	sbr.rel .LBB1_4-.Ltmp4, $1  }
0x3b: {  	_ =	sdelay $0x3  }
.LBB1_6:
0x3c: {  	_ =	sfence.sel $0x180000  }
0x3d: {  	s2 =	simm.s32 $0x1;
	[bflag:$0x0] =	sbarrier.arrive $0xFFFF  }
0x3e: {  	s31 =	simm.s32 $0x2;
	[sflag:s2] =	ssyncpa.u1 $0x1  }
0x3f: {  	[sflag:s31] =	ssyncpa.u1 $0x1  }
0x40: {  	p0 =	sne.s32 s0, $0x0;
	_ =	strace $0x9000004A  }
0x41: {  	s0 =	sadd.s32 @!p0 $0x100000, s1;
	[bflag:$0x2] =	sbarrier.arrive $0xFFFF  }
0x42: {  	[sflag:s0] =	ssyncadd.tile.s32 @!p0 $0x1;
	_ =	shalt  }
.Lfunc_end1:
_tile_overlayer_lowered:
.L_overlay_start_2:
0x43: {  	(tag) =	ssettag $0x2  }
0x44: {  	s0 =	rddreg [dreg:$0x0];
	s2 =	stileid.u32  }
0x45: {  	s1 =	rddreg [dreg:$0x1];
	p0 =	sne.s32 s2, $0x0  }
0x46: {  	s3 =	rddreg [dreg:$0x2];
	[bflag:$0x3] =	sbarrier.arrive $0xFFFF;
	s2 =	simm.s32 @!p0 $0x1C01  }
0x47: {  	[timem:s3], [sflag:s2] =	dma.local @!p0 [hbm:s0], s1  }
0x48: {  	s0 =	simm.s32 @!p0 $0x1  }
0x49: {  	_ =	swait.ge @!p0 [sflag:s0], s1  }
0x4a: {  	s1 =	ssub.s32 @!p0 $0x0, s1;
	[sflag:s0] =	ssyncset.done @!p0 $0x0  }
0x4b: {  	[sflag:s0] =	ssyncadd.s32 @!p0 s1  }
0x4c: {  	[bflag:$0x3] =	sbarrier.arrive $0xFFFF  }
0x4d: {  	_ =	shalt  }

</sc_bundles>
